<compile_context>
chip_gen: v7x
topology: tpu7x:2x2x1
jax: 0.10.2.dev20260603
libtpu: 0.0.44.dev20260713+nightly
codegen_flags: <defaults>
</compile_context>

<pallas_src>
import functools

import jax
import jax.numpy as jnp
from jax import lax
from jax.experimental import pallas as pl
from jax.experimental.pallas import tpu as pltpu
from jax.experimental.pallas import tpu_sc as plsc

_NC = 2
_NS = 16
_NW = _NC * _NS
_SUB = 1024
_CH = 256
_NSEM = 4


def _body(k, idx_hbm, x_hbm, out_hbm, idx_v, rowbuf, s0, s1, s2, s3):
    sems = (s0, s1, s2, s3)
    wid = lax.axis_index("s") * _NC + lax.axis_index("c")
    n_sub_per_b = k // _SUB
    for half in range(2):
        b = wid * 2 + half
        for sub in range(n_sub_per_b):
            pltpu.sync_copy(idx_hbm.at[wid, half * n_sub_per_b + sub], idx_v)
            for ch in range(_SUB // _CH):
                def issue(g, carry):
                    vec = idx_v[pl.ds(ch * _CH + g * 16, 16)]
                    for l in range(16):
                        pltpu.async_copy(
                            x_hbm.at[b, vec[l]], rowbuf.at[g * 16 + l],
                            sems[l % _NSEM])
                    return carry
                lax.fori_loop(0, _CH // 16, issue, 0)
                for q in range(_NSEM):
                    pltpu.make_async_copy(
                        x_hbm.at[b, pl.ds(0, _CH // _NSEM)],
                        rowbuf.at[pl.ds(q * (_CH // _NSEM), _CH // _NSEM)],
                        sems[q]).wait()
                pltpu.sync_copy(
                    rowbuf,
                    out_hbm.at[b, pl.ds((sub * (_SUB // _CH) + ch) * _CH, _CH)])


def kernel(topk_idx, x):
    B, N, D = x.shape
    k = topk_idx.shape[1]

    idx = topk_idx.astype(jnp.int32).reshape(_NW, (B * k) // (_NW * _SUB), _SUB)

    mesh = plsc.VectorSubcoreMesh(core_axis_name="c", subcore_axis_name="s")
    run = pl.kernel(
        functools.partial(_body, k),
        mesh=mesh,
        out_type=jax.ShapeDtypeStruct((B, k, D), x.dtype),
        scratch_types=[
            pltpu.VMEM((_SUB,), jnp.int32),
            pltpu.VMEM((_CH, D), jnp.float32),
            pltpu.SemaphoreType.DMA,
            pltpu.SemaphoreType.DMA,
            pltpu.SemaphoreType.DMA,
            pltpu.SemaphoreType.DMA,
        ],
    )
    return run(idx, x)

# --- scband reference (transcript-rebuilt; emitter-appended) ---
"""Pipeline reference for scband-base-data-model-75093208203842 (READ-ONLY COPY).

The authoritative reference and input builder live on the scoring server;
editing this copy changes nothing except your own understanding.
"""

import jax, jax.numpy as jnp
import numpy as np


def setup_inputs(seed: int = 0) -> dict:
    key = jax.random.key(seed)
    k1, k2 = jax.random.split(key)
    # x: per-batch hypothesis pool [B, N, d]
    x = jax.random.normal(k1, (64, 8192, 64), dtype=jnp.float32)
    # topk_idx: per-batch kept indices [B, k], values in [0, N)
    topk_idx = jax.random.randint(k2, (64, 1024), 0, 8192)
    return {"topk_idx": topk_idx, "x": x}


def reference(topk_idx, x):
    # Faithful translation of BaseDataModel.get_topk_batch:
    #   for idx, _x in zip(topk_idx, x): x_batch.append(_x[idx])
    #   return torch.stack(x_batch, dim=0)
    # which is a batched row-gather: out[b, j, :] = x[b, topk_idx[b, j], :]
    idx = topk_idx[:, :, None]  # [B, k, 1] broadcast over feature dim
    out = jnp.take_along_axis(x, idx, axis=1)  # [B, k, d]
    return out

if __name__ == "__main__":
    import jax
    _d = setup_inputs()
    print(jax.jit(kernel)(*tuple(_d.values())))

</pallas_src>

<mosaic_0001>
#map = affine_map<(d0, d1) -> (0, 0, 0)>
module attributes {stable_mosaic.version = 14 : i64} {
  func.func @_body(%arg0: i32, %arg1: i32, %arg2: memref<32x2x1024xi32, #tpu.memory_space<hbm>>, %arg3: memref<64x8192x64xf32, #tpu.memory_space<hbm>>, %arg4: memref<64x1024x64xf32, #tpu.memory_space<hbm>>, %arg5: memref<1024xi32, #tpu.memory_space<vmem>>, %arg6: memref<256x64xf32, #tpu.memory_space<vmem>>, %arg7: memref<!tpu.dma_semaphore, #tpu.memory_space<semaphore_mem>>, %arg8: memref<!tpu.dma_semaphore, #tpu.memory_space<semaphore_mem>>, %arg9: memref<!tpu.dma_semaphore, #tpu.memory_space<semaphore_mem>>, %arg10: memref<!tpu.dma_semaphore, #tpu.memory_space<semaphore_mem>>) attributes {dimension_semantics = [#tpu.dimension_semantics<core_parallel>, #tpu.dimension_semantics<subcore_parallel>], iteration_bounds = array<i64: 2, 16>, scalar_prefetch = 0 : i64, scratch_operands = 6 : i64, tpu.core_type = #tpu.core_type<sc_vector_subcore>, window_params = [{transform_indices = #map}, {transform_indices = #map}, {transform_indices = #map}]} {
    %mul3A = arith.constant 2 : i32
    %mul3A_0 = arith.muli %arg1, %mul3A : i32
    %add3A = arith.addi %mul3A_0, %arg0 : i32
    %mul3A_1 = arith.constant 2 : i32
    %mul3A_2 = arith.muli %add3A, %mul3A_1 : i32
    %add3A_3 = arith.constant 0 : i32
    %add3A_4 = arith.addi %mul3A_2, %add3A_3 : i32
    %run_scoped3A = arith.constant 0 : i32
    "tpu.region"() ({
      %run_scoped3A_504 = tpu.sem_alloc : memref<!tpu.dma_semaphore, #tpu.memory_space<semaphore_mem>>
      %dma_start3A = arith.constant 0 : i32
      %dma_start3A_505 = tpu.memref_slice %arg2[%add3A, %run_scoped3A, %dma_start3A] : memref<32x2x1024xi32, #tpu.memory_space<hbm>> -> memref<1x1x1024xi32, #tpu.memory_space<hbm>>
      %dma_start3A_506 = tpu.memref_squeeze %dma_start3A_505 : memref<1x1x1024xi32, #tpu.memory_space<hbm>> -> memref<1024xi32, #tpu.memory_space<hbm>>
      %dma_start3A_507 = arith.constant 0 : i32
      %dma_start3A_508 = tpu.memref_slice %arg2[%add3A, %run_scoped3A, %dma_start3A_507] : memref<32x2x1024xi32, #tpu.memory_space<hbm>> -> memref<1x1x1024xi32, #tpu.memory_space<hbm>>
      %dma_start3A_509 = tpu.memref_squeeze %dma_start3A_508 : memref<1x1x1024xi32, #tpu.memory_space<hbm>> -> memref<1024xi32, #tpu.memory_space<hbm>>
      tpu.enqueue_dma source(%dma_start3A_509 : memref<1024xi32, #tpu.memory_space<hbm>>) target(%arg5 : memref<1024xi32, #tpu.memory_space<vmem>>) target_semaphore(%run_scoped3A_504 : memref<!tpu.dma_semaphore, #tpu.memory_space<semaphore_mem>>)
      %dma_wait3A_510 = arith.constant 0 : i32
      %dma_wait3A_511 = tpu.memref_slice %arg2[%add3A, %run_scoped3A, %dma_wait3A_510] : memref<32x2x1024xi32, #tpu.memory_space<hbm>> -> memref<1x1x1024xi32, #tpu.memory_space<hbm>>
      %dma_wait3A_512 = tpu.memref_squeeze %dma_wait3A_511 : memref<1x1x1024xi32, #tpu.memory_space<hbm>> -> memref<1024xi32, #tpu.memory_space<hbm>>
      %dma_wait3A_513 = arith.constant 0 : i32
      %dma_wait3A_514 = tpu.memref_slice %arg2[%add3A, %run_scoped3A, %dma_wait3A_513] : memref<32x2x1024xi32, #tpu.memory_space<hbm>> -> memref<1x1x1024xi32, #tpu.memory_space<hbm>>
      %dma_wait3A_515 = tpu.memref_squeeze %dma_wait3A_514 : memref<1x1x1024xi32, #tpu.memory_space<hbm>> -> memref<1024xi32, #tpu.memory_space<hbm>>
      tpu.wait_dma2 semaphore(%run_scoped3A_504 : memref<!tpu.dma_semaphore, #tpu.memory_space<semaphore_mem>>) src(%dma_wait3A_515 : memref<1024xi32, #tpu.memory_space<hbm>>) dst(%arg5 : memref<1024xi32, #tpu.memory_space<vmem>>)
      tpu.yield
    }) : () -> ()
    %scan3A = arith.constant 0 : i32
    %scan3A_5 = arith.constant 0 : i32
    %scan3A_6 = arith.constant 16 : i32
    %scan3A_7 = arith.addi %scan3A_5, %scan3A_6 : i32
    %scan3A_8 = arith.constant 1 : i32
    scf.for %scan3A_504 = %scan3A_5 to %scan3A_7 step %scan3A_8  : i32 {
      %mul3A_505 = arith.constant 16 : i32
      %mul3A_506 = arith.muli %scan3A_504, %mul3A_505 : i32
      %add3A_507 = arith.constant 0 : i32
      %add3A_508 = arith.addi %add3A_507, %mul3A_506 : i32
      %get3A = arith.index_cast %add3A_508 : i32 to index
      %get3A_509 = tpu.vector_load %arg5[%get3A] {strides = array<i32>} : memref<1024xi32, #tpu.memory_space<vmem>>, vector<16xi32>,
      %get3A_510 = vector.shape_cast %get3A_509 : vector<16xi32> to vector<16xi32>
      %slice3A = vector.extract_strided_slice %get3A_510 {offsets = [0], sizes = [1], strides = [1]} : vector<16xi32> to vector<1xi32>
      %squeeze3A = vector.extract %slice3A[0] : i32 from vector<1xi32>
      %mul3A_511 = arith.constant 16 : i32
      %mul3A_512 = arith.muli %scan3A_504, %mul3A_511 : i32
      %add3A_513 = arith.constant 0 : i32
      %add3A_514 = arith.addi %mul3A_512, %add3A_513 : i32
      %dma_start3A = arith.constant 0 : i32
      %dma_start3A_515 = tpu.memref_slice %arg6[%add3A_514, %dma_start3A] : memref<256x64xf32, #tpu.memory_space<vmem>> -> memref<1x64xf32, #tpu.memory_space<vmem>>
      %dma_start3A_516 = tpu.memref_squeeze %dma_start3A_515 : memref<1x64xf32, #tpu.memory_space<vmem>> -> memref<64xf32, #tpu.memory_space<vmem>>
      %dma_start3A_517 = arith.constant 0 : i32
      %dma_start3A_518 = tpu.memref_slice %arg3[%add3A_4, %squeeze3A, %dma_start3A_517] : memref<64x8192x64xf32, #tpu.memory_space<hbm>> -> memref<1x1x64xf32, #tpu.memory_space<hbm>>
      %dma_start3A_519 = tpu.memref_squeeze %dma_start3A_518 : memref<1x1x64xf32, #tpu.memory_space<hbm>> -> memref<64xf32, #tpu.memory_space<hbm>>
      %dma_start3A_520 = arith.constant 0 : i32
      %dma_start3A_521 = tpu.memref_slice %arg6[%add3A_514, %dma_start3A_520] : memref<256x64xf32, #tpu.memory_space<vmem>> -> memref<1x64xf32, #tpu.memory_space<vmem>>
      %dma_start3A_522 = tpu.memref_squeeze %dma_start3A_521 : memref<1x64xf32, #tpu.memory_space<vmem>> -> memref<64xf32, #tpu.memory_space<vmem>>
      %dma_start3A_523 = arith.constant 0 : i32
      %dma_start3A_524 = tpu.memref_slice %arg3[%add3A_4, %squeeze3A, %dma_start3A_523] : memref<64x8192x64xf32, #tpu.memory_space<hbm>> -> memref<1x1x64xf32, #tpu.memory_space<hbm>>
      %dma_start3A_525 = tpu.memref_squeeze %dma_start3A_524 : memref<1x1x64xf32, #tpu.memory_space<hbm>> -> memref<64xf32, #tpu.memory_space<hbm>>
      tpu.enqueue_dma source(%dma_start3A_525 : memref<64xf32, #tpu.memory_space<hbm>>) target(%dma_start3A_522 : memref<64xf32, #tpu.memory_space<vmem>>) target_semaphore(%arg7 : memref<!tpu.dma_semaphore, #tpu.memory_space<semaphore_mem>>)
      %slice3A_526 = vector.extract_strided_slice %get3A_510 {offsets = [1], sizes = [1], strides = [1]} : vector<16xi32> to vector<1xi32>
      %squeeze3A_527 = vector.extract %slice3A_526[0] : i32 from vector<1xi32>
      %mul3A_528 = arith.constant 16 : i32
      %mul3A_529 = arith.muli %scan3A_504, %mul3A_528 : i32
      %add3A_530 = arith.constant 1 : i32
      %add3A_531 = arith.addi %mul3A_529, %add3A_530 : i32
      %dma_start3A_532 = arith.constant 0 : i32
      %dma_start3A_533 = tpu.memref_slice %arg6[%add3A_531, %dma_start3A_532] : memref<256x64xf32, #tpu.memory_space<vmem>> -> memref<1x64xf32, #tpu.memory_space<vmem>>
      %dma_start3A_534 = tpu.memref_squeeze %dma_start3A_533 : memref<1x64xf32, #tpu.memory_space<vmem>> -> memref<64xf32, #tpu.memory_space<vmem>>
      %dma_start3A_535 = arith.constant 0 : i32
      %dma_start3A_536 = tpu.memref_slice %arg3[%add3A_4, %squeeze3A_527, %dma_start3A_535] : memref<64x8192x64xf32, #tpu.memory_space<hbm>> -> memref<1x1x64xf32, #tpu.memory_space<hbm>>
      %dma_start3A_537 = tpu.memref_squeeze %dma_start3A_536 : memref<1x1x64xf32, #tpu.memory_space<hbm>> -> memref<64xf32, #tpu.memory_space<hbm>>
      %dma_start3A_538 = arith.constant 0 : i32
      %dma_start3A_539 = tpu.memref_slice %arg6[%add3A_531, %dma_start3A_538] : memref<256x64xf32, #tpu.memory_space<vmem>> -> memref<1x64xf32, #tpu.memory_space<vmem>>
      %dma_start3A_540 = tpu.memref_squeeze %dma_start3A_539 : memref<1x64xf32, #tpu.memory_space<vmem>> -> memref<64xf32, #tpu.memory_space<vmem>>
      %dma_start3A_541 = arith.constant 0 : i32
      %dma_start3A_542 = tpu.memref_slice %arg3[%add3A_4, %squeeze3A_527, %dma_start3A_541] : memref<64x8192x64xf32, #tpu.memory_space<hbm>> -> memref<1x1x64xf32, #tpu.memory_space<hbm>>
      %dma_start3A_543 = tpu.memref_squeeze %dma_start3A_542 : memref<1x1x64xf32, #tpu.memory_space<hbm>> -> memref<64xf32, #tpu.memory_space<hbm>>
      tpu.enqueue_dma source(%dma_start3A_543 : memref<64xf32, #tpu.memory_space<hbm>>) target(%dma_start3A_540 : memref<64xf32, #tpu.memory_space<vmem>>) target_semaphore(%arg8 : memref<!tpu.dma_semaphore, #tpu.memory_space<semaphore_mem>>)
      %slice3A_544 = vector.extract_strided_slice %get3A_510 {offsets = [2], sizes = [1], strides = [1]} : vector<16xi32> to vector<1xi32>
      %squeeze3A_545 = vector.extract %slice3A_544[0] : i32 from vector<1xi32>
      %mul3A_546 = arith.constant 16 : i32
      %mul3A_547 = arith.muli %scan3A_504, %mul3A_546 : i32
      %add3A_548 = arith.constant 2 : i32
      %add3A_549 = arith.addi %mul3A_547, %add3A_548 : i32
      %dma_start3A_550 = arith.constant 0 : i32
      %dma_start3A_551 = tpu.memref_slice %arg6[%add3A_549, %dma_start3A_550] : memref<256x64xf32, #tpu.memory_space<vmem>> -> memref<1x64xf32, #tpu.memory_space<vmem>>
      %dma_start3A_552 = tpu.memref_squeeze %dma_start3A_551 : memref<1x64xf32, #tpu.memory_space<vmem>> -> memref<64xf32, #tpu.memory_space<vmem>>
      %dma_start3A_553 = arith.constant 0 : i32
      %dma_start3A_554 = tpu.memref_slice %arg3[%add3A_4, %squeeze3A_545, %dma_start3A_553] : memref<64x8192x64xf32, #tpu.memory_space<hbm>> -> memref<1x1x64xf32, #tpu.memory_space<hbm>>
      %dma_start3A_555 = tpu.memref_squeeze %dma_start3A_554 : memref<1x1x64xf32, #tpu.memory_space<hbm>> -> memref<64xf32, #tpu.memory_space<hbm>>
      %dma_start3A_556 = arith.constant 0 : i32
      %dma_start3A_557 = tpu.memref_slice %arg6[%add3A_549, %dma_start3A_556] : memref<256x64xf32, #tpu.memory_space<vmem>> -> memref<1x64xf32, #tpu.memory_space<vmem>>
      %dma_start3A_558 = tpu.memref_squeeze %dma_start3A_557 : memref<1x64xf32, #tpu.memory_space<vmem>> -> memref<64xf32, #tpu.memory_space<vmem>>
      %dma_start3A_559 = arith.constant 0 : i32
      %dma_start3A_560 = tpu.memref_slice %arg3[%add3A_4, %squeeze3A_545, %dma_start3A_559] : memref<64x8192x64xf32, #tpu.memory_space<hbm>> -> memref<1x1x64xf32, #tpu.memory_space<hbm>>
      %dma_start3A_561 = tpu.memref_squeeze %dma_start3A_560 : memref<1x1x64xf32, #tpu.memory_space<hbm>> -> memref<64xf32, #tpu.memory_space<hbm>>
      tpu.enqueue_dma source(%dma_start3A_561 : memref<64xf32, #tpu.memory_space<hbm>>) target(%dma_start3A_558 : memref<64xf32, #tpu.memory_space<vmem>>) target_semaphore(%arg9 : memref<!tpu.dma_semaphore, #tpu.memory_space<semaphore_mem>>)
      %slice3A_562 = vector.extract_strided_slice %get3A_510 {offsets = [3], sizes = [1], strides = [1]} : vector<16xi32> to vector<1xi32>
      %squeeze3A_563 = vector.extract %slice3A_562[0] : i32 from vector<1xi32>
      %mul3A_564 = arith.constant 16 : i32
      %mul3A_565 = arith.muli %scan3A_504, %mul3A_564 : i32
      %add3A_566 = arith.constant 3 : i32
      %add3A_567 = arith.addi %mul3A_565, %add3A_566 : i32
      %dma_start3A_568 = arith.constant 0 : i32
      %dma_start3A_569 = tpu.memref_slice %arg6[%add3A_567, %dma_start3A_568] : memref<256x64xf32, #tpu.memory_space<vmem>> -> memref<1x64xf32, #tpu.memory_space<vmem>>
      %dma_start3A_570 = tpu.memref_squeeze %dma_start3A_569 : memref<1x64xf32, #tpu.memory_space<vmem>> -> memref<64xf32, #tpu.memory_space<vmem>>
      %dma_start3A_571 = arith.constant 0 : i32
      %dma_start3A_572 = tpu.memref_slice %arg3[%add3A_4, %squeeze3A_563, %dma_start3A_571] : memref<64x8192x64xf32, #tpu.memory_space<hbm>> -> memref<1x1x64xf32, #tpu.memory_space<hbm>>
      %dma_start3A_573 = tpu.memref_squeeze %dma_start3A_572 : memref<1x1x64xf32, #tpu.memory_space<hbm>> -> memref<64xf32, #tpu.memory_space<hbm>>
      %dma_start3A_574 = arith.constant 0 : i32
      %dma_start3A_575 = tpu.memref_slice %arg6[%add3A_567, %dma_start3A_574] : memref<256x64xf32, #tpu.memory_space<vmem>> -> memref<1x64xf32, #tpu.memory_space<vmem>>
      %dma_start3A_576 = tpu.memref_squeeze %dma_start3A_575 : memref<1x64xf32, #tpu.memory_space<vmem>> -> memref<64xf32, #tpu.memory_space<vmem>>
      %dma_start3A_577 = arith.constant 0 : i32
      %dma_start3A_578 = tpu.memref_slice %arg3[%add3A_4, %squeeze3A_563, %dma_start3A_577] : memref<64x8192x64xf32, #tpu.memory_space<hbm>> -> memref<1x1x64xf32, #tpu.memory_space<hbm>>
      %dma_start3A_579 = tpu.memref_squeeze %dma_start3A_578 : memref<1x1x64xf32, #tpu.memory_space<hbm>> -> memref<64xf32, #tpu.memory_space<hbm>>
      tpu.enqueue_dma source(%dma_start3A_579 : memref<64xf32, #tpu.memory_space<hbm>>) target(%dma_start3A_576 : memref<64xf32, #tpu.memory_space<vmem>>) target_semaphore(%arg10 : memref<!tpu.dma_semaphore, #tpu.memory_space<semaphore_mem>>)
      %slice3A_580 = vector.extract_strided_slice %get3A_510 {offsets = [4], sizes = [1], strides = [1]} : vector<16xi32> to vector<1xi32>
      %squeeze3A_581 = vector.extract %slice3A_580[0] : i32 from vector<1xi32>
      %mul3A_582 = arith.constant 16 : i32
      %mul3A_583 = arith.muli %scan3A_504, %mul3A_582 : i32
      %add3A_584 = arith.constant 4 : i32
      %add3A_585 = arith.addi %mul3A_583, %add3A_584 : i32
      %dma_start3A_586 = arith.constant 0 : i32
      %dma_start3A_587 = tpu.memref_slice %arg6[%add3A_585, %dma_start3A_586] : memref<256x64xf32, #tpu.memory_space<vmem>> -> memref<1x64xf32, #tpu.memory_space<vmem>>
      %dma_start3A_588 = tpu.memref_squeeze %dma_start3A_587 : memref<1x64xf32, #tpu.memory_space<vmem>> -> memref<64xf32, #tpu.memory_space<vmem>>
      %dma_start3A_589 = arith.constant 0 : i32
      %dma_start3A_590 = tpu.memref_slice %arg3[%add3A_4, %squeeze3A_581, %dma_start3A_589] : memref<64x8192x64xf32, #tpu.memory_space<hbm>> -> memref<1x1x64xf32, #tpu.memory_space<hbm>>
      %dma_start3A_591 = tpu.memref_squeeze %dma_start3A_590 : memref<1x1x64xf32, #tpu.memory_space<hbm>> -> memref<64xf32, #tpu.memory_space<hbm>>
      %dma_start3A_592 = arith.constant 0 : i32
      %dma_start3A_593 = tpu.memref_slice %arg6[%add3A_585, %dma_start3A_592] : memref<256x64xf32, #tpu.memory_space<vmem>> -> memref<1x64xf32, #tpu.memory_space<vmem>>
      %dma_start3A_594 = tpu.memref_squeeze %dma_start3A_593 : memref<1x64xf32, #tpu.memory_space<vmem>> -> memref<64xf32, #tpu.memory_space<vmem>>
      %dma_start3A_595 = arith.constant 0 : i32
      %dma_start3A_596 = tpu.memref_slice %arg3[%add3A_4, %squeeze3A_581, %dma_start3A_595] : memref<64x8192x64xf32, #tpu.memory_space<hbm>> -> memref<1x1x64xf32, #tpu.memory_space<hbm>>
      %dma_start3A_597 = tpu.memref_squeeze %dma_start3A_596 : memref<1x1x64xf32, #tpu.memory_space<hbm>> -> memref<64xf32, #tpu.memory_space<hbm>>
      tpu.enqueue_dma source(%dma_start3A_597 : memref<64xf32, #tpu.memory_space<hbm>>) target(%dma_start3A_594 : memref<64xf32, #tpu.memory_space<vmem>>) target_semaphore(%arg7 : memref<!tpu.dma_semaphore, #tpu.memory_space<semaphore_mem>>)
      %slice3A_598 = vector.extract_strided_slice %get3A_510 {offsets = [5], sizes = [1], strides = [1]} : vector<16xi32> to vector<1xi32>
      %squeeze3A_599 = vector.extract %slice3A_598[0] : i32 from vector<1xi32>
      %mul3A_600 = arith.constant 16 : i32
      %mul3A_601 = arith.muli %scan3A_504, %mul3A_600 : i32
      %add3A_602 = arith.constant 5 : i32
      %add3A_603 = arith.addi %mul3A_601, %add3A_602 : i32
      %dma_start3A_604 = arith.constant 0 : i32
      %dma_start3A_605 = tpu.memref_slice %arg6[%add3A_603, %dma_start3A_604] : memref<256x64xf32, #tpu.memory_space<vmem>> -> memref<1x64xf32, #tpu.memory_space<vmem>>
      %dma_start3A_606 = tpu.memref_squeeze %dma_start3A_605 : memref<1x64xf32, #tpu.memory_space<vmem>> -> memref<64xf32, #tpu.memory_space<vmem>>
      %dma_start3A_607 = arith.constant 0 : i32
      %dma_start3A_608 = tpu.memref_slice %arg3[%add3A_4, %squeeze3A_599, %dma_start3A_607] : memref<64x8192x64xf32, #tpu.memory_space<hbm>> -> memref<1x1x64xf32, #tpu.memory_space<hbm>>
      %dma_start3A_609 = tpu.memref_squeeze %dma_start3A_608 : memref<1x1x64xf32, #tpu.memory_space<hbm>> -> memref<64xf32, #tpu.memory_space<hbm>>
      %dma_start3A_610 = arith.constant 0 : i32
      %dma_start3A_611 = tpu.memref_slice %arg6[%add3A_603, %dma_start3A_610] : memref<256x64xf32, #tpu.memory_space<vmem>> -> memref<1x64xf32, #tpu.memory_space<vmem>>
      %dma_start3A_612 = tpu.memref_squeeze %dma_start3A_611 : memref<1x64xf32, #tpu.memory_space<vmem>> -> memref<64xf32, #tpu.memory_space<vmem>>
      %dma_start3A_613 = arith.constant 0 : i32
      %dma_start3A_614 = tpu.memref_slice %arg3[%add3A_4, %squeeze3A_599, %dma_start3A_613] : memref<64x8192x64xf32, #tpu.memory_space<hbm>> -> memref<1x1x64xf32, #tpu.memory_space<hbm>>
      %dma_start3A_615 = tpu.memref_squeeze %dma_start3A_614 : memref<1x1x64xf32, #tpu.memory_space<hbm>> -> memref<64xf32, #tpu.memory_space<hbm>>
      tpu.enqueue_dma source(%dma_start3A_615 : memref<64xf32, #tpu.memory_space<hbm>>) target(%dma_start3A_612 : memref<64xf32, #tpu.memory_space<vmem>>) target_semaphore(%arg8 : memref<!tpu.dma_semaphore, #tpu.memory_space<semaphore_mem>>)
      %slice3A_616 = vector.extract_strided_slice %get3A_510 {offsets = [6], sizes = [1], strides = [1]} : vector<16xi32> to vector<1xi32>
      %squeeze3A_617 = vector.extract %slice3A_616[0] : i32 from vector<1xi32>
      %mul3A_618 = arith.constant 16 : i32
      %mul3A_619 = arith.muli %scan3A_504, %mul3A_618 : i32
      %add3A_620 = arith.constant 6 : i32
      %add3A_621 = arith.addi %mul3A_619, %add3A_620 : i32
      %dma_start3A_622 = arith.constant 0 : i32
      %dma_start3A_623 = tpu.memref_slice %arg6[%add3A_621, %dma_start3A_622] : memref<256x64xf32, #tpu.memory_space<vmem>> -> memref<1x64xf32, #tpu.memory_space<vmem>>
      %dma_start3A_624 = tpu.memref_squeeze %dma_start3A_623 : memref<1x64xf32, #tpu.memory_space<vmem>> -> memref<64xf32, #tpu.memory_space<vmem>>
      %dma_start3A_625 = arith.constant 0 : i32
      %dma_start3A_626 = tpu.memref_slice %arg3[%add3A_4, %squeeze3A_617, %dma_start3A_625] : memref<64x8192x64xf32, #tpu.memory_space<hbm>> -> memref<1x1x64xf32, #tpu.memory_space<hbm>>
      %dma_start3A_627 = tpu.memref_squeeze %dma_start3A_626 : memref<1x1x64xf32, #tpu.memory_space<hbm>> -> memref<64xf32, #tpu.memory_space<hbm>>
      %dma_start3A_628 = arith.constant 0 : i32
      %dma_start3A_629 = tpu.memref_slice %arg6[%add3A_621, %dma_start3A_628] : memref<256x64xf32, #tpu.memory_space<vmem>> -> memref<1x64xf32, #tpu.memory_space<vmem>>
      %dma_start3A_630 = tpu.memref_squeeze %dma_start3A_629 : memref<1x64xf32, #tpu.memory_space<vmem>> -> memref<64xf32, #tpu.memory_space<vmem>>
      %dma_start3A_631 = arith.constant 0 : i32
      %dma_start3A_632 = tpu.memref_slice %arg3[%add3A_4, %squeeze3A_617, %dma_start3A_631] : memref<64x8192x64xf32, #tpu.memory_space<hbm>> -> memref<1x1x64xf32, #tpu.memory_space<hbm>>
      %dma_start3A_633 = tpu.memref_squeeze %dma_start3A_632 : memref<1x1x64xf32, #tpu.memory_space<hbm>> -> memref<64xf32, #tpu.memory_space<hbm>>
      tpu.enqueue_dma source(%dma_start3A_633 : memref<64xf32, #tpu.memory_space<hbm>>) target(%dma_start3A_630 : memref<64xf32, #tpu.memory_space<vmem>>) target_semaphore(%arg9 : memref<!tpu.dma_semaphore, #tpu.memory_space<semaphore_mem>>)
      %slice3A_634 = vector.extract_strided_slice %get3A_510 {offsets = [7], sizes = [1], strides = [1]} : vector<16xi32> to vector<1xi32>
      %squeeze3A_635 = vector.extract %slice3A_634[0] : i32 from vector<1xi32>
      %mul3A_636 = arith.constant 16 : i32
      %mul3A_637 = arith.muli %scan3A_504, %mul3A_636 : i32
      %add3A_638 = arith.constant 7 : i32
      %add3A_639 = arith.addi %mul3A_637, %add3A_638 : i32
      %dma_start3A_640 = arith.constant 0 : i32
      %dma_start3A_641 = tpu.memref_slice %arg6[%add3A_639, %dma_start3A_640] : memref<256x64xf32, #tpu.memory_space<vmem>> -> memref<1x64xf32, #tpu.memory_space<vmem>>
      %dma_start3A_642 = tpu.memref_squeeze %dma_start3A_641 : memref<1x64xf32, #tpu.memory_space<vmem>> -> memref<64xf32, #tpu.memory_space<vmem>>
      %dma_start3A_643 = arith.constant 0 : i32
      %dma_start3A_644 = tpu.memref_slice %arg3[%add3A_4, %squeeze3A_635, %dma_start3A_643] : memref<64x8192x64xf32, #tpu.memory_space<hbm>> -> memref<1x1x64xf32, #tpu.memory_space<hbm>>
      %dma_start3A_645 = tpu.memref_squeeze %dma_start3A_644 : memref<1x1x64xf32, #tpu.memory_space<hbm>> -> memref<64xf32, #tpu.memory_space<hbm>>
      %dma_start3A_646 = arith.constant 0 : i32
      %dma_start3A_647 = tpu.memref_slice %arg6[%add3A_639, %dma_start3A_646] : memref<256x64xf32, #tpu.memory_space<vmem>> -> memref<1x64xf32, #tpu.memory_space<vmem>>
      %dma_start3A_648 = tpu.memref_squeeze %dma_start3A_647 : memref<1x64xf32, #tpu.memory_space<vmem>> -> memref<64xf32, #tpu.memory_space<vmem>>
      %dma_start3A_649 = arith.constant 0 : i32
      %dma_start3A_650 = tpu.memref_slice %arg3[%add3A_4, %squeeze3A_635, %dma_start3A_649] : memref<64x8192x64xf32, #tpu.memory_space<hbm>> -> memref<1x1x64xf32, #tpu.memory_space<hbm>>
      %dma_start3A_651 = tpu.memref_squeeze %dma_start3A_650 : memref<1x1x64xf32, #tpu.memory_space<hbm>> -> memref<64xf32, #tpu.memory_space<hbm>>
      tpu.enqueue_dma source(%dma_start3A_651 : memref<64xf32, #tpu.memory_space<hbm>>) target(%dma_start3A_648 : memref<64xf32, #tpu.memory_space<vmem>>) target_semaphore(%arg10 : memref<!tpu.dma_semaphore, #tpu.memory_space<semaphore_mem>>)
      %slice3A_652 = vector.extract_strided_slice %get3A_510 {offsets = [8], sizes = [1], strides = [1]} : vector<16xi32> to vector<1xi32>
      %squeeze3A_653 = vector.extract %slice3A_652[0] : i32 from vector<1xi32>
      %mul3A_654 = arith.constant 16 : i32
      %mul3A_655 = arith.muli %scan3A_504, %mul3A_654 : i32
      %add3A_656 = arith.constant 8 : i32
      %add3A_657 = arith.addi %mul3A_655, %add3A_656 : i32
      %dma_start3A_658 = arith.constant 0 : i32
      %dma_start3A_659 = tpu.memref_slice %arg6[%add3A_657, %dma_start3A_658] : memref<256x64xf32, #tpu.memory_space<vmem>> -> memref<1x64xf32, #tpu.memory_space<vmem>>
      %dma_start3A_660 = tpu.memref_squeeze %dma_start3A_659 : memref<1x64xf32, #tpu.memory_space<vmem>> -> memref<64xf32, #tpu.memory_space<vmem>>
      %dma_start3A_661 = arith.constant 0 : i32
      %dma_start3A_662 = tpu.memref_slice %arg3[%add3A_4, %squeeze3A_653, %dma_start3A_661] : memref<64x8192x64xf32, #tpu.memory_space<hbm>> -> memref<1x1x64xf32, #tpu.memory_space<hbm>>
      %dma_start3A_663 = tpu.memref_squeeze %dma_start3A_662 : memref<1x1x64xf32, #tpu.memory_space<hbm>> -> memref<64xf32, #tpu.memory_space<hbm>>
      %dma_start3A_664 = arith.constant 0 : i32
      %dma_start3A_665 = tpu.memref_slice %arg6[%add3A_657, %dma_start3A_664] : memref<256x64xf32, #tpu.memory_space<vmem>> -> memref<1x64xf32, #tpu.memory_space<vmem>>
      %dma_start3A_666 = tpu.memref_squeeze %dma_start3A_665 : memref<1x64xf32, #tpu.memory_space<vmem>> -> memref<64xf32, #tpu.memory_space<vmem>>
      %dma_start3A_667 = arith.constant 0 : i32
      %dma_start3A_668 = tpu.memref_slice %arg3[%add3A_4, %squeeze3A_653, %dma_start3A_667] : memref<64x8192x64xf32, #tpu.memory_space<hbm>> -> memref<1x1x64xf32, #tpu.memory_space<hbm>>
      %dma_start3A_669 = tpu.memref_squeeze %dma_start3A_668 : memref<1x1x64xf32, #tpu.memory_space<hbm>> -> memref<64xf32, #tpu.memory_space<hbm>>
      tpu.enqueue_dma source(%dma_start3A_669 : memref<64xf32, #tpu.memory_space<hbm>>) target(%dma_start3A_666 : memref<64xf32, #tpu.memory_space<vmem>>) target_semaphore(%arg7 : memref<!tpu.dma_semaphore, #tpu.memory_space<semaphore_mem>>)
      %slice3A_670 = vector.extract_strided_slice %get3A_510 {offsets = [9], sizes = [1], strides = [1]} : vector<16xi32> to vector<1xi32>
      %squeeze3A_671 = vector.extract %slice3A_670[0] : i32 from vector<1xi32>
      %mul3A_672 = arith.constant 16 : i32
      %mul3A_673 = arith.muli %scan3A_504, %mul3A_672 : i32
      %add3A_674 = arith.constant 9 : i32
      %add3A_675 = arith.addi %mul3A_673, %add3A_674 : i32
      %dma_start3A_676 = arith.constant 0 : i32
      %dma_start3A_677 = tpu.memref_slice %arg6[%add3A_675, %dma_start3A_676] : memref<256x64xf32, #tpu.memory_space<vmem>> -> memref<1x64xf32, #tpu.memory_space<vmem>>
      %dma_start3A_678 = tpu.memref_squeeze %dma_start3A_677 : memref<1x64xf32, #tpu.memory_space<vmem>> -> memref<64xf32, #tpu.memory_space<vmem>>
      %dma_start3A_679 = arith.constant 0 : i32
      %dma_start3A_680 = tpu.memref_slice %arg3[%add3A_4, %squeeze3A_671, %dma_start3A_679] : memref<64x8192x64xf32, #tpu.memory_space<hbm>> -> memref<1x1x64xf32, #tpu.memory_space<hbm>>
      %dma_start3A_681 = tpu.memref_squeeze %dma_start3A_680 : memref<1x1x64xf32, #tpu.memory_space<hbm>> -> memref<64xf32, #tpu.memory_space<hbm>>
      %dma_start3A_682 = arith.constant 0 : i32
      %dma_start3A_683 = tpu.memref_slice %arg6[%add3A_675, %dma_start3A_682] : memref<256x64xf32, #tpu.memory_space<vmem>> -> memref<1x64xf32, #tpu.memory_space<vmem>>
      %dma_start3A_684 = tpu.memref_squeeze %dma_start3A_683 : memref<1x64xf32, #tpu.memory_space<vmem>> -> memref<64xf32, #tpu.memory_space<vmem>>
      %dma_start3A_685 = arith.constant 0 : i32
      %dma_start3A_686 = tpu.memref_slice %arg3[%add3A_4, %squeeze3A_671, %dma_start3A_685] : memref<64x8192x64xf32, #tpu.memory_space<hbm>> -> memref<1x1x64xf32, #tpu.memory_space<hbm>>
      %dma_start3A_687 = tpu.memref_squeeze %dma_start3A_686 : memref<1x1x64xf32, #tpu.memory_space<hbm>> -> memref<64xf32, #tpu.memory_space<hbm>>
      tpu.enqueue_dma source(%dma_start3A_687 : memref<64xf32, #tpu.memory_space<hbm>>) target(%dma_start3A_684 : memref<64xf32, #tpu.memory_space<vmem>>) target_semaphore(%arg8 : memref<!tpu.dma_semaphore, #tpu.memory_space<semaphore_mem>>)
      %slice3A_688 = vector.extract_strided_slice %get3A_510 {offsets = [10], sizes = [1], strides = [1]} : vector<16xi32> to vector<1xi32>
      %squeeze3A_689 = vector.extract %slice3A_688[0] : i32 from vector<1xi32>
      %mul3A_690 = arith.constant 16 : i32
      %mul3A_691 = arith.muli %scan3A_504, %mul3A_690 : i32
      %add3A_692 = arith.constant 10 : i32
      %add3A_693 = arith.addi %mul3A_691, %add3A_692 : i32
      %dma_start3A_694 = arith.constant 0 : i32
      %dma_start3A_695 = tpu.memref_slice %arg6[%add3A_693, %dma_start3A_694] : memref<256x64xf32, #tpu.memory_space<vmem>> -> memref<1x64xf32, #tpu.memory_space<vmem>>
      %dma_start3A_696 = tpu.memref_squeeze %dma_start3A_695 : memref<1x64xf32, #tpu.memory_space<vmem>> -> memref<64xf32, #tpu.memory_space<vmem>>
      %dma_start3A_697 = arith.constant 0 : i32
      %dma_start3A_698 = tpu.memref_slice %arg3[%add3A_4, %squeeze3A_689, %dma_start3A_697] : memref<64x8192x64xf32, #tpu.memory_space<hbm>> -> memref<1x1x64xf32, #tpu.memory_space<hbm>>
      %dma_start3A_699 = tpu.memref_squeeze %dma_start3A_698 : memref<1x1x64xf32, #tpu.memory_space<hbm>> -> memref<64xf32, #tpu.memory_space<hbm>>
      %dma_start3A_700 = arith.constant 0 : i32
      %dma_start3A_701 = tpu.memref_slice %arg6[%add3A_693, %dma_start3A_700] : memref<256x64xf32, #tpu.memory_space<vmem>> -> memref<1x64xf32, #tpu.memory_space<vmem>>
      %dma_start3A_702 = tpu.memref_squeeze %dma_start3A_701 : memref<1x64xf32, #tpu.memory_space<vmem>> -> memref<64xf32, #tpu.memory_space<vmem>>
      %dma_start3A_703 = arith.constant 0 : i32
      %dma_start3A_704 = tpu.memref_slice %arg3[%add3A_4, %squeeze3A_689, %dma_start3A_703] : memref<64x8192x64xf32, #tpu.memory_space<hbm>> -> memref<1x1x64xf32, #tpu.memory_space<hbm>>
      %dma_start3A_705 = tpu.memref_squeeze %dma_start3A_704 : memref<1x1x64xf32, #tpu.memory_space<hbm>> -> memref<64xf32, #tpu.memory_space<hbm>>
      tpu.enqueue_dma source(%dma_start3A_705 : memref<64xf32, #tpu.memory_space<hbm>>) target(%dma_start3A_702 : memref<64xf32, #tpu.memory_space<vmem>>) target_semaphore(%arg9 : memref<!tpu.dma_semaphore, #tpu.memory_space<semaphore_mem>>)
      %slice3A_706 = vector.extract_strided_slice %get3A_510 {offsets = [11], sizes = [1], strides = [1]} : vector<16xi32> to vector<1xi32>
      %squeeze3A_707 = vector.extract %slice3A_706[0] : i32 from vector<1xi32>
      %mul3A_708 = arith.constant 16 : i32
      %mul3A_709 = arith.muli %scan3A_504, %mul3A_708 : i32
      %add3A_710 = arith.constant 11 : i32
      %add3A_711 = arith.addi %mul3A_709, %add3A_710 : i32
      %dma_start3A_712 = arith.constant 0 : i32
      %dma_start3A_713 = tpu.memref_slice %arg6[%add3A_711, %dma_start3A_712] : memref<256x64xf32, #tpu.memory_space<vmem>> -> memref<1x64xf32, #tpu.memory_space<vmem>>
      %dma_start3A_714 = tpu.memref_squeeze %dma_start3A_713 : memref<1x64xf32, #tpu.memory_space<vmem>> -> memref<64xf32, #tpu.memory_space<vmem>>
      %dma_start3A_715 = arith.constant 0 : i32
      %dma_start3A_716 = tpu.memref_slice %arg3[%add3A_4, %squeeze3A_707, %dma_start3A_715] : memref<64x8192x64xf32, #tpu.memory_space<hbm>> -> memref<1x1x64xf32, #tpu.memory_space<hbm>>
      %dma_start3A_717 = tpu.memref_squeeze %dma_start3A_716 : memref<1x1x64xf32, #tpu.memory_space<hbm>> -> memref<64xf32, #tpu.memory_space<hbm>>
      %dma_start3A_718 = arith.constant 0 : i32
      %dma_start3A_719 = tpu.memref_slice %arg6[%add3A_711, %dma_start3A_718] : memref<256x64xf32, #tpu.memory_space<vmem>> -> memref<1x64xf32, #tpu.memory_space<vmem>>
      %dma_start3A_720 = tpu.memref_squeeze %dma_start3A_719 : memref<1x64xf32, #tpu.memory_space<vmem>> -> memref<64xf32, #tpu.memory_space<vmem>>
      %dma_start3A_721 = arith.constant 0 : i32
      %dma_start3A_722 = tpu.memref_slice %arg3[%add3A_4, %squeeze3A_707, %dma_start3A_721] : memref<64x8192x64xf32, #tpu.memory_space<hbm>> -> memref<1x1x64xf32, #tpu.memory_space<hbm>>
      %dma_start3A_723 = tpu.memref_squeeze %dma_start3A_722 : memref<1x1x64xf32, #tpu.memory_space<hbm>> -> memref<64xf32, #tpu.memory_space<hbm>>
      tpu.enqueue_dma source(%dma_start3A_723 : memref<64xf32, #tpu.memory_space<hbm>>) target(%dma_start3A_720 : memref<64xf32, #tpu.memory_space<vmem>>) target_semaphore(%arg10 : memref<!tpu.dma_semaphore, #tpu.memory_space<semaphore_mem>>)
      %slice3A_724 = vector.extract_strided_slice %get3A_510 {offsets = [12], sizes = [1], strides = [1]} : vector<16xi32> to vector<1xi32>
      %squeeze3A_725 = vector.extract %slice3A_724[0] : i32 from vector<1xi32>
      %mul3A_726 = arith.constant 16 : i32
      %mul3A_727 = arith.muli %scan3A_504, %mul3A_726 : i32
      %add3A_728 = arith.constant 12 : i32
      %add3A_729 = arith.addi %mul3A_727, %add3A_728 : i32
      %dma_start3A_730 = arith.constant 0 : i32
      %dma_start3A_731 = tpu.memref_slice %arg6[%add3A_729, %dma_start3A_730] : memref<256x64xf32, #tpu.memory_space<vmem>> -> memref<1x64xf32, #tpu.memory_space<vmem>>
      %dma_start3A_732 = tpu.memref_squeeze %dma_start3A_731 : memref<1x64xf32, #tpu.memory_space<vmem>> -> memref<64xf32, #tpu.memory_space<vmem>>
      %dma_start3A_733 = arith.constant 0 : i32
      %dma_start3A_734 = tpu.memref_slice %arg3[%add3A_4, %squeeze3A_725, %dma_start3A_733] : memref<64x8192x64xf32, #tpu.memory_space<hbm>> -> memref<1x1x64xf32, #tpu.memory_space<hbm>>
      %dma_start3A_735 = tpu.memref_squeeze %dma_start3A_734 : memref<1x1x64xf32, #tpu.memory_space<hbm>> -> memref<64xf32, #tpu.memory_space<hbm>>
      %dma_start3A_736 = arith.constant 0 : i32
      %dma_start3A_737 = tpu.memref_slice %arg6[%add3A_729, %dma_start3A_736] : memref<256x64xf32, #tpu.memory_space<vmem>> -> memref<1x64xf32, #tpu.memory_space<vmem>>
      %dma_start3A_738 = tpu.memref_squeeze %dma_start3A_737 : memref<1x64xf32, #tpu.memory_space<vmem>> -> memref<64xf32, #tpu.memory_space<vmem>>
      %dma_start3A_739 = arith.constant 0 : i32
      %dma_start3A_740 = tpu.memref_slice %arg3[%add3A_4, %squeeze3A_725, %dma_start3A_739] : memref<64x8192x64xf32, #tpu.memory_space<hbm>> -> memref<1x1x64xf32, #tpu.memory_space<hbm>>
      %dma_start3A_741 = tpu.memref_squeeze %dma_start3A_740 : memref<1x1x64xf32, #tpu.memory_space<hbm>> -> memref<64xf32, #tpu.memory_space<hbm>>
      tpu.enqueue_dma source(%dma_start3A_741 : memref<64xf32, #tpu.memory_space<hbm>>) target(%dma_start3A_738 : memref<64xf32, #tpu.memory_space<vmem>>) target_semaphore(%arg7 : memref<!tpu.dma_semaphore, #tpu.memory_space<semaphore_mem>>)
      %slice3A_742 = vector.extract_strided_slice %get3A_510 {offsets = [13], sizes = [1], strides = [1]} : vector<16xi32> to vector<1xi32>
      %squeeze3A_743 = vector.extract %slice3A_742[0] : i32 from vector<1xi32>
      %mul3A_744 = arith.constant 16 : i32
      %mul3A_745 = arith.muli %scan3A_504, %mul3A_744 : i32
      %add3A_746 = arith.constant 13 : i32
      %add3A_747 = arith.addi %mul3A_745, %add3A_746 : i32
      %dma_start3A_748 = arith.constant 0 : i32
      %dma_start3A_749 = tpu.memref_slice %arg6[%add3A_747, %dma_start3A_748] : memref<256x64xf32, #tpu.memory_space<vmem>> -> memref<1x64xf32, #tpu.memory_space<vmem>>
      %dma_start3A_750 = tpu.memref_squeeze %dma_start3A_749 : memref<1x64xf32, #tpu.memory_space<vmem>> -> memref<64xf32, #tpu.memory_space<vmem>>
      %dma_start3A_751 = arith.constant 0 : i32
      %dma_start3A_752 = tpu.memref_slice %arg3[%add3A_4, %squeeze3A_743, %dma_start3A_751] : memref<64x8192x64xf32, #tpu.memory_space<hbm>> -> memref<1x1x64xf32, #tpu.memory_space<hbm>>
      %dma_start3A_753 = tpu.memref_squeeze %dma_start3A_752 : memref<1x1x64xf32, #tpu.memory_space<hbm>> -> memref<64xf32, #tpu.memory_space<hbm>>
      %dma_start3A_754 = arith.constant 0 : i32
      %dma_start3A_755 = tpu.memref_slice %arg6[%add3A_747, %dma_start3A_754] : memref<256x64xf32, #tpu.memory_space<vmem>> -> memref<1x64xf32, #tpu.memory_space<vmem>>
      %dma_start3A_756 = tpu.memref_squeeze %dma_start3A_755 : memref<1x64xf32, #tpu.memory_space<vmem>> -> memref<64xf32, #tpu.memory_space<vmem>>
      %dma_start3A_757 = arith.constant 0 : i32
      %dma_start3A_758 = tpu.memref_slice %arg3[%add3A_4, %squeeze3A_743, %dma_start3A_757] : memref<64x8192x64xf32, #tpu.memory_space<hbm>> -> memref<1x1x64xf32, #tpu.memory_space<hbm>>
      %dma_start3A_759 = tpu.memref_squeeze %dma_start3A_758 : memref<1x1x64xf32, #tpu.memory_space<hbm>> -> memref<64xf32, #tpu.memory_space<hbm>>
      tpu.enqueue_dma source(%dma_start3A_759 : memref<64xf32, #tpu.memory_space<hbm>>) target(%dma_start3A_756 : memref<64xf32, #tpu.memory_space<vmem>>) target_semaphore(%arg8 : memref<!tpu.dma_semaphore, #tpu.memory_space<semaphore_mem>>)
      %slice3A_760 = vector.extract_strided_slice %get3A_510 {offsets = [14], sizes = [1], strides = [1]} : vector<16xi32> to vector<1xi32>
      %squeeze3A_761 = vector.extract %slice3A_760[0] : i32 from vector<1xi32>
      %mul3A_762 = arith.constant 16 : i32
      %mul3A_763 = arith.muli %scan3A_504, %mul3A_762 : i32
      %add3A_764 = arith.constant 14 : i32
      %add3A_765 = arith.addi %mul3A_763, %add3A_764 : i32
      %dma_start3A_766 = arith.constant 0 : i32
      %dma_start3A_767 = tpu.memref_slice %arg6[%add3A_765, %dma_start3A_766] : memref<256x64xf32, #tpu.memory_space<vmem>> -> memref<1x64xf32, #tpu.memory_space<vmem>>
      %dma_start3A_768 = tpu.memref_squeeze %dma_start3A_767 : memref<1x64xf32, #tpu.memory_space<vmem>> -> memref<64xf32, #tpu.memory_space<vmem>>
      %dma_start3A_769 = arith.constant 0 : i32
      %dma_start3A_770 = tpu.memref_slice %arg3[%add3A_4, %squeeze3A_761, %dma_start3A_769] : memref<64x8192x64xf32, #tpu.memory_space<hbm>> -> memref<1x1x64xf32, #tpu.memory_space<hbm>>
      %dma_start3A_771 = tpu.memref_squeeze %dma_start3A_770 : memref<1x1x64xf32, #tpu.memory_space<hbm>> -> memref<64xf32, #tpu.memory_space<hbm>>
      %dma_start3A_772 = arith.constant 0 : i32
      %dma_start3A_773 = tpu.memref_slice %arg6[%add3A_765, %dma_start3A_772] : memref<256x64xf32, #tpu.memory_space<vmem>> -> memref<1x64xf32, #tpu.memory_space<vmem>>
      %dma_start3A_774 = tpu.memref_squeeze %dma_start3A_773 : memref<1x64xf32, #tpu.memory_space<vmem>> -> memref<64xf32, #tpu.memory_space<vmem>>
      %dma_start3A_775 = arith.constant 0 : i32
      %dma_start3A_776 = tpu.memref_slice %arg3[%add3A_4, %squeeze3A_761, %dma_start3A_775] : memref<64x8192x64xf32, #tpu.memory_space<hbm>> -> memref<1x1x64xf32, #tpu.memory_space<hbm>>
      %dma_start3A_777 = tpu.memref_squeeze %dma_start3A_776 : memref<1x1x64xf32, #tpu.memory_space<hbm>> -> memref<64xf32, #tpu.memory_space<hbm>>
      tpu.enqueue_dma source(%dma_start3A_777 : memref<64xf32, #tpu.memory_space<hbm>>) target(%dma_start3A_774 : memref<64xf32, #tpu.memory_space<vmem>>) target_semaphore(%arg9 : memref<!tpu.dma_semaphore, #tpu.memory_space<semaphore_mem>>)
      %slice3A_778 = vector.extract_strided_slice %get3A_510 {offsets = [15], sizes = [1], strides = [1]} : vector<16xi32> to vector<1xi32>
      %squeeze3A_779 = vector.extract %slice3A_778[0] : i32 from vector<1xi32>
      %mul3A_780 = arith.constant 16 : i32
      %mul3A_781 = arith.muli %scan3A_504, %mul3A_780 : i32
      %add3A_782 = arith.constant 15 : i32
      %add3A_783 = arith.addi %mul3A_781, %add3A_782 : i32
      %dma_start3A_784 = arith.constant 0 : i32
      %dma_start3A_785 = tpu.memref_slice %arg6[%add3A_783, %dma_start3A_784] : memref<256x64xf32, #tpu.memory_space<vmem>> -> memref<1x64xf32, #tpu.memory_space<vmem>>
      %dma_start3A_786 = tpu.memref_squeeze %dma_start3A_785 : memref<1x64xf32, #tpu.memory_space<vmem>> -> memref<64xf32, #tpu.memory_space<vmem>>
      %dma_start3A_787 = arith.constant 0 : i32
      %dma_start3A_788 = tpu.memref_slice %arg3[%add3A_4, %squeeze3A_779, %dma_start3A_787] : memref<64x8192x64xf32, #tpu.memory_space<hbm>> -> memref<1x1x64xf32, #tpu.memory_space<hbm>>
      %dma_start3A_789 = tpu.memref_squeeze %dma_start3A_788 : memref<1x1x64xf32, #tpu.memory_space<hbm>> -> memref<64xf32, #tpu.memory_space<hbm>>
      %dma_start3A_790 = arith.constant 0 : i32
      %dma_start3A_791 = tpu.memref_slice %arg6[%add3A_783, %dma_start3A_790] : memref<256x64xf32, #tpu.memory_space<vmem>> -> memref<1x64xf32, #tpu.memory_space<vmem>>
      %dma_start3A_792 = tpu.memref_squeeze %dma_start3A_791 : memref<1x64xf32, #tpu.memory_space<vmem>> -> memref<64xf32, #tpu.memory_space<vmem>>
      %dma_start3A_793 = arith.constant 0 : i32
      %dma_start3A_794 = tpu.memref_slice %arg3[%add3A_4, %squeeze3A_779, %dma_start3A_793] : memref<64x8192x64xf32, #tpu.memory_space<hbm>> -> memref<1x1x64xf32, #tpu.memory_space<hbm>>
      %dma_start3A_795 = tpu.memref_squeeze %dma_start3A_794 : memref<1x1x64xf32, #tpu.memory_space<hbm>> -> memref<64xf32, #tpu.memory_space<hbm>>
      tpu.enqueue_dma source(%dma_start3A_795 : memref<64xf32, #tpu.memory_space<hbm>>) target(%dma_start3A_792 : memref<64xf32, #tpu.memory_space<vmem>>) target_semaphore(%arg10 : memref<!tpu.dma_semaphore, #tpu.memory_space<semaphore_mem>>)
    }
    %scan3A_9 = arith.constant 16 : i32
    %dma_wait3A = arith.constant 0 : i32
    %dma_wait3A_10 = arith.constant 0 : i32
    %dma_wait3A_11 = tpu.memref_slice %arg6[%dma_wait3A, %dma_wait3A_10] : memref<256x64xf32, #tpu.memory_space<vmem>> -> memref<64x64xf32, #tpu.memory_space<vmem>>
    %dma_wait3A_12 = arith.constant 0 : i32
    %dma_wait3A_13 = arith.constant 0 : i32
    %dma_wait3A_14 = tpu.memref_slice %arg3[%add3A_4, %dma_wait3A_12, %dma_wait3A_13] : memref<64x8192x64xf32, #tpu.memory_space<hbm>> -> memref<1x64x64xf32, #tpu.memory_space<hbm>>
    %dma_wait3A_15 = tpu.memref_squeeze %dma_wait3A_14 : memref<1x64x64xf32, #tpu.memory_space<hbm>> -> memref<64x64xf32, #tpu.memory_space<hbm>>
    %dma_wait3A_16 = arith.constant 0 : i32
    %dma_wait3A_17 = arith.constant 0 : i32
    %dma_wait3A_18 = tpu.memref_slice %arg6[%dma_wait3A_16, %dma_wait3A_17] : memref<256x64xf32, #tpu.memory_space<vmem>> -> memref<64x64xf32, #tpu.memory_space<vmem>>
    %dma_wait3A_19 = arith.constant 0 : i32
    %dma_wait3A_20 = arith.constant 0 : i32
    %dma_wait3A_21 = tpu.memref_slice %arg3[%add3A_4, %dma_wait3A_19, %dma_wait3A_20] : memref<64x8192x64xf32, #tpu.memory_space<hbm>> -> memref<1x64x64xf32, #tpu.memory_space<hbm>>
    %dma_wait3A_22 = tpu.memref_squeeze %dma_wait3A_21 : memref<1x64x64xf32, #tpu.memory_space<hbm>> -> memref<64x64xf32, #tpu.memory_space<hbm>>
    tpu.wait_dma2 semaphore(%arg7 : memref<!tpu.dma_semaphore, #tpu.memory_space<semaphore_mem>>) src(%dma_wait3A_22 : memref<64x64xf32, #tpu.memory_space<hbm>>) dst(%dma_wait3A_18 : memref<64x64xf32, #tpu.memory_space<vmem>>)
    %dma_wait3A_23 = arith.constant 64 : i32
    %dma_wait3A_24 = arith.constant 0 : i32
    %dma_wait3A_25 = tpu.memref_slice %arg6[%dma_wait3A_23, %dma_wait3A_24] : memref<256x64xf32, #tpu.memory_space<vmem>> -> memref<64x64xf32, #tpu.memory_space<vmem>>
    %dma_wait3A_26 = arith.constant 0 : i32
    %dma_wait3A_27 = arith.constant 0 : i32
    %dma_wait3A_28 = tpu.memref_slice %arg3[%add3A_4, %dma_wait3A_26, %dma_wait3A_27] : memref<64x8192x64xf32, #tpu.memory_space<hbm>> -> memref<1x64x64xf32, #tpu.memory_space<hbm>>
    %dma_wait3A_29 = tpu.memref_squeeze %dma_wait3A_28 : memref<1x64x64xf32, #tpu.memory_space<hbm>> -> memref<64x64xf32, #tpu.memory_space<hbm>>
    %dma_wait3A_30 = arith.constant 64 : i32
    %dma_wait3A_31 = arith.constant 0 : i32
    %dma_wait3A_32 = tpu.memref_slice %arg6[%dma_wait3A_30, %dma_wait3A_31] : memref<256x64xf32, #tpu.memory_space<vmem>> -> memref<64x64xf32, #tpu.memory_space<vmem>>
    %dma_wait3A_33 = arith.constant 0 : i32
    %dma_wait3A_34 = arith.constant 0 : i32
    %dma_wait3A_35 = tpu.memref_slice %arg3[%add3A_4, %dma_wait3A_33, %dma_wait3A_34] : memref<64x8192x64xf32, #tpu.memory_space<hbm>> -> memref<1x64x64xf32, #tpu.memory_space<hbm>>
    %dma_wait3A_36 = tpu.memref_squeeze %dma_wait3A_35 : memref<1x64x64xf32, #tpu.memory_space<hbm>> -> memref<64x64xf32, #tpu.memory_space<hbm>>
    tpu.wait_dma2 semaphore(%arg8 : memref<!tpu.dma_semaphore, #tpu.memory_space<semaphore_mem>>) src(%dma_wait3A_36 : memref<64x64xf32, #tpu.memory_space<hbm>>) dst(%dma_wait3A_32 : memref<64x64xf32, #tpu.memory_space<vmem>>)
    %dma_wait3A_37 = arith.constant 128 : i32
    %dma_wait3A_38 = arith.constant 0 : i32
    %dma_wait3A_39 = tpu.memref_slice %arg6[%dma_wait3A_37, %dma_wait3A_38] : memref<256x64xf32, #tpu.memory_space<vmem>> -> memref<64x64xf32, #tpu.memory_space<vmem>>
    %dma_wait3A_40 = arith.constant 0 : i32
    %dma_wait3A_41 = arith.constant 0 : i32
    %dma_wait3A_42 = tpu.memref_slice %arg3[%add3A_4, %dma_wait3A_40, %dma_wait3A_41] : memref<64x8192x64xf32, #tpu.memory_space<hbm>> -> memref<1x64x64xf32, #tpu.memory_space<hbm>>
    %dma_wait3A_43 = tpu.memref_squeeze %dma_wait3A_42 : memref<1x64x64xf32, #tpu.memory_space<hbm>> -> memref<64x64xf32, #tpu.memory_space<hbm>>
    %dma_wait3A_44 = arith.constant 128 : i32
    %dma_wait3A_45 = arith.constant 0 : i32
    %dma_wait3A_46 = tpu.memref_slice %arg6[%dma_wait3A_44, %dma_wait3A_45] : memref<256x64xf32, #tpu.memory_space<vmem>> -> memref<64x64xf32, #tpu.memory_space<vmem>>
    %dma_wait3A_47 = arith.constant 0 : i32
    %dma_wait3A_48 = arith.constant 0 : i32
    %dma_wait3A_49 = tpu.memref_slice %arg3[%add3A_4, %dma_wait3A_47, %dma_wait3A_48] : memref<64x8192x64xf32, #tpu.memory_space<hbm>> -> memref<1x64x64xf32, #tpu.memory_space<hbm>>
    %dma_wait3A_50 = tpu.memref_squeeze %dma_wait3A_49 : memref<1x64x64xf32, #tpu.memory_space<hbm>> -> memref<64x64xf32, #tpu.memory_space<hbm>>
    tpu.wait_dma2 semaphore(%arg9 : memref<!tpu.dma_semaphore, #tpu.memory_space<semaphore_mem>>) src(%dma_wait3A_50 : memref<64x64xf32, #tpu.memory_space<hbm>>) dst(%dma_wait3A_46 : memref<64x64xf32, #tpu.memory_space<vmem>>)
    %dma_wait3A_51 = arith.constant 192 : i32
    %dma_wait3A_52 = arith.constant 0 : i32
    %dma_wait3A_53 = tpu.memref_slice %arg6[%dma_wait3A_51, %dma_wait3A_52] : memref<256x64xf32, #tpu.memory_space<vmem>> -> memref<64x64xf32, #tpu.memory_space<vmem>>
    %dma_wait3A_54 = arith.constant 0 : i32
    %dma_wait3A_55 = arith.constant 0 : i32
    %dma_wait3A_56 = tpu.memref_slice %arg3[%add3A_4, %dma_wait3A_54, %dma_wait3A_55] : memref<64x8192x64xf32, #tpu.memory_space<hbm>> -> memref<1x64x64xf32, #tpu.memory_space<hbm>>
    %dma_wait3A_57 = tpu.memref_squeeze %dma_wait3A_56 : memref<1x64x64xf32, #tpu.memory_space<hbm>> -> memref<64x64xf32, #tpu.memory_space<hbm>>
    %dma_wait3A_58 = arith.constant 192 : i32
    %dma_wait3A_59 = arith.constant 0 : i32
    %dma_wait3A_60 = tpu.memref_slice %arg6[%dma_wait3A_58, %dma_wait3A_59] : memref<256x64xf32, #tpu.memory_space<vmem>> -> memref<64x64xf32, #tpu.memory_space<vmem>>
    %dma_wait3A_61 = arith.constant 0 : i32
    %dma_wait3A_62 = arith.constant 0 : i32
    %dma_wait3A_63 = tpu.memref_slice %arg3[%add3A_4, %dma_wait3A_61, %dma_wait3A_62] : memref<64x8192x64xf32, #tpu.memory_space<hbm>> -> memref<1x64x64xf32, #tpu.memory_space<hbm>>
    %dma_wait3A_64 = tpu.memref_squeeze %dma_wait3A_63 : memref<1x64x64xf32, #tpu.memory_space<hbm>> -> memref<64x64xf32, #tpu.memory_space<hbm>>
    tpu.wait_dma2 semaphore(%arg10 : memref<!tpu.dma_semaphore, #tpu.memory_space<semaphore_mem>>) src(%dma_wait3A_64 : memref<64x64xf32, #tpu.memory_space<hbm>>) dst(%dma_wait3A_60 : memref<64x64xf32, #tpu.memory_space<vmem>>)
    "tpu.region"() ({
      %run_scoped3A_504 = tpu.sem_alloc : memref<!tpu.dma_semaphore, #tpu.memory_space<semaphore_mem>>
      %dma_start3A = arith.constant 0 : i32
      %dma_start3A_505 = arith.constant 0 : i32
      %dma_start3A_506 = tpu.memref_slice %arg4[%add3A_4, %dma_start3A, %dma_start3A_505] : memref<64x1024x64xf32, #tpu.memory_space<hbm>> -> memref<1x256x64xf32, #tpu.memory_space<hbm>>
      %dma_start3A_507 = tpu.memref_squeeze %dma_start3A_506 : memref<1x256x64xf32, #tpu.memory_space<hbm>> -> memref<256x64xf32, #tpu.memory_space<hbm>>
      %dma_start3A_508 = arith.constant 0 : i32
      %dma_start3A_509 = arith.constant 0 : i32
      %dma_start3A_510 = tpu.memref_slice %arg4[%add3A_4, %dma_start3A_508, %dma_start3A_509] : memref<64x1024x64xf32, #tpu.memory_space<hbm>> -> memref<1x256x64xf32, #tpu.memory_space<hbm>>
      %dma_start3A_511 = tpu.memref_squeeze %dma_start3A_510 : memref<1x256x64xf32, #tpu.memory_space<hbm>> -> memref<256x64xf32, #tpu.memory_space<hbm>>
      tpu.enqueue_dma source(%arg6 : memref<256x64xf32, #tpu.memory_space<vmem>>) target(%dma_start3A_511 : memref<256x64xf32, #tpu.memory_space<hbm>>) target_semaphore(%run_scoped3A_504 : memref<!tpu.dma_semaphore, #tpu.memory_space<semaphore_mem>>)
      %dma_wait3A_512 = arith.constant 0 : i32
      %dma_wait3A_513 = arith.constant 0 : i32
      %dma_wait3A_514 = tpu.memref_slice %arg4[%add3A_4, %dma_wait3A_512, %dma_wait3A_513] : memref<64x1024x64xf32, #tpu.memory_space<hbm>> -> memref<1x256x64xf32, #tpu.memory_space<hbm>>
      %dma_wait3A_515 = tpu.memref_squeeze %dma_wait3A_514 : memref<1x256x64xf32, #tpu.memory_space<hbm>> -> memref<256x64xf32, #tpu.memory_space<hbm>>
      %dma_wait3A_516 = arith.constant 0 : i32
      %dma_wait3A_517 = arith.constant 0 : i32
      %dma_wait3A_518 = tpu.memref_slice %arg4[%add3A_4, %dma_wait3A_516, %dma_wait3A_517] : memref<64x1024x64xf32, #tpu.memory_space<hbm>> -> memref<1x256x64xf32, #tpu.memory_space<hbm>>
      %dma_wait3A_519 = tpu.memref_squeeze %dma_wait3A_518 : memref<1x256x64xf32, #tpu.memory_space<hbm>> -> memref<256x64xf32, #tpu.memory_space<hbm>>
      tpu.wait_dma2 semaphore(%run_scoped3A_504 : memref<!tpu.dma_semaphore, #tpu.memory_space<semaphore_mem>>) src(%arg6 : memref<256x64xf32, #tpu.memory_space<vmem>>) dst(%dma_wait3A_519 : memref<256x64xf32, #tpu.memory_space<hbm>>)
      tpu.yield
    }) : () -> ()
    %scan3A_65 = arith.constant 0 : i32
    %scan3A_66 = arith.constant 0 : i32
    %scan3A_67 = arith.constant 16 : i32
    %scan3A_68 = arith.addi %scan3A_66, %scan3A_67 : i32
    %scan3A_69 = arith.constant 1 : i32
    scf.for %scan3A_504 = %scan3A_66 to %scan3A_68 step %scan3A_69  : i32 {
      %mul3A_505 = arith.constant 16 : i32
      %mul3A_506 = arith.muli %scan3A_504, %mul3A_505 : i32
      %add3A_507 = arith.constant 256 : i32
      %add3A_508 = arith.addi %add3A_507, %mul3A_506 : i32
      %get3A = arith.index_cast %add3A_508 : i32 to index
      %get3A_509 = tpu.vector_load %arg5[%get3A] {strides = array<i32>} : memref<1024xi32, #tpu.memory_space<vmem>>, vector<16xi32>,
      %get3A_510 = vector.shape_cast %get3A_509 : vector<16xi32> to vector<16xi32>
      %slice3A = vector.extract_strided_slice %get3A_510 {offsets = [0], sizes = [1], strides = [1]} : vector<16xi32> to vector<1xi32>
      %squeeze3A = vector.extract %slice3A[0] : i32 from vector<1xi32>
      %mul3A_511 = arith.constant 16 : i32
      %mul3A_512 = arith.muli %scan3A_504, %mul3A_511 : i32
      %add3A_513 = arith.constant 0 : i32
      %add3A_514 = arith.addi %mul3A_512, %add3A_513 : i32
      %dma_start3A = arith.constant 0 : i32
      %dma_start3A_515 = tpu.memref_slice %arg6[%add3A_514, %dma_start3A] : memref<256x64xf32, #tpu.memory_space<vmem>> -> memref<1x64xf32, #tpu.memory_space<vmem>>
      %dma_start3A_516 = tpu.memref_squeeze %dma_start3A_515 : memref<1x64xf32, #tpu.memory_space<vmem>> -> memref<64xf32, #tpu.memory_space<vmem>>
      %dma_start3A_517 = arith.constant 0 : i32
      %dma_start3A_518 = tpu.memref_slice %arg3[%add3A_4, %squeeze3A, %dma_start3A_517] : memref<64x8192x64xf32, #tpu.memory_space<hbm>> -> memref<1x1x64xf32, #tpu.memory_space<hbm>>
      %dma_start3A_519 = tpu.memref_squeeze %dma_start3A_518 : memref<1x1x64xf32, #tpu.memory_space<hbm>> -> memref<64xf32, #tpu.memory_space<hbm>>
      %dma_start3A_520 = arith.constant 0 : i32
      %dma_start3A_521 = tpu.memref_slice %arg6[%add3A_514, %dma_start3A_520] : memref<256x64xf32, #tpu.memory_space<vmem>> -> memref<1x64xf32, #tpu.memory_space<vmem>>
      %dma_start3A_522 = tpu.memref_squeeze %dma_start3A_521 : memref<1x64xf32, #tpu.memory_space<vmem>> -> memref<64xf32, #tpu.memory_space<vmem>>
      %dma_start3A_523 = arith.constant 0 : i32
      %dma_start3A_524 = tpu.memref_slice %arg3[%add3A_4, %squeeze3A, %dma_start3A_523] : memref<64x8192x64xf32, #tpu.memory_space<hbm>> -> memref<1x1x64xf32, #tpu.memory_space<hbm>>
      %dma_start3A_525 = tpu.memref_squeeze %dma_start3A_524 : memref<1x1x64xf32, #tpu.memory_space<hbm>> -> memref<64xf32, #tpu.memory_space<hbm>>
      tpu.enqueue_dma source(%dma_start3A_525 : memref<64xf32, #tpu.memory_space<hbm>>) target(%dma_start3A_522 : memref<64xf32, #tpu.memory_space<vmem>>) target_semaphore(%arg7 : memref<!tpu.dma_semaphore, #tpu.memory_space<semaphore_mem>>)
      %slice3A_526 = vector.extract_strided_slice %get3A_510 {offsets = [1], sizes = [1], strides = [1]} : vector<16xi32> to vector<1xi32>
      %squeeze3A_527 = vector.extract %slice3A_526[0] : i32 from vector<1xi32>
      %mul3A_528 = arith.constant 16 : i32
      %mul3A_529 = arith.muli %scan3A_504, %mul3A_528 : i32
      %add3A_530 = arith.constant 1 : i32
      %add3A_531 = arith.addi %mul3A_529, %add3A_530 : i32
      %dma_start3A_532 = arith.constant 0 : i32
      %dma_start3A_533 = tpu.memref_slice %arg6[%add3A_531, %dma_start3A_532] : memref<256x64xf32, #tpu.memory_space<vmem>> -> memref<1x64xf32, #tpu.memory_space<vmem>>
      %dma_start3A_534 = tpu.memref_squeeze %dma_start3A_533 : memref<1x64xf32, #tpu.memory_space<vmem>> -> memref<64xf32, #tpu.memory_space<vmem>>
      %dma_start3A_535 = arith.constant 0 : i32
      %dma_start3A_536 = tpu.memref_slice %arg3[%add3A_4, %squeeze3A_527, %dma_start3A_535] : memref<64x8192x64xf32, #tpu.memory_space<hbm>> -> memref<1x1x64xf32, #tpu.memory_space<hbm>>
      %dma_start3A_537 = tpu.memref_squeeze %dma_start3A_536 : memref<1x1x64xf32, #tpu.memory_space<hbm>> -> memref<64xf32, #tpu.memory_space<hbm>>
      %dma_start3A_538 = arith.constant 0 : i32
      %dma_start3A_539 = tpu.memref_slice %arg6[%add3A_531, %dma_start3A_538] : memref<256x64xf32, #tpu.memory_space<vmem>> -> memref<1x64xf32, #tpu.memory_space<vmem>>
      %dma_start3A_540 = tpu.memref_squeeze %dma_start3A_539 : memref<1x64xf32, #tpu.memory_space<vmem>> -> memref<64xf32, #tpu.memory_space<vmem>>
      %dma_start3A_541 = arith.constant 0 : i32
      %dma_start3A_542 = tpu.memref_slice %arg3[%add3A_4, %squeeze3A_527, %dma_start3A_541] : memref<64x8192x64xf32, #tpu.memory_space<hbm>> -> memref<1x1x64xf32, #tpu.memory_space<hbm>>
      %dma_start3A_543 = tpu.memref_squeeze %dma_start3A_542 : memref<1x1x64xf32, #tpu.memory_space<hbm>> -> memref<64xf32, #tpu.memory_space<hbm>>
      tpu.enqueue_dma source(%dma_start3A_543 : memref<64xf32, #tpu.memory_space<hbm>>) target(%dma_start3A_540 : memref<64xf32, #tpu.memory_space<vmem>>) target_semaphore(%arg8 : memref<!tpu.dma_semaphore, #tpu.memory_space<semaphore_mem>>)
      %slice3A_544 = vector.extract_strided_slice %get3A_510 {offsets = [2], sizes = [1], strides = [1]} : vector<16xi32> to vector<1xi32>
      %squeeze3A_545 = vector.extract %slice3A_544[0] : i32 from vector<1xi32>
      %mul3A_546 = arith.constant 16 : i32
      %mul3A_547 = arith.muli %scan3A_504, %mul3A_546 : i32
      %add3A_548 = arith.constant 2 : i32
      %add3A_549 = arith.addi %mul3A_547, %add3A_548 : i32
      %dma_start3A_550 = arith.constant 0 : i32
      %dma_start3A_551 = tpu.memref_slice %arg6[%add3A_549, %dma_start3A_550] : memref<256x64xf32, #tpu.memory_space<vmem>> -> memref<1x64xf32, #tpu.memory_space<vmem>>
      %dma_start3A_552 = tpu.memref_squeeze %dma_start3A_551 : memref<1x64xf32, #tpu.memory_space<vmem>> -> memref<64xf32, #tpu.memory_space<vmem>>
      %dma_start3A_553 = arith.constant 0 : i32
      %dma_start3A_554 = tpu.memref_slice %arg3[%add3A_4, %squeeze3A_545, %dma_start3A_553] : memref<64x8192x64xf32, #tpu.memory_space<hbm>> -> memref<1x1x64xf32, #tpu.memory_space<hbm>>
      %dma_start3A_555 = tpu.memref_squeeze %dma_start3A_554 : memref<1x1x64xf32, #tpu.memory_space<hbm>> -> memref<64xf32, #tpu.memory_space<hbm>>
      %dma_start3A_556 = arith.constant 0 : i32
      %dma_start3A_557 = tpu.memref_slice %arg6[%add3A_549, %dma_start3A_556] : memref<256x64xf32, #tpu.memory_space<vmem>> -> memref<1x64xf32, #tpu.memory_space<vmem>>
      %dma_start3A_558 = tpu.memref_squeeze %dma_start3A_557 : memref<1x64xf32, #tpu.memory_space<vmem>> -> memref<64xf32, #tpu.memory_space<vmem>>
      %dma_start3A_559 = arith.constant 0 : i32
      %dma_start3A_560 = tpu.memref_slice %arg3[%add3A_4, %squeeze3A_545, %dma_start3A_559] : memref<64x8192x64xf32, #tpu.memory_space<hbm>> -> memref<1x1x64xf32, #tpu.memory_space<hbm>>
      %dma_start3A_561 = tpu.memref_squeeze %dma_start3A_560 : memref<1x1x64xf32, #tpu.memory_space<hbm>> -> memref<64xf32, #tpu.memory_space<hbm>>
      tpu.enqueue_dma source(%dma_start3A_561 : memref<64xf32, #tpu.memory_space<hbm>>) target(%dma_start3A_558 : memref<64xf32, #tpu.memory_space<vmem>>) target_semaphore(%arg9 : memref<!tpu.dma_semaphore, #tpu.memory_space<semaphore_mem>>)
      %slice3A_562 = vector.extract_strided_slice %get3A_510 {offsets = [3], sizes = [1], strides = [1]} : vector<16xi32> to vector<1xi32>
      %squeeze3A_563 = vector.extract %slice3A_562[0] : i32 from vector<1xi32>
      %mul3A_564 = arith.constant 16 : i32
      %mul3A_565 = arith.muli %scan3A_504, %mul3A_564 : i32
      %add3A_566 = arith.constant 3 : i32
      %add3A_567 = arith.addi %mul3A_565, %add3A_566 : i32
      %dma_start3A_568 = arith.constant 0 : i32
      %dma_start3A_569 = tpu.memref_slice %arg6[%add3A_567, %dma_start3A_568] : memref<256x64xf32, #tpu.memory_space<vmem>> -> memref<1x64xf32, #tpu.memory_space<vmem>>
      %dma_start3A_570 = tpu.memref_squeeze %dma_start3A_569 : memref<1x64xf32, #tpu.memory_space<vmem>> -> memref<64xf32, #tpu.memory_space<vmem>>
      %dma_start3A_571 = arith.constant 0 : i32
      %dma_start3A_572 = tpu.memref_slice %arg3[%add3A_4, %squeeze3A_563, %dma_start3A_571] : memref<64x8192x64xf32, #tpu.memory_space<hbm>> -> memref<1x1x64xf32, #tpu.memory_space<hbm>>
      %dma_start3A_573 = tpu.memref_squeeze %dma_start3A_572 : memref<1x1x64xf32, #tpu.memory_space<hbm>> -> memref<64xf32, #tpu.memory_space<hbm>>
      %dma_start3A_574 = arith.constant 0 : i32
      %dma_start3A_575 = tpu.memref_slice %arg6[%add3A_567, %dma_start3A_574] : memref<256x64xf32, #tpu.memory_space<vmem>> -> memref<1x64xf32, #tpu.memory_space<vmem>>
      %dma_start3A_576 = tpu.memref_squeeze %dma_start3A_575 : memref<1x64xf32, #tpu.memory_space<vmem>> -> memref<64xf32, #tpu.memory_space<vmem>>
      %dma_start3A_577 = arith.constant 0 : i32
      %dma_start3A_578 = tpu.memref_slice %arg3[%add3A_4, %squeeze3A_563, %dma_start3A_577] : memref<64x8192x64xf32, #tpu.memory_space<hbm>> -> memref<1x1x64xf32, #tpu.memory_space<hbm>>
      %dma_start3A_579 = tpu.memref_squeeze %dma_start3A_578 : memref<1x1x64xf32, #tpu.memory_space<hbm>> -> memref<64xf32, #tpu.memory_space<hbm>>
      tpu.enqueue_dma source(%dma_start3A_579 : memref<64xf32, #tpu.memory_space<hbm>>) target(%dma_start3A_576 : memref<64xf32, #tpu.memory_space<vmem>>) target_semaphore(%arg10 : memref<!tpu.dma_semaphore, #tpu.memory_space<semaphore_mem>>)
      %slice3A_580 = vector.extract_strided_slice %get3A_510 {offsets = [4], sizes = [1], strides = [1]} : vector<16xi32> to vector<1xi32>
      %squeeze3A_581 = vector.extract %slice3A_580[0] : i32 from vector<1xi32>
      %mul3A_582 = arith.constant 16 : i32
      %mul3A_583 = arith.muli %scan3A_504, %mul3A_582 : i32
      %add3A_584 = arith.constant 4 : i32
      %add3A_585 = arith.addi %mul3A_583, %add3A_584 : i32
      %dma_start3A_586 = arith.constant 0 : i32
      %dma_start3A_587 = tpu.memref_slice %arg6[%add3A_585, %dma_start3A_586] : memref<256x64xf32, #tpu.memory_space<vmem>> -> memref<1x64xf32, #tpu.memory_space<vmem>>
      %dma_start3A_588 = tpu.memref_squeeze %dma_start3A_587 : memref<1x64xf32, #tpu.memory_space<vmem>> -> memref<64xf32, #tpu.memory_space<vmem>>
      %dma_start3A_589 = arith.constant 0 : i32
      %dma_start3A_590 = tpu.memref_slice %arg3[%add3A_4, %squeeze3A_581, %dma_start3A_589] : memref<64x8192x64xf32, #tpu.memory_space<hbm>> -> memref<1x1x64xf32, #tpu.memory_space<hbm>>
      %dma_start3A_591 = tpu.memref_squeeze %dma_start3A_590 : memref<1x1x64xf32, #tpu.memory_space<hbm>> -> memref<64xf32, #tpu.memory_space<hbm>>
      %dma_start3A_592 = arith.constant 0 : i32
      %dma_start3A_593 = tpu.memref_slice %arg6[%add3A_585, %dma_start3A_592] : memref<256x64xf32, #tpu.memory_space<vmem>> -> memref<1x64xf32, #tpu.memory_space<vmem>>
      %dma_start3A_594 = tpu.memref_squeeze %dma_start3A_593 : memref<1x64xf32, #tpu.memory_space<vmem>> -> memref<64xf32, #tpu.memory_space<vmem>>
      %dma_start3A_595 = arith.constant 0 : i32
      %dma_start3A_596 = tpu.memref_slice %arg3[%add3A_4, %squeeze3A_581, %dma_start3A_595] : memref<64x8192x64xf32, #tpu.memory_space<hbm>> -> memref<1x1x64xf32, #tpu.memory_space<hbm>>
      %dma_start3A_597 = tpu.memref_squeeze %dma_start3A_596 : memref<1x1x64xf32, #tpu.memory_space<hbm>> -> memref<64xf32, #tpu.memory_space<hbm>>
      tpu.enqueue_dma source(%dma_start3A_597 : memref<64xf32, #tpu.memory_space<hbm>>) target(%dma_start3A_594 : memref<64xf32, #tpu.memory_space<vmem>>) target_semaphore(%arg7 : memref<!tpu.dma_semaphore, #tpu.memory_space<semaphore_mem>>)
      %slice3A_598 = vector.extract_strided_slice %get3A_510 {offsets = [5], sizes = [1], strides = [1]} : vector<16xi32> to vector<1xi32>
      %squeeze3A_599 = vector.extract %slice3A_598[0] : i32 from vector<1xi32>
      %mul3A_600 = arith.constant 16 : i32
      %mul3A_601 = arith.muli %scan3A_504, %mul3A_600 : i32
      %add3A_602 = arith.constant 5 : i32
      %add3A_603 = arith.addi %mul3A_601, %add3A_602 : i32
      %dma_start3A_604 = arith.constant 0 : i32
      %dma_start3A_605 = tpu.memref_slice %arg6[%add3A_603, %dma_start3A_604] : memref<256x64xf32, #tpu.memory_space<vmem>> -> memref<1x64xf32, #tpu.memory_space<vmem>>
      %dma_start3A_606 = tpu.memref_squeeze %dma_start3A_605 : memref<1x64xf32, #tpu.memory_space<vmem>> -> memref<64xf32, #tpu.memory_space<vmem>>
      %dma_start3A_607 = arith.constant 0 : i32
      %dma_start3A_608 = tpu.memref_slice %arg3[%add3A_4, %squeeze3A_599, %dma_start3A_607] : memref<64x8192x64xf32, #tpu.memory_space<hbm>> -> memref<1x1x64xf32, #tpu.memory_space<hbm>>
      %dma_start3A_609 = tpu.memref_squeeze %dma_start3A_608 : memref<1x1x64xf32, #tpu.memory_space<hbm>> -> memref<64xf32, #tpu.memory_space<hbm>>
      %dma_start3A_610 = arith.constant 0 : i32
      %dma_start3A_611 = tpu.memref_slice %arg6[%add3A_603, %dma_start3A_610] : memref<256x64xf32, #tpu.memory_space<vmem>> -> memref<1x64xf32, #tpu.memory_space<vmem>>
      %dma_start3A_612 = tpu.memref_squeeze %dma_start3A_611 : memref<1x64xf32, #tpu.memory_space<vmem>> -> memref<64xf32, #tpu.memory_space<vmem>>
      %dma_start3A_613 = arith.constant 0 : i32
      %dma_start3A_614 = tpu.memref_slice %arg3[%add3A_4, %squeeze3A_599, %dma_start3A_613] : memref<64x8192x64xf32, #tpu.memory_space<hbm>> -> memref<1x1x64xf32, #tpu.memory_space<hbm>>
      %dma_start3A_615 = tpu.memref_squeeze %dma_start3A_614 : memref<1x1x64xf32, #tpu.memory_space<hbm>> -> memref<64xf32, #tpu.memory_space<hbm>>
      tpu.enqueue_dma source(%dma_start3A_615 : memref<64xf32, #tpu.memory_space<hbm>>) target(%dma_start3A_612 : memref<64xf32, #tpu.memory_space<vmem>>) target_semaphore(%arg8 : memref<!tpu.dma_semaphore, #tpu.memory_space<semaphore_mem>>)
      %slice3A_616 = vector.extract_strided_slice %get3A_510 {offsets = [6], sizes = [1], strides = [1]} : vector<16xi32> to vector<1xi32>
      %squeeze3A_617 = vector.extract %slice3A_616[0] : i32 from vector<1xi32>
      %mul3A_618 = arith.constant 16 : i32
      %mul3A_619 = arith.muli %scan3A_504, %mul3A_618 : i32
      %add3A_620 = arith.constant 6 : i32
      %add3A_621 = arith.addi %mul3A_619, %add3A_620 : i32
      %dma_start3A_622 = arith.constant 0 : i32
      %dma_start3A_623 = tpu.memref_slice %arg6[%add3A_621, %dma_start3A_622] : memref<256x64xf32, #tpu.memory_space<vmem>> -> memref<1x64xf32, #tpu.memory_space<vmem>>
      %dma_start3A_624 = tpu.memref_squeeze %dma_start3A_623 : memref<1x64xf32, #tpu.memory_space<vmem>> -> memref<64xf32, #tpu.memory_space<vmem>>
      %dma_start3A_625 = arith.constant 0 : i32
      %dma_start3A_626 = tpu.memref_slice %arg3[%add3A_4, %squeeze3A_617, %dma_start3A_625] : memref<64x8192x64xf32, #tpu.memory_space<hbm>> -> memref<1x1x64xf32, #tpu.memory_space<hbm>>
      %dma_start3A_627 = tpu.memref_squeeze %dma_start3A_626 : memref<1x1x64xf32, #tpu.memory_space<hbm>> -> memref<64xf32, #tpu.memory_space<hbm>>
      %dma_start3A_628 = arith.constant 0 : i32
      %dma_start3A_629 = tpu.memref_slice %arg6[%add3A_621, %dma_start3A_628] : memref<256x64xf32, #tpu.memory_space<vmem>> -> memref<1x64xf32, #tpu.memory_space<vmem>>
      %dma_start3A_630 = tpu.memref_squeeze %dma_start3A_629 : memref<1x64xf32, #tpu.memory_space<vmem>> -> memref<64xf32, #tpu.memory_space<vmem>>
      %dma_start3A_631 = arith.constant 0 : i32
      %dma_start3A_632 = tpu.memref_slice %arg3[%add3A_4, %squeeze3A_617, %dma_start3A_631] : memref<64x8192x64xf32, #tpu.memory_space<hbm>> -> memref<1x1x64xf32, #tpu.memory_space<hbm>>
      %dma_start3A_633 = tpu.memref_squeeze %dma_start3A_632 : memref<1x1x64xf32, #tpu.memory_space<hbm>> -> memref<64xf32, #tpu.memory_space<hbm>>
      tpu.enqueue_dma source(%dma_start3A_633 : memref<64xf32, #tpu.memory_space<hbm>>) target(%dma_start3A_630 : memref<64xf32, #tpu.memory_space<vmem>>) target_semaphore(%arg9 : memref<!tpu.dma_semaphore, #tpu.memory_space<semaphore_mem>>)
      %slice3A_634 = vector.extract_strided_slice %get3A_510 {offsets = [7], sizes = [1], strides = [1]} : vector<16xi32> to vector<1xi32>
      %squeeze3A_635 = vector.extract %slice3A_634[0] : i32 from vector<1xi32>
      %mul3A_636 = arith.constant 16 : i32
      %mul3A_637 = arith.muli %scan3A_504, %mul3A_636 : i32
      %add3A_638 = arith.constant 7 : i32
      %add3A_639 = arith.addi %mul3A_637, %add3A_638 : i32
      %dma_start3A_640 = arith.constant 0 : i32
      %dma_start3A_641 = tpu.memref_slice %arg6[%add3A_639, %dma_start3A_640] : memref<256x64xf32, #tpu.memory_space<vmem>> -> memref<1x64xf32, #tpu.memory_space<vmem>>
      %dma_start3A_642 = tpu.memref_squeeze %dma_start3A_641 : memref<1x64xf32, #tpu.memory_space<vmem>> -> memref<64xf32, #tpu.memory_space<vmem>>
      %dma_start3A_643 = arith.constant 0 : i32
      %dma_start3A_644 = tpu.memref_slice %arg3[%add3A_4, %squeeze3A_635, %dma_start3A_643] : memref<64x8192x64xf32, #tpu.memory_space<hbm>> -> memref<1x1x64xf32, #tpu.memory_space<hbm>>
      %dma_start3A_645 = tpu.memref_squeeze %dma_start3A_644 : memref<1x1x64xf32, #tpu.memory_space<hbm>> -> memref<64xf32, #tpu.memory_space<hbm>>
      %dma_start3A_646 = arith.constant 0 : i32
      %dma_start3A_647 = tpu.memref_slice %arg6[%add3A_639, %dma_start3A_646] : memref<256x64xf32, #tpu.memory_space<vmem>> -> memref<1x64xf32, #tpu.memory_space<vmem>>
      %dma_start3A_648 = tpu.memref_squeeze %dma_start3A_647 : memref<1x64xf32, #tpu.memory_space<vmem>> -> memref<64xf32, #tpu.memory_space<vmem>>
      %dma_start3A_649 = arith.constant 0 : i32
      %dma_start3A_650 = tpu.memref_slice %arg3[%add3A_4, %squeeze3A_635, %dma_start3A_649] : memref<64x8192x64xf32, #tpu.memory_space<hbm>> -> memref<1x1x64xf32, #tpu.memory_space<hbm>>
      %dma_start3A_651 = tpu.memref_squeeze %dma_start3A_650 : memref<1x1x64xf32, #tpu.memory_space<hbm>> -> memref<64xf32, #tpu.memory_space<hbm>>
      tpu.enqueue_dma source(%dma_start3A_651 : memref<64xf32, #tpu.memory_space<hbm>>) target(%dma_start3A_648 : memref<64xf32, #tpu.memory_space<vmem>>) target_semaphore(%arg10 : memref<!tpu.dma_semaphore, #tpu.memory_space<semaphore_mem>>)
      %slice3A_652 = vector.extract_strided_slice %get3A_510 {offsets = [8], sizes = [1], strides = [1]} : vector<16xi32> to vector<1xi32>
      %squeeze3A_653 = vector.extract %slice3A_652[0] : i32 from vector<1xi32>
      %mul3A_654 = arith.constant 16 : i32
      %mul3A_655 = arith.muli %scan3A_504, %mul3A_654 : i32
      %add3A_656 = arith.constant 8 : i32
      %add3A_657 = arith.addi %mul3A_655, %add3A_656 : i32
      %dma_start3A_658 = arith.constant 0 : i32
      %dma_start3A_659 = tpu.memref_slice %arg6[%add3A_657, %dma_start3A_658] : memref<256x64xf32, #tpu.memory_space<vmem>> -> memref<1x64xf32, #tpu.memory_space<vmem>>
      %dma_start3A_660 = tpu.memref_squeeze %dma_start3A_659 : memref<1x64xf32, #tpu.memory_space<vmem>> -> memref<64xf32, #tpu.memory_space<vmem>>
      %dma_start3A_661 = arith.constant 0 : i32
      %dma_start3A_662 = tpu.memref_slice %arg3[%add3A_4, %squeeze3A_653, %dma_start3A_661] : memref<64x8192x64xf32, #tpu.memory_space<hbm>> -> memref<1x1x64xf32, #tpu.memory_space<hbm>>
      %dma_start3A_663 = tpu.memref_squeeze %dma_start3A_662 : memref<1x1x64xf32, #tpu.memory_space<hbm>> -> memref<64xf32, #tpu.memory_space<hbm>>
      %dma_start3A_664 = arith.constant 0 : i32
      %dma_start3A_665 = tpu.memref_slice %arg6[%add3A_657, %dma_start3A_664] : memref<256x64xf32, #tpu.memory_space<vmem>> -> memref<1x64xf32, #tpu.memory_space<vmem>>
      %dma_start3A_666 = tpu.memref_squeeze %dma_start3A_665 : memref<1x64xf32, #tpu.memory_space<vmem>> -> memref<64xf32, #tpu.memory_space<vmem>>
      %dma_start3A_667 = arith.constant 0 : i32
      %dma_start3A_668 = tpu.memref_slice %arg3[%add3A_4, %squeeze3A_653, %dma_start3A_667] : memref<64x8192x64xf32, #tpu.memory_space<hbm>> -> memref<1x1x64xf32, #tpu.memory_space<hbm>>
      %dma_start3A_669 = tpu.memref_squeeze %dma_start3A_668 : memref<1x1x64xf32, #tpu.memory_space<hbm>> -> memref<64xf32, #tpu.memory_space<hbm>>
      tpu.enqueue_dma source(%dma_start3A_669 : memref<64xf32, #tpu.memory_space<hbm>>) target(%dma_start3A_666 : memref<64xf32, #tpu.memory_space<vmem>>) target_semaphore(%arg7 : memref<!tpu.dma_semaphore, #tpu.memory_space<semaphore_mem>>)
      %slice3A_670 = vector.extract_strided_slice %get3A_510 {offsets = [9], sizes = [1], strides = [1]} : vector<16xi32> to vector<1xi32>
      %squeeze3A_671 = vector.extract %slice3A_670[0] : i32 from vector<1xi32>
      %mul3A_672 = arith.constant 16 : i32
      %mul3A_673 = arith.muli %scan3A_504, %mul3A_672 : i32
      %add3A_674 = arith.constant 9 : i32
      %add3A_675 = arith.addi %mul3A_673, %add3A_674 : i32
      %dma_start3A_676 = arith.constant 0 : i32
      %dma_start3A_677 = tpu.memref_slice %arg6[%add3A_675, %dma_start3A_676] : memref<256x64xf32, #tpu.memory_space<vmem>> -> memref<1x64xf32, #tpu.memory_space<vmem>>
      %dma_start3A_678 = tpu.memref_squeeze %dma_start3A_677 : memref<1x64xf32, #tpu.memory_space<vmem>> -> memref<64xf32, #tpu.memory_space<vmem>>
      %dma_start3A_679 = arith.constant 0 : i32
      %dma_start3A_680 = tpu.memref_slice %arg3[%add3A_4, %squeeze3A_671, %dma_start3A_679] : memref<64x8192x64xf32, #tpu.memory_space<hbm>> -> memref<1x1x64xf32, #tpu.memory_space<hbm>>
      %dma_start3A_681 = tpu.memref_squeeze %dma_start3A_680 : memref<1x1x64xf32, #tpu.memory_space<hbm>> -> memref<64xf32, #tpu.memory_space<hbm>>
      %dma_start3A_682 = arith.constant 0 : i32
      %dma_start3A_683 = tpu.memref_slice %arg6[%add3A_675, %dma_start3A_682] : memref<256x64xf32, #tpu.memory_space<vmem>> -> memref<1x64xf32, #tpu.memory_space<vmem>>
      %dma_start3A_684 = tpu.memref_squeeze %dma_start3A_683 : memref<1x64xf32, #tpu.memory_space<vmem>> -> memref<64xf32, #tpu.memory_space<vmem>>
      %dma_start3A_685 = arith.constant 0 : i32
      %dma_start3A_686 = tpu.memref_slice %arg3[%add3A_4, %squeeze3A_671, %dma_start3A_685] : memref<64x8192x64xf32, #tpu.memory_space<hbm>> -> memref<1x1x64xf32, #tpu.memory_space<hbm>>
      %dma_start3A_687 = tpu.memref_squeeze %dma_start3A_686 : memref<1x1x64xf32, #tpu.memory_space<hbm>> -> memref<64xf32, #tpu.memory_space<hbm>>
      tpu.enqueue_dma source(%dma_start3A_687 : memref<64xf32, #tpu.memory_space<hbm>>) target(%dma_start3A_684 : memref<64xf32, #tpu.memory_space<vmem>>) target_semaphore(%arg8 : memref<!tpu.dma_semaphore, #tpu.memory_space<semaphore_mem>>)
      %slice3A_688 = vector.extract_strided_slice %get3A_510 {offsets = [10], sizes = [1], strides = [1]} : vector<16xi32> to vector<1xi32>
      %squeeze3A_689 = vector.extract %slice3A_688[0] : i32 from vector<1xi32>
      %mul3A_690 = arith.constant 16 : i32
      %mul3A_691 = arith.muli %scan3A_504, %mul3A_690 : i32
      %add3A_692 = arith.constant 10 : i32
      %add3A_693 = arith.addi %mul3A_691, %add3A_692 : i32
      %dma_start3A_694 = arith.constant 0 : i32
      %dma_start3A_695 = tpu.memref_slice %arg6[%add3A_693, %dma_start3A_694] : memref<256x64xf32, #tpu.memory_space<vmem>> -> memref<1x64xf32, #tpu.memory_space<vmem>>
      %dma_start3A_696 = tpu.memref_squeeze %dma_start3A_695 : memref<1x64xf32, #tpu.memory_space<vmem>> -> memref<64xf32, #tpu.memory_space<vmem>>
      %dma_start3A_697 = arith.constant 0 : i32
      %dma_start3A_698 = tpu.memref_slice %arg3[%add3A_4, %squeeze3A_689, %dma_start3A_697] : memref<64x8192x64xf32, #tpu.memory_space<hbm>> -> memref<1x1x64xf32, #tpu.memory_space<hbm>>
      %dma_start3A_699 = tpu.memref_squeeze %dma_start3A_698 : memref<1x1x64xf32, #tpu.memory_space<hbm>> -> memref<64xf32, #tpu.memory_space<hbm>>
      %dma_start3A_700 = arith.constant 0 : i32
      %dma_start3A_701 = tpu.memref_slice %arg6[%add3A_693, %dma_start3A_700] : memref<256x64xf32, #tpu.memory_space<vmem>> -> memref<1x64xf32, #tpu.memory_space<vmem>>
      %dma_start3A_702 = tpu.memref_squeeze %dma_start3A_701 : memref<1x64xf32, #tpu.memory_space<vmem>> -> memref<64xf32, #tpu.memory_space<vmem>>
      %dma_start3A_703 = arith.constant 0 : i32
      %dma_start3A_704 = tpu.memref_slice %arg3[%add3A_4, %squeeze3A_689, %dma_start3A_703] : memref<64x8192x64xf32, #tpu.memory_space<hbm>> -> memref<1x1x64xf32, #tpu.memory_space<hbm>>
      %dma_start3A_705 = tpu.memref_squeeze %dma_start3A_704 : memref<1x1x64xf32, #tpu.memory_space<hbm>> -> memref<64xf32, #tpu.memory_space<hbm>>
      tpu.enqueue_dma source(%dma_start3A_705 : memref<64xf32, #tpu.memory_space<hbm>>) target(%dma_start3A_702 : memref<64xf32, #tpu.memory_space<vmem>>) target_semaphore(%arg9 : memref<!tpu.dma_semaphore, #tpu.memory_space<semaphore_mem>>)
      %slice3A_706 = vector.extract_strided_slice %get3A_510 {offsets = [11], sizes = [1], strides = [1]} : vector<16xi32> to vector<1xi32>
      %squeeze3A_707 = vector.extract %slice3A_706[0] : i32 from vector<1xi32>
      %mul3A_708 = arith.constant 16 : i32
      %mul3A_709 = arith.muli %scan3A_504, %mul3A_708 : i32
      %add3A_710 = arith.constant 11 : i32
      %add3A_711 = arith.addi %mul3A_709, %add3A_710 : i32
      %dma_start3A_712 = arith.constant 0 : i32
      %dma_start3A_713 = tpu.memref_slice %arg6[%add3A_711, %dma_start3A_712] : memref<256x64xf32, #tpu.memory_space<vmem>> -> memref<1x64xf32, #tpu.memory_space<vmem>>
      %dma_start3A_714 = tpu.memref_squeeze %dma_start3A_713 : memref<1x64xf32, #tpu.memory_space<vmem>> -> memref<64xf32, #tpu.memory_space<vmem>>
      %dma_start3A_715 = arith.constant 0 : i32
      %dma_start3A_716 = tpu.memref_slice %arg3[%add3A_4, %squeeze3A_707, %dma_start3A_715] : memref<64x8192x64xf32, #tpu.memory_space<hbm>> -> memref<1x1x64xf32, #tpu.memory_space<hbm>>
      %dma_start3A_717 = tpu.memref_squeeze %dma_start3A_716 : memref<1x1x64xf32, #tpu.memory_space<hbm>> -> memref<64xf32, #tpu.memory_space<hbm>>
      %dma_start3A_718 = arith.constant 0 : i32
      %dma_start3A_719 = tpu.memref_slice %arg6[%add3A_711, %dma_start3A_718] : memref<256x64xf32, #tpu.memory_space<vmem>> -> memref<1x64xf32, #tpu.memory_space<vmem>>
      %dma_start3A_720 = tpu.memref_squeeze %dma_start3A_719 : memref<1x64xf32, #tpu.memory_space<vmem>> -> memref<64xf32, #tpu.memory_space<vmem>>
      %dma_start3A_721 = arith.constant 0 : i32
      %dma_start3A_722 = tpu.memref_slice %arg3[%add3A_4, %squeeze3A_707, %dma_start3A_721] : memref<64x8192x64xf32, #tpu.memory_space<hbm>> -> memref<1x1x64xf32, #tpu.memory_space<hbm>>
      %dma_start3A_723 = tpu.memref_squeeze %dma_start3A_722 : memref<1x1x64xf32, #tpu.memory_space<hbm>> -> memref<64xf32, #tpu.memory_space<hbm>>
      tpu.enqueue_dma source(%dma_start3A_723 : memref<64xf32, #tpu.memory_space<hbm>>) target(%dma_start3A_720 : memref<64xf32, #tpu.memory_space<vmem>>) target_semaphore(%arg10 : memref<!tpu.dma_semaphore, #tpu.memory_space<semaphore_mem>>)
      %slice3A_724 = vector.extract_strided_slice %get3A_510 {offsets = [12], sizes = [1], strides = [1]} : vector<16xi32> to vector<1xi32>
      %squeeze3A_725 = vector.extract %slice3A_724[0] : i32 from vector<1xi32>
      %mul3A_726 = arith.constant 16 : i32
      %mul3A_727 = arith.muli %scan3A_504, %mul3A_726 : i32
      %add3A_728 = arith.constant 12 : i32
      %add3A_729 = arith.addi %mul3A_727, %add3A_728 : i32
      %dma_start3A_730 = arith.constant 0 : i32
      %dma_start3A_731 = tpu.memref_slice %arg6[%add3A_729, %dma_start3A_730] : memref<256x64xf32, #tpu.memory_space<vmem>> -> memref<1x64xf32, #tpu.memory_space<vmem>>
      %dma_start3A_732 = tpu.memref_squeeze %dma_start3A_731 : memref<1x64xf32, #tpu.memory_space<vmem>> -> memref<64xf32, #tpu.memory_space<vmem>>
      %dma_start3A_733 = arith.constant 0 : i32
      %dma_start3A_734 = tpu.memref_slice %arg3[%add3A_4, %squeeze3A_725, %dma_start3A_733] : memref<64x8192x64xf32, #tpu.memory_space<hbm>> -> memref<1x1x64xf32, #tpu.memory_space<hbm>>
      %dma_start3A_735 = tpu.memref_squeeze %dma_start3A_734 : memref<1x1x64xf32, #tpu.memory_space<hbm>> -> memref<64xf32, #tpu.memory_space<hbm>>
      %dma_start3A_736 = arith.constant 0 : i32
      %dma_start3A_737 = tpu.memref_slice %arg6[%add3A_729, %dma_start3A_736] : memref<256x64xf32, #tpu.memory_space<vmem>> -> memref<1x64xf32, #tpu.memory_space<vmem>>
      %dma_start3A_738 = tpu.memref_squeeze %dma_start3A_737 : memref<1x64xf32, #tpu.memory_space<vmem>> -> memref<64xf32, #tpu.memory_space<vmem>>
      %dma_start3A_739 = arith.constant 0 : i32
      %dma_start3A_740 = tpu.memref_slice %arg3[%add3A_4, %squeeze3A_725, %dma_start3A_739] : memref<64x8192x64xf32, #tpu.memory_space<hbm>> -> memref<1x1x64xf32, #tpu.memory_space<hbm>>
      %dma_start3A_741 = tpu.memref_squeeze %dma_start3A_740 : memref<1x1x64xf32, #tpu.memory_space<hbm>> -> memref<64xf32, #tpu.memory_space<hbm>>
      tpu.enqueue_dma source(%dma_start3A_741 : memref<64xf32, #tpu.memory_space<hbm>>) target(%dma_start3A_738 : memref<64xf32, #tpu.memory_space<vmem>>) target_semaphore(%arg7 : memref<!tpu.dma_semaphore, #tpu.memory_space<semaphore_mem>>)
      %slice3A_742 = vector.extract_strided_slice %get3A_510 {offsets = [13], sizes = [1], strides = [1]} : vector<16xi32> to vector<1xi32>
      %squeeze3A_743 = vector.extract %slice3A_742[0] : i32 from vector<1xi32>
      %mul3A_744 = arith.constant 16 : i32
      %mul3A_745 = arith.muli %scan3A_504, %mul3A_744 : i32
      %add3A_746 = arith.constant 13 : i32
      %add3A_747 = arith.addi %mul3A_745, %add3A_746 : i32
      %dma_start3A_748 = arith.constant 0 : i32
      %dma_start3A_749 = tpu.memref_slice %arg6[%add3A_747, %dma_start3A_748] : memref<256x64xf32, #tpu.memory_space<vmem>> -> memref<1x64xf32, #tpu.memory_space<vmem>>
      %dma_start3A_750 = tpu.memref_squeeze %dma_start3A_749 : memref<1x64xf32, #tpu.memory_space<vmem>> -> memref<64xf32, #tpu.memory_space<vmem>>
      %dma_start3A_751 = arith.constant 0 : i32
      %dma_start3A_752 = tpu.memref_slice %arg3[%add3A_4, %squeeze3A_743, %dma_start3A_751] : memref<64x8192x64xf32, #tpu.memory_space<hbm>> -> memref<1x1x64xf32, #tpu.memory_space<hbm>>
      %dma_start3A_753 = tpu.memref_squeeze %dma_start3A_752 : memref<1x1x64xf32, #tpu.memory_space<hbm>> -> memref<64xf32, #tpu.memory_space<hbm>>
      %dma_start3A_754 = arith.constant 0 : i32
      %dma_start3A_755 = tpu.memref_slice %arg6[%add3A_747, %dma_start3A_754] : memref<256x64xf32, #tpu.memory_space<vmem>> -> memref<1x64xf32, #tpu.memory_space<vmem>>
      %dma_start3A_756 = tpu.memref_squeeze %dma_start3A_755 : memref<1x64xf32, #tpu.memory_space<vmem>> -> memref<64xf32, #tpu.memory_space<vmem>>
      %dma_start3A_757 = arith.constant 0 : i32
      %dma_start3A_758 = tpu.memref_slice %arg3[%add3A_4, %squeeze3A_743, %dma_start3A_757] : memref<64x8192x64xf32, #tpu.memory_space<hbm>> -> memref<1x1x64xf32, #tpu.memory_space<hbm>>
      %dma_start3A_759 = tpu.memref_squeeze %dma_start3A_758 : memref<1x1x64xf32, #tpu.memory_space<hbm>> -> memref<64xf32, #tpu.memory_space<hbm>>
      tpu.enqueue_dma source(%dma_start3A_759 : memref<64xf32, #tpu.memory_space<hbm>>) target(%dma_start3A_756 : memref<64xf32, #tpu.memory_space<vmem>>) target_semaphore(%arg8 : memref<!tpu.dma_semaphore, #tpu.memory_space<semaphore_mem>>)
      %slice3A_760 = vector.extract_strided_slice %get3A_510 {offsets = [14], sizes = [1], strides = [1]} : vector<16xi32> to vector<1xi32>
      %squeeze3A_761 = vector.extract %slice3A_760[0] : i32 from vector<1xi32>
      %mul3A_762 = arith.constant 16 : i32
      %mul3A_763 = arith.muli %scan3A_504, %mul3A_762 : i32
      %add3A_764 = arith.constant 14 : i32
      %add3A_765 = arith.addi %mul3A_763, %add3A_764 : i32
      %dma_start3A_766 = arith.constant 0 : i32
      %dma_start3A_767 = tpu.memref_slice %arg6[%add3A_765, %dma_start3A_766] : memref<256x64xf32, #tpu.memory_space<vmem>> -> memref<1x64xf32, #tpu.memory_space<vmem>>
      %dma_start3A_768 = tpu.memref_squeeze %dma_start3A_767 : memref<1x64xf32, #tpu.memory_space<vmem>> -> memref<64xf32, #tpu.memory_space<vmem>>
      %dma_start3A_769 = arith.constant 0 : i32
      %dma_start3A_770 = tpu.memref_slice %arg3[%add3A_4, %squeeze3A_761, %dma_start3A_769] : memref<64x8192x64xf32, #tpu.memory_space<hbm>> -> memref<1x1x64xf32, #tpu.memory_space<hbm>>
      %dma_start3A_771 = tpu.memref_squeeze %dma_start3A_770 : memref<1x1x64xf32, #tpu.memory_space<hbm>> -> memref<64xf32, #tpu.memory_space<hbm>>
      %dma_start3A_772 = arith.constant 0 : i32
      %dma_start3A_773 = tpu.memref_slice %arg6[%add3A_765, %dma_start3A_772] : memref<256x64xf32, #tpu.memory_space<vmem>> -> memref<1x64xf32, #tpu.memory_space<vmem>>
      %dma_start3A_774 = tpu.memref_squeeze %dma_start3A_773 : memref<1x64xf32, #tpu.memory_space<vmem>> -> memref<64xf32, #tpu.memory_space<vmem>>
      %dma_start3A_775 = arith.constant 0 : i32
      %dma_start3A_776 = tpu.memref_slice %arg3[%add3A_4, %squeeze3A_761, %dma_start3A_775] : memref<64x8192x64xf32, #tpu.memory_space<hbm>> -> memref<1x1x64xf32, #tpu.memory_space<hbm>>
      %dma_start3A_777 = tpu.memref_squeeze %dma_start3A_776 : memref<1x1x64xf32, #tpu.memory_space<hbm>> -> memref<64xf32, #tpu.memory_space<hbm>>
      tpu.enqueue_dma source(%dma_start3A_777 : memref<64xf32, #tpu.memory_space<hbm>>) target(%dma_start3A_774 : memref<64xf32, #tpu.memory_space<vmem>>) target_semaphore(%arg9 : memref<!tpu.dma_semaphore, #tpu.memory_space<semaphore_mem>>)
      %slice3A_778 = vector.extract_strided_slice %get3A_510 {offsets = [15], sizes = [1], strides = [1]} : vector<16xi32> to vector<1xi32>
      %squeeze3A_779 = vector.extract %slice3A_778[0] : i32 from vector<1xi32>
      %mul3A_780 = arith.constant 16 : i32
      %mul3A_781 = arith.muli %scan3A_504, %mul3A_780 : i32
      %add3A_782 = arith.constant 15 : i32
      %add3A_783 = arith.addi %mul3A_781, %add3A_782 : i32
      %dma_start3A_784 = arith.constant 0 : i32
      %dma_start3A_785 = tpu.memref_slice %arg6[%add3A_783, %dma_start3A_784] : memref<256x64xf32, #tpu.memory_space<vmem>> -> memref<1x64xf32, #tpu.memory_space<vmem>>
      %dma_start3A_786 = tpu.memref_squeeze %dma_start3A_785 : memref<1x64xf32, #tpu.memory_space<vmem>> -> memref<64xf32, #tpu.memory_space<vmem>>
      %dma_start3A_787 = arith.constant 0 : i32
      %dma_start3A_788 = tpu.memref_slice %arg3[%add3A_4, %squeeze3A_779, %dma_start3A_787] : memref<64x8192x64xf32, #tpu.memory_space<hbm>> -> memref<1x1x64xf32, #tpu.memory_space<hbm>>
      %dma_start3A_789 = tpu.memref_squeeze %dma_start3A_788 : memref<1x1x64xf32, #tpu.memory_space<hbm>> -> memref<64xf32, #tpu.memory_space<hbm>>
      %dma_start3A_790 = arith.constant 0 : i32
      %dma_start3A_791 = tpu.memref_slice %arg6[%add3A_783, %dma_start3A_790] : memref<256x64xf32, #tpu.memory_space<vmem>> -> memref<1x64xf32, #tpu.memory_space<vmem>>
      %dma_start3A_792 = tpu.memref_squeeze %dma_start3A_791 : memref<1x64xf32, #tpu.memory_space<vmem>> -> memref<64xf32, #tpu.memory_space<vmem>>
      %dma_start3A_793 = arith.constant 0 : i32
      %dma_start3A_794 = tpu.memref_slice %arg3[%add3A_4, %squeeze3A_779, %dma_start3A_793] : memref<64x8192x64xf32, #tpu.memory_space<hbm>> -> memref<1x1x64xf32, #tpu.memory_space<hbm>>
      %dma_start3A_795 = tpu.memref_squeeze %dma_start3A_794 : memref<1x1x64xf32, #tpu.memory_space<hbm>> -> memref<64xf32, #tpu.memory_space<hbm>>
      tpu.enqueue_dma source(%dma_start3A_795 : memref<64xf32, #tpu.memory_space<hbm>>) target(%dma_start3A_792 : memref<64xf32, #tpu.memory_space<vmem>>) target_semaphore(%arg10 : memref<!tpu.dma_semaphore, #tpu.memory_space<semaphore_mem>>)
    }
    %scan3A_70 = arith.constant 16 : i32
    %dma_wait3A_71 = arith.constant 0 : i32
    %dma_wait3A_72 = arith.constant 0 : i32
    %dma_wait3A_73 = tpu.memref_slice %arg6[%dma_wait3A_71, %dma_wait3A_72] : memref<256x64xf32, #tpu.memory_space<vmem>> -> memref<64x64xf32, #tpu.memory_space<vmem>>
    %dma_wait3A_74 = arith.constant 0 : i32
    %dma_wait3A_75 = arith.constant 0 : i32
    %dma_wait3A_76 = tpu.memref_slice %arg3[%add3A_4, %dma_wait3A_74, %dma_wait3A_75] : memref<64x8192x64xf32, #tpu.memory_space<hbm>> -> memref<1x64x64xf32, #tpu.memory_space<hbm>>
    %dma_wait3A_77 = tpu.memref_squeeze %dma_wait3A_76 : memref<1x64x64xf32, #tpu.memory_space<hbm>> -> memref<64x64xf32, #tpu.memory_space<hbm>>
    %dma_wait3A_78 = arith.constant 0 : i32
    %dma_wait3A_79 = arith.constant 0 : i32
    %dma_wait3A_80 = tpu.memref_slice %arg6[%dma_wait3A_78, %dma_wait3A_79] : memref<256x64xf32, #tpu.memory_space<vmem>> -> memref<64x64xf32, #tpu.memory_space<vmem>>
    %dma_wait3A_81 = arith.constant 0 : i32
    %dma_wait3A_82 = arith.constant 0 : i32
    %dma_wait3A_83 = tpu.memref_slice %arg3[%add3A_4, %dma_wait3A_81, %dma_wait3A_82] : memref<64x8192x64xf32, #tpu.memory_space<hbm>> -> memref<1x64x64xf32, #tpu.memory_space<hbm>>
    %dma_wait3A_84 = tpu.memref_squeeze %dma_wait3A_83 : memref<1x64x64xf32, #tpu.memory_space<hbm>> -> memref<64x64xf32, #tpu.memory_space<hbm>>
    tpu.wait_dma2 semaphore(%arg7 : memref<!tpu.dma_semaphore, #tpu.memory_space<semaphore_mem>>) src(%dma_wait3A_84 : memref<64x64xf32, #tpu.memory_space<hbm>>) dst(%dma_wait3A_80 : memref<64x64xf32, #tpu.memory_space<vmem>>)
    %dma_wait3A_85 = arith.constant 64 : i32
    %dma_wait3A_86 = arith.constant 0 : i32
    %dma_wait3A_87 = tpu.memref_slice %arg6[%dma_wait3A_85, %dma_wait3A_86] : memref<256x64xf32, #tpu.memory_space<vmem>> -> memref<64x64xf32, #tpu.memory_space<vmem>>
    %dma_wait3A_88 = arith.constant 0 : i32
    %dma_wait3A_89 = arith.constant 0 : i32
    %dma_wait3A_90 = tpu.memref_slice %arg3[%add3A_4, %dma_wait3A_88, %dma_wait3A_89] : memref<64x8192x64xf32, #tpu.memory_space<hbm>> -> memref<1x64x64xf32, #tpu.memory_space<hbm>>
    %dma_wait3A_91 = tpu.memref_squeeze %dma_wait3A_90 : memref<1x64x64xf32, #tpu.memory_space<hbm>> -> memref<64x64xf32, #tpu.memory_space<hbm>>
    %dma_wait3A_92 = arith.constant 64 : i32
    %dma_wait3A_93 = arith.constant 0 : i32
    %dma_wait3A_94 = tpu.memref_slice %arg6[%dma_wait3A_92, %dma_wait3A_93] : memref<256x64xf32, #tpu.memory_space<vmem>> -> memref<64x64xf32, #tpu.memory_space<vmem>>
    %dma_wait3A_95 = arith.constant 0 : i32
    %dma_wait3A_96 = arith.constant 0 : i32
    %dma_wait3A_97 = tpu.memref_slice %arg3[%add3A_4, %dma_wait3A_95, %dma_wait3A_96] : memref<64x8192x64xf32, #tpu.memory_space<hbm>> -> memref<1x64x64xf32, #tpu.memory_space<hbm>>
    %dma_wait3A_98 = tpu.memref_squeeze %dma_wait3A_97 : memref<1x64x64xf32, #tpu.memory_space<hbm>> -> memref<64x64xf32, #tpu.memory_space<hbm>>
    tpu.wait_dma2 semaphore(%arg8 : memref<!tpu.dma_semaphore, #tpu.memory_space<semaphore_mem>>) src(%dma_wait3A_98 : memref<64x64xf32, #tpu.memory_space<hbm>>) dst(%dma_wait3A_94 : memref<64x64xf32, #tpu.memory_space<vmem>>)
    %dma_wait3A_99 = arith.constant 128 : i32
    %dma_wait3A_100 = arith.constant 0 : i32
    %dma_wait3A_101 = tpu.memref_slice %arg6[%dma_wait3A_99, %dma_wait3A_100] : memref<256x64xf32, #tpu.memory_space<vmem>> -> memref<64x64xf32, #tpu.memory_space<vmem>>
    %dma_wait3A_102 = arith.constant 0 : i32
    %dma_wait3A_103 = arith.constant 0 : i32
    %dma_wait3A_104 = tpu.memref_slice %arg3[%add3A_4, %dma_wait3A_102, %dma_wait3A_103] : memref<64x8192x64xf32, #tpu.memory_space<hbm>> -> memref<1x64x64xf32, #tpu.memory_space<hbm>>
    %dma_wait3A_105 = tpu.memref_squeeze %dma_wait3A_104 : memref<1x64x64xf32, #tpu.memory_space<hbm>> -> memref<64x64xf32, #tpu.memory_space<hbm>>
    %dma_wait3A_106 = arith.constant 128 : i32
    %dma_wait3A_107 = arith.constant 0 : i32
    %dma_wait3A_108 = tpu.memref_slice %arg6[%dma_wait3A_106, %dma_wait3A_107] : memref<256x64xf32, #tpu.memory_space<vmem>> -> memref<64x64xf32, #tpu.memory_space<vmem>>
    %dma_wait3A_109 = arith.constant 0 : i32
    %dma_wait3A_110 = arith.constant 0 : i32
    %dma_wait3A_111 = tpu.memref_slice %arg3[%add3A_4, %dma_wait3A_109, %dma_wait3A_110] : memref<64x8192x64xf32, #tpu.memory_space<hbm>> -> memref<1x64x64xf32, #tpu.memory_space<hbm>>
    %dma_wait3A_112 = tpu.memref_squeeze %dma_wait3A_111 : memref<1x64x64xf32, #tpu.memory_space<hbm>> -> memref<64x64xf32, #tpu.memory_space<hbm>>
    tpu.wait_dma2 semaphore(%arg9 : memref<!tpu.dma_semaphore, #tpu.memory_space<semaphore_mem>>) src(%dma_wait3A_112 : memref<64x64xf32, #tpu.memory_space<hbm>>) dst(%dma_wait3A_108 : memref<64x64xf32, #tpu.memory_space<vmem>>)
    %dma_wait3A_113 = arith.constant 192 : i32
    %dma_wait3A_114 = arith.constant 0 : i32
    %dma_wait3A_115 = tpu.memref_slice %arg6[%dma_wait3A_113, %dma_wait3A_114] : memref<256x64xf32, #tpu.memory_space<vmem>> -> memref<64x64xf32, #tpu.memory_space<vmem>>
    %dma_wait3A_116 = arith.constant 0 : i32
    %dma_wait3A_117 = arith.constant 0 : i32
    %dma_wait3A_118 = tpu.memref_slice %arg3[%add3A_4, %dma_wait3A_116, %dma_wait3A_117] : memref<64x8192x64xf32, #tpu.memory_space<hbm>> -> memref<1x64x64xf32, #tpu.memory_space<hbm>>
    %dma_wait3A_119 = tpu.memref_squeeze %dma_wait3A_118 : memref<1x64x64xf32, #tpu.memory_space<hbm>> -> memref<64x64xf32, #tpu.memory_space<hbm>>
    %dma_wait3A_120 = arith.constant 192 : i32
    %dma_wait3A_121 = arith.constant 0 : i32
    %dma_wait3A_122 = tpu.memref_slice %arg6[%dma_wait3A_120, %dma_wait3A_121] : memref<256x64xf32, #tpu.memory_space<vmem>> -> memref<64x64xf32, #tpu.memory_space<vmem>>
    %dma_wait3A_123 = arith.constant 0 : i32
    %dma_wait3A_124 = arith.constant 0 : i32
    %dma_wait3A_125 = tpu.memref_slice %arg3[%add3A_4, %dma_wait3A_123, %dma_wait3A_124] : memref<64x8192x64xf32, #tpu.memory_space<hbm>> -> memref<1x64x64xf32, #tpu.memory_space<hbm>>
    %dma_wait3A_126 = tpu.memref_squeeze %dma_wait3A_125 : memref<1x64x64xf32, #tpu.memory_space<hbm>> -> memref<64x64xf32, #tpu.memory_space<hbm>>
    tpu.wait_dma2 semaphore(%arg10 : memref<!tpu.dma_semaphore, #tpu.memory_space<semaphore_mem>>) src(%dma_wait3A_126 : memref<64x64xf32, #tpu.memory_space<hbm>>) dst(%dma_wait3A_122 : memref<64x64xf32, #tpu.memory_space<vmem>>)
    "tpu.region"() ({
      %run_scoped3A_504 = tpu.sem_alloc : memref<!tpu.dma_semaphore, #tpu.memory_space<semaphore_mem>>
      %dma_start3A = arith.constant 256 : i32
      %dma_start3A_505 = arith.constant 0 : i32
      %dma_start3A_506 = tpu.memref_slice %arg4[%add3A_4, %dma_start3A, %dma_start3A_505] : memref<64x1024x64xf32, #tpu.memory_space<hbm>> -> memref<1x256x64xf32, #tpu.memory_space<hbm>>
      %dma_start3A_507 = tpu.memref_squeeze %dma_start3A_506 : memref<1x256x64xf32, #tpu.memory_space<hbm>> -> memref<256x64xf32, #tpu.memory_space<hbm>>
      %dma_start3A_508 = arith.constant 256 : i32
      %dma_start3A_509 = arith.constant 0 : i32
      %dma_start3A_510 = tpu.memref_slice %arg4[%add3A_4, %dma_start3A_508, %dma_start3A_509] : memref<64x1024x64xf32, #tpu.memory_space<hbm>> -> memref<1x256x64xf32, #tpu.memory_space<hbm>>
      %dma_start3A_511 = tpu.memref_squeeze %dma_start3A_510 : memref<1x256x64xf32, #tpu.memory_space<hbm>> -> memref<256x64xf32, #tpu.memory_space<hbm>>
      tpu.enqueue_dma source(%arg6 : memref<256x64xf32, #tpu.memory_space<vmem>>) target(%dma_start3A_511 : memref<256x64xf32, #tpu.memory_space<hbm>>) target_semaphore(%run_scoped3A_504 : memref<!tpu.dma_semaphore, #tpu.memory_space<semaphore_mem>>)
      %dma_wait3A_512 = arith.constant 256 : i32
      %dma_wait3A_513 = arith.constant 0 : i32
      %dma_wait3A_514 = tpu.memref_slice %arg4[%add3A_4, %dma_wait3A_512, %dma_wait3A_513] : memref<64x1024x64xf32, #tpu.memory_space<hbm>> -> memref<1x256x64xf32, #tpu.memory_space<hbm>>
      %dma_wait3A_515 = tpu.memref_squeeze %dma_wait3A_514 : memref<1x256x64xf32, #tpu.memory_space<hbm>> -> memref<256x64xf32, #tpu.memory_space<hbm>>
      %dma_wait3A_516 = arith.constant 256 : i32
      %dma_wait3A_517 = arith.constant 0 : i32
      %dma_wait3A_518 = tpu.memref_slice %arg4[%add3A_4, %dma_wait3A_516, %dma_wait3A_517] : memref<64x1024x64xf32, #tpu.memory_space<hbm>> -> memref<1x256x64xf32, #tpu.memory_space<hbm>>
      %dma_wait3A_519 = tpu.memref_squeeze %dma_wait3A_518 : memref<1x256x64xf32, #tpu.memory_space<hbm>> -> memref<256x64xf32, #tpu.memory_space<hbm>>
      tpu.wait_dma2 semaphore(%run_scoped3A_504 : memref<!tpu.dma_semaphore, #tpu.memory_space<semaphore_mem>>) src(%arg6 : memref<256x64xf32, #tpu.memory_space<vmem>>) dst(%dma_wait3A_519 : memref<256x64xf32, #tpu.memory_space<hbm>>)
      tpu.yield
    }) : () -> ()
    %scan3A_127 = arith.constant 0 : i32
    %scan3A_128 = arith.constant 0 : i32
    %scan3A_129 = arith.constant 16 : i32
    %scan3A_130 = arith.addi %scan3A_128, %scan3A_129 : i32
    %scan3A_131 = arith.constant 1 : i32
    scf.for %scan3A_504 = %scan3A_128 to %scan3A_130 step %scan3A_131  : i32 {
      %mul3A_505 = arith.constant 16 : i32
      %mul3A_506 = arith.muli %scan3A_504, %mul3A_505 : i32
      %add3A_507 = arith.constant 512 : i32
      %add3A_508 = arith.addi %add3A_507, %mul3A_506 : i32
      %get3A = arith.index_cast %add3A_508 : i32 to index
      %get3A_509 = tpu.vector_load %arg5[%get3A] {strides = array<i32>} : memref<1024xi32, #tpu.memory_space<vmem>>, vector<16xi32>,
      %get3A_510 = vector.shape_cast %get3A_509 : vector<16xi32> to vector<16xi32>
      %slice3A = vector.extract_strided_slice %get3A_510 {offsets = [0], sizes = [1], strides = [1]} : vector<16xi32> to vector<1xi32>
      %squeeze3A = vector.extract %slice3A[0] : i32 from vector<1xi32>
      %mul3A_511 = arith.constant 16 : i32
      %mul3A_512 = arith.muli %scan3A_504, %mul3A_511 : i32
      %add3A_513 = arith.constant 0 : i32
      %add3A_514 = arith.addi %mul3A_512, %add3A_513 : i32
      %dma_start3A = arith.constant 0 : i32
      %dma_start3A_515 = tpu.memref_slice %arg6[%add3A_514, %dma_start3A] : memref<256x64xf32, #tpu.memory_space<vmem>> -> memref<1x64xf32, #tpu.memory_space<vmem>>
      %dma_start3A_516 = tpu.memref_squeeze %dma_start3A_515 : memref<1x64xf32, #tpu.memory_space<vmem>> -> memref<64xf32, #tpu.memory_space<vmem>>
      %dma_start3A_517 = arith.constant 0 : i32
      %dma_start3A_518 = tpu.memref_slice %arg3[%add3A_4, %squeeze3A, %dma_start3A_517] : memref<64x8192x64xf32, #tpu.memory_space<hbm>> -> memref<1x1x64xf32, #tpu.memory_space<hbm>>
      %dma_start3A_519 = tpu.memref_squeeze %dma_start3A_518 : memref<1x1x64xf32, #tpu.memory_space<hbm>> -> memref<64xf32, #tpu.memory_space<hbm>>
      %dma_start3A_520 = arith.constant 0 : i32
      %dma_start3A_521 = tpu.memref_slice %arg6[%add3A_514, %dma_start3A_520] : memref<256x64xf32, #tpu.memory_space<vmem>> -> memref<1x64xf32, #tpu.memory_space<vmem>>
      %dma_start3A_522 = tpu.memref_squeeze %dma_start3A_521 : memref<1x64xf32, #tpu.memory_space<vmem>> -> memref<64xf32, #tpu.memory_space<vmem>>
      %dma_start3A_523 = arith.constant 0 : i32
      %dma_start3A_524 = tpu.memref_slice %arg3[%add3A_4, %squeeze3A, %dma_start3A_523] : memref<64x8192x64xf32, #tpu.memory_space<hbm>> -> memref<1x1x64xf32, #tpu.memory_space<hbm>>
      %dma_start3A_525 = tpu.memref_squeeze %dma_start3A_524 : memref<1x1x64xf32, #tpu.memory_space<hbm>> -> memref<64xf32, #tpu.memory_space<hbm>>
      tpu.enqueue_dma source(%dma_start3A_525 : memref<64xf32, #tpu.memory_space<hbm>>) target(%dma_start3A_522 : memref<64xf32, #tpu.memory_space<vmem>>) target_semaphore(%arg7 : memref<!tpu.dma_semaphore, #tpu.memory_space<semaphore_mem>>)
      %slice3A_526 = vector.extract_strided_slice %get3A_510 {offsets = [1], sizes = [1], strides = [1]} : vector<16xi32> to vector<1xi32>
      %squeeze3A_527 = vector.extract %slice3A_526[0] : i32 from vector<1xi32>
      %mul3A_528 = arith.constant 16 : i32
      %mul3A_529 = arith.muli %scan3A_504, %mul3A_528 : i32
      %add3A_530 = arith.constant 1 : i32
      %add3A_531 = arith.addi %mul3A_529, %add3A_530 : i32
      %dma_start3A_532 = arith.constant 0 : i32
      %dma_start3A_533 = tpu.memref_slice %arg6[%add3A_531, %dma_start3A_532] : memref<256x64xf32, #tpu.memory_space<vmem>> -> memref<1x64xf32, #tpu.memory_space<vmem>>
      %dma_start3A_534 = tpu.memref_squeeze %dma_start3A_533 : memref<1x64xf32, #tpu.memory_space<vmem>> -> memref<64xf32, #tpu.memory_space<vmem>>
      %dma_start3A_535 = arith.constant 0 : i32
      %dma_start3A_536 = tpu.memref_slice %arg3[%add3A_4, %squeeze3A_527, %dma_start3A_535] : memref<64x8192x64xf32, #tpu.memory_space<hbm>> -> memref<1x1x64xf32, #tpu.memory_space<hbm>>
      %dma_start3A_537 = tpu.memref_squeeze %dma_start3A_536 : memref<1x1x64xf32, #tpu.memory_space<hbm>> -> memref<64xf32, #tpu.memory_space<hbm>>
      %dma_start3A_538 = arith.constant 0 : i32
      %dma_start3A_539 = tpu.memref_slice %arg6[%add3A_531, %dma_start3A_538] : memref<256x64xf32, #tpu.memory_space<vmem>> -> memref<1x64xf32, #tpu.memory_space<vmem>>
      %dma_start3A_540 = tpu.memref_squeeze %dma_start3A_539 : memref<1x64xf32, #tpu.memory_space<vmem>> -> memref<64xf32, #tpu.memory_space<vmem>>
      %dma_start3A_541 = arith.constant 0 : i32
      %dma_start3A_542 = tpu.memref_slice %arg3[%add3A_4, %squeeze3A_527, %dma_start3A_541] : memref<64x8192x64xf32, #tpu.memory_space<hbm>> -> memref<1x1x64xf32, #tpu.memory_space<hbm>>
      %dma_start3A_543 = tpu.memref_squeeze %dma_start3A_542 : memref<1x1x64xf32, #tpu.memory_space<hbm>> -> memref<64xf32, #tpu.memory_space<hbm>>
      tpu.enqueue_dma source(%dma_start3A_543 : memref<64xf32, #tpu.memory_space<hbm>>) target(%dma_start3A_540 : memref<64xf32, #tpu.memory_space<vmem>>) target_semaphore(%arg8 : memref<!tpu.dma_semaphore, #tpu.memory_space<semaphore_mem>>)
      %slice3A_544 = vector.extract_strided_slice %get3A_510 {offsets = [2], sizes = [1], strides = [1]} : vector<16xi32> to vector<1xi32>
      %squeeze3A_545 = vector.extract %slice3A_544[0] : i32 from vector<1xi32>
      %mul3A_546 = arith.constant 16 : i32
      %mul3A_547 = arith.muli %scan3A_504, %mul3A_546 : i32
      %add3A_548 = arith.constant 2 : i32
      %add3A_549 = arith.addi %mul3A_547, %add3A_548 : i32
      %dma_start3A_550 = arith.constant 0 : i32
      %dma_start3A_551 = tpu.memref_slice %arg6[%add3A_549, %dma_start3A_550] : memref<256x64xf32, #tpu.memory_space<vmem>> -> memref<1x64xf32, #tpu.memory_space<vmem>>
      %dma_start3A_552 = tpu.memref_squeeze %dma_start3A_551 : memref<1x64xf32, #tpu.memory_space<vmem>> -> memref<64xf32, #tpu.memory_space<vmem>>
      %dma_start3A_553 = arith.constant 0 : i32
      %dma_start3A_554 = tpu.memref_slice %arg3[%add3A_4, %squeeze3A_545, %dma_start3A_553] : memref<64x8192x64xf32, #tpu.memory_space<hbm>> -> memref<1x1x64xf32, #tpu.memory_space<hbm>>
      %dma_start3A_555 = tpu.memref_squeeze %dma_start3A_554 : memref<1x1x64xf32, #tpu.memory_space<hbm>> -> memref<64xf32, #tpu.memory_space<hbm>>
      %dma_start3A_556 = arith.constant 0 : i32
      %dma_start3A_557 = tpu.memref_slice %arg6[%add3A_549, %dma_start3A_556] : memref<256x64xf32, #tpu.memory_space<vmem>> -> memref<1x64xf32, #tpu.memory_space<vmem>>
      %dma_start3A_558 = tpu.memref_squeeze %dma_start3A_557 : memref<1x64xf32, #tpu.memory_space<vmem>> -> memref<64xf32, #tpu.memory_space<vmem>>
      %dma_start3A_559 = arith.constant 0 : i32
      %dma_start3A_560 = tpu.memref_slice %arg3[%add3A_4, %squeeze3A_545, %dma_start3A_559] : memref<64x8192x64xf32, #tpu.memory_space<hbm>> -> memref<1x1x64xf32, #tpu.memory_space<hbm>>
      %dma_start3A_561 = tpu.memref_squeeze %dma_start3A_560 : memref<1x1x64xf32, #tpu.memory_space<hbm>> -> memref<64xf32, #tpu.memory_space<hbm>>
      tpu.enqueue_dma source(%dma_start3A_561 : memref<64xf32, #tpu.memory_space<hbm>>) target(%dma_start3A_558 : memref<64xf32, #tpu.memory_space<vmem>>) target_semaphore(%arg9 : memref<!tpu.dma_semaphore, #tpu.memory_space<semaphore_mem>>)
      %slice3A_562 = vector.extract_strided_slice %get3A_510 {offsets = [3], sizes = [1], strides = [1]} : vector<16xi32> to vector<1xi32>
      %squeeze3A_563 = vector.extract %slice3A_562[0] : i32 from vector<1xi32>
      %mul3A_564 = arith.constant 16 : i32
      %mul3A_565 = arith.muli %scan3A_504, %mul3A_564 : i32
      %add3A_566 = arith.constant 3 : i32
      %add3A_567 = arith.addi %mul3A_565, %add3A_566 : i32
      %dma_start3A_568 = arith.constant 0 : i32
      %dma_start3A_569 = tpu.memref_slice %arg6[%add3A_567, %dma_start3A_568] : memref<256x64xf32, #tpu.memory_space<vmem>> -> memref<1x64xf32, #tpu.memory_space<vmem>>
      %dma_start3A_570 = tpu.memref_squeeze %dma_start3A_569 : memref<1x64xf32, #tpu.memory_space<vmem>> -> memref<64xf32, #tpu.memory_space<vmem>>
      %dma_start3A_571 = arith.constant 0 : i32
      %dma_start3A_572 = tpu.memref_slice %arg3[%add3A_4, %squeeze3A_563, %dma_start3A_571] : memref<64x8192x64xf32, #tpu.memory_space<hbm>> -> memref<1x1x64xf32, #tpu.memory_space<hbm>>
      %dma_start3A_573 = tpu.memref_squeeze %dma_start3A_572 : memref<1x1x64xf32, #tpu.memory_space<hbm>> -> memref<64xf32, #tpu.memory_space<hbm>>
      %dma_start3A_574 = arith.constant 0 : i32
      %dma_start3A_575 = tpu.memref_slice %arg6[%add3A_567, %dma_start3A_574] : memref<256x64xf32, #tpu.memory_space<vmem>> -> memref<1x64xf32, #tpu.memory_space<vmem>>
      %dma_start3A_576 = tpu.memref_squeeze %dma_start3A_575 : memref<1x64xf32, #tpu.memory_space<vmem>> -> memref<64xf32, #tpu.memory_space<vmem>>
      %dma_start3A_577 = arith.constant 0 : i32
      %dma_start3A_578 = tpu.memref_slice %arg3[%add3A_4, %squeeze3A_563, %dma_start3A_577] : memref<64x8192x64xf32, #tpu.memory_space<hbm>> -> memref<1x1x64xf32, #tpu.memory_space<hbm>>
      %dma_start3A_579 = tpu.memref_squeeze %dma_start3A_578 : memref<1x1x64xf32, #tpu.memory_space<hbm>> -> memref<64xf32, #tpu.memory_space<hbm>>
      tpu.enqueue_dma source(%dma_start3A_579 : memref<64xf32, #tpu.memory_space<hbm>>) target(%dma_start3A_576 : memref<64xf32, #tpu.memory_space<vmem>>) target_semaphore(%arg10 : memref<!tpu.dma_semaphore, #tpu.memory_space<semaphore_mem>>)
      %slice3A_580 = vector.extract_strided_slice %get3A_510 {offsets = [4], sizes = [1], strides = [1]} : vector<16xi32> to vector<1xi32>
      %squeeze3A_581 = vector.extract %slice3A_580[0] : i32 from vector<1xi32>
      %mul3A_582 = arith.constant 16 : i32
      %mul3A_583 = arith.muli %scan3A_504, %mul3A_582 : i32
      %add3A_584 = arith.constant 4 : i32
      %add3A_585 = arith.addi %mul3A_583, %add3A_584 : i32
      %dma_start3A_586 = arith.constant 0 : i32
      %dma_start3A_587 = tpu.memref_slice %arg6[%add3A_585, %dma_start3A_586] : memref<256x64xf32, #tpu.memory_space<vmem>> -> memref<1x64xf32, #tpu.memory_space<vmem>>
      %dma_start3A_588 = tpu.memref_squeeze %dma_start3A_587 : memref<1x64xf32, #tpu.memory_space<vmem>> -> memref<64xf32, #tpu.memory_space<vmem>>
      %dma_start3A_589 = arith.constant 0 : i32
      %dma_start3A_590 = tpu.memref_slice %arg3[%add3A_4, %squeeze3A_581, %dma_start3A_589] : memref<64x8192x64xf32, #tpu.memory_space<hbm>> -> memref<1x1x64xf32, #tpu.memory_space<hbm>>
      %dma_start3A_591 = tpu.memref_squeeze %dma_start3A_590 : memref<1x1x64xf32, #tpu.memory_space<hbm>> -> memref<64xf32, #tpu.memory_space<hbm>>
      %dma_start3A_592 = arith.constant 0 : i32
      %dma_start3A_593 = tpu.memref_slice %arg6[%add3A_585, %dma_start3A_592] : memref<256x64xf32, #tpu.memory_space<vmem>> -> memref<1x64xf32, #tpu.memory_space<vmem>>
      %dma_start3A_594 = tpu.memref_squeeze %dma_start3A_593 : memref<1x64xf32, #tpu.memory_space<vmem>> -> memref<64xf32, #tpu.memory_space<vmem>>
      %dma_start3A_595 = arith.constant 0 : i32
      %dma_start3A_596 = tpu.memref_slice %arg3[%add3A_4, %squeeze3A_581, %dma_start3A_595] : memref<64x8192x64xf32, #tpu.memory_space<hbm>> -> memref<1x1x64xf32, #tpu.memory_space<hbm>>
      %dma_start3A_597 = tpu.memref_squeeze %dma_start3A_596 : memref<1x1x64xf32, #tpu.memory_space<hbm>> -> memref<64xf32, #tpu.memory_space<hbm>>
      tpu.enqueue_dma source(%dma_start3A_597 : memref<64xf32, #tpu.memory_space<hbm>>) target(%dma_start3A_594 : memref<64xf32, #tpu.memory_space<vmem>>) target_semaphore(%arg7 : memref<!tpu.dma_semaphore, #tpu.memory_space<semaphore_mem>>)
      %slice3A_598 = vector.extract_strided_slice %get3A_510 {offsets = [5], sizes = [1], strides = [1]} : vector<16xi32> to vector<1xi32>
      %squeeze3A_599 = vector.extract %slice3A_598[0] : i32 from vector<1xi32>
      %mul3A_600 = arith.constant 16 : i32
      %mul3A_601 = arith.muli %scan3A_504, %mul3A_600 : i32
      %add3A_602 = arith.constant 5 : i32
      %add3A_603 = arith.addi %mul3A_601, %add3A_602 : i32
      %dma_start3A_604 = arith.constant 0 : i32
      %dma_start3A_605 = tpu.memref_slice %arg6[%add3A_603, %dma_start3A_604] : memref<256x64xf32, #tpu.memory_space<vmem>> -> memref<1x64xf32, #tpu.memory_space<vmem>>
      %dma_start3A_606 = tpu.memref_squeeze %dma_start3A_605 : memref<1x64xf32, #tpu.memory_space<vmem>> -> memref<64xf32, #tpu.memory_space<vmem>>
      %dma_start3A_607 = arith.constant 0 : i32
      %dma_start3A_608 = tpu.memref_slice %arg3[%add3A_4, %squeeze3A_599, %dma_start3A_607] : memref<64x8192x64xf32, #tpu.memory_space<hbm>> -> memref<1x1x64xf32, #tpu.memory_space<hbm>>
      %dma_start3A_609 = tpu.memref_squeeze %dma_start3A_608 : memref<1x1x64xf32, #tpu.memory_space<hbm>> -> memref<64xf32, #tpu.memory_space<hbm>>
      %dma_start3A_610 = arith.constant 0 : i32
      %dma_start3A_611 = tpu.memref_slice %arg6[%add3A_603, %dma_start3A_610] : memref<256x64xf32, #tpu.memory_space<vmem>> -> memref<1x64xf32, #tpu.memory_space<vmem>>
      %dma_start3A_612 = tpu.memref_squeeze %dma_start3A_611 : memref<1x64xf32, #tpu.memory_space<vmem>> -> memref<64xf32, #tpu.memory_space<vmem>>
      %dma_start3A_613 = arith.constant 0 : i32
      %dma_start3A_614 = tpu.memref_slice %arg3[%add3A_4, %squeeze3A_599, %dma_start3A_613] : memref<64x8192x64xf32, #tpu.memory_space<hbm>> -> memref<1x1x64xf32, #tpu.memory_space<hbm>>
      %dma_start3A_615 = tpu.memref_squeeze %dma_start3A_614 : memref<1x1x64xf32, #tpu.memory_space<hbm>> -> memref<64xf32, #tpu.memory_space<hbm>>
      tpu.enqueue_dma source(%dma_start3A_615 : memref<64xf32, #tpu.memory_space<hbm>>) target(%dma_start3A_612 : memref<64xf32, #tpu.memory_space<vmem>>) target_semaphore(%arg8 : memref<!tpu.dma_semaphore, #tpu.memory_space<semaphore_mem>>)
      %slice3A_616 = vector.extract_strided_slice %get3A_510 {offsets = [6], sizes = [1], strides = [1]} : vector<16xi32> to vector<1xi32>
      %squeeze3A_617 = vector.extract %slice3A_616[0] : i32 from vector<1xi32>
      %mul3A_618 = arith.constant 16 : i32
      %mul3A_619 = arith.muli %scan3A_504, %mul3A_618 : i32
      %add3A_620 = arith.constant 6 : i32
      %add3A_621 = arith.addi %mul3A_619, %add3A_620 : i32
      %dma_start3A_622 = arith.constant 0 : i32
      %dma_start3A_623 = tpu.memref_slice %arg6[%add3A_621, %dma_start3A_622] : memref<256x64xf32, #tpu.memory_space<vmem>> -> memref<1x64xf32, #tpu.memory_space<vmem>>
      %dma_start3A_624 = tpu.memref_squeeze %dma_start3A_623 : memref<1x64xf32, #tpu.memory_space<vmem>> -> memref<64xf32, #tpu.memory_space<vmem>>
      %dma_start3A_625 = arith.constant 0 : i32
      %dma_start3A_626 = tpu.memref_slice %arg3[%add3A_4, %squeeze3A_617, %dma_start3A_625] : memref<64x8192x64xf32, #tpu.memory_space<hbm>> -> memref<1x1x64xf32, #tpu.memory_space<hbm>>
      %dma_start3A_627 = tpu.memref_squeeze %dma_start3A_626 : memref<1x1x64xf32, #tpu.memory_space<hbm>> -> memref<64xf32, #tpu.memory_space<hbm>>
      %dma_start3A_628 = arith.constant 0 : i32
      %dma_start3A_629 = tpu.memref_slice %arg6[%add3A_621, %dma_start3A_628] : memref<256x64xf32, #tpu.memory_space<vmem>> -> memref<1x64xf32, #tpu.memory_space<vmem>>
      %dma_start3A_630 = tpu.memref_squeeze %dma_start3A_629 : memref<1x64xf32, #tpu.memory_space<vmem>> -> memref<64xf32, #tpu.memory_space<vmem>>
      %dma_start3A_631 = arith.constant 0 : i32
      %dma_start3A_632 = tpu.memref_slice %arg3[%add3A_4, %squeeze3A_617, %dma_start3A_631] : memref<64x8192x64xf32, #tpu.memory_space<hbm>> -> memref<1x1x64xf32, #tpu.memory_space<hbm>>
      %dma_start3A_633 = tpu.memref_squeeze %dma_start3A_632 : memref<1x1x64xf32, #tpu.memory_space<hbm>> -> memref<64xf32, #tpu.memory_space<hbm>>
      tpu.enqueue_dma source(%dma_start3A_633 : memref<64xf32, #tpu.memory_space<hbm>>) target(%dma_start3A_630 : memref<64xf32, #tpu.memory_space<vmem>>) target_semaphore(%arg9 : memref<!tpu.dma_semaphore, #tpu.memory_space<semaphore_mem>>)
      %slice3A_634 = vector.extract_strided_slice %get3A_510 {offsets = [7], sizes = [1], strides = [1]} : vector<16xi32> to vector<1xi32>
      %squeeze3A_635 = vector.extract %slice3A_634[0] : i32 from vector<1xi32>
      %mul3A_636 = arith.constant 16 : i32
      %mul3A_637 = arith.muli %scan3A_504, %mul3A_636 : i32
      %add3A_638 = arith.constant 7 : i32
      %add3A_639 = arith.addi %mul3A_637, %add3A_638 : i32
      %dma_start3A_640 = arith.constant 0 : i32
      %dma_start3A_641 = tpu.memref_slice %arg6[%add3A_639, %dma_start3A_640] : memref<256x64xf32, #tpu.memory_space<vmem>> -> memref<1x64xf32, #tpu.memory_space<vmem>>
      %dma_start3A_642 = tpu.memref_squeeze %dma_start3A_641 : memref<1x64xf32, #tpu.memory_space<vmem>> -> memref<64xf32, #tpu.memory_space<vmem>>
      %dma_start3A_643 = arith.constant 0 : i32
      %dma_start3A_644 = tpu.memref_slice %arg3[%add3A_4, %squeeze3A_635, %dma_start3A_643] : memref<64x8192x64xf32, #tpu.memory_space<hbm>> -> memref<1x1x64xf32, #tpu.memory_space<hbm>>
      %dma_start3A_645 = tpu.memref_squeeze %dma_start3A_644 : memref<1x1x64xf32, #tpu.memory_space<hbm>> -> memref<64xf32, #tpu.memory_space<hbm>>
      %dma_start3A_646 = arith.constant 0 : i32
      %dma_start3A_647 = tpu.memref_slice %arg6[%add3A_639, %dma_start3A_646] : memref<256x64xf32, #tpu.memory_space<vmem>> -> memref<1x64xf32, #tpu.memory_space<vmem>>
      %dma_start3A_648 = tpu.memref_squeeze %dma_start3A_647 : memref<1x64xf32, #tpu.memory_space<vmem>> -> memref<64xf32, #tpu.memory_space<vmem>>
      %dma_start3A_649 = arith.constant 0 : i32
      %dma_start3A_650 = tpu.memref_slice %arg3[%add3A_4, %squeeze3A_635, %dma_start3A_649] : memref<64x8192x64xf32, #tpu.memory_space<hbm>> -> memref<1x1x64xf32, #tpu.memory_space<hbm>>
      %dma_start3A_651 = tpu.memref_squeeze %dma_start3A_650 : memref<1x1x64xf32, #tpu.memory_space<hbm>> -> memref<64xf32, #tpu.memory_space<hbm>>
      tpu.enqueue_dma source(%dma_start3A_651 : memref<64xf32, #tpu.memory_space<hbm>>) target(%dma_start3A_648 : memref<64xf32, #tpu.memory_space<vmem>>) target_semaphore(%arg10 : memref<!tpu.dma_semaphore, #tpu.memory_space<semaphore_mem>>)
      %slice3A_652 = vector.extract_strided_slice %get3A_510 {offsets = [8], sizes = [1], strides = [1]} : vector<16xi32> to vector<1xi32>
      %squeeze3A_653 = vector.extract %slice3A_652[0] : i32 from vector<1xi32>
      %mul3A_654 = arith.constant 16 : i32
      %mul3A_655 = arith.muli %scan3A_504, %mul3A_654 : i32
      %add3A_656 = arith.constant 8 : i32
      %add3A_657 = arith.addi %mul3A_655, %add3A_656 : i32
      %dma_start3A_658 = arith.constant 0 : i32
      %dma_start3A_659 = tpu.memref_slice %arg6[%add3A_657, %dma_start3A_658] : memref<256x64xf32, #tpu.memory_space<vmem>> -> memref<1x64xf32, #tpu.memory_space<vmem>>
      %dma_start3A_660 = tpu.memref_squeeze %dma_start3A_659 : memref<1x64xf32, #tpu.memory_space<vmem>> -> memref<64xf32, #tpu.memory_space<vmem>>
      %dma_start3A_661 = arith.constant 0 : i32
      %dma_start3A_662 = tpu.memref_slice %arg3[%add3A_4, %squeeze3A_653, %dma_start3A_661] : memref<64x8192x64xf32, #tpu.memory_space<hbm>> -> memref<1x1x64xf32, #tpu.memory_space<hbm>>
      %dma_start3A_663 = tpu.memref_squeeze %dma_start3A_662 : memref<1x1x64xf32, #tpu.memory_space<hbm>> -> memref<64xf32, #tpu.memory_space<hbm>>
      %dma_start3A_664 = arith.constant 0 : i32
      %dma_start3A_665 = tpu.memref_slice %arg6[%add3A_657, %dma_start3A_664] : memref<256x64xf32, #tpu.memory_space<vmem>> -> memref<1x64xf32, #tpu.memory_space<vmem>>
      %dma_start3A_666 = tpu.memref_squeeze %dma_start3A_665 : memref<1x64xf32, #tpu.memory_space<vmem>> -> memref<64xf32, #tpu.memory_space<vmem>>
      %dma_start3A_667 = arith.constant 0 : i32
      %dma_start3A_668 = tpu.memref_slice %arg3[%add3A_4, %squeeze3A_653, %dma_start3A_667] : memref<64x8192x64xf32, #tpu.memory_space<hbm>> -> memref<1x1x64xf32, #tpu.memory_space<hbm>>
      %dma_start3A_669 = tpu.memref_squeeze %dma_start3A_668 : memref<1x1x64xf32, #tpu.memory_space<hbm>> -> memref<64xf32, #tpu.memory_space<hbm>>
      tpu.enqueue_dma source(%dma_start3A_669 : memref<64xf32, #tpu.memory_space<hbm>>) target(%dma_start3A_666 : memref<64xf32, #tpu.memory_space<vmem>>) target_semaphore(%arg7 : memref<!tpu.dma_semaphore, #tpu.memory_space<semaphore_mem>>)
      %slice3A_670 = vector.extract_strided_slice %get3A_510 {offsets = [9], sizes = [1], strides = [1]} : vector<16xi32> to vector<1xi32>
      %squeeze3A_671 = vector.extract %slice3A_670[0] : i32 from vector<1xi32>
      %mul3A_672 = arith.constant 16 : i32
      %mul3A_673 = arith.muli %scan3A_504, %mul3A_672 : i32
      %add3A_674 = arith.constant 9 : i32
      %add3A_675 = arith.addi %mul3A_673, %add3A_674 : i32
      %dma_start3A_676 = arith.constant 0 : i32
      %dma_start3A_677 = tpu.memref_slice %arg6[%add3A_675, %dma_start3A_676] : memref<256x64xf32, #tpu.memory_space<vmem>> -> memref<1x64xf32, #tpu.memory_space<vmem>>
      %dma_start3A_678 = tpu.memref_squeeze %dma_start3A_677 : memref<1x64xf32, #tpu.memory_space<vmem>> -> memref<64xf32, #tpu.memory_space<vmem>>
      %dma_start3A_679 = arith.constant 0 : i32
      %dma_start3A_680 = tpu.memref_slice %arg3[%add3A_4, %squeeze3A_671, %dma_start3A_679] : memref<64x8192x64xf32, #tpu.memory_space<hbm>> -> memref<1x1x64xf32, #tpu.memory_space<hbm>>
      %dma_start3A_681 = tpu.memref_squeeze %dma_start3A_680 : memref<1x1x64xf32, #tpu.memory_space<hbm>> -> memref<64xf32, #tpu.memory_space<hbm>>
      %dma_start3A_682 = arith.constant 0 : i32
      %dma_start3A_683 = tpu.memref_slice %arg6[%add3A_675, %dma_start3A_682] : memref<256x64xf32, #tpu.memory_space<vmem>> -> memref<1x64xf32, #tpu.memory_space<vmem>>
      %dma_start3A_684 = tpu.memref_squeeze %dma_start3A_683 : memref<1x64xf32, #tpu.memory_space<vmem>> -> memref<64xf32, #tpu.memory_space<vmem>>
      %dma_start3A_685 = arith.constant 0 : i32
      %dma_start3A_686 = tpu.memref_slice %arg3[%add3A_4, %squeeze3A_671, %dma_start3A_685] : memref<64x8192x64xf32, #tpu.memory_space<hbm>> -> memref<1x1x64xf32, #tpu.memory_space<hbm>>
      %dma_start3A_687 = tpu.memref_squeeze %dma_start3A_686 : memref<1x1x64xf32, #tpu.memory_space<hbm>> -> memref<64xf32, #tpu.memory_space<hbm>>
      tpu.enqueue_dma source(%dma_start3A_687 : memref<64xf32, #tpu.memory_space<hbm>>) target(%dma_start3A_684 : memref<64xf32, #tpu.memory_space<vmem>>) target_semaphore(%arg8 : memref<!tpu.dma_semaphore, #tpu.memory_space<semaphore_mem>>)
      %slice3A_688 = vector.extract_strided_slice %get3A_510 {offsets = [10], sizes = [1], strides = [1]} : vector<16xi32> to vector<1xi32>
      %squeeze3A_689 = vector.extract %slice3A_688[0] : i32 from vector<1xi32>
      %mul3A_690 = arith.constant 16 : i32
      %mul3A_691 = arith.muli %scan3A_504, %mul3A_690 : i32
      %add3A_692 = arith.constant 10 : i32
      %add3A_693 = arith.addi %mul3A_691, %add3A_692 : i32
      %dma_start3A_694 = arith.constant 0 : i32
      %dma_start3A_695 = tpu.memref_slice %arg6[%add3A_693, %dma_start3A_694] : memref<256x64xf32, #tpu.memory_space<vmem>> -> memref<1x64xf32, #tpu.memory_space<vmem>>
      %dma_start3A_696 = tpu.memref_squeeze %dma_start3A_695 : memref<1x64xf32, #tpu.memory_space<vmem>> -> memref<64xf32, #tpu.memory_space<vmem>>
      %dma_start3A_697 = arith.constant 0 : i32
      %dma_start3A_698 = tpu.memref_slice %arg3[%add3A_4, %squeeze3A_689, %dma_start3A_697] : memref<64x8192x64xf32, #tpu.memory_space<hbm>> -> memref<1x1x64xf32, #tpu.memory_space<hbm>>
      %dma_start3A_699 = tpu.memref_squeeze %dma_start3A_698 : memref<1x1x64xf32, #tpu.memory_space<hbm>> -> memref<64xf32, #tpu.memory_space<hbm>>
      %dma_start3A_700 = arith.constant 0 : i32
      %dma_start3A_701 = tpu.memref_slice %arg6[%add3A_693, %dma_start3A_700] : memref<256x64xf32, #tpu.memory_space<vmem>> -> memref<1x64xf32, #tpu.memory_space<vmem>>
      %dma_start3A_702 = tpu.memref_squeeze %dma_start3A_701 : memref<1x64xf32, #tpu.memory_space<vmem>> -> memref<64xf32, #tpu.memory_space<vmem>>
      %dma_start3A_703 = arith.constant 0 : i32
      %dma_start3A_704 = tpu.memref_slice %arg3[%add3A_4, %squeeze3A_689, %dma_start3A_703] : memref<64x8192x64xf32, #tpu.memory_space<hbm>> -> memref<1x1x64xf32, #tpu.memory_space<hbm>>
      %dma_start3A_705 = tpu.memref_squeeze %dma_start3A_704 : memref<1x1x64xf32, #tpu.memory_space<hbm>> -> memref<64xf32, #tpu.memory_space<hbm>>
      tpu.enqueue_dma source(%dma_start3A_705 : memref<64xf32, #tpu.memory_space<hbm>>) target(%dma_start3A_702 : memref<64xf32, #tpu.memory_space<vmem>>) target_semaphore(%arg9 : memref<!tpu.dma_semaphore, #tpu.memory_space<semaphore_mem>>)
      %slice3A_706 = vector.extract_strided_slice %get3A_510 {offsets = [11], sizes = [1], strides = [1]} : vector<16xi32> to vector<1xi32>
      %squeeze3A_707 = vector.extract %slice3A_706[0] : i32 from vector<1xi32>
      %mul3A_708 = arith.constant 16 : i32
      %mul3A_709 = arith.muli %scan3A_504, %mul3A_708 : i32
      %add3A_710 = arith.constant 11 : i32
      %add3A_711 = arith.addi %mul3A_709, %add3A_710 : i32
      %dma_start3A_712 = arith.constant 0 : i32
      %dma_start3A_713 = tpu.memref_slice %arg6[%add3A_711, %dma_start3A_712] : memref<256x64xf32, #tpu.memory_space<vmem>> -> memref<1x64xf32, #tpu.memory_space<vmem>>
      %dma_start3A_714 = tpu.memref_squeeze %dma_start3A_713 : memref<1x64xf32, #tpu.memory_space<vmem>> -> memref<64xf32, #tpu.memory_space<vmem>>
      %dma_start3A_715 = arith.constant 0 : i32
      %dma_start3A_716 = tpu.memref_slice %arg3[%add3A_4, %squeeze3A_707, %dma_start3A_715] : memref<64x8192x64xf32, #tpu.memory_space<hbm>> -> memref<1x1x64xf32, #tpu.memory_space<hbm>>
      %dma_start3A_717 = tpu.memref_squeeze %dma_start3A_716 : memref<1x1x64xf32, #tpu.memory_space<hbm>> -> memref<64xf32, #tpu.memory_space<hbm>>
      %dma_start3A_718 = arith.constant 0 : i32
      %dma_start3A_719 = tpu.memref_slice %arg6[%add3A_711, %dma_start3A_718] : memref<256x64xf32, #tpu.memory_space<vmem>> -> memref<1x64xf32, #tpu.memory_space<vmem>>
      %dma_start3A_720 = tpu.memref_squeeze %dma_start3A_719 : memref<1x64xf32, #tpu.memory_space<vmem>> -> memref<64xf32, #tpu.memory_space<vmem>>
      %dma_start3A_721 = arith.constant 0 : i32
      %dma_start3A_722 = tpu.memref_slice %arg3[%add3A_4, %squeeze3A_707, %dma_start3A_721] : memref<64x8192x64xf32, #tpu.memory_space<hbm>> -> memref<1x1x64xf32, #tpu.memory_space<hbm>>
      %dma_start3A_723 = tpu.memref_squeeze %dma_start3A_722 : memref<1x1x64xf32, #tpu.memory_space<hbm>> -> memref<64xf32, #tpu.memory_space<hbm>>
      tpu.enqueue_dma source(%dma_start3A_723 : memref<64xf32, #tpu.memory_space<hbm>>) target(%dma_start3A_720 : memref<64xf32, #tpu.memory_space<vmem>>) target_semaphore(%arg10 : memref<!tpu.dma_semaphore, #tpu.memory_space<semaphore_mem>>)
      %slice3A_724 = vector.extract_strided_slice %get3A_510 {offsets = [12], sizes = [1], strides = [1]} : vector<16xi32> to vector<1xi32>
      %squeeze3A_725 = vector.extract %slice3A_724[0] : i32 from vector<1xi32>
      %mul3A_726 = arith.constant 16 : i32
      %mul3A_727 = arith.muli %scan3A_504, %mul3A_726 : i32
      %add3A_728 = arith.constant 12 : i32
      %add3A_729 = arith.addi %mul3A_727, %add3A_728 : i32
      %dma_start3A_730 = arith.constant 0 : i32
      %dma_start3A_731 = tpu.memref_slice %arg6[%add3A_729, %dma_start3A_730] : memref<256x64xf32, #tpu.memory_space<vmem>> -> memref<1x64xf32, #tpu.memory_space<vmem>>
      %dma_start3A_732 = tpu.memref_squeeze %dma_start3A_731 : memref<1x64xf32, #tpu.memory_space<vmem>> -> memref<64xf32, #tpu.memory_space<vmem>>
      %dma_start3A_733 = arith.constant 0 : i32
      %dma_start3A_734 = tpu.memref_slice %arg3[%add3A_4, %squeeze3A_725, %dma_start3A_733] : memref<64x8192x64xf32, #tpu.memory_space<hbm>> -> memref<1x1x64xf32, #tpu.memory_space<hbm>>
      %dma_start3A_735 = tpu.memref_squeeze %dma_start3A_734 : memref<1x1x64xf32, #tpu.memory_space<hbm>> -> memref<64xf32, #tpu.memory_space<hbm>>
      %dma_start3A_736 = arith.constant 0 : i32
      %dma_start3A_737 = tpu.memref_slice %arg6[%add3A_729, %dma_start3A_736] : memref<256x64xf32, #tpu.memory_space<vmem>> -> memref<1x64xf32, #tpu.memory_space<vmem>>
      %dma_start3A_738 = tpu.memref_squeeze %dma_start3A_737 : memref<1x64xf32, #tpu.memory_space<vmem>> -> memref<64xf32, #tpu.memory_space<vmem>>
      %dma_start3A_739 = arith.constant 0 : i32
      %dma_start3A_740 = tpu.memref_slice %arg3[%add3A_4, %squeeze3A_725, %dma_start3A_739] : memref<64x8192x64xf32, #tpu.memory_space<hbm>> -> memref<1x1x64xf32, #tpu.memory_space<hbm>>
      %dma_start3A_741 = tpu.memref_squeeze %dma_start3A_740 : memref<1x1x64xf32, #tpu.memory_space<hbm>> -> memref<64xf32, #tpu.memory_space<hbm>>
      tpu.enqueue_dma source(%dma_start3A_741 : memref<64xf32, #tpu.memory_space<hbm>>) target(%dma_start3A_738 : memref<64xf32, #tpu.memory_space<vmem>>) target_semaphore(%arg7 : memref<!tpu.dma_semaphore, #tpu.memory_space<semaphore_mem>>)
      %slice3A_742 = vector.extract_strided_slice %get3A_510 {offsets = [13], sizes = [1], strides = [1]} : vector<16xi32> to vector<1xi32>
      %squeeze3A_743 = vector.extract %slice3A_742[0] : i32 from vector<1xi32>
      %mul3A_744 = arith.constant 16 : i32
      %mul3A_745 = arith.muli %scan3A_504, %mul3A_744 : i32
      %add3A_746 = arith.constant 13 : i32
      %add3A_747 = arith.addi %mul3A_745, %add3A_746 : i32
      %dma_start3A_748 = arith.constant 0 : i32
      %dma_start3A_749 = tpu.memref_slice %arg6[%add3A_747, %dma_start3A_748] : memref<256x64xf32, #tpu.memory_space<vmem>> -> memref<1x64xf32, #tpu.memory_space<vmem>>
      %dma_start3A_750 = tpu.memref_squeeze %dma_start3A_749 : memref<1x64xf32, #tpu.memory_space<vmem>> -> memref<64xf32, #tpu.memory_space<vmem>>
      %dma_start3A_751 = arith.constant 0 : i32
      %dma_start3A_752 = tpu.memref_slice %arg3[%add3A_4, %squeeze3A_743, %dma_start3A_751] : memref<64x8192x64xf32, #tpu.memory_space<hbm>> -> memref<1x1x64xf32, #tpu.memory_space<hbm>>
      %dma_start3A_753 = tpu.memref_squeeze %dma_start3A_752 : memref<1x1x64xf32, #tpu.memory_space<hbm>> -> memref<64xf32, #tpu.memory_space<hbm>>
      %dma_start3A_754 = arith.constant 0 : i32
      %dma_start3A_755 = tpu.memref_slice %arg6[%add3A_747, %dma_start3A_754] : memref<256x64xf32, #tpu.memory_space<vmem>> -> memref<1x64xf32, #tpu.memory_space<vmem>>
      %dma_start3A_756 = tpu.memref_squeeze %dma_start3A_755 : memref<1x64xf32, #tpu.memory_space<vmem>> -> memref<64xf32, #tpu.memory_space<vmem>>
      %dma_start3A_757 = arith.constant 0 : i32
      %dma_start3A_758 = tpu.memref_slice %arg3[%add3A_4, %squeeze3A_743, %dma_start3A_757] : memref<64x8192x64xf32, #tpu.memory_space<hbm>> -> memref<1x1x64xf32, #tpu.memory_space<hbm>>
      %dma_start3A_759 = tpu.memref_squeeze %dma_start3A_758 : memref<1x1x64xf32, #tpu.memory_space<hbm>> -> memref<64xf32, #tpu.memory_space<hbm>>
      tpu.enqueue_dma source(%dma_start3A_759 : memref<64xf32, #tpu.memory_space<hbm>>) target(%dma_start3A_756 : memref<64xf32, #tpu.memory_space<vmem>>) target_semaphore(%arg8 : memref<!tpu.dma_semaphore, #tpu.memory_space<semaphore_mem>>)
      %slice3A_760 = vector.extract_strided_slice %get3A_510 {offsets = [14], sizes = [1], strides = [1]} : vector<16xi32> to vector<1xi32>
      %squeeze3A_761 = vector.extract %slice3A_760[0] : i32 from vector<1xi32>
      %mul3A_762 = arith.constant 16 : i32
      %mul3A_763 = arith.muli %scan3A_504, %mul3A_762 : i32
      %add3A_764 = arith.constant 14 : i32
      %add3A_765 = arith.addi %mul3A_763, %add3A_764 : i32
      %dma_start3A_766 = arith.constant 0 : i32
      %dma_start3A_767 = tpu.memref_slice %arg6[%add3A_765, %dma_start3A_766] : memref<256x64xf32, #tpu.memory_space<vmem>> -> memref<1x64xf32, #tpu.memory_space<vmem>>
      %dma_start3A_768 = tpu.memref_squeeze %dma_start3A_767 : memref<1x64xf32, #tpu.memory_space<vmem>> -> memref<64xf32, #tpu.memory_space<vmem>>
      %dma_start3A_769 = arith.constant 0 : i32
      %dma_start3A_770 = tpu.memref_slice %arg3[%add3A_4, %squeeze3A_761, %dma_start3A_769] : memref<64x8192x64xf32, #tpu.memory_space<hbm>> -> memref<1x1x64xf32, #tpu.memory_space<hbm>>
      %dma_start3A_771 = tpu.memref_squeeze %dma_start3A_770 : memref<1x1x64xf32, #tpu.memory_space<hbm>> -> memref<64xf32, #tpu.memory_space<hbm>>
      %dma_start3A_772 = arith.constant 0 : i32
      %dma_start3A_773 = tpu.memref_slice %arg6[%add3A_765, %dma_start3A_772] : memref<256x64xf32, #tpu.memory_space<vmem>> -> memref<1x64xf32, #tpu.memory_space<vmem>>
      %dma_start3A_774 = tpu.memref_squeeze %dma_start3A_773 : memref<1x64xf32, #tpu.memory_space<vmem>> -> memref<64xf32, #tpu.memory_space<vmem>>
      %dma_start3A_775 = arith.constant 0 : i32
      %dma_start3A_776 = tpu.memref_slice %arg3[%add3A_4, %squeeze3A_761, %dma_start3A_775] : memref<64x8192x64xf32, #tpu.memory_space<hbm>> -> memref<1x1x64xf32, #tpu.memory_space<hbm>>
      %dma_start3A_777 = tpu.memref_squeeze %dma_start3A_776 : memref<1x1x64xf32, #tpu.memory_space<hbm>> -> memref<64xf32, #tpu.memory_space<hbm>>
      tpu.enqueue_dma source(%dma_start3A_777 : memref<64xf32, #tpu.memory_space<hbm>>) target(%dma_start3A_774 : memref<64xf32, #tpu.memory_space<vmem>>) target_semaphore(%arg9 : memref<!tpu.dma_semaphore, #tpu.memory_space<semaphore_mem>>)
      %slice3A_778 = vector.extract_strided_slice %get3A_510 {offsets = [15], sizes = [1], strides = [1]} : vector<16xi32> to vector<1xi32>
      %squeeze3A_779 = vector.extract %slice3A_778[0] : i32 from vector<1xi32>
      %mul3A_780 = arith.constant 16 : i32
      %mul3A_781 = arith.muli %scan3A_504, %mul3A_780 : i32
      %add3A_782 = arith.constant 15 : i32
      %add3A_783 = arith.addi %mul3A_781, %add3A_782 : i32
      %dma_start3A_784 = arith.constant 0 : i32
      %dma_start3A_785 = tpu.memref_slice %arg6[%add3A_783, %dma_start3A_784] : memref<256x64xf32, #tpu.memory_space<vmem>> -> memref<1x64xf32, #tpu.memory_space<vmem>>
      %dma_start3A_786 = tpu.memref_squeeze %dma_start3A_785 : memref<1x64xf32, #tpu.memory_space<vmem>> -> memref<64xf32, #tpu.memory_space<vmem>>
      %dma_start3A_787 = arith.constant 0 : i32
      %dma_start3A_788 = tpu.memref_slice %arg3[%add3A_4, %squeeze3A_779, %dma_start3A_787] : memref<64x8192x64xf32, #tpu.memory_space<hbm>> -> memref<1x1x64xf32, #tpu.memory_space<hbm>>
      %dma_start3A_789 = tpu.memref_squeeze %dma_start3A_788 : memref<1x1x64xf32, #tpu.memory_space<hbm>> -> memref<64xf32, #tpu.memory_space<hbm>>
      %dma_start3A_790 = arith.constant 0 : i32
      %dma_start3A_791 = tpu.memref_slice %arg6[%add3A_783, %dma_start3A_790] : memref<256x64xf32, #tpu.memory_space<vmem>> -> memref<1x64xf32, #tpu.memory_space<vmem>>
      %dma_start3A_792 = tpu.memref_squeeze %dma_start3A_791 : memref<1x64xf32, #tpu.memory_space<vmem>> -> memref<64xf32, #tpu.memory_space<vmem>>
      %dma_start3A_793 = arith.constant 0 : i32
      %dma_start3A_794 = tpu.memref_slice %arg3[%add3A_4, %squeeze3A_779, %dma_start3A_793] : memref<64x8192x64xf32, #tpu.memory_space<hbm>> -> memref<1x1x64xf32, #tpu.memory_space<hbm>>
      %dma_start3A_795 = tpu.memref_squeeze %dma_start3A_794 : memref<1x1x64xf32, #tpu.memory_space<hbm>> -> memref<64xf32, #tpu.memory_space<hbm>>
      tpu.enqueue_dma source(%dma_start3A_795 : memref<64xf32, #tpu.memory_space<hbm>>) target(%dma_start3A_792 : memref<64xf32, #tpu.memory_space<vmem>>) target_semaphore(%arg10 : memref<!tpu.dma_semaphore, #tpu.memory_space<semaphore_mem>>)
    }
    %scan3A_132 = arith.constant 16 : i32
    %dma_wait3A_133 = arith.constant 0 : i32
    %dma_wait3A_134 = arith.constant 0 : i32
    %dma_wait3A_135 = tpu.memref_slice %arg6[%dma_wait3A_133, %dma_wait3A_134] : memref<256x64xf32, #tpu.memory_space<vmem>> -> memref<64x64xf32, #tpu.memory_space<vmem>>
    %dma_wait3A_136 = arith.constant 0 : i32
    %dma_wait3A_137 = arith.constant 0 : i32
    %dma_wait3A_138 = tpu.memref_slice %arg3[%add3A_4, %dma_wait3A_136, %dma_wait3A_137] : memref<64x8192x64xf32, #tpu.memory_space<hbm>> -> memref<1x64x64xf32, #tpu.memory_space<hbm>>
    %dma_wait3A_139 = tpu.memref_squeeze %dma_wait3A_138 : memref<1x64x64xf32, #tpu.memory_space<hbm>> -> memref<64x64xf32, #tpu.memory_space<hbm>>
    %dma_wait3A_140 = arith.constant 0 : i32
    %dma_wait3A_141 = arith.constant 0 : i32
    %dma_wait3A_142 = tpu.memref_slice %arg6[%dma_wait3A_140, %dma_wait3A_141] : memref<256x64xf32, #tpu.memory_space<vmem>> -> memref<64x64xf32, #tpu.memory_space<vmem>>
    %dma_wait3A_143 = arith.constant 0 : i32
    %dma_wait3A_144 = arith.constant 0 : i32
    %dma_wait3A_145 = tpu.memref_slice %arg3[%add3A_4, %dma_wait3A_143, %dma_wait3A_144] : memref<64x8192x64xf32, #tpu.memory_space<hbm>> -> memref<1x64x64xf32, #tpu.memory_space<hbm>>
    %dma_wait3A_146 = tpu.memref_squeeze %dma_wait3A_145 : memref<1x64x64xf32, #tpu.memory_space<hbm>> -> memref<64x64xf32, #tpu.memory_space<hbm>>
    tpu.wait_dma2 semaphore(%arg7 : memref<!tpu.dma_semaphore, #tpu.memory_space<semaphore_mem>>) src(%dma_wait3A_146 : memref<64x64xf32, #tpu.memory_space<hbm>>) dst(%dma_wait3A_142 : memref<64x64xf32, #tpu.memory_space<vmem>>)
    %dma_wait3A_147 = arith.constant 64 : i32
    %dma_wait3A_148 = arith.constant 0 : i32
    %dma_wait3A_149 = tpu.memref_slice %arg6[%dma_wait3A_147, %dma_wait3A_148] : memref<256x64xf32, #tpu.memory_space<vmem>> -> memref<64x64xf32, #tpu.memory_space<vmem>>
    %dma_wait3A_150 = arith.constant 0 : i32
    %dma_wait3A_151 = arith.constant 0 : i32
    %dma_wait3A_152 = tpu.memref_slice %arg3[%add3A_4, %dma_wait3A_150, %dma_wait3A_151] : memref<64x8192x64xf32, #tpu.memory_space<hbm>> -> memref<1x64x64xf32, #tpu.memory_space<hbm>>
    %dma_wait3A_153 = tpu.memref_squeeze %dma_wait3A_152 : memref<1x64x64xf32, #tpu.memory_space<hbm>> -> memref<64x64xf32, #tpu.memory_space<hbm>>
    %dma_wait3A_154 = arith.constant 64 : i32
    %dma_wait3A_155 = arith.constant 0 : i32
    %dma_wait3A_156 = tpu.memref_slice %arg6[%dma_wait3A_154, %dma_wait3A_155] : memref<256x64xf32, #tpu.memory_space<vmem>> -> memref<64x64xf32, #tpu.memory_space<vmem>>
    %dma_wait3A_157 = arith.constant 0 : i32
    %dma_wait3A_158 = arith.constant 0 : i32
    %dma_wait3A_159 = tpu.memref_slice %arg3[%add3A_4, %dma_wait3A_157, %dma_wait3A_158] : memref<64x8192x64xf32, #tpu.memory_space<hbm>> -> memref<1x64x64xf32, #tpu.memory_space<hbm>>
    %dma_wait3A_160 = tpu.memref_squeeze %dma_wait3A_159 : memref<1x64x64xf32, #tpu.memory_space<hbm>> -> memref<64x64xf32, #tpu.memory_space<hbm>>
    tpu.wait_dma2 semaphore(%arg8 : memref<!tpu.dma_semaphore, #tpu.memory_space<semaphore_mem>>) src(%dma_wait3A_160 : memref<64x64xf32, #tpu.memory_space<hbm>>) dst(%dma_wait3A_156 : memref<64x64xf32, #tpu.memory_space<vmem>>)
    %dma_wait3A_161 = arith.constant 128 : i32
    %dma_wait3A_162 = arith.constant 0 : i32
    %dma_wait3A_163 = tpu.memref_slice %arg6[%dma_wait3A_161, %dma_wait3A_162] : memref<256x64xf32, #tpu.memory_space<vmem>> -> memref<64x64xf32, #tpu.memory_space<vmem>>
    %dma_wait3A_164 = arith.constant 0 : i32
    %dma_wait3A_165 = arith.constant 0 : i32
    %dma_wait3A_166 = tpu.memref_slice %arg3[%add3A_4, %dma_wait3A_164, %dma_wait3A_165] : memref<64x8192x64xf32, #tpu.memory_space<hbm>> -> memref<1x64x64xf32, #tpu.memory_space<hbm>>
    %dma_wait3A_167 = tpu.memref_squeeze %dma_wait3A_166 : memref<1x64x64xf32, #tpu.memory_space<hbm>> -> memref<64x64xf32, #tpu.memory_space<hbm>>
    %dma_wait3A_168 = arith.constant 128 : i32
    %dma_wait3A_169 = arith.constant 0 : i32
    %dma_wait3A_170 = tpu.memref_slice %arg6[%dma_wait3A_168, %dma_wait3A_169] : memref<256x64xf32, #tpu.memory_space<vmem>> -> memref<64x64xf32, #tpu.memory_space<vmem>>
    %dma_wait3A_171 = arith.constant 0 : i32
    %dma_wait3A_172 = arith.constant 0 : i32
    %dma_wait3A_173 = tpu.memref_slice %arg3[%add3A_4, %dma_wait3A_171, %dma_wait3A_172] : memref<64x8192x64xf32, #tpu.memory_space<hbm>> -> memref<1x64x64xf32, #tpu.memory_space<hbm>>
    %dma_wait3A_174 = tpu.memref_squeeze %dma_wait3A_173 : memref<1x64x64xf32, #tpu.memory_space<hbm>> -> memref<64x64xf32, #tpu.memory_space<hbm>>
    tpu.wait_dma2 semaphore(%arg9 : memref<!tpu.dma_semaphore, #tpu.memory_space<semaphore_mem>>) src(%dma_wait3A_174 : memref<64x64xf32, #tpu.memory_space<hbm>>) dst(%dma_wait3A_170 : memref<64x64xf32, #tpu.memory_space<vmem>>)
    %dma_wait3A_175 = arith.constant 192 : i32
    %dma_wait3A_176 = arith.constant 0 : i32
    %dma_wait3A_177 = tpu.memref_slice %arg6[%dma_wait3A_175, %dma_wait3A_176] : memref<256x64xf32, #tpu.memory_space<vmem>> -> memref<64x64xf32, #tpu.memory_space<vmem>>
    %dma_wait3A_178 = arith.constant 0 : i32
    %dma_wait3A_179 = arith.constant 0 : i32
    %dma_wait3A_180 = tpu.memref_slice %arg3[%add3A_4, %dma_wait3A_178, %dma_wait3A_179] : memref<64x8192x64xf32, #tpu.memory_space<hbm>> -> memref<1x64x64xf32, #tpu.memory_space<hbm>>
    %dma_wait3A_181 = tpu.memref_squeeze %dma_wait3A_180 : memref<1x64x64xf32, #tpu.memory_space<hbm>> -> memref<64x64xf32, #tpu.memory_space<hbm>>
    %dma_wait3A_182 = arith.constant 192 : i32
    %dma_wait3A_183 = arith.constant 0 : i32
    %dma_wait3A_184 = tpu.memref_slice %arg6[%dma_wait3A_182, %dma_wait3A_183] : memref<256x64xf32, #tpu.memory_space<vmem>> -> memref<64x64xf32, #tpu.memory_space<vmem>>
    %dma_wait3A_185 = arith.constant 0 : i32
    %dma_wait3A_186 = arith.constant 0 : i32
    %dma_wait3A_187 = tpu.memref_slice %arg3[%add3A_4, %dma_wait3A_185, %dma_wait3A_186] : memref<64x8192x64xf32, #tpu.memory_space<hbm>> -> memref<1x64x64xf32, #tpu.memory_space<hbm>>
    %dma_wait3A_188 = tpu.memref_squeeze %dma_wait3A_187 : memref<1x64x64xf32, #tpu.memory_space<hbm>> -> memref<64x64xf32, #tpu.memory_space<hbm>>
    tpu.wait_dma2 semaphore(%arg10 : memref<!tpu.dma_semaphore, #tpu.memory_space<semaphore_mem>>) src(%dma_wait3A_188 : memref<64x64xf32, #tpu.memory_space<hbm>>) dst(%dma_wait3A_184 : memref<64x64xf32, #tpu.memory_space<vmem>>)
    "tpu.region"() ({
      %run_scoped3A_504 = tpu.sem_alloc : memref<!tpu.dma_semaphore, #tpu.memory_space<semaphore_mem>>
      %dma_start3A = arith.constant 512 : i32
      %dma_start3A_505 = arith.constant 0 : i32
      %dma_start3A_506 = tpu.memref_slice %arg4[%add3A_4, %dma_start3A, %dma_start3A_505] : memref<64x1024x64xf32, #tpu.memory_space<hbm>> -> memref<1x256x64xf32, #tpu.memory_space<hbm>>
      %dma_start3A_507 = tpu.memref_squeeze %dma_start3A_506 : memref<1x256x64xf32, #tpu.memory_space<hbm>> -> memref<256x64xf32, #tpu.memory_space<hbm>>
      %dma_start3A_508 = arith.constant 512 : i32
      %dma_start3A_509 = arith.constant 0 : i32
      %dma_start3A_510 = tpu.memref_slice %arg4[%add3A_4, %dma_start3A_508, %dma_start3A_509] : memref<64x1024x64xf32, #tpu.memory_space<hbm>> -> memref<1x256x64xf32, #tpu.memory_space<hbm>>
      %dma_start3A_511 = tpu.memref_squeeze %dma_start3A_510 : memref<1x256x64xf32, #tpu.memory_space<hbm>> -> memref<256x64xf32, #tpu.memory_space<hbm>>
      tpu.enqueue_dma source(%arg6 : memref<256x64xf32, #tpu.memory_space<vmem>>) target(%dma_start3A_511 : memref<256x64xf32, #tpu.memory_space<hbm>>) target_semaphore(%run_scoped3A_504 : memref<!tpu.dma_semaphore, #tpu.memory_space<semaphore_mem>>)
      %dma_wait3A_512 = arith.constant 512 : i32
      %dma_wait3A_513 = arith.constant 0 : i32
      %dma_wait3A_514 = tpu.memref_slice %arg4[%add3A_4, %dma_wait3A_512, %dma_wait3A_513] : memref<64x1024x64xf32, #tpu.memory_space<hbm>> -> memref<1x256x64xf32, #tpu.memory_space<hbm>>
      %dma_wait3A_515 = tpu.memref_squeeze %dma_wait3A_514 : memref<1x256x64xf32, #tpu.memory_space<hbm>> -> memref<256x64xf32, #tpu.memory_space<hbm>>
      %dma_wait3A_516 = arith.constant 512 : i32
      %dma_wait3A_517 = arith.constant 0 : i32
      %dma_wait3A_518 = tpu.memref_slice %arg4[%add3A_4, %dma_wait3A_516, %dma_wait3A_517] : memref<64x1024x64xf32, #tpu.memory_space<hbm>> -> memref<1x256x64xf32, #tpu.memory_space<hbm>>
      %dma_wait3A_519 = tpu.memref_squeeze %dma_wait3A_518 : memref<1x256x64xf32, #tpu.memory_space<hbm>> -> memref<256x64xf32, #tpu.memory_space<hbm>>
      tpu.wait_dma2 semaphore(%run_scoped3A_504 : memref<!tpu.dma_semaphore, #tpu.memory_space<semaphore_mem>>) src(%arg6 : memref<256x64xf32, #tpu.memory_space<vmem>>) dst(%dma_wait3A_519 : memref<256x64xf32, #tpu.memory_space<hbm>>)
      tpu.yield
    }) : () -> ()
    %scan3A_189 = arith.constant 0 : i32
    %scan3A_190 = arith.constant 0 : i32
    %scan3A_191 = arith.constant 16 : i32
    %scan3A_192 = arith.addi %scan3A_190, %scan3A_191 : i32
    %scan3A_193 = arith.constant 1 : i32
    scf.for %scan3A_504 = %scan3A_190 to %scan3A_192 step %scan3A_193  : i32 {
      %mul3A_505 = arith.constant 16 : i32
      %mul3A_506 = arith.muli %scan3A_504, %mul3A_505 : i32
      %add3A_507 = arith.constant 768 : i32
      %add3A_508 = arith.addi %add3A_507, %mul3A_506 : i32
      %get3A = arith.index_cast %add3A_508 : i32 to index
      %get3A_509 = tpu.vector_load %arg5[%get3A] {strides = array<i32>} : memref<1024xi32, #tpu.memory_space<vmem>>, vector<16xi32>,
      %get3A_510 = vector.shape_cast %get3A_509 : vector<16xi32> to vector<16xi32>
      %slice3A = vector.extract_strided_slice %get3A_510 {offsets = [0], sizes = [1], strides = [1]} : vector<16xi32> to vector<1xi32>
      %squeeze3A = vector.extract %slice3A[0] : i32 from vector<1xi32>
      %mul3A_511 = arith.constant 16 : i32
      %mul3A_512 = arith.muli %scan3A_504, %mul3A_511 : i32
      %add3A_513 = arith.constant 0 : i32
      %add3A_514 = arith.addi %mul3A_512, %add3A_513 : i32
      %dma_start3A = arith.constant 0 : i32
      %dma_start3A_515 = tpu.memref_slice %arg6[%add3A_514, %dma_start3A] : memref<256x64xf32, #tpu.memory_space<vmem>> -> memref<1x64xf32, #tpu.memory_space<vmem>>
      %dma_start3A_516 = tpu.memref_squeeze %dma_start3A_515 : memref<1x64xf32, #tpu.memory_space<vmem>> -> memref<64xf32, #tpu.memory_space<vmem>>
      %dma_start3A_517 = arith.constant 0 : i32
      %dma_start3A_518 = tpu.memref_slice %arg3[%add3A_4, %squeeze3A, %dma_start3A_517] : memref<64x8192x64xf32, #tpu.memory_space<hbm>> -> memref<1x1x64xf32, #tpu.memory_space<hbm>>
      %dma_start3A_519 = tpu.memref_squeeze %dma_start3A_518 : memref<1x1x64xf32, #tpu.memory_space<hbm>> -> memref<64xf32, #tpu.memory_space<hbm>>
      %dma_start3A_520 = arith.constant 0 : i32
      %dma_start3A_521 = tpu.memref_slice %arg6[%add3A_514, %dma_start3A_520] : memref<256x64xf32, #tpu.memory_space<vmem>> -> memref<1x64xf32, #tpu.memory_space<vmem>>
      %dma_start3A_522 = tpu.memref_squeeze %dma_start3A_521 : memref<1x64xf32, #tpu.memory_space<vmem>> -> memref<64xf32, #tpu.memory_space<vmem>>
      %dma_start3A_523 = arith.constant 0 : i32
      %dma_start3A_524 = tpu.memref_slice %arg3[%add3A_4, %squeeze3A, %dma_start3A_523] : memref<64x8192x64xf32, #tpu.memory_space<hbm>> -> memref<1x1x64xf32, #tpu.memory_space<hbm>>
      %dma_start3A_525 = tpu.memref_squeeze %dma_start3A_524 : memref<1x1x64xf32, #tpu.memory_space<hbm>> -> memref<64xf32, #tpu.memory_space<hbm>>
      tpu.enqueue_dma source(%dma_start3A_525 : memref<64xf32, #tpu.memory_space<hbm>>) target(%dma_start3A_522 : memref<64xf32, #tpu.memory_space<vmem>>) target_semaphore(%arg7 : memref<!tpu.dma_semaphore, #tpu.memory_space<semaphore_mem>>)
      %slice3A_526 = vector.extract_strided_slice %get3A_510 {offsets = [1], sizes = [1], strides = [1]} : vector<16xi32> to vector<1xi32>
      %squeeze3A_527 = vector.extract %slice3A_526[0] : i32 from vector<1xi32>
      %mul3A_528 = arith.constant 16 : i32
      %mul3A_529 = arith.muli %scan3A_504, %mul3A_528 : i32
      %add3A_530 = arith.constant 1 : i32
      %add3A_531 = arith.addi %mul3A_529, %add3A_530 : i32
      %dma_start3A_532 = arith.constant 0 : i32
      %dma_start3A_533 = tpu.memref_slice %arg6[%add3A_531, %dma_start3A_532] : memref<256x64xf32, #tpu.memory_space<vmem>> -> memref<1x64xf32, #tpu.memory_space<vmem>>
      %dma_start3A_534 = tpu.memref_squeeze %dma_start3A_533 : memref<1x64xf32, #tpu.memory_space<vmem>> -> memref<64xf32, #tpu.memory_space<vmem>>
      %dma_start3A_535 = arith.constant 0 : i32
      %dma_start3A_536 = tpu.memref_slice %arg3[%add3A_4, %squeeze3A_527, %dma_start3A_535] : memref<64x8192x64xf32, #tpu.memory_space<hbm>> -> memref<1x1x64xf32, #tpu.memory_space<hbm>>
      %dma_start3A_537 = tpu.memref_squeeze %dma_start3A_536 : memref<1x1x64xf32, #tpu.memory_space<hbm>> -> memref<64xf32, #tpu.memory_space<hbm>>
      %dma_start3A_538 = arith.constant 0 : i32
      %dma_start3A_539 = tpu.memref_slice %arg6[%add3A_531, %dma_start3A_538] : memref<256x64xf32, #tpu.memory_space<vmem>> -> memref<1x64xf32, #tpu.memory_space<vmem>>
      %dma_start3A_540 = tpu.memref_squeeze %dma_start3A_539 : memref<1x64xf32, #tpu.memory_space<vmem>> -> memref<64xf32, #tpu.memory_space<vmem>>
      %dma_start3A_541 = arith.constant 0 : i32
      %dma_start3A_542 = tpu.memref_slice %arg3[%add3A_4, %squeeze3A_527, %dma_start3A_541] : memref<64x8192x64xf32, #tpu.memory_space<hbm>> -> memref<1x1x64xf32, #tpu.memory_space<hbm>>
      %dma_start3A_543 = tpu.memref_squeeze %dma_start3A_542 : memref<1x1x64xf32, #tpu.memory_space<hbm>> -> memref<64xf32, #tpu.memory_space<hbm>>
      tpu.enqueue_dma source(%dma_start3A_543 : memref<64xf32, #tpu.memory_space<hbm>>) target(%dma_start3A_540 : memref<64xf32, #tpu.memory_space<vmem>>) target_semaphore(%arg8 : memref<!tpu.dma_semaphore, #tpu.memory_space<semaphore_mem>>)
      %slice3A_544 = vector.extract_strided_slice %get3A_510 {offsets = [2], sizes = [1], strides = [1]} : vector<16xi32> to vector<1xi32>
      %squeeze3A_545 = vector.extract %slice3A_544[0] : i32 from vector<1xi32>
      %mul3A_546 = arith.constant 16 : i32
      %mul3A_547 = arith.muli %scan3A_504, %mul3A_546 : i32
      %add3A_548 = arith.constant 2 : i32
      %add3A_549 = arith.addi %mul3A_547, %add3A_548 : i32
      %dma_start3A_550 = arith.constant 0 : i32
      %dma_start3A_551 = tpu.memref_slice %arg6[%add3A_549, %dma_start3A_550] : memref<256x64xf32, #tpu.memory_space<vmem>> -> memref<1x64xf32, #tpu.memory_space<vmem>>
      %dma_start3A_552 = tpu.memref_squeeze %dma_start3A_551 : memref<1x64xf32, #tpu.memory_space<vmem>> -> memref<64xf32, #tpu.memory_space<vmem>>
      %dma_start3A_553 = arith.constant 0 : i32
      %dma_start3A_554 = tpu.memref_slice %arg3[%add3A_4, %squeeze3A_545, %dma_start3A_553] : memref<64x8192x64xf32, #tpu.memory_space<hbm>> -> memref<1x1x64xf32, #tpu.memory_space<hbm>>
      %dma_start3A_555 = tpu.memref_squeeze %dma_start3A_554 : memref<1x1x64xf32, #tpu.memory_space<hbm>> -> memref<64xf32, #tpu.memory_space<hbm>>
      %dma_start3A_556 = arith.constant 0 : i32
      %dma_start3A_557 = tpu.memref_slice %arg6[%add3A_549, %dma_start3A_556] : memref<256x64xf32, #tpu.memory_space<vmem>> -> memref<1x64xf32, #tpu.memory_space<vmem>>
      %dma_start3A_558 = tpu.memref_squeeze %dma_start3A_557 : memref<1x64xf32, #tpu.memory_space<vmem>> -> memref<64xf32, #tpu.memory_space<vmem>>
      %dma_start3A_559 = arith.constant 0 : i32
      %dma_start3A_560 = tpu.memref_slice %arg3[%add3A_4, %squeeze3A_545, %dma_start3A_559] : memref<64x8192x64xf32, #tpu.memory_space<hbm>> -> memref<1x1x64xf32, #tpu.memory_space<hbm>>
      %dma_start3A_561 = tpu.memref_squeeze %dma_start3A_560 : memref<1x1x64xf32, #tpu.memory_space<hbm>> -> memref<64xf32, #tpu.memory_space<hbm>>
      tpu.enqueue_dma source(%dma_start3A_561 : memref<64xf32, #tpu.memory_space<hbm>>) target(%dma_start3A_558 : memref<64xf32, #tpu.memory_space<vmem>>) target_semaphore(%arg9 : memref<!tpu.dma_semaphore, #tpu.memory_space<semaphore_mem>>)
      %slice3A_562 = vector.extract_strided_slice %get3A_510 {offsets = [3], sizes = [1], strides = [1]} : vector<16xi32> to vector<1xi32>
      %squeeze3A_563 = vector.extract %slice3A_562[0] : i32 from vector<1xi32>
      %mul3A_564 = arith.constant 16 : i32
      %mul3A_565 = arith.muli %scan3A_504, %mul3A_564 : i32
      %add3A_566 = arith.constant 3 : i32
      %add3A_567 = arith.addi %mul3A_565, %add3A_566 : i32
      %dma_start3A_568 = arith.constant 0 : i32
      %dma_start3A_569 = tpu.memref_slice %arg6[%add3A_567, %dma_start3A_568] : memref<256x64xf32, #tpu.memory_space<vmem>> -> memref<1x64xf32, #tpu.memory_space<vmem>>
      %dma_start3A_570 = tpu.memref_squeeze %dma_start3A_569 : memref<1x64xf32, #tpu.memory_space<vmem>> -> memref<64xf32, #tpu.memory_space<vmem>>
      %dma_start3A_571 = arith.constant 0 : i32
      %dma_start3A_572 = tpu.memref_slice %arg3[%add3A_4, %squeeze3A_563, %dma_start3A_571] : memref<64x8192x64xf32, #tpu.memory_space<hbm>> -> memref<1x1x64xf32, #tpu.memory_space<hbm>>
      %dma_start3A_573 = tpu.memref_squeeze %dma_start3A_572 : memref<1x1x64xf32, #tpu.memory_space<hbm>> -> memref<64xf32, #tpu.memory_space<hbm>>
      %dma_start3A_574 = arith.constant 0 : i32
      %dma_start3A_575 = tpu.memref_slice %arg6[%add3A_567, %dma_start3A_574] : memref<256x64xf32, #tpu.memory_space<vmem>> -> memref<1x64xf32, #tpu.memory_space<vmem>>
      %dma_start3A_576 = tpu.memref_squeeze %dma_start3A_575 : memref<1x64xf32, #tpu.memory_space<vmem>> -> memref<64xf32, #tpu.memory_space<vmem>>
      %dma_start3A_577 = arith.constant 0 : i32
      %dma_start3A_578 = tpu.memref_slice %arg3[%add3A_4, %squeeze3A_563, %dma_start3A_577] : memref<64x8192x64xf32, #tpu.memory_space<hbm>> -> memref<1x1x64xf32, #tpu.memory_space<hbm>>
      %dma_start3A_579 = tpu.memref_squeeze %dma_start3A_578 : memref<1x1x64xf32, #tpu.memory_space<hbm>> -> memref<64xf32, #tpu.memory_space<hbm>>
      tpu.enqueue_dma source(%dma_start3A_579 : memref<64xf32, #tpu.memory_space<hbm>>) target(%dma_start3A_576 : memref<64xf32, #tpu.memory_space<vmem>>) target_semaphore(%arg10 : memref<!tpu.dma_semaphore, #tpu.memory_space<semaphore_mem>>)
      %slice3A_580 = vector.extract_strided_slice %get3A_510 {offsets = [4], sizes = [1], strides = [1]} : vector<16xi32> to vector<1xi32>
      %squeeze3A_581 = vector.extract %slice3A_580[0] : i32 from vector<1xi32>
      %mul3A_582 = arith.constant 16 : i32
      %mul3A_583 = arith.muli %scan3A_504, %mul3A_582 : i32
      %add3A_584 = arith.constant 4 : i32
      %add3A_585 = arith.addi %mul3A_583, %add3A_584 : i32
      %dma_start3A_586 = arith.constant 0 : i32
      %dma_start3A_587 = tpu.memref_slice %arg6[%add3A_585, %dma_start3A_586] : memref<256x64xf32, #tpu.memory_space<vmem>> -> memref<1x64xf32, #tpu.memory_space<vmem>>
      %dma_start3A_588 = tpu.memref_squeeze %dma_start3A_587 : memref<1x64xf32, #tpu.memory_space<vmem>> -> memref<64xf32, #tpu.memory_space<vmem>>
      %dma_start3A_589 = arith.constant 0 : i32
      %dma_start3A_590 = tpu.memref_slice %arg3[%add3A_4, %squeeze3A_581, %dma_start3A_589] : memref<64x8192x64xf32, #tpu.memory_space<hbm>> -> memref<1x1x64xf32, #tpu.memory_space<hbm>>
      %dma_start3A_591 = tpu.memref_squeeze %dma_start3A_590 : memref<1x1x64xf32, #tpu.memory_space<hbm>> -> memref<64xf32, #tpu.memory_space<hbm>>
      %dma_start3A_592 = arith.constant 0 : i32
      %dma_start3A_593 = tpu.memref_slice %arg6[%add3A_585, %dma_start3A_592] : memref<256x64xf32, #tpu.memory_space<vmem>> -> memref<1x64xf32, #tpu.memory_space<vmem>>
      %dma_start3A_594 = tpu.memref_squeeze %dma_start3A_593 : memref<1x64xf32, #tpu.memory_space<vmem>> -> memref<64xf32, #tpu.memory_space<vmem>>
      %dma_start3A_595 = arith.constant 0 : i32
      %dma_start3A_596 = tpu.memref_slice %arg3[%add3A_4, %squeeze3A_581, %dma_start3A_595] : memref<64x8192x64xf32, #tpu.memory_space<hbm>> -> memref<1x1x64xf32, #tpu.memory_space<hbm>>
      %dma_start3A_597 = tpu.memref_squeeze %dma_start3A_596 : memref<1x1x64xf32, #tpu.memory_space<hbm>> -> memref<64xf32, #tpu.memory_space<hbm>>
      tpu.enqueue_dma source(%dma_start3A_597 : memref<64xf32, #tpu.memory_space<hbm>>) target(%dma_start3A_594 : memref<64xf32, #tpu.memory_space<vmem>>) target_semaphore(%arg7 : memref<!tpu.dma_semaphore, #tpu.memory_space<semaphore_mem>>)
      %slice3A_598 = vector.extract_strided_slice %get3A_510 {offsets = [5], sizes = [1], strides = [1]} : vector<16xi32> to vector<1xi32>
      %squeeze3A_599 = vector.extract %slice3A_598[0] : i32 from vector<1xi32>
      %mul3A_600 = arith.constant 16 : i32
      %mul3A_601 = arith.muli %scan3A_504, %mul3A_600 : i32
      %add3A_602 = arith.constant 5 : i32
      %add3A_603 = arith.addi %mul3A_601, %add3A_602 : i32
      %dma_start3A_604 = arith.constant 0 : i32
      %dma_start3A_605 = tpu.memref_slice %arg6[%add3A_603, %dma_start3A_604] : memref<256x64xf32, #tpu.memory_space<vmem>> -> memref<1x64xf32, #tpu.memory_space<vmem>>
      %dma_start3A_606 = tpu.memref_squeeze %dma_start3A_605 : memref<1x64xf32, #tpu.memory_space<vmem>> -> memref<64xf32, #tpu.memory_space<vmem>>
      %dma_start3A_607 = arith.constant 0 : i32
      %dma_start3A_608 = tpu.memref_slice %arg3[%add3A_4, %squeeze3A_599, %dma_start3A_607] : memref<64x8192x64xf32, #tpu.memory_space<hbm>> -> memref<1x1x64xf32, #tpu.memory_space<hbm>>
      %dma_start3A_609 = tpu.memref_squeeze %dma_start3A_608 : memref<1x1x64xf32, #tpu.memory_space<hbm>> -> memref<64xf32, #tpu.memory_space<hbm>>
      %dma_start3A_610 = arith.constant 0 : i32
      %dma_start3A_611 = tpu.memref_slice %arg6[%add3A_603, %dma_start3A_610] : memref<256x64xf32, #tpu.memory_space<vmem>> -> memref<1x64xf32, #tpu.memory_space<vmem>>
      %dma_start3A_612 = tpu.memref_squeeze %dma_start3A_611 : memref<1x64xf32, #tpu.memory_space<vmem>> -> memref<64xf32, #tpu.memory_space<vmem>>
      %dma_start3A_613 = arith.constant 0 : i32
      %dma_start3A_614 = tpu.memref_slice %arg3[%add3A_4, %squeeze3A_599, %dma_start3A_613] : memref<64x8192x64xf32, #tpu.memory_space<hbm>> -> memref<1x1x64xf32, #tpu.memory_space<hbm>>
      %dma_start3A_615 = tpu.memref_squeeze %dma_start3A_614 : memref<1x1x64xf32, #tpu.memory_space<hbm>> -> memref<64xf32, #tpu.memory_space<hbm>>
      tpu.enqueue_dma source(%dma_start3A_615 : memref<64xf32, #tpu.memory_space<hbm>>) target(%dma_start3A_612 : memref<64xf32, #tpu.memory_space<vmem>>) target_semaphore(%arg8 : memref<!tpu.dma_semaphore, #tpu.memory_space<semaphore_mem>>)
      %slice3A_616 = vector.extract_strided_slice %get3A_510 {offsets = [6], sizes = [1], strides = [1]} : vector<16xi32> to vector<1xi32>
      %squeeze3A_617 = vector.extract %slice3A_616[0] : i32 from vector<1xi32>
      %mul3A_618 = arith.constant 16 : i32
      %mul3A_619 = arith.muli %scan3A_504, %mul3A_618 : i32
      %add3A_620 = arith.constant 6 : i32
      %add3A_621 = arith.addi %mul3A_619, %add3A_620 : i32
      %dma_start3A_622 = arith.constant 0 : i32
      %dma_start3A_623 = tpu.memref_slice %arg6[%add3A_621, %dma_start3A_622] : memref<256x64xf32, #tpu.memory_space<vmem>> -> memref<1x64xf32, #tpu.memory_space<vmem>>
      %dma_start3A_624 = tpu.memref_squeeze %dma_start3A_623 : memref<1x64xf32, #tpu.memory_space<vmem>> -> memref<64xf32, #tpu.memory_space<vmem>>
      %dma_start3A_625 = arith.constant 0 : i32
      %dma_start3A_626 = tpu.memref_slice %arg3[%add3A_4, %squeeze3A_617, %dma_start3A_625] : memref<64x8192x64xf32, #tpu.memory_space<hbm>> -> memref<1x1x64xf32, #tpu.memory_space<hbm>>
      %dma_start3A_627 = tpu.memref_squeeze %dma_start3A_626 : memref<1x1x64xf32, #tpu.memory_space<hbm>> -> memref<64xf32, #tpu.memory_space<hbm>>
      %dma_start3A_628 = arith.constant 0 : i32
      %dma_start3A_629 = tpu.memref_slice %arg6[%add3A_621, %dma_start3A_628] : memref<256x64xf32, #tpu.memory_space<vmem>> -> memref<1x64xf32, #tpu.memory_space<vmem>>
      %dma_start3A_630 = tpu.memref_squeeze %dma_start3A_629 : memref<1x64xf32, #tpu.memory_space<vmem>> -> memref<64xf32, #tpu.memory_space<vmem>>
      %dma_start3A_631 = arith.constant 0 : i32
      %dma_start3A_632 = tpu.memref_slice %arg3[%add3A_4, %squeeze3A_617, %dma_start3A_631] : memref<64x8192x64xf32, #tpu.memory_space<hbm>> -> memref<1x1x64xf32, #tpu.memory_space<hbm>>
      %dma_start3A_633 = tpu.memref_squeeze %dma_start3A_632 : memref<1x1x64xf32, #tpu.memory_space<hbm>> -> memref<64xf32, #tpu.memory_space<hbm>>
      tpu.enqueue_dma source(%dma_start3A_633 : memref<64xf32, #tpu.memory_space<hbm>>) target(%dma_start3A_630 : memref<64xf32, #tpu.memory_space<vmem>>) target_semaphore(%arg9 : memref<!tpu.dma_semaphore, #tpu.memory_space<semaphore_mem>>)
      %slice3A_634 = vector.extract_strided_slice %get3A_510 {offsets = [7], sizes = [1], strides = [1]} : vector<16xi32> to vector<1xi32>
      %squeeze3A_635 = vector.extract %slice3A_634[0] : i32 from vector<1xi32>
      %mul3A_636 = arith.constant 16 : i32
      %mul3A_637 = arith.muli %scan3A_504, %mul3A_636 : i32
      %add3A_638 = arith.constant 7 : i32
      %add3A_639 = arith.addi %mul3A_637, %add3A_638 : i32
      %dma_start3A_640 = arith.constant 0 : i32
      %dma_start3A_641 = tpu.memref_slice %arg6[%add3A_639, %dma_start3A_640] : memref<256x64xf32, #tpu.memory_space<vmem>> -> memref<1x64xf32, #tpu.memory_space<vmem>>
      %dma_start3A_642 = tpu.memref_squeeze %dma_start3A_641 : memref<1x64xf32, #tpu.memory_space<vmem>> -> memref<64xf32, #tpu.memory_space<vmem>>
      %dma_start3A_643 = arith.constant 0 : i32
      %dma_start3A_644 = tpu.memref_slice %arg3[%add3A_4, %squeeze3A_635, %dma_start3A_643] : memref<64x8192x64xf32, #tpu.memory_space<hbm>> -> memref<1x1x64xf32, #tpu.memory_space<hbm>>
      %dma_start3A_645 = tpu.memref_squeeze %dma_start3A_644 : memref<1x1x64xf32, #tpu.memory_space<hbm>> -> memref<64xf32, #tpu.memory_space<hbm>>
      %dma_start3A_646 = arith.constant 0 : i32
      %dma_start3A_647 = tpu.memref_slice %arg6[%add3A_639, %dma_start3A_646] : memref<256x64xf32, #tpu.memory_space<vmem>> -> memref<1x64xf32, #tpu.memory_space<vmem>>
      %dma_start3A_648 = tpu.memref_squeeze %dma_start3A_647 : memref<1x64xf32, #tpu.memory_space<vmem>> -> memref<64xf32, #tpu.memory_space<vmem>>
      %dma_start3A_649 = arith.constant 0 : i32
      %dma_start3A_650 = tpu.memref_slice %arg3[%add3A_4, %squeeze3A_635, %dma_start3A_649] : memref<64x8192x64xf32, #tpu.memory_space<hbm>> -> memref<1x1x64xf32, #tpu.memory_space<hbm>>
      %dma_start3A_651 = tpu.memref_squeeze %dma_start3A_650 : memref<1x1x64xf32, #tpu.memory_space<hbm>> -> memref<64xf32, #tpu.memory_space<hbm>>
      tpu.enqueue_dma source(%dma_start3A_651 : memref<64xf32, #tpu.memory_space<hbm>>) target(%dma_start3A_648 : memref<64xf32, #tpu.memory_space<vmem>>) target_semaphore(%arg10 : memref<!tpu.dma_semaphore, #tpu.memory_space<semaphore_mem>>)
      %slice3A_652 = vector.extract_strided_slice %get3A_510 {offsets = [8], sizes = [1], strides = [1]} : vector<16xi32> to vector<1xi32>
      %squeeze3A_653 = vector.extract %slice3A_652[0] : i32 from vector<1xi32>
      %mul3A_654 = arith.constant 16 : i32
      %mul3A_655 = arith.muli %scan3A_504, %mul3A_654 : i32
      %add3A_656 = arith.constant 8 : i32
      %add3A_657 = arith.addi %mul3A_655, %add3A_656 : i32
      %dma_start3A_658 = arith.constant 0 : i32
      %dma_start3A_659 = tpu.memref_slice %arg6[%add3A_657, %dma_start3A_658] : memref<256x64xf32, #tpu.memory_space<vmem>> -> memref<1x64xf32, #tpu.memory_space<vmem>>
      %dma_start3A_660 = tpu.memref_squeeze %dma_start3A_659 : memref<1x64xf32, #tpu.memory_space<vmem>> -> memref<64xf32, #tpu.memory_space<vmem>>
      %dma_start3A_661 = arith.constant 0 : i32
      %dma_start3A_662 = tpu.memref_slice %arg3[%add3A_4, %squeeze3A_653, %dma_start3A_661] : memref<64x8192x64xf32, #tpu.memory_space<hbm>> -> memref<1x1x64xf32, #tpu.memory_space<hbm>>
      %dma_start3A_663 = tpu.memref_squeeze %dma_start3A_662 : memref<1x1x64xf32, #tpu.memory_space<hbm>> -> memref<64xf32, #tpu.memory_space<hbm>>
      %dma_start3A_664 = arith.constant 0 : i32
      %dma_start3A_665 = tpu.memref_slice %arg6[%add3A_657, %dma_start3A_664] : memref<256x64xf32, #tpu.memory_space<vmem>> -> memref<1x64xf32, #tpu.memory_space<vmem>>
      %dma_start3A_666 = tpu.memref_squeeze %dma_start3A_665 : memref<1x64xf32, #tpu.memory_space<vmem>> -> memref<64xf32, #tpu.memory_space<vmem>>
      %dma_start3A_667 = arith.constant 0 : i32
      %dma_start3A_668 = tpu.memref_slice %arg3[%add3A_4, %squeeze3A_653, %dma_start3A_667] : memref<64x8192x64xf32, #tpu.memory_space<hbm>> -> memref<1x1x64xf32, #tpu.memory_space<hbm>>
      %dma_start3A_669 = tpu.memref_squeeze %dma_start3A_668 : memref<1x1x64xf32, #tpu.memory_space<hbm>> -> memref<64xf32, #tpu.memory_space<hbm>>
      tpu.enqueue_dma source(%dma_start3A_669 : memref<64xf32, #tpu.memory_space<hbm>>) target(%dma_start3A_666 : memref<64xf32, #tpu.memory_space<vmem>>) target_semaphore(%arg7 : memref<!tpu.dma_semaphore, #tpu.memory_space<semaphore_mem>>)
      %slice3A_670 = vector.extract_strided_slice %get3A_510 {offsets = [9], sizes = [1], strides = [1]} : vector<16xi32> to vector<1xi32>
      %squeeze3A_671 = vector.extract %slice3A_670[0] : i32 from vector<1xi32>
      %mul3A_672 = arith.constant 16 : i32
      %mul3A_673 = arith.muli %scan3A_504, %mul3A_672 : i32
      %add3A_674 = arith.constant 9 : i32
      %add3A_675 = arith.addi %mul3A_673, %add3A_674 : i32
      %dma_start3A_676 = arith.constant 0 : i32
      %dma_start3A_677 = tpu.memref_slice %arg6[%add3A_675, %dma_start3A_676] : memref<256x64xf32, #tpu.memory_space<vmem>> -> memref<1x64xf32, #tpu.memory_space<vmem>>
      %dma_start3A_678 = tpu.memref_squeeze %dma_start3A_677 : memref<1x64xf32, #tpu.memory_space<vmem>> -> memref<64xf32, #tpu.memory_space<vmem>>
      %dma_start3A_679 = arith.constant 0 : i32
      %dma_start3A_680 = tpu.memref_slice %arg3[%add3A_4, %squeeze3A_671, %dma_start3A_679] : memref<64x8192x64xf32, #tpu.memory_space<hbm>> -> memref<1x1x64xf32, #tpu.memory_space<hbm>>
      %dma_start3A_681 = tpu.memref_squeeze %dma_start3A_680 : memref<1x1x64xf32, #tpu.memory_space<hbm>> -> memref<64xf32, #tpu.memory_space<hbm>>
      %dma_start3A_682 = arith.constant 0 : i32
      %dma_start3A_683 = tpu.memref_slice %arg6[%add3A_675, %dma_start3A_682] : memref<256x64xf32, #tpu.memory_space<vmem>> -> memref<1x64xf32, #tpu.memory_space<vmem>>
      %dma_start3A_684 = tpu.memref_squeeze %dma_start3A_683 : memref<1x64xf32, #tpu.memory_space<vmem>> -> memref<64xf32, #tpu.memory_space<vmem>>
      %dma_start3A_685 = arith.constant 0 : i32
      %dma_start3A_686 = tpu.memref_slice %arg3[%add3A_4, %squeeze3A_671, %dma_start3A_685] : memref<64x8192x64xf32, #tpu.memory_space<hbm>> -> memref<1x1x64xf32, #tpu.memory_space<hbm>>
      %dma_start3A_687 = tpu.memref_squeeze %dma_start3A_686 : memref<1x1x64xf32, #tpu.memory_space<hbm>> -> memref<64xf32, #tpu.memory_space<hbm>>
      tpu.enqueue_dma source(%dma_start3A_687 : memref<64xf32, #tpu.memory_space<hbm>>) target(%dma_start3A_684 : memref<64xf32, #tpu.memory_space<vmem>>) target_semaphore(%arg8 : memref<!tpu.dma_semaphore, #tpu.memory_space<semaphore_mem>>)
      %slice3A_688 = vector.extract_strided_slice %get3A_510 {offsets = [10], sizes = [1], strides = [1]} : vector<16xi32> to vector<1xi32>
      %squeeze3A_689 = vector.extract %slice3A_688[0] : i32 from vector<1xi32>
      %mul3A_690 = arith.constant 16 : i32
      %mul3A_691 = arith.muli %scan3A_504, %mul3A_690 : i32
      %add3A_692 = arith.constant 10 : i32
      %add3A_693 = arith.addi %mul3A_691, %add3A_692 : i32
      %dma_start3A_694 = arith.constant 0 : i32
      %dma_start3A_695 = tpu.memref_slice %arg6[%add3A_693, %dma_start3A_694] : memref<256x64xf32, #tpu.memory_space<vmem>> -> memref<1x64xf32, #tpu.memory_space<vmem>>
      %dma_start3A_696 = tpu.memref_squeeze %dma_start3A_695 : memref<1x64xf32, #tpu.memory_space<vmem>> -> memref<64xf32, #tpu.memory_space<vmem>>
      %dma_start3A_697 = arith.constant 0 : i32
      %dma_start3A_698 = tpu.memref_slice %arg3[%add3A_4, %squeeze3A_689, %dma_start3A_697] : memref<64x8192x64xf32, #tpu.memory_space<hbm>> -> memref<1x1x64xf32, #tpu.memory_space<hbm>>
      %dma_start3A_699 = tpu.memref_squeeze %dma_start3A_698 : memref<1x1x64xf32, #tpu.memory_space<hbm>> -> memref<64xf32, #tpu.memory_space<hbm>>
      %dma_start3A_700 = arith.constant 0 : i32
      %dma_start3A_701 = tpu.memref_slice %arg6[%add3A_693, %dma_start3A_700] : memref<256x64xf32, #tpu.memory_space<vmem>> -> memref<1x64xf32, #tpu.memory_space<vmem>>
      %dma_start3A_702 = tpu.memref_squeeze %dma_start3A_701 : memref<1x64xf32, #tpu.memory_space<vmem>> -> memref<64xf32, #tpu.memory_space<vmem>>
      %dma_start3A_703 = arith.constant 0 : i32
      %dma_start3A_704 = tpu.memref_slice %arg3[%add3A_4, %squeeze3A_689, %dma_start3A_703] : memref<64x8192x64xf32, #tpu.memory_space<hbm>> -> memref<1x1x64xf32, #tpu.memory_space<hbm>>
      %dma_start3A_705 = tpu.memref_squeeze %dma_start3A_704 : memref<1x1x64xf32, #tpu.memory_space<hbm>> -> memref<64xf32, #tpu.memory_space<hbm>>
      tpu.enqueue_dma source(%dma_start3A_705 : memref<64xf32, #tpu.memory_space<hbm>>) target(%dma_start3A_702 : memref<64xf32, #tpu.memory_space<vmem>>) target_semaphore(%arg9 : memref<!tpu.dma_semaphore, #tpu.memory_space<semaphore_mem>>)
      %slice3A_706 = vector.extract_strided_slice %get3A_510 {offsets = [11], sizes = [1], strides = [1]} : vector<16xi32> to vector<1xi32>
      %squeeze3A_707 = vector.extract %slice3A_706[0] : i32 from vector<1xi32>
      %mul3A_708 = arith.constant 16 : i32
      %mul3A_709 = arith.muli %scan3A_504, %mul3A_708 : i32
      %add3A_710 = arith.constant 11 : i32
      %add3A_711 = arith.addi %mul3A_709, %add3A_710 : i32
      %dma_start3A_712 = arith.constant 0 : i32
      %dma_start3A_713 = tpu.memref_slice %arg6[%add3A_711, %dma_start3A_712] : memref<256x64xf32, #tpu.memory_space<vmem>> -> memref<1x64xf32, #tpu.memory_space<vmem>>
      %dma_start3A_714 = tpu.memref_squeeze %dma_start3A_713 : memref<1x64xf32, #tpu.memory_space<vmem>> -> memref<64xf32, #tpu.memory_space<vmem>>
      %dma_start3A_715 = arith.constant 0 : i32
      %dma_start3A_716 = tpu.memref_slice %arg3[%add3A_4, %squeeze3A_707, %dma_start3A_715] : memref<64x8192x64xf32, #tpu.memory_space<hbm>> -> memref<1x1x64xf32, #tpu.memory_space<hbm>>
      %dma_start3A_717 = tpu.memref_squeeze %dma_start3A_716 : memref<1x1x64xf32, #tpu.memory_space<hbm>> -> memref<64xf32, #tpu.memory_space<hbm>>
      %dma_start3A_718 = arith.constant 0 : i32
      %dma_start3A_719 = tpu.memref_slice %arg6[%add3A_711, %dma_start3A_718] : memref<256x64xf32, #tpu.memory_space<vmem>> -> memref<1x64xf32, #tpu.memory_space<vmem>>
      %dma_start3A_720 = tpu.memref_squeeze %dma_start3A_719 : memref<1x64xf32, #tpu.memory_space<vmem>> -> memref<64xf32, #tpu.memory_space<vmem>>
      %dma_start3A_721 = arith.constant 0 : i32
      %dma_start3A_722 = tpu.memref_slice %arg3[%add3A_4, %squeeze3A_707, %dma_start3A_721] : memref<64x8192x64xf32, #tpu.memory_space<hbm>> -> memref<1x1x64xf32, #tpu.memory_space<hbm>>
      %dma_start3A_723 = tpu.memref_squeeze %dma_start3A_722 : memref<1x1x64xf32, #tpu.memory_space<hbm>> -> memref<64xf32, #tpu.memory_space<hbm>>
      tpu.enqueue_dma source(%dma_start3A_723 : memref<64xf32, #tpu.memory_space<hbm>>) target(%dma_start3A_720 : memref<64xf32, #tpu.memory_space<vmem>>) target_semaphore(%arg10 : memref<!tpu.dma_semaphore, #tpu.memory_space<semaphore_mem>>)
      %slice3A_724 = vector.extract_strided_slice %get3A_510 {offsets = [12], sizes = [1], strides = [1]} : vector<16xi32> to vector<1xi32>
      %squeeze3A_725 = vector.extract %slice3A_724[0] : i32 from vector<1xi32>
      %mul3A_726 = arith.constant 16 : i32
      %mul3A_727 = arith.muli %scan3A_504, %mul3A_726 : i32
      %add3A_728 = arith.constant 12 : i32
      %add3A_729 = arith.addi %mul3A_727, %add3A_728 : i32
      %dma_start3A_730 = arith.constant 0 : i32
      %dma_start3A_731 = tpu.memref_slice %arg6[%add3A_729, %dma_start3A_730] : memref<256x64xf32, #tpu.memory_space<vmem>> -> memref<1x64xf32, #tpu.memory_space<vmem>>
      %dma_start3A_732 = tpu.memref_squeeze %dma_start3A_731 : memref<1x64xf32, #tpu.memory_space<vmem>> -> memref<64xf32, #tpu.memory_space<vmem>>
      %dma_start3A_733 = arith.constant 0 : i32
      %dma_start3A_734 = tpu.memref_slice %arg3[%add3A_4, %squeeze3A_725, %dma_start3A_733] : memref<64x8192x64xf32, #tpu.memory_space<hbm>> -> memref<1x1x64xf32, #tpu.memory_space<hbm>>
      %dma_start3A_735 = tpu.memref_squeeze %dma_start3A_734 : memref<1x1x64xf32, #tpu.memory_space<hbm>> -> memref<64xf32, #tpu.memory_space<hbm>>
      %dma_start3A_736 = arith.constant 0 : i32
      %dma_start3A_737 = tpu.memref_slice %arg6[%add3A_729, %dma_start3A_736] : memref<256x64xf32, #tpu.memory_space<vmem>> -> memref<1x64xf32, #tpu.memory_space<vmem>>
      %dma_start3A_738 = tpu.memref_squeeze %dma_start3A_737 : memref<1x64xf32, #tpu.memory_space<vmem>> -> memref<64xf32, #tpu.memory_space<vmem>>
      %dma_start3A_739 = arith.constant 0 : i32
      %dma_start3A_740 = tpu.memref_slice %arg3[%add3A_4, %squeeze3A_725, %dma_start3A_739] : memref<64x8192x64xf32, #tpu.memory_space<hbm>> -> memref<1x1x64xf32, #tpu.memory_space<hbm>>
      %dma_start3A_741 = tpu.memref_squeeze %dma_start3A_740 : memref<1x1x64xf32, #tpu.memory_space<hbm>> -> memref<64xf32, #tpu.memory_space<hbm>>
      tpu.enqueue_dma source(%dma_start3A_741 : memref<64xf32, #tpu.memory_space<hbm>>) target(%dma_start3A_738 : memref<64xf32, #tpu.memory_space<vmem>>) target_semaphore(%arg7 : memref<!tpu.dma_semaphore, #tpu.memory_space<semaphore_mem>>)
      %slice3A_742 = vector.extract_strided_slice %get3A_510 {offsets = [13], sizes = [1], strides = [1]} : vector<16xi32> to vector<1xi32>
      %squeeze3A_743 = vector.extract %slice3A_742[0] : i32 from vector<1xi32>
      %mul3A_744 = arith.constant 16 : i32
      %mul3A_745 = arith.muli %scan3A_504, %mul3A_744 : i32
      %add3A_746 = arith.constant 13 : i32
      %add3A_747 = arith.addi %mul3A_745, %add3A_746 : i32
      %dma_start3A_748 = arith.constant 0 : i32
      %dma_start3A_749 = tpu.memref_slice %arg6[%add3A_747, %dma_start3A_748] : memref<256x64xf32, #tpu.memory_space<vmem>> -> memref<1x64xf32, #tpu.memory_space<vmem>>
      %dma_start3A_750 = tpu.memref_squeeze %dma_start3A_749 : memref<1x64xf32, #tpu.memory_space<vmem>> -> memref<64xf32, #tpu.memory_space<vmem>>
      %dma_start3A_751 = arith.constant 0 : i32
      %dma_start3A_752 = tpu.memref_slice %arg3[%add3A_4, %squeeze3A_743, %dma_start3A_751] : memref<64x8192x64xf32, #tpu.memory_space<hbm>> -> memref<1x1x64xf32, #tpu.memory_space<hbm>>
      %dma_start3A_753 = tpu.memref_squeeze %dma_start3A_752 : memref<1x1x64xf32, #tpu.memory_space<hbm>> -> memref<64xf32, #tpu.memory_space<hbm>>
      %dma_start3A_754 = arith.constant 0 : i32
      %dma_start3A_755 = tpu.memref_slice %arg6[%add3A_747, %dma_start3A_754] : memref<256x64xf32, #tpu.memory_space<vmem>> -> memref<1x64xf32, #tpu.memory_space<vmem>>
      %dma_start3A_756 = tpu.memref_squeeze %dma_start3A_755 : memref<1x64xf32, #tpu.memory_space<vmem>> -> memref<64xf32, #tpu.memory_space<vmem>>
      %dma_start3A_757 = arith.constant 0 : i32
      %dma_start3A_758 = tpu.memref_slice %arg3[%add3A_4, %squeeze3A_743, %dma_start3A_757] : memref<64x8192x64xf32, #tpu.memory_space<hbm>> -> memref<1x1x64xf32, #tpu.memory_space<hbm>>
      %dma_start3A_759 = tpu.memref_squeeze %dma_start3A_758 : memref<1x1x64xf32, #tpu.memory_space<hbm>> -> memref<64xf32, #tpu.memory_space<hbm>>
      tpu.enqueue_dma source(%dma_start3A_759 : memref<64xf32, #tpu.memory_space<hbm>>) target(%dma_start3A_756 : memref<64xf32, #tpu.memory_space<vmem>>) target_semaphore(%arg8 : memref<!tpu.dma_semaphore, #tpu.memory_space<semaphore_mem>>)
      %slice3A_760 = vector.extract_strided_slice %get3A_510 {offsets = [14], sizes = [1], strides = [1]} : vector<16xi32> to vector<1xi32>
      %squeeze3A_761 = vector.extract %slice3A_760[0] : i32 from vector<1xi32>
      %mul3A_762 = arith.constant 16 : i32
      %mul3A_763 = arith.muli %scan3A_504, %mul3A_762 : i32
      %add3A_764 = arith.constant 14 : i32
      %add3A_765 = arith.addi %mul3A_763, %add3A_764 : i32
      %dma_start3A_766 = arith.constant 0 : i32
      %dma_start3A_767 = tpu.memref_slice %arg6[%add3A_765, %dma_start3A_766] : memref<256x64xf32, #tpu.memory_space<vmem>> -> memref<1x64xf32, #tpu.memory_space<vmem>>
      %dma_start3A_768 = tpu.memref_squeeze %dma_start3A_767 : memref<1x64xf32, #tpu.memory_space<vmem>> -> memref<64xf32, #tpu.memory_space<vmem>>
      %dma_start3A_769 = arith.constant 0 : i32
      %dma_start3A_770 = tpu.memref_slice %arg3[%add3A_4, %squeeze3A_761, %dma_start3A_769] : memref<64x8192x64xf32, #tpu.memory_space<hbm>> -> memref<1x1x64xf32, #tpu.memory_space<hbm>>
      %dma_start3A_771 = tpu.memref_squeeze %dma_start3A_770 : memref<1x1x64xf32, #tpu.memory_space<hbm>> -> memref<64xf32, #tpu.memory_space<hbm>>
      %dma_start3A_772 = arith.constant 0 : i32
      %dma_start3A_773 = tpu.memref_slice %arg6[%add3A_765, %dma_start3A_772] : memref<256x64xf32, #tpu.memory_space<vmem>> -> memref<1x64xf32, #tpu.memory_space<vmem>>
      %dma_start3A_774 = tpu.memref_squeeze %dma_start3A_773 : memref<1x64xf32, #tpu.memory_space<vmem>> -> memref<64xf32, #tpu.memory_space<vmem>>
      %dma_start3A_775 = arith.constant 0 : i32
      %dma_start3A_776 = tpu.memref_slice %arg3[%add3A_4, %squeeze3A_761, %dma_start3A_775] : memref<64x8192x64xf32, #tpu.memory_space<hbm>> -> memref<1x1x64xf32, #tpu.memory_space<hbm>>
      %dma_start3A_777 = tpu.memref_squeeze %dma_start3A_776 : memref<1x1x64xf32, #tpu.memory_space<hbm>> -> memref<64xf32, #tpu.memory_space<hbm>>
      tpu.enqueue_dma source(%dma_start3A_777 : memref<64xf32, #tpu.memory_space<hbm>>) target(%dma_start3A_774 : memref<64xf32, #tpu.memory_space<vmem>>) target_semaphore(%arg9 : memref<!tpu.dma_semaphore, #tpu.memory_space<semaphore_mem>>)
      %slice3A_778 = vector.extract_strided_slice %get3A_510 {offsets = [15], sizes = [1], strides = [1]} : vector<16xi32> to vector<1xi32>
      %squeeze3A_779 = vector.extract %slice3A_778[0] : i32 from vector<1xi32>
      %mul3A_780 = arith.constant 16 : i32
      %mul3A_781 = arith.muli %scan3A_504, %mul3A_780 : i32
      %add3A_782 = arith.constant 15 : i32
      %add3A_783 = arith.addi %mul3A_781, %add3A_782 : i32
      %dma_start3A_784 = arith.constant 0 : i32
      %dma_start3A_785 = tpu.memref_slice %arg6[%add3A_783, %dma_start3A_784] : memref<256x64xf32, #tpu.memory_space<vmem>> -> memref<1x64xf32, #tpu.memory_space<vmem>>
      %dma_start3A_786 = tpu.memref_squeeze %dma_start3A_785 : memref<1x64xf32, #tpu.memory_space<vmem>> -> memref<64xf32, #tpu.memory_space<vmem>>
      %dma_start3A_787 = arith.constant 0 : i32
      %dma_start3A_788 = tpu.memref_slice %arg3[%add3A_4, %squeeze3A_779, %dma_start3A_787] : memref<64x8192x64xf32, #tpu.memory_space<hbm>> -> memref<1x1x64xf32, #tpu.memory_space<hbm>>
      %dma_start3A_789 = tpu.memref_squeeze %dma_start3A_788 : memref<1x1x64xf32, #tpu.memory_space<hbm>> -> memref<64xf32, #tpu.memory_space<hbm>>
      %dma_start3A_790 = arith.constant 0 : i32
      %dma_start3A_791 = tpu.memref_slice %arg6[%add3A_783, %dma_start3A_790] : memref<256x64xf32, #tpu.memory_space<vmem>> -> memref<1x64xf32, #tpu.memory_space<vmem>>
      %dma_start3A_792 = tpu.memref_squeeze %dma_start3A_791 : memref<1x64xf32, #tpu.memory_space<vmem>> -> memref<64xf32, #tpu.memory_space<vmem>>
      %dma_start3A_793 = arith.constant 0 : i32
      %dma_start3A_794 = tpu.memref_slice %arg3[%add3A_4, %squeeze3A_779, %dma_start3A_793] : memref<64x8192x64xf32, #tpu.memory_space<hbm>> -> memref<1x1x64xf32, #tpu.memory_space<hbm>>
      %dma_start3A_795 = tpu.memref_squeeze %dma_start3A_794 : memref<1x1x64xf32, #tpu.memory_space<hbm>> -> memref<64xf32, #tpu.memory_space<hbm>>
      tpu.enqueue_dma source(%dma_start3A_795 : memref<64xf32, #tpu.memory_space<hbm>>) target(%dma_start3A_792 : memref<64xf32, #tpu.memory_space<vmem>>) target_semaphore(%arg10 : memref<!tpu.dma_semaphore, #tpu.memory_space<semaphore_mem>>)
    }
    %scan3A_194 = arith.constant 16 : i32
    %dma_wait3A_195 = arith.constant 0 : i32
    %dma_wait3A_196 = arith.constant 0 : i32
    %dma_wait3A_197 = tpu.memref_slice %arg6[%dma_wait3A_195, %dma_wait3A_196] : memref<256x64xf32, #tpu.memory_space<vmem>> -> memref<64x64xf32, #tpu.memory_space<vmem>>
    %dma_wait3A_198 = arith.constant 0 : i32
    %dma_wait3A_199 = arith.constant 0 : i32
    %dma_wait3A_200 = tpu.memref_slice %arg3[%add3A_4, %dma_wait3A_198, %dma_wait3A_199] : memref<64x8192x64xf32, #tpu.memory_space<hbm>> -> memref<1x64x64xf32, #tpu.memory_space<hbm>>
    %dma_wait3A_201 = tpu.memref_squeeze %dma_wait3A_200 : memref<1x64x64xf32, #tpu.memory_space<hbm>> -> memref<64x64xf32, #tpu.memory_space<hbm>>
    %dma_wait3A_202 = arith.constant 0 : i32
    %dma_wait3A_203 = arith.constant 0 : i32
    %dma_wait3A_204 = tpu.memref_slice %arg6[%dma_wait3A_202, %dma_wait3A_203] : memref<256x64xf32, #tpu.memory_space<vmem>> -> memref<64x64xf32, #tpu.memory_space<vmem>>
    %dma_wait3A_205 = arith.constant 0 : i32
    %dma_wait3A_206 = arith.constant 0 : i32
    %dma_wait3A_207 = tpu.memref_slice %arg3[%add3A_4, %dma_wait3A_205, %dma_wait3A_206] : memref<64x8192x64xf32, #tpu.memory_space<hbm>> -> memref<1x64x64xf32, #tpu.memory_space<hbm>>
    %dma_wait3A_208 = tpu.memref_squeeze %dma_wait3A_207 : memref<1x64x64xf32, #tpu.memory_space<hbm>> -> memref<64x64xf32, #tpu.memory_space<hbm>>
    tpu.wait_dma2 semaphore(%arg7 : memref<!tpu.dma_semaphore, #tpu.memory_space<semaphore_mem>>) src(%dma_wait3A_208 : memref<64x64xf32, #tpu.memory_space<hbm>>) dst(%dma_wait3A_204 : memref<64x64xf32, #tpu.memory_space<vmem>>)
    %dma_wait3A_209 = arith.constant 64 : i32
    %dma_wait3A_210 = arith.constant 0 : i32
    %dma_wait3A_211 = tpu.memref_slice %arg6[%dma_wait3A_209, %dma_wait3A_210] : memref<256x64xf32, #tpu.memory_space<vmem>> -> memref<64x64xf32, #tpu.memory_space<vmem>>
    %dma_wait3A_212 = arith.constant 0 : i32
    %dma_wait3A_213 = arith.constant 0 : i32
    %dma_wait3A_214 = tpu.memref_slice %arg3[%add3A_4, %dma_wait3A_212, %dma_wait3A_213] : memref<64x8192x64xf32, #tpu.memory_space<hbm>> -> memref<1x64x64xf32, #tpu.memory_space<hbm>>
    %dma_wait3A_215 = tpu.memref_squeeze %dma_wait3A_214 : memref<1x64x64xf32, #tpu.memory_space<hbm>> -> memref<64x64xf32, #tpu.memory_space<hbm>>
    %dma_wait3A_216 = arith.constant 64 : i32
    %dma_wait3A_217 = arith.constant 0 : i32
    %dma_wait3A_218 = tpu.memref_slice %arg6[%dma_wait3A_216, %dma_wait3A_217] : memref<256x64xf32, #tpu.memory_space<vmem>> -> memref<64x64xf32, #tpu.memory_space<vmem>>
    %dma_wait3A_219 = arith.constant 0 : i32
    %dma_wait3A_220 = arith.constant 0 : i32
    %dma_wait3A_221 = tpu.memref_slice %arg3[%add3A_4, %dma_wait3A_219, %dma_wait3A_220] : memref<64x8192x64xf32, #tpu.memory_space<hbm>> -> memref<1x64x64xf32, #tpu.memory_space<hbm>>
    %dma_wait3A_222 = tpu.memref_squeeze %dma_wait3A_221 : memref<1x64x64xf32, #tpu.memory_space<hbm>> -> memref<64x64xf32, #tpu.memory_space<hbm>>
    tpu.wait_dma2 semaphore(%arg8 : memref<!tpu.dma_semaphore, #tpu.memory_space<semaphore_mem>>) src(%dma_wait3A_222 : memref<64x64xf32, #tpu.memory_space<hbm>>) dst(%dma_wait3A_218 : memref<64x64xf32, #tpu.memory_space<vmem>>)
    %dma_wait3A_223 = arith.constant 128 : i32
    %dma_wait3A_224 = arith.constant 0 : i32
    %dma_wait3A_225 = tpu.memref_slice %arg6[%dma_wait3A_223, %dma_wait3A_224] : memref<256x64xf32, #tpu.memory_space<vmem>> -> memref<64x64xf32, #tpu.memory_space<vmem>>
    %dma_wait3A_226 = arith.constant 0 : i32
    %dma_wait3A_227 = arith.constant 0 : i32
    %dma_wait3A_228 = tpu.memref_slice %arg3[%add3A_4, %dma_wait3A_226, %dma_wait3A_227] : memref<64x8192x64xf32, #tpu.memory_space<hbm>> -> memref<1x64x64xf32, #tpu.memory_space<hbm>>
    %dma_wait3A_229 = tpu.memref_squeeze %dma_wait3A_228 : memref<1x64x64xf32, #tpu.memory_space<hbm>> -> memref<64x64xf32, #tpu.memory_space<hbm>>
    %dma_wait3A_230 = arith.constant 128 : i32
    %dma_wait3A_231 = arith.constant 0 : i32
    %dma_wait3A_232 = tpu.memref_slice %arg6[%dma_wait3A_230, %dma_wait3A_231] : memref<256x64xf32, #tpu.memory_space<vmem>> -> memref<64x64xf32, #tpu.memory_space<vmem>>
    %dma_wait3A_233 = arith.constant 0 : i32
    %dma_wait3A_234 = arith.constant 0 : i32
    %dma_wait3A_235 = tpu.memref_slice %arg3[%add3A_4, %dma_wait3A_233, %dma_wait3A_234] : memref<64x8192x64xf32, #tpu.memory_space<hbm>> -> memref<1x64x64xf32, #tpu.memory_space<hbm>>
    %dma_wait3A_236 = tpu.memref_squeeze %dma_wait3A_235 : memref<1x64x64xf32, #tpu.memory_space<hbm>> -> memref<64x64xf32, #tpu.memory_space<hbm>>
    tpu.wait_dma2 semaphore(%arg9 : memref<!tpu.dma_semaphore, #tpu.memory_space<semaphore_mem>>) src(%dma_wait3A_236 : memref<64x64xf32, #tpu.memory_space<hbm>>) dst(%dma_wait3A_232 : memref<64x64xf32, #tpu.memory_space<vmem>>)
    %dma_wait3A_237 = arith.constant 192 : i32
    %dma_wait3A_238 = arith.constant 0 : i32
    %dma_wait3A_239 = tpu.memref_slice %arg6[%dma_wait3A_237, %dma_wait3A_238] : memref<256x64xf32, #tpu.memory_space<vmem>> -> memref<64x64xf32, #tpu.memory_space<vmem>>
    %dma_wait3A_240 = arith.constant 0 : i32
    %dma_wait3A_241 = arith.constant 0 : i32
    %dma_wait3A_242 = tpu.memref_slice %arg3[%add3A_4, %dma_wait3A_240, %dma_wait3A_241] : memref<64x8192x64xf32, #tpu.memory_space<hbm>> -> memref<1x64x64xf32, #tpu.memory_space<hbm>>
    %dma_wait3A_243 = tpu.memref_squeeze %dma_wait3A_242 : memref<1x64x64xf32, #tpu.memory_space<hbm>> -> memref<64x64xf32, #tpu.memory_space<hbm>>
    %dma_wait3A_244 = arith.constant 192 : i32
    %dma_wait3A_245 = arith.constant 0 : i32
    %dma_wait3A_246 = tpu.memref_slice %arg6[%dma_wait3A_244, %dma_wait3A_245] : memref<256x64xf32, #tpu.memory_space<vmem>> -> memref<64x64xf32, #tpu.memory_space<vmem>>
    %dma_wait3A_247 = arith.constant 0 : i32
    %dma_wait3A_248 = arith.constant 0 : i32
    %dma_wait3A_249 = tpu.memref_slice %arg3[%add3A_4, %dma_wait3A_247, %dma_wait3A_248] : memref<64x8192x64xf32, #tpu.memory_space<hbm>> -> memref<1x64x64xf32, #tpu.memory_space<hbm>>
    %dma_wait3A_250 = tpu.memref_squeeze %dma_wait3A_249 : memref<1x64x64xf32, #tpu.memory_space<hbm>> -> memref<64x64xf32, #tpu.memory_space<hbm>>
    tpu.wait_dma2 semaphore(%arg10 : memref<!tpu.dma_semaphore, #tpu.memory_space<semaphore_mem>>) src(%dma_wait3A_250 : memref<64x64xf32, #tpu.memory_space<hbm>>) dst(%dma_wait3A_246 : memref<64x64xf32, #tpu.memory_space<vmem>>)
    "tpu.region"() ({
      %run_scoped3A_504 = tpu.sem_alloc : memref<!tpu.dma_semaphore, #tpu.memory_space<semaphore_mem>>
      %dma_start3A = arith.constant 768 : i32
      %dma_start3A_505 = arith.constant 0 : i32
      %dma_start3A_506 = tpu.memref_slice %arg4[%add3A_4, %dma_start3A, %dma_start3A_505] : memref<64x1024x64xf32, #tpu.memory_space<hbm>> -> memref<1x256x64xf32, #tpu.memory_space<hbm>>
      %dma_start3A_507 = tpu.memref_squeeze %dma_start3A_506 : memref<1x256x64xf32, #tpu.memory_space<hbm>> -> memref<256x64xf32, #tpu.memory_space<hbm>>
      %dma_start3A_508 = arith.constant 768 : i32
      %dma_start3A_509 = arith.constant 0 : i32
      %dma_start3A_510 = tpu.memref_slice %arg4[%add3A_4, %dma_start3A_508, %dma_start3A_509] : memref<64x1024x64xf32, #tpu.memory_space<hbm>> -> memref<1x256x64xf32, #tpu.memory_space<hbm>>
      %dma_start3A_511 = tpu.memref_squeeze %dma_start3A_510 : memref<1x256x64xf32, #tpu.memory_space<hbm>> -> memref<256x64xf32, #tpu.memory_space<hbm>>
      tpu.enqueue_dma source(%arg6 : memref<256x64xf32, #tpu.memory_space<vmem>>) target(%dma_start3A_511 : memref<256x64xf32, #tpu.memory_space<hbm>>) target_semaphore(%run_scoped3A_504 : memref<!tpu.dma_semaphore, #tpu.memory_space<semaphore_mem>>)
      %dma_wait3A_512 = arith.constant 768 : i32
      %dma_wait3A_513 = arith.constant 0 : i32
      %dma_wait3A_514 = tpu.memref_slice %arg4[%add3A_4, %dma_wait3A_512, %dma_wait3A_513] : memref<64x1024x64xf32, #tpu.memory_space<hbm>> -> memref<1x256x64xf32, #tpu.memory_space<hbm>>
      %dma_wait3A_515 = tpu.memref_squeeze %dma_wait3A_514 : memref<1x256x64xf32, #tpu.memory_space<hbm>> -> memref<256x64xf32, #tpu.memory_space<hbm>>
      %dma_wait3A_516 = arith.constant 768 : i32
      %dma_wait3A_517 = arith.constant 0 : i32
      %dma_wait3A_518 = tpu.memref_slice %arg4[%add3A_4, %dma_wait3A_516, %dma_wait3A_517] : memref<64x1024x64xf32, #tpu.memory_space<hbm>> -> memref<1x256x64xf32, #tpu.memory_space<hbm>>
      %dma_wait3A_519 = tpu.memref_squeeze %dma_wait3A_518 : memref<1x256x64xf32, #tpu.memory_space<hbm>> -> memref<256x64xf32, #tpu.memory_space<hbm>>
      tpu.wait_dma2 semaphore(%run_scoped3A_504 : memref<!tpu.dma_semaphore, #tpu.memory_space<semaphore_mem>>) src(%arg6 : memref<256x64xf32, #tpu.memory_space<vmem>>) dst(%dma_wait3A_519 : memref<256x64xf32, #tpu.memory_space<hbm>>)
      tpu.yield
    }) : () -> ()
    %mul3A_251 = arith.constant 2 : i32
    %mul3A_252 = arith.muli %add3A, %mul3A_251 : i32
    %add3A_253 = arith.constant 1 : i32
    %add3A_254 = arith.addi %mul3A_252, %add3A_253 : i32
    %run_scoped3A_255 = arith.constant 1 : i32
    "tpu.region"() ({
      %run_scoped3A_504 = tpu.sem_alloc : memref<!tpu.dma_semaphore, #tpu.memory_space<semaphore_mem>>
      %dma_start3A = arith.constant 0 : i32
      %dma_start3A_505 = tpu.memref_slice %arg2[%add3A, %run_scoped3A_255, %dma_start3A] : memref<32x2x1024xi32, #tpu.memory_space<hbm>> -> memref<1x1x1024xi32, #tpu.memory_space<hbm>>
      %dma_start3A_506 = tpu.memref_squeeze %dma_start3A_505 : memref<1x1x1024xi32, #tpu.memory_space<hbm>> -> memref<1024xi32, #tpu.memory_space<hbm>>
      %dma_start3A_507 = arith.constant 0 : i32
      %dma_start3A_508 = tpu.memref_slice %arg2[%add3A, %run_scoped3A_255, %dma_start3A_507] : memref<32x2x1024xi32, #tpu.memory_space<hbm>> -> memref<1x1x1024xi32, #tpu.memory_space<hbm>>
      %dma_start3A_509 = tpu.memref_squeeze %dma_start3A_508 : memref<1x1x1024xi32, #tpu.memory_space<hbm>> -> memref<1024xi32, #tpu.memory_space<hbm>>
      tpu.enqueue_dma source(%dma_start3A_509 : memref<1024xi32, #tpu.memory_space<hbm>>) target(%arg5 : memref<1024xi32, #tpu.memory_space<vmem>>) target_semaphore(%run_scoped3A_504 : memref<!tpu.dma_semaphore, #tpu.memory_space<semaphore_mem>>)
      %dma_wait3A_510 = arith.constant 0 : i32
      %dma_wait3A_511 = tpu.memref_slice %arg2[%add3A, %run_scoped3A_255, %dma_wait3A_510] : memref<32x2x1024xi32, #tpu.memory_space<hbm>> -> memref<1x1x1024xi32, #tpu.memory_space<hbm>>
      %dma_wait3A_512 = tpu.memref_squeeze %dma_wait3A_511 : memref<1x1x1024xi32, #tpu.memory_space<hbm>> -> memref<1024xi32, #tpu.memory_space<hbm>>
      %dma_wait3A_513 = arith.constant 0 : i32
      %dma_wait3A_514 = tpu.memref_slice %arg2[%add3A, %run_scoped3A_255, %dma_wait3A_513] : memref<32x2x1024xi32, #tpu.memory_space<hbm>> -> memref<1x1x1024xi32, #tpu.memory_space<hbm>>
      %dma_wait3A_515 = tpu.memref_squeeze %dma_wait3A_514 : memref<1x1x1024xi32, #tpu.memory_space<hbm>> -> memref<1024xi32, #tpu.memory_space<hbm>>
      tpu.wait_dma2 semaphore(%run_scoped3A_504 : memref<!tpu.dma_semaphore, #tpu.memory_space<semaphore_mem>>) src(%dma_wait3A_515 : memref<1024xi32, #tpu.memory_space<hbm>>) dst(%arg5 : memref<1024xi32, #tpu.memory_space<vmem>>)
      tpu.yield
    }) : () -> ()
    %scan3A_256 = arith.constant 0 : i32
    %scan3A_257 = arith.constant 0 : i32
    %scan3A_258 = arith.constant 16 : i32
    %scan3A_259 = arith.addi %scan3A_257, %scan3A_258 : i32
    %scan3A_260 = arith.constant 1 : i32
    scf.for %scan3A_504 = %scan3A_257 to %scan3A_259 step %scan3A_260  : i32 {
      %mul3A_505 = arith.constant 16 : i32
      %mul3A_506 = arith.muli %scan3A_504, %mul3A_505 : i32
      %add3A_507 = arith.constant 0 : i32
      %add3A_508 = arith.addi %add3A_507, %mul3A_506 : i32
      %get3A = arith.index_cast %add3A_508 : i32 to index
      %get3A_509 = tpu.vector_load %arg5[%get3A] {strides = array<i32>} : memref<1024xi32, #tpu.memory_space<vmem>>, vector<16xi32>,
      %get3A_510 = vector.shape_cast %get3A_509 : vector<16xi32> to vector<16xi32>
      %slice3A = vector.extract_strided_slice %get3A_510 {offsets = [0], sizes = [1], strides = [1]} : vector<16xi32> to vector<1xi32>
      %squeeze3A = vector.extract %slice3A[0] : i32 from vector<1xi32>
      %mul3A_511 = arith.constant 16 : i32
      %mul3A_512 = arith.muli %scan3A_504, %mul3A_511 : i32
      %add3A_513 = arith.constant 0 : i32
      %add3A_514 = arith.addi %mul3A_512, %add3A_513 : i32
      %dma_start3A = arith.constant 0 : i32
      %dma_start3A_515 = tpu.memref_slice %arg6[%add3A_514, %dma_start3A] : memref<256x64xf32, #tpu.memory_space<vmem>> -> memref<1x64xf32, #tpu.memory_space<vmem>>
      %dma_start3A_516 = tpu.memref_squeeze %dma_start3A_515 : memref<1x64xf32, #tpu.memory_space<vmem>> -> memref<64xf32, #tpu.memory_space<vmem>>
      %dma_start3A_517 = arith.constant 0 : i32
      %dma_start3A_518 = tpu.memref_slice %arg3[%add3A_254, %squeeze3A, %dma_start3A_517] : memref<64x8192x64xf32, #tpu.memory_space<hbm>> -> memref<1x1x64xf32, #tpu.memory_space<hbm>>
      %dma_start3A_519 = tpu.memref_squeeze %dma_start3A_518 : memref<1x1x64xf32, #tpu.memory_space<hbm>> -> memref<64xf32, #tpu.memory_space<hbm>>
      %dma_start3A_520 = arith.constant 0 : i32
      %dma_start3A_521 = tpu.memref_slice %arg6[%add3A_514, %dma_start3A_520] : memref<256x64xf32, #tpu.memory_space<vmem>> -> memref<1x64xf32, #tpu.memory_space<vmem>>
      %dma_start3A_522 = tpu.memref_squeeze %dma_start3A_521 : memref<1x64xf32, #tpu.memory_space<vmem>> -> memref<64xf32, #tpu.memory_space<vmem>>
      %dma_start3A_523 = arith.constant 0 : i32
      %dma_start3A_524 = tpu.memref_slice %arg3[%add3A_254, %squeeze3A, %dma_start3A_523] : memref<64x8192x64xf32, #tpu.memory_space<hbm>> -> memref<1x1x64xf32, #tpu.memory_space<hbm>>
      %dma_start3A_525 = tpu.memref_squeeze %dma_start3A_524 : memref<1x1x64xf32, #tpu.memory_space<hbm>> -> memref<64xf32, #tpu.memory_space<hbm>>
      tpu.enqueue_dma source(%dma_start3A_525 : memref<64xf32, #tpu.memory_space<hbm>>) target(%dma_start3A_522 : memref<64xf32, #tpu.memory_space<vmem>>) target_semaphore(%arg7 : memref<!tpu.dma_semaphore, #tpu.memory_space<semaphore_mem>>)
      %slice3A_526 = vector.extract_strided_slice %get3A_510 {offsets = [1], sizes = [1], strides = [1]} : vector<16xi32> to vector<1xi32>
      %squeeze3A_527 = vector.extract %slice3A_526[0] : i32 from vector<1xi32>
      %mul3A_528 = arith.constant 16 : i32
      %mul3A_529 = arith.muli %scan3A_504, %mul3A_528 : i32
      %add3A_530 = arith.constant 1 : i32
      %add3A_531 = arith.addi %mul3A_529, %add3A_530 : i32
      %dma_start3A_532 = arith.constant 0 : i32
      %dma_start3A_533 = tpu.memref_slice %arg6[%add3A_531, %dma_start3A_532] : memref<256x64xf32, #tpu.memory_space<vmem>> -> memref<1x64xf32, #tpu.memory_space<vmem>>
      %dma_start3A_534 = tpu.memref_squeeze %dma_start3A_533 : memref<1x64xf32, #tpu.memory_space<vmem>> -> memref<64xf32, #tpu.memory_space<vmem>>
      %dma_start3A_535 = arith.constant 0 : i32
      %dma_start3A_536 = tpu.memref_slice %arg3[%add3A_254, %squeeze3A_527, %dma_start3A_535] : memref<64x8192x64xf32, #tpu.memory_space<hbm>> -> memref<1x1x64xf32, #tpu.memory_space<hbm>>
      %dma_start3A_537 = tpu.memref_squeeze %dma_start3A_536 : memref<1x1x64xf32, #tpu.memory_space<hbm>> -> memref<64xf32, #tpu.memory_space<hbm>>
      %dma_start3A_538 = arith.constant 0 : i32
      %dma_start3A_539 = tpu.memref_slice %arg6[%add3A_531, %dma_start3A_538] : memref<256x64xf32, #tpu.memory_space<vmem>> -> memref<1x64xf32, #tpu.memory_space<vmem>>
      %dma_start3A_540 = tpu.memref_squeeze %dma_start3A_539 : memref<1x64xf32, #tpu.memory_space<vmem>> -> memref<64xf32, #tpu.memory_space<vmem>>
      %dma_start3A_541 = arith.constant 0 : i32
      %dma_start3A_542 = tpu.memref_slice %arg3[%add3A_254, %squeeze3A_527, %dma_start3A_541] : memref<64x8192x64xf32, #tpu.memory_space<hbm>> -> memref<1x1x64xf32, #tpu.memory_space<hbm>>
      %dma_start3A_543 = tpu.memref_squeeze %dma_start3A_542 : memref<1x1x64xf32, #tpu.memory_space<hbm>> -> memref<64xf32, #tpu.memory_space<hbm>>
      tpu.enqueue_dma source(%dma_start3A_543 : memref<64xf32, #tpu.memory_space<hbm>>) target(%dma_start3A_540 : memref<64xf32, #tpu.memory_space<vmem>>) target_semaphore(%arg8 : memref<!tpu.dma_semaphore, #tpu.memory_space<semaphore_mem>>)
      %slice3A_544 = vector.extract_strided_slice %get3A_510 {offsets = [2], sizes = [1], strides = [1]} : vector<16xi32> to vector<1xi32>
      %squeeze3A_545 = vector.extract %slice3A_544[0] : i32 from vector<1xi32>
      %mul3A_546 = arith.constant 16 : i32
      %mul3A_547 = arith.muli %scan3A_504, %mul3A_546 : i32
      %add3A_548 = arith.constant 2 : i32
      %add3A_549 = arith.addi %mul3A_547, %add3A_548 : i32
      %dma_start3A_550 = arith.constant 0 : i32
      %dma_start3A_551 = tpu.memref_slice %arg6[%add3A_549, %dma_start3A_550] : memref<256x64xf32, #tpu.memory_space<vmem>> -> memref<1x64xf32, #tpu.memory_space<vmem>>
      %dma_start3A_552 = tpu.memref_squeeze %dma_start3A_551 : memref<1x64xf32, #tpu.memory_space<vmem>> -> memref<64xf32, #tpu.memory_space<vmem>>
      %dma_start3A_553 = arith.constant 0 : i32
      %dma_start3A_554 = tpu.memref_slice %arg3[%add3A_254, %squeeze3A_545, %dma_start3A_553] : memref<64x8192x64xf32, #tpu.memory_space<hbm>> -> memref<1x1x64xf32, #tpu.memory_space<hbm>>
      %dma_start3A_555 = tpu.memref_squeeze %dma_start3A_554 : memref<1x1x64xf32, #tpu.memory_space<hbm>> -> memref<64xf32, #tpu.memory_space<hbm>>
      %dma_start3A_556 = arith.constant 0 : i32
      %dma_start3A_557 = tpu.memref_slice %arg6[%add3A_549, %dma_start3A_556] : memref<256x64xf32, #tpu.memory_space<vmem>> -> memref<1x64xf32, #tpu.memory_space<vmem>>
      %dma_start3A_558 = tpu.memref_squeeze %dma_start3A_557 : memref<1x64xf32, #tpu.memory_space<vmem>> -> memref<64xf32, #tpu.memory_space<vmem>>
      %dma_start3A_559 = arith.constant 0 : i32
      %dma_start3A_560 = tpu.memref_slice %arg3[%add3A_254, %squeeze3A_545, %dma_start3A_559] : memref<64x8192x64xf32, #tpu.memory_space<hbm>> -> memref<1x1x64xf32, #tpu.memory_space<hbm>>
      %dma_start3A_561 = tpu.memref_squeeze %dma_start3A_560 : memref<1x1x64xf32, #tpu.memory_space<hbm>> -> memref<64xf32, #tpu.memory_space<hbm>>
      tpu.enqueue_dma source(%dma_start3A_561 : memref<64xf32, #tpu.memory_space<hbm>>) target(%dma_start3A_558 : memref<64xf32, #tpu.memory_space<vmem>>) target_semaphore(%arg9 : memref<!tpu.dma_semaphore, #tpu.memory_space<semaphore_mem>>)
      %slice3A_562 = vector.extract_strided_slice %get3A_510 {offsets = [3], sizes = [1], strides = [1]} : vector<16xi32> to vector<1xi32>
      %squeeze3A_563 = vector.extract %slice3A_562[0] : i32 from vector<1xi32>
      %mul3A_564 = arith.constant 16 : i32
      %mul3A_565 = arith.muli %scan3A_504, %mul3A_564 : i32
      %add3A_566 = arith.constant 3 : i32
      %add3A_567 = arith.addi %mul3A_565, %add3A_566 : i32
      %dma_start3A_568 = arith.constant 0 : i32
      %dma_start3A_569 = tpu.memref_slice %arg6[%add3A_567, %dma_start3A_568] : memref<256x64xf32, #tpu.memory_space<vmem>> -> memref<1x64xf32, #tpu.memory_space<vmem>>
      %dma_start3A_570 = tpu.memref_squeeze %dma_start3A_569 : memref<1x64xf32, #tpu.memory_space<vmem>> -> memref<64xf32, #tpu.memory_space<vmem>>
      %dma_start3A_571 = arith.constant 0 : i32
      %dma_start3A_572 = tpu.memref_slice %arg3[%add3A_254, %squeeze3A_563, %dma_start3A_571] : memref<64x8192x64xf32, #tpu.memory_space<hbm>> -> memref<1x1x64xf32, #tpu.memory_space<hbm>>
      %dma_start3A_573 = tpu.memref_squeeze %dma_start3A_572 : memref<1x1x64xf32, #tpu.memory_space<hbm>> -> memref<64xf32, #tpu.memory_space<hbm>>
      %dma_start3A_574 = arith.constant 0 : i32
      %dma_start3A_575 = tpu.memref_slice %arg6[%add3A_567, %dma_start3A_574] : memref<256x64xf32, #tpu.memory_space<vmem>> -> memref<1x64xf32, #tpu.memory_space<vmem>>
      %dma_start3A_576 = tpu.memref_squeeze %dma_start3A_575 : memref<1x64xf32, #tpu.memory_space<vmem>> -> memref<64xf32, #tpu.memory_space<vmem>>
      %dma_start3A_577 = arith.constant 0 : i32
      %dma_start3A_578 = tpu.memref_slice %arg3[%add3A_254, %squeeze3A_563, %dma_start3A_577] : memref<64x8192x64xf32, #tpu.memory_space<hbm>> -> memref<1x1x64xf32, #tpu.memory_space<hbm>>
      %dma_start3A_579 = tpu.memref_squeeze %dma_start3A_578 : memref<1x1x64xf32, #tpu.memory_space<hbm>> -> memref<64xf32, #tpu.memory_space<hbm>>
      tpu.enqueue_dma source(%dma_start3A_579 : memref<64xf32, #tpu.memory_space<hbm>>) target(%dma_start3A_576 : memref<64xf32, #tpu.memory_space<vmem>>) target_semaphore(%arg10 : memref<!tpu.dma_semaphore, #tpu.memory_space<semaphore_mem>>)
      %slice3A_580 = vector.extract_strided_slice %get3A_510 {offsets = [4], sizes = [1], strides = [1]} : vector<16xi32> to vector<1xi32>
      %squeeze3A_581 = vector.extract %slice3A_580[0] : i32 from vector<1xi32>
      %mul3A_582 = arith.constant 16 : i32
      %mul3A_583 = arith.muli %scan3A_504, %mul3A_582 : i32
      %add3A_584 = arith.constant 4 : i32
      %add3A_585 = arith.addi %mul3A_583, %add3A_584 : i32
      %dma_start3A_586 = arith.constant 0 : i32
      %dma_start3A_587 = tpu.memref_slice %arg6[%add3A_585, %dma_start3A_586] : memref<256x64xf32, #tpu.memory_space<vmem>> -> memref<1x64xf32, #tpu.memory_space<vmem>>
      %dma_start3A_588 = tpu.memref_squeeze %dma_start3A_587 : memref<1x64xf32, #tpu.memory_space<vmem>> -> memref<64xf32, #tpu.memory_space<vmem>>
      %dma_start3A_589 = arith.constant 0 : i32
      %dma_start3A_590 = tpu.memref_slice %arg3[%add3A_254, %squeeze3A_581, %dma_start3A_589] : memref<64x8192x64xf32, #tpu.memory_space<hbm>> -> memref<1x1x64xf32, #tpu.memory_space<hbm>>
      %dma_start3A_591 = tpu.memref_squeeze %dma_start3A_590 : memref<1x1x64xf32, #tpu.memory_space<hbm>> -> memref<64xf32, #tpu.memory_space<hbm>>
      %dma_start3A_592 = arith.constant 0 : i32
      %dma_start3A_593 = tpu.memref_slice %arg6[%add3A_585, %dma_start3A_592] : memref<256x64xf32, #tpu.memory_space<vmem>> -> memref<1x64xf32, #tpu.memory_space<vmem>>
      %dma_start3A_594 = tpu.memref_squeeze %dma_start3A_593 : memref<1x64xf32, #tpu.memory_space<vmem>> -> memref<64xf32, #tpu.memory_space<vmem>>
      %dma_start3A_595 = arith.constant 0 : i32
      %dma_start3A_596 = tpu.memref_slice %arg3[%add3A_254, %squeeze3A_581, %dma_start3A_595] : memref<64x8192x64xf32, #tpu.memory_space<hbm>> -> memref<1x1x64xf32, #tpu.memory_space<hbm>>
      %dma_start3A_597 = tpu.memref_squeeze %dma_start3A_596 : memref<1x1x64xf32, #tpu.memory_space<hbm>> -> memref<64xf32, #tpu.memory_space<hbm>>
      tpu.enqueue_dma source(%dma_start3A_597 : memref<64xf32, #tpu.memory_space<hbm>>) target(%dma_start3A_594 : memref<64xf32, #tpu.memory_space<vmem>>) target_semaphore(%arg7 : memref<!tpu.dma_semaphore, #tpu.memory_space<semaphore_mem>>)
      %slice3A_598 = vector.extract_strided_slice %get3A_510 {offsets = [5], sizes = [1], strides = [1]} : vector<16xi32> to vector<1xi32>
      %squeeze3A_599 = vector.extract %slice3A_598[0] : i32 from vector<1xi32>
      %mul3A_600 = arith.constant 16 : i32
      %mul3A_601 = arith.muli %scan3A_504, %mul3A_600 : i32
      %add3A_602 = arith.constant 5 : i32
      %add3A_603 = arith.addi %mul3A_601, %add3A_602 : i32
      %dma_start3A_604 = arith.constant 0 : i32
      %dma_start3A_605 = tpu.memref_slice %arg6[%add3A_603, %dma_start3A_604] : memref<256x64xf32, #tpu.memory_space<vmem>> -> memref<1x64xf32, #tpu.memory_space<vmem>>
      %dma_start3A_606 = tpu.memref_squeeze %dma_start3A_605 : memref<1x64xf32, #tpu.memory_space<vmem>> -> memref<64xf32, #tpu.memory_space<vmem>>
      %dma_start3A_607 = arith.constant 0 : i32
      %dma_start3A_608 = tpu.memref_slice %arg3[%add3A_254, %squeeze3A_599, %dma_start3A_607] : memref<64x8192x64xf32, #tpu.memory_space<hbm>> -> memref<1x1x64xf32, #tpu.memory_space<hbm>>
      %dma_start3A_609 = tpu.memref_squeeze %dma_start3A_608 : memref<1x1x64xf32, #tpu.memory_space<hbm>> -> memref<64xf32, #tpu.memory_space<hbm>>
      %dma_start3A_610 = arith.constant 0 : i32
      %dma_start3A_611 = tpu.memref_slice %arg6[%add3A_603, %dma_start3A_610] : memref<256x64xf32, #tpu.memory_space<vmem>> -> memref<1x64xf32, #tpu.memory_space<vmem>>
      %dma_start3A_612 = tpu.memref_squeeze %dma_start3A_611 : memref<1x64xf32, #tpu.memory_space<vmem>> -> memref<64xf32, #tpu.memory_space<vmem>>
      %dma_start3A_613 = arith.constant 0 : i32
      %dma_start3A_614 = tpu.memref_slice %arg3[%add3A_254, %squeeze3A_599, %dma_start3A_613] : memref<64x8192x64xf32, #tpu.memory_space<hbm>> -> memref<1x1x64xf32, #tpu.memory_space<hbm>>
      %dma_start3A_615 = tpu.memref_squeeze %dma_start3A_614 : memref<1x1x64xf32, #tpu.memory_space<hbm>> -> memref<64xf32, #tpu.memory_space<hbm>>
      tpu.enqueue_dma source(%dma_start3A_615 : memref<64xf32, #tpu.memory_space<hbm>>) target(%dma_start3A_612 : memref<64xf32, #tpu.memory_space<vmem>>) target_semaphore(%arg8 : memref<!tpu.dma_semaphore, #tpu.memory_space<semaphore_mem>>)
      %slice3A_616 = vector.extract_strided_slice %get3A_510 {offsets = [6], sizes = [1], strides = [1]} : vector<16xi32> to vector<1xi32>
      %squeeze3A_617 = vector.extract %slice3A_616[0] : i32 from vector<1xi32>
      %mul3A_618 = arith.constant 16 : i32
      %mul3A_619 = arith.muli %scan3A_504, %mul3A_618 : i32
      %add3A_620 = arith.constant 6 : i32
      %add3A_621 = arith.addi %mul3A_619, %add3A_620 : i32
      %dma_start3A_622 = arith.constant 0 : i32
      %dma_start3A_623 = tpu.memref_slice %arg6[%add3A_621, %dma_start3A_622] : memref<256x64xf32, #tpu.memory_space<vmem>> -> memref<1x64xf32, #tpu.memory_space<vmem>>
      %dma_start3A_624 = tpu.memref_squeeze %dma_start3A_623 : memref<1x64xf32, #tpu.memory_space<vmem>> -> memref<64xf32, #tpu.memory_space<vmem>>
      %dma_start3A_625 = arith.constant 0 : i32
      %dma_start3A_626 = tpu.memref_slice %arg3[%add3A_254, %squeeze3A_617, %dma_start3A_625] : memref<64x8192x64xf32, #tpu.memory_space<hbm>> -> memref<1x1x64xf32, #tpu.memory_space<hbm>>
      %dma_start3A_627 = tpu.memref_squeeze %dma_start3A_626 : memref<1x1x64xf32, #tpu.memory_space<hbm>> -> memref<64xf32, #tpu.memory_space<hbm>>
      %dma_start3A_628 = arith.constant 0 : i32
      %dma_start3A_629 = tpu.memref_slice %arg6[%add3A_621, %dma_start3A_628] : memref<256x64xf32, #tpu.memory_space<vmem>> -> memref<1x64xf32, #tpu.memory_space<vmem>>
      %dma_start3A_630 = tpu.memref_squeeze %dma_start3A_629 : memref<1x64xf32, #tpu.memory_space<vmem>> -> memref<64xf32, #tpu.memory_space<vmem>>
      %dma_start3A_631 = arith.constant 0 : i32
      %dma_start3A_632 = tpu.memref_slice %arg3[%add3A_254, %squeeze3A_617, %dma_start3A_631] : memref<64x8192x64xf32, #tpu.memory_space<hbm>> -> memref<1x1x64xf32, #tpu.memory_space<hbm>>
      %dma_start3A_633 = tpu.memref_squeeze %dma_start3A_632 : memref<1x1x64xf32, #tpu.memory_space<hbm>> -> memref<64xf32, #tpu.memory_space<hbm>>
      tpu.enqueue_dma source(%dma_start3A_633 : memref<64xf32, #tpu.memory_space<hbm>>) target(%dma_start3A_630 : memref<64xf32, #tpu.memory_space<vmem>>) target_semaphore(%arg9 : memref<!tpu.dma_semaphore, #tpu.memory_space<semaphore_mem>>)
      %slice3A_634 = vector.extract_strided_slice %get3A_510 {offsets = [7], sizes = [1], strides = [1]} : vector<16xi32> to vector<1xi32>
      %squeeze3A_635 = vector.extract %slice3A_634[0] : i32 from vector<1xi32>
      %mul3A_636 = arith.constant 16 : i32
      %mul3A_637 = arith.muli %scan3A_504, %mul3A_636 : i32
      %add3A_638 = arith.constant 7 : i32
      %add3A_639 = arith.addi %mul3A_637, %add3A_638 : i32
      %dma_start3A_640 = arith.constant 0 : i32
      %dma_start3A_641 = tpu.memref_slice %arg6[%add3A_639, %dma_start3A_640] : memref<256x64xf32, #tpu.memory_space<vmem>> -> memref<1x64xf32, #tpu.memory_space<vmem>>
      %dma_start3A_642 = tpu.memref_squeeze %dma_start3A_641 : memref<1x64xf32, #tpu.memory_space<vmem>> -> memref<64xf32, #tpu.memory_space<vmem>>
      %dma_start3A_643 = arith.constant 0 : i32
      %dma_start3A_644 = tpu.memref_slice %arg3[%add3A_254, %squeeze3A_635, %dma_start3A_643] : memref<64x8192x64xf32, #tpu.memory_space<hbm>> -> memref<1x1x64xf32, #tpu.memory_space<hbm>>
      %dma_start3A_645 = tpu.memref_squeeze %dma_start3A_644 : memref<1x1x64xf32, #tpu.memory_space<hbm>> -> memref<64xf32, #tpu.memory_space<hbm>>
      %dma_start3A_646 = arith.constant 0 : i32
      %dma_start3A_647 = tpu.memref_slice %arg6[%add3A_639, %dma_start3A_646] : memref<256x64xf32, #tpu.memory_space<vmem>> -> memref<1x64xf32, #tpu.memory_space<vmem>>
      %dma_start3A_648 = tpu.memref_squeeze %dma_start3A_647 : memref<1x64xf32, #tpu.memory_space<vmem>> -> memref<64xf32, #tpu.memory_space<vmem>>
      %dma_start3A_649 = arith.constant 0 : i32
      %dma_start3A_650 = tpu.memref_slice %arg3[%add3A_254, %squeeze3A_635, %dma_start3A_649] : memref<64x8192x64xf32, #tpu.memory_space<hbm>> -> memref<1x1x64xf32, #tpu.memory_space<hbm>>
      %dma_start3A_651 = tpu.memref_squeeze %dma_start3A_650 : memref<1x1x64xf32, #tpu.memory_space<hbm>> -> memref<64xf32, #tpu.memory_space<hbm>>
      tpu.enqueue_dma source(%dma_start3A_651 : memref<64xf32, #tpu.memory_space<hbm>>) target(%dma_start3A_648 : memref<64xf32, #tpu.memory_space<vmem>>) target_semaphore(%arg10 : memref<!tpu.dma_semaphore, #tpu.memory_space<semaphore_mem>>)
      %slice3A_652 = vector.extract_strided_slice %get3A_510 {offsets = [8], sizes = [1], strides = [1]} : vector<16xi32> to vector<1xi32>
      %squeeze3A_653 = vector.extract %slice3A_652[0] : i32 from vector<1xi32>
      %mul3A_654 = arith.constant 16 : i32
      %mul3A_655 = arith.muli %scan3A_504, %mul3A_654 : i32
      %add3A_656 = arith.constant 8 : i32
      %add3A_657 = arith.addi %mul3A_655, %add3A_656 : i32
      %dma_start3A_658 = arith.constant 0 : i32
      %dma_start3A_659 = tpu.memref_slice %arg6[%add3A_657, %dma_start3A_658] : memref<256x64xf32, #tpu.memory_space<vmem>> -> memref<1x64xf32, #tpu.memory_space<vmem>>
      %dma_start3A_660 = tpu.memref_squeeze %dma_start3A_659 : memref<1x64xf32, #tpu.memory_space<vmem>> -> memref<64xf32, #tpu.memory_space<vmem>>
      %dma_start3A_661 = arith.constant 0 : i32
      %dma_start3A_662 = tpu.memref_slice %arg3[%add3A_254, %squeeze3A_653, %dma_start3A_661] : memref<64x8192x64xf32, #tpu.memory_space<hbm>> -> memref<1x1x64xf32, #tpu.memory_space<hbm>>
      %dma_start3A_663 = tpu.memref_squeeze %dma_start3A_662 : memref<1x1x64xf32, #tpu.memory_space<hbm>> -> memref<64xf32, #tpu.memory_space<hbm>>
      %dma_start3A_664 = arith.constant 0 : i32
      %dma_start3A_665 = tpu.memref_slice %arg6[%add3A_657, %dma_start3A_664] : memref<256x64xf32, #tpu.memory_space<vmem>> -> memref<1x64xf32, #tpu.memory_space<vmem>>
      %dma_start3A_666 = tpu.memref_squeeze %dma_start3A_665 : memref<1x64xf32, #tpu.memory_space<vmem>> -> memref<64xf32, #tpu.memory_space<vmem>>
      %dma_start3A_667 = arith.constant 0 : i32
      %dma_start3A_668 = tpu.memref_slice %arg3[%add3A_254, %squeeze3A_653, %dma_start3A_667] : memref<64x8192x64xf32, #tpu.memory_space<hbm>> -> memref<1x1x64xf32, #tpu.memory_space<hbm>>
      %dma_start3A_669 = tpu.memref_squeeze %dma_start3A_668 : memref<1x1x64xf32, #tpu.memory_space<hbm>> -> memref<64xf32, #tpu.memory_space<hbm>>
      tpu.enqueue_dma source(%dma_start3A_669 : memref<64xf32, #tpu.memory_space<hbm>>) target(%dma_start3A_666 : memref<64xf32, #tpu.memory_space<vmem>>) target_semaphore(%arg7 : memref<!tpu.dma_semaphore, #tpu.memory_space<semaphore_mem>>)
      %slice3A_670 = vector.extract_strided_slice %get3A_510 {offsets = [9], sizes = [1], strides = [1]} : vector<16xi32> to vector<1xi32>
      %squeeze3A_671 = vector.extract %slice3A_670[0] : i32 from vector<1xi32>
      %mul3A_672 = arith.constant 16 : i32
      %mul3A_673 = arith.muli %scan3A_504, %mul3A_672 : i32
      %add3A_674 = arith.constant 9 : i32
      %add3A_675 = arith.addi %mul3A_673, %add3A_674 : i32
      %dma_start3A_676 = arith.constant 0 : i32
      %dma_start3A_677 = tpu.memref_slice %arg6[%add3A_675, %dma_start3A_676] : memref<256x64xf32, #tpu.memory_space<vmem>> -> memref<1x64xf32, #tpu.memory_space<vmem>>
      %dma_start3A_678 = tpu.memref_squeeze %dma_start3A_677 : memref<1x64xf32, #tpu.memory_space<vmem>> -> memref<64xf32, #tpu.memory_space<vmem>>
      %dma_start3A_679 = arith.constant 0 : i32
      %dma_start3A_680 = tpu.memref_slice %arg3[%add3A_254, %squeeze3A_671, %dma_start3A_679] : memref<64x8192x64xf32, #tpu.memory_space<hbm>> -> memref<1x1x64xf32, #tpu.memory_space<hbm>>
      %dma_start3A_681 = tpu.memref_squeeze %dma_start3A_680 : memref<1x1x64xf32, #tpu.memory_space<hbm>> -> memref<64xf32, #tpu.memory_space<hbm>>
      %dma_start3A_682 = arith.constant 0 : i32
      %dma_start3A_683 = tpu.memref_slice %arg6[%add3A_675, %dma_start3A_682] : memref<256x64xf32, #tpu.memory_space<vmem>> -> memref<1x64xf32, #tpu.memory_space<vmem>>
      %dma_start3A_684 = tpu.memref_squeeze %dma_start3A_683 : memref<1x64xf32, #tpu.memory_space<vmem>> -> memref<64xf32, #tpu.memory_space<vmem>>
      %dma_start3A_685 = arith.constant 0 : i32
      %dma_start3A_686 = tpu.memref_slice %arg3[%add3A_254, %squeeze3A_671, %dma_start3A_685] : memref<64x8192x64xf32, #tpu.memory_space<hbm>> -> memref<1x1x64xf32, #tpu.memory_space<hbm>>
      %dma_start3A_687 = tpu.memref_squeeze %dma_start3A_686 : memref<1x1x64xf32, #tpu.memory_space<hbm>> -> memref<64xf32, #tpu.memory_space<hbm>>
      tpu.enqueue_dma source(%dma_start3A_687 : memref<64xf32, #tpu.memory_space<hbm>>) target(%dma_start3A_684 : memref<64xf32, #tpu.memory_space<vmem>>) target_semaphore(%arg8 : memref<!tpu.dma_semaphore, #tpu.memory_space<semaphore_mem>>)
      %slice3A_688 = vector.extract_strided_slice %get3A_510 {offsets = [10], sizes = [1], strides = [1]} : vector<16xi32> to vector<1xi32>
      %squeeze3A_689 = vector.extract %slice3A_688[0] : i32 from vector<1xi32>
      %mul3A_690 = arith.constant 16 : i32
      %mul3A_691 = arith.muli %scan3A_504, %mul3A_690 : i32
      %add3A_692 = arith.constant 10 : i32
      %add3A_693 = arith.addi %mul3A_691, %add3A_692 : i32
      %dma_start3A_694 = arith.constant 0 : i32
      %dma_start3A_695 = tpu.memref_slice %arg6[%add3A_693, %dma_start3A_694] : memref<256x64xf32, #tpu.memory_space<vmem>> -> memref<1x64xf32, #tpu.memory_space<vmem>>
      %dma_start3A_696 = tpu.memref_squeeze %dma_start3A_695 : memref<1x64xf32, #tpu.memory_space<vmem>> -> memref<64xf32, #tpu.memory_space<vmem>>
      %dma_start3A_697 = arith.constant 0 : i32
      %dma_start3A_698 = tpu.memref_slice %arg3[%add3A_254, %squeeze3A_689, %dma_start3A_697] : memref<64x8192x64xf32, #tpu.memory_space<hbm>> -> memref<1x1x64xf32, #tpu.memory_space<hbm>>
      %dma_start3A_699 = tpu.memref_squeeze %dma_start3A_698 : memref<1x1x64xf32, #tpu.memory_space<hbm>> -> memref<64xf32, #tpu.memory_space<hbm>>
      %dma_start3A_700 = arith.constant 0 : i32
      %dma_start3A_701 = tpu.memref_slice %arg6[%add3A_693, %dma_start3A_700] : memref<256x64xf32, #tpu.memory_space<vmem>> -> memref<1x64xf32, #tpu.memory_space<vmem>>
      %dma_start3A_702 = tpu.memref_squeeze %dma_start3A_701 : memref<1x64xf32, #tpu.memory_space<vmem>> -> memref<64xf32, #tpu.memory_space<vmem>>
      %dma_start3A_703 = arith.constant 0 : i32
      %dma_start3A_704 = tpu.memref_slice %arg3[%add3A_254, %squeeze3A_689, %dma_start3A_703] : memref<64x8192x64xf32, #tpu.memory_space<hbm>> -> memref<1x1x64xf32, #tpu.memory_space<hbm>>
      %dma_start3A_705 = tpu.memref_squeeze %dma_start3A_704 : memref<1x1x64xf32, #tpu.memory_space<hbm>> -> memref<64xf32, #tpu.memory_space<hbm>>
      tpu.enqueue_dma source(%dma_start3A_705 : memref<64xf32, #tpu.memory_space<hbm>>) target(%dma_start3A_702 : memref<64xf32, #tpu.memory_space<vmem>>) target_semaphore(%arg9 : memref<!tpu.dma_semaphore, #tpu.memory_space<semaphore_mem>>)
      %slice3A_706 = vector.extract_strided_slice %get3A_510 {offsets = [11], sizes = [1], strides = [1]} : vector<16xi32> to vector<1xi32>
      %squeeze3A_707 = vector.extract %slice3A_706[0] : i32 from vector<1xi32>
      %mul3A_708 = arith.constant 16 : i32
      %mul3A_709 = arith.muli %scan3A_504, %mul3A_708 : i32
      %add3A_710 = arith.constant 11 : i32
      %add3A_711 = arith.addi %mul3A_709, %add3A_710 : i32
      %dma_start3A_712 = arith.constant 0 : i32
      %dma_start3A_713 = tpu.memref_slice %arg6[%add3A_711, %dma_start3A_712] : memref<256x64xf32, #tpu.memory_space<vmem>> -> memref<1x64xf32, #tpu.memory_space<vmem>>
      %dma_start3A_714 = tpu.memref_squeeze %dma_start3A_713 : memref<1x64xf32, #tpu.memory_space<vmem>> -> memref<64xf32, #tpu.memory_space<vmem>>
      %dma_start3A_715 = arith.constant 0 : i32
      %dma_start3A_716 = tpu.memref_slice %arg3[%add3A_254, %squeeze3A_707, %dma_start3A_715] : memref<64x8192x64xf32, #tpu.memory_space<hbm>> -> memref<1x1x64xf32, #tpu.memory_space<hbm>>
      %dma_start3A_717 = tpu.memref_squeeze %dma_start3A_716 : memref<1x1x64xf32, #tpu.memory_space<hbm>> -> memref<64xf32, #tpu.memory_space<hbm>>
      %dma_start3A_718 = arith.constant 0 : i32
      %dma_start3A_719 = tpu.memref_slice %arg6[%add3A_711, %dma_start3A_718] : memref<256x64xf32, #tpu.memory_space<vmem>> -> memref<1x64xf32, #tpu.memory_space<vmem>>
      %dma_start3A_720 = tpu.memref_squeeze %dma_start3A_719 : memref<1x64xf32, #tpu.memory_space<vmem>> -> memref<64xf32, #tpu.memory_space<vmem>>
      %dma_start3A_721 = arith.constant 0 : i32
      %dma_start3A_722 = tpu.memref_slice %arg3[%add3A_254, %squeeze3A_707, %dma_start3A_721] : memref<64x8192x64xf32, #tpu.memory_space<hbm>> -> memref<1x1x64xf32, #tpu.memory_space<hbm>>
      %dma_start3A_723 = tpu.memref_squeeze %dma_start3A_722 : memref<1x1x64xf32, #tpu.memory_space<hbm>> -> memref<64xf32, #tpu.memory_space<hbm>>
      tpu.enqueue_dma source(%dma_start3A_723 : memref<64xf32, #tpu.memory_space<hbm>>) target(%dma_start3A_720 : memref<64xf32, #tpu.memory_space<vmem>>) target_semaphore(%arg10 : memref<!tpu.dma_semaphore, #tpu.memory_space<semaphore_mem>>)
      %slice3A_724 = vector.extract_strided_slice %get3A_510 {offsets = [12], sizes = [1], strides = [1]} : vector<16xi32> to vector<1xi32>
      %squeeze3A_725 = vector.extract %slice3A_724[0] : i32 from vector<1xi32>
      %mul3A_726 = arith.constant 16 : i32
      %mul3A_727 = arith.muli %scan3A_504, %mul3A_726 : i32
      %add3A_728 = arith.constant 12 : i32
      %add3A_729 = arith.addi %mul3A_727, %add3A_728 : i32
      %dma_start3A_730 = arith.constant 0 : i32
      %dma_start3A_731 = tpu.memref_slice %arg6[%add3A_729, %dma_start3A_730] : memref<256x64xf32, #tpu.memory_space<vmem>> -> memref<1x64xf32, #tpu.memory_space<vmem>>
      %dma_start3A_732 = tpu.memref_squeeze %dma_start3A_731 : memref<1x64xf32, #tpu.memory_space<vmem>> -> memref<64xf32, #tpu.memory_space<vmem>>
      %dma_start3A_733 = arith.constant 0 : i32
      %dma_start3A_734 = tpu.memref_slice %arg3[%add3A_254, %squeeze3A_725, %dma_start3A_733] : memref<64x8192x64xf32, #tpu.memory_space<hbm>> -> memref<1x1x64xf32, #tpu.memory_space<hbm>>
      %dma_start3A_735 = tpu.memref_squeeze %dma_start3A_734 : memref<1x1x64xf32, #tpu.memory_space<hbm>> -> memref<64xf32, #tpu.memory_space<hbm>>
      %dma_start3A_736 = arith.constant 0 : i32
      %dma_start3A_737 = tpu.memref_slice %arg6[%add3A_729, %dma_start3A_736] : memref<256x64xf32, #tpu.memory_space<vmem>> -> memref<1x64xf32, #tpu.memory_space<vmem>>
      %dma_start3A_738 = tpu.memref_squeeze %dma_start3A_737 : memref<1x64xf32, #tpu.memory_space<vmem>> -> memref<64xf32, #tpu.memory_space<vmem>>
      %dma_start3A_739 = arith.constant 0 : i32
      %dma_start3A_740 = tpu.memref_slice %arg3[%add3A_254, %squeeze3A_725, %dma_start3A_739] : memref<64x8192x64xf32, #tpu.memory_space<hbm>> -> memref<1x1x64xf32, #tpu.memory_space<hbm>>
      %dma_start3A_741 = tpu.memref_squeeze %dma_start3A_740 : memref<1x1x64xf32, #tpu.memory_space<hbm>> -> memref<64xf32, #tpu.memory_space<hbm>>
      tpu.enqueue_dma source(%dma_start3A_741 : memref<64xf32, #tpu.memory_space<hbm>>) target(%dma_start3A_738 : memref<64xf32, #tpu.memory_space<vmem>>) target_semaphore(%arg7 : memref<!tpu.dma_semaphore, #tpu.memory_space<semaphore_mem>>)
      %slice3A_742 = vector.extract_strided_slice %get3A_510 {offsets = [13], sizes = [1], strides = [1]} : vector<16xi32> to vector<1xi32>
      %squeeze3A_743 = vector.extract %slice3A_742[0] : i32 from vector<1xi32>
      %mul3A_744 = arith.constant 16 : i32
      %mul3A_745 = arith.muli %scan3A_504, %mul3A_744 : i32
      %add3A_746 = arith.constant 13 : i32
      %add3A_747 = arith.addi %mul3A_745, %add3A_746 : i32
      %dma_start3A_748 = arith.constant 0 : i32
      %dma_start3A_749 = tpu.memref_slice %arg6[%add3A_747, %dma_start3A_748] : memref<256x64xf32, #tpu.memory_space<vmem>> -> memref<1x64xf32, #tpu.memory_space<vmem>>
      %dma_start3A_750 = tpu.memref_squeeze %dma_start3A_749 : memref<1x64xf32, #tpu.memory_space<vmem>> -> memref<64xf32, #tpu.memory_space<vmem>>
      %dma_start3A_751 = arith.constant 0 : i32
      %dma_start3A_752 = tpu.memref_slice %arg3[%add3A_254, %squeeze3A_743, %dma_start3A_751] : memref<64x8192x64xf32, #tpu.memory_space<hbm>> -> memref<1x1x64xf32, #tpu.memory_space<hbm>>
      %dma_start3A_753 = tpu.memref_squeeze %dma_start3A_752 : memref<1x1x64xf32, #tpu.memory_space<hbm>> -> memref<64xf32, #tpu.memory_space<hbm>>
      %dma_start3A_754 = arith.constant 0 : i32
      %dma_start3A_755 = tpu.memref_slice %arg6[%add3A_747, %dma_start3A_754] : memref<256x64xf32, #tpu.memory_space<vmem>> -> memref<1x64xf32, #tpu.memory_space<vmem>>
      %dma_start3A_756 = tpu.memref_squeeze %dma_start3A_755 : memref<1x64xf32, #tpu.memory_space<vmem>> -> memref<64xf32, #tpu.memory_space<vmem>>
      %dma_start3A_757 = arith.constant 0 : i32
      %dma_start3A_758 = tpu.memref_slice %arg3[%add3A_254, %squeeze3A_743, %dma_start3A_757] : memref<64x8192x64xf32, #tpu.memory_space<hbm>> -> memref<1x1x64xf32, #tpu.memory_space<hbm>>
      %dma_start3A_759 = tpu.memref_squeeze %dma_start3A_758 : memref<1x1x64xf32, #tpu.memory_space<hbm>> -> memref<64xf32, #tpu.memory_space<hbm>>
      tpu.enqueue_dma source(%dma_start3A_759 : memref<64xf32, #tpu.memory_space<hbm>>) target(%dma_start3A_756 : memref<64xf32, #tpu.memory_space<vmem>>) target_semaphore(%arg8 : memref<!tpu.dma_semaphore, #tpu.memory_space<semaphore_mem>>)
      %slice3A_760 = vector.extract_strided_slice %get3A_510 {offsets = [14], sizes = [1], strides = [1]} : vector<16xi32> to vector<1xi32>
      %squeeze3A_761 = vector.extract %slice3A_760[0] : i32 from vector<1xi32>
      %mul3A_762 = arith.constant 16 : i32
      %mul3A_763 = arith.muli %scan3A_504, %mul3A_762 : i32
      %add3A_764 = arith.constant 14 : i32
      %add3A_765 = arith.addi %mul3A_763, %add3A_764 : i32
      %dma_start3A_766 = arith.constant 0 : i32
      %dma_start3A_767 = tpu.memref_slice %arg6[%add3A_765, %dma_start3A_766] : memref<256x64xf32, #tpu.memory_space<vmem>> -> memref<1x64xf32, #tpu.memory_space<vmem>>
      %dma_start3A_768 = tpu.memref_squeeze %dma_start3A_767 : memref<1x64xf32, #tpu.memory_space<vmem>> -> memref<64xf32, #tpu.memory_space<vmem>>
      %dma_start3A_769 = arith.constant 0 : i32
      %dma_start3A_770 = tpu.memref_slice %arg3[%add3A_254, %squeeze3A_761, %dma_start3A_769] : memref<64x8192x64xf32, #tpu.memory_space<hbm>> -> memref<1x1x64xf32, #tpu.memory_space<hbm>>
      %dma_start3A_771 = tpu.memref_squeeze %dma_start3A_770 : memref<1x1x64xf32, #tpu.memory_space<hbm>> -> memref<64xf32, #tpu.memory_space<hbm>>
      %dma_start3A_772 = arith.constant 0 : i32
      %dma_start3A_773 = tpu.memref_slice %arg6[%add3A_765, %dma_start3A_772] : memref<256x64xf32, #tpu.memory_space<vmem>> -> memref<1x64xf32, #tpu.memory_space<vmem>>
      %dma_start3A_774 = tpu.memref_squeeze %dma_start3A_773 : memref<1x64xf32, #tpu.memory_space<vmem>> -> memref<64xf32, #tpu.memory_space<vmem>>
      %dma_start3A_775 = arith.constant 0 : i32
      %dma_start3A_776 = tpu.memref_slice %arg3[%add3A_254, %squeeze3A_761, %dma_start3A_775] : memref<64x8192x64xf32, #tpu.memory_space<hbm>> -> memref<1x1x64xf32, #tpu.memory_space<hbm>>
      %dma_start3A_777 = tpu.memref_squeeze %dma_start3A_776 : memref<1x1x64xf32, #tpu.memory_space<hbm>> -> memref<64xf32, #tpu.memory_space<hbm>>
      tpu.enqueue_dma source(%dma_start3A_777 : memref<64xf32, #tpu.memory_space<hbm>>) target(%dma_start3A_774 : memref<64xf32, #tpu.memory_space<vmem>>) target_semaphore(%arg9 : memref<!tpu.dma_semaphore, #tpu.memory_space<semaphore_mem>>)
      %slice3A_778 = vector.extract_strided_slice %get3A_510 {offsets = [15], sizes = [1], strides = [1]} : vector<16xi32> to vector<1xi32>
      %squeeze3A_779 = vector.extract %slice3A_778[0] : i32 from vector<1xi32>
      %mul3A_780 = arith.constant 16 : i32
      %mul3A_781 = arith.muli %scan3A_504, %mul3A_780 : i32
      %add3A_782 = arith.constant 15 : i32
      %add3A_783 = arith.addi %mul3A_781, %add3A_782 : i32
      %dma_start3A_784 = arith.constant 0 : i32
      %dma_start3A_785 = tpu.memref_slice %arg6[%add3A_783, %dma_start3A_784] : memref<256x64xf32, #tpu.memory_space<vmem>> -> memref<1x64xf32, #tpu.memory_space<vmem>>
      %dma_start3A_786 = tpu.memref_squeeze %dma_start3A_785 : memref<1x64xf32, #tpu.memory_space<vmem>> -> memref<64xf32, #tpu.memory_space<vmem>>
      %dma_start3A_787 = arith.constant 0 : i32
      %dma_start3A_788 = tpu.memref_slice %arg3[%add3A_254, %squeeze3A_779, %dma_start3A_787] : memref<64x8192x64xf32, #tpu.memory_space<hbm>> -> memref<1x1x64xf32, #tpu.memory_space<hbm>>
      %dma_start3A_789 = tpu.memref_squeeze %dma_start3A_788 : memref<1x1x64xf32, #tpu.memory_space<hbm>> -> memref<64xf32, #tpu.memory_space<hbm>>
      %dma_start3A_790 = arith.constant 0 : i32
      %dma_start3A_791 = tpu.memref_slice %arg6[%add3A_783, %dma_start3A_790] : memref<256x64xf32, #tpu.memory_space<vmem>> -> memref<1x64xf32, #tpu.memory_space<vmem>>
      %dma_start3A_792 = tpu.memref_squeeze %dma_start3A_791 : memref<1x64xf32, #tpu.memory_space<vmem>> -> memref<64xf32, #tpu.memory_space<vmem>>
      %dma_start3A_793 = arith.constant 0 : i32
      %dma_start3A_794 = tpu.memref_slice %arg3[%add3A_254, %squeeze3A_779, %dma_start3A_793] : memref<64x8192x64xf32, #tpu.memory_space<hbm>> -> memref<1x1x64xf32, #tpu.memory_space<hbm>>
      %dma_start3A_795 = tpu.memref_squeeze %dma_start3A_794 : memref<1x1x64xf32, #tpu.memory_space<hbm>> -> memref<64xf32, #tpu.memory_space<hbm>>
      tpu.enqueue_dma source(%dma_start3A_795 : memref<64xf32, #tpu.memory_space<hbm>>) target(%dma_start3A_792 : memref<64xf32, #tpu.memory_space<vmem>>) target_semaphore(%arg10 : memref<!tpu.dma_semaphore, #tpu.memory_space<semaphore_mem>>)
    }
    %scan3A_261 = arith.constant 16 : i32
    %dma_wait3A_262 = arith.constant 0 : i32
    %dma_wait3A_263 = arith.constant 0 : i32
    %dma_wait3A_264 = tpu.memref_slice %arg6[%dma_wait3A_262, %dma_wait3A_263] : memref<256x64xf32, #tpu.memory_space<vmem>> -> memref<64x64xf32, #tpu.memory_space<vmem>>
    %dma_wait3A_265 = arith.constant 0 : i32
    %dma_wait3A_266 = arith.constant 0 : i32
    %dma_wait3A_267 = tpu.memref_slice %arg3[%add3A_254, %dma_wait3A_265, %dma_wait3A_266] : memref<64x8192x64xf32, #tpu.memory_space<hbm>> -> memref<1x64x64xf32, #tpu.memory_space<hbm>>
    %dma_wait3A_268 = tpu.memref_squeeze %dma_wait3A_267 : memref<1x64x64xf32, #tpu.memory_space<hbm>> -> memref<64x64xf32, #tpu.memory_space<hbm>>
    %dma_wait3A_269 = arith.constant 0 : i32
    %dma_wait3A_270 = arith.constant 0 : i32
    %dma_wait3A_271 = tpu.memref_slice %arg6[%dma_wait3A_269, %dma_wait3A_270] : memref<256x64xf32, #tpu.memory_space<vmem>> -> memref<64x64xf32, #tpu.memory_space<vmem>>
    %dma_wait3A_272 = arith.constant 0 : i32
    %dma_wait3A_273 = arith.constant 0 : i32
    %dma_wait3A_274 = tpu.memref_slice %arg3[%add3A_254, %dma_wait3A_272, %dma_wait3A_273] : memref<64x8192x64xf32, #tpu.memory_space<hbm>> -> memref<1x64x64xf32, #tpu.memory_space<hbm>>
    %dma_wait3A_275 = tpu.memref_squeeze %dma_wait3A_274 : memref<1x64x64xf32, #tpu.memory_space<hbm>> -> memref<64x64xf32, #tpu.memory_space<hbm>>
    tpu.wait_dma2 semaphore(%arg7 : memref<!tpu.dma_semaphore, #tpu.memory_space<semaphore_mem>>) src(%dma_wait3A_275 : memref<64x64xf32, #tpu.memory_space<hbm>>) dst(%dma_wait3A_271 : memref<64x64xf32, #tpu.memory_space<vmem>>)
    %dma_wait3A_276 = arith.constant 64 : i32
    %dma_wait3A_277 = arith.constant 0 : i32
    %dma_wait3A_278 = tpu.memref_slice %arg6[%dma_wait3A_276, %dma_wait3A_277] : memref<256x64xf32, #tpu.memory_space<vmem>> -> memref<64x64xf32, #tpu.memory_space<vmem>>
    %dma_wait3A_279 = arith.constant 0 : i32
    %dma_wait3A_280 = arith.constant 0 : i32
    %dma_wait3A_281 = tpu.memref_slice %arg3[%add3A_254, %dma_wait3A_279, %dma_wait3A_280] : memref<64x8192x64xf32, #tpu.memory_space<hbm>> -> memref<1x64x64xf32, #tpu.memory_space<hbm>>
    %dma_wait3A_282 = tpu.memref_squeeze %dma_wait3A_281 : memref<1x64x64xf32, #tpu.memory_space<hbm>> -> memref<64x64xf32, #tpu.memory_space<hbm>>
    %dma_wait3A_283 = arith.constant 64 : i32
    %dma_wait3A_284 = arith.constant 0 : i32
    %dma_wait3A_285 = tpu.memref_slice %arg6[%dma_wait3A_283, %dma_wait3A_284] : memref<256x64xf32, #tpu.memory_space<vmem>> -> memref<64x64xf32, #tpu.memory_space<vmem>>
    %dma_wait3A_286 = arith.constant 0 : i32
    %dma_wait3A_287 = arith.constant 0 : i32
    %dma_wait3A_288 = tpu.memref_slice %arg3[%add3A_254, %dma_wait3A_286, %dma_wait3A_287] : memref<64x8192x64xf32, #tpu.memory_space<hbm>> -> memref<1x64x64xf32, #tpu.memory_space<hbm>>
    %dma_wait3A_289 = tpu.memref_squeeze %dma_wait3A_288 : memref<1x64x64xf32, #tpu.memory_space<hbm>> -> memref<64x64xf32, #tpu.memory_space<hbm>>
    tpu.wait_dma2 semaphore(%arg8 : memref<!tpu.dma_semaphore, #tpu.memory_space<semaphore_mem>>) src(%dma_wait3A_289 : memref<64x64xf32, #tpu.memory_space<hbm>>) dst(%dma_wait3A_285 : memref<64x64xf32, #tpu.memory_space<vmem>>)
    %dma_wait3A_290 = arith.constant 128 : i32
    %dma_wait3A_291 = arith.constant 0 : i32
    %dma_wait3A_292 = tpu.memref_slice %arg6[%dma_wait3A_290, %dma_wait3A_291] : memref<256x64xf32, #tpu.memory_space<vmem>> -> memref<64x64xf32, #tpu.memory_space<vmem>>
    %dma_wait3A_293 = arith.constant 0 : i32
    %dma_wait3A_294 = arith.constant 0 : i32
    %dma_wait3A_295 = tpu.memref_slice %arg3[%add3A_254, %dma_wait3A_293, %dma_wait3A_294] : memref<64x8192x64xf32, #tpu.memory_space<hbm>> -> memref<1x64x64xf32, #tpu.memory_space<hbm>>
    %dma_wait3A_296 = tpu.memref_squeeze %dma_wait3A_295 : memref<1x64x64xf32, #tpu.memory_space<hbm>> -> memref<64x64xf32, #tpu.memory_space<hbm>>
    %dma_wait3A_297 = arith.constant 128 : i32
    %dma_wait3A_298 = arith.constant 0 : i32
    %dma_wait3A_299 = tpu.memref_slice %arg6[%dma_wait3A_297, %dma_wait3A_298] : memref<256x64xf32, #tpu.memory_space<vmem>> -> memref<64x64xf32, #tpu.memory_space<vmem>>
    %dma_wait3A_300 = arith.constant 0 : i32
    %dma_wait3A_301 = arith.constant 0 : i32
    %dma_wait3A_302 = tpu.memref_slice %arg3[%add3A_254, %dma_wait3A_300, %dma_wait3A_301] : memref<64x8192x64xf32, #tpu.memory_space<hbm>> -> memref<1x64x64xf32, #tpu.memory_space<hbm>>
    %dma_wait3A_303 = tpu.memref_squeeze %dma_wait3A_302 : memref<1x64x64xf32, #tpu.memory_space<hbm>> -> memref<64x64xf32, #tpu.memory_space<hbm>>
    tpu.wait_dma2 semaphore(%arg9 : memref<!tpu.dma_semaphore, #tpu.memory_space<semaphore_mem>>) src(%dma_wait3A_303 : memref<64x64xf32, #tpu.memory_space<hbm>>) dst(%dma_wait3A_299 : memref<64x64xf32, #tpu.memory_space<vmem>>)
    %dma_wait3A_304 = arith.constant 192 : i32
    %dma_wait3A_305 = arith.constant 0 : i32
    %dma_wait3A_306 = tpu.memref_slice %arg6[%dma_wait3A_304, %dma_wait3A_305] : memref<256x64xf32, #tpu.memory_space<vmem>> -> memref<64x64xf32, #tpu.memory_space<vmem>>
    %dma_wait3A_307 = arith.constant 0 : i32
    %dma_wait3A_308 = arith.constant 0 : i32
    %dma_wait3A_309 = tpu.memref_slice %arg3[%add3A_254, %dma_wait3A_307, %dma_wait3A_308] : memref<64x8192x64xf32, #tpu.memory_space<hbm>> -> memref<1x64x64xf32, #tpu.memory_space<hbm>>
    %dma_wait3A_310 = tpu.memref_squeeze %dma_wait3A_309 : memref<1x64x64xf32, #tpu.memory_space<hbm>> -> memref<64x64xf32, #tpu.memory_space<hbm>>
    %dma_wait3A_311 = arith.constant 192 : i32
    %dma_wait3A_312 = arith.constant 0 : i32
    %dma_wait3A_313 = tpu.memref_slice %arg6[%dma_wait3A_311, %dma_wait3A_312] : memref<256x64xf32, #tpu.memory_space<vmem>> -> memref<64x64xf32, #tpu.memory_space<vmem>>
    %dma_wait3A_314 = arith.constant 0 : i32
    %dma_wait3A_315 = arith.constant 0 : i32
    %dma_wait3A_316 = tpu.memref_slice %arg3[%add3A_254, %dma_wait3A_314, %dma_wait3A_315] : memref<64x8192x64xf32, #tpu.memory_space<hbm>> -> memref<1x64x64xf32, #tpu.memory_space<hbm>>
    %dma_wait3A_317 = tpu.memref_squeeze %dma_wait3A_316 : memref<1x64x64xf32, #tpu.memory_space<hbm>> -> memref<64x64xf32, #tpu.memory_space<hbm>>
    tpu.wait_dma2 semaphore(%arg10 : memref<!tpu.dma_semaphore, #tpu.memory_space<semaphore_mem>>) src(%dma_wait3A_317 : memref<64x64xf32, #tpu.memory_space<hbm>>) dst(%dma_wait3A_313 : memref<64x64xf32, #tpu.memory_space<vmem>>)
    "tpu.region"() ({
      %run_scoped3A_504 = tpu.sem_alloc : memref<!tpu.dma_semaphore, #tpu.memory_space<semaphore_mem>>
      %dma_start3A = arith.constant 0 : i32
      %dma_start3A_505 = arith.constant 0 : i32
      %dma_start3A_506 = tpu.memref_slice %arg4[%add3A_254, %dma_start3A, %dma_start3A_505] : memref<64x1024x64xf32, #tpu.memory_space<hbm>> -> memref<1x256x64xf32, #tpu.memory_space<hbm>>
      %dma_start3A_507 = tpu.memref_squeeze %dma_start3A_506 : memref<1x256x64xf32, #tpu.memory_space<hbm>> -> memref<256x64xf32, #tpu.memory_space<hbm>>
      %dma_start3A_508 = arith.constant 0 : i32
      %dma_start3A_509 = arith.constant 0 : i32
      %dma_start3A_510 = tpu.memref_slice %arg4[%add3A_254, %dma_start3A_508, %dma_start3A_509] : memref<64x1024x64xf32, #tpu.memory_space<hbm>> -> memref<1x256x64xf32, #tpu.memory_space<hbm>>
      %dma_start3A_511 = tpu.memref_squeeze %dma_start3A_510 : memref<1x256x64xf32, #tpu.memory_space<hbm>> -> memref<256x64xf32, #tpu.memory_space<hbm>>
      tpu.enqueue_dma source(%arg6 : memref<256x64xf32, #tpu.memory_space<vmem>>) target(%dma_start3A_511 : memref<256x64xf32, #tpu.memory_space<hbm>>) target_semaphore(%run_scoped3A_504 : memref<!tpu.dma_semaphore, #tpu.memory_space<semaphore_mem>>)
      %dma_wait3A_512 = arith.constant 0 : i32
      %dma_wait3A_513 = arith.constant 0 : i32
      %dma_wait3A_514 = tpu.memref_slice %arg4[%add3A_254, %dma_wait3A_512, %dma_wait3A_513] : memref<64x1024x64xf32, #tpu.memory_space<hbm>> -> memref<1x256x64xf32, #tpu.memory_space<hbm>>
      %dma_wait3A_515 = tpu.memref_squeeze %dma_wait3A_514 : memref<1x256x64xf32, #tpu.memory_space<hbm>> -> memref<256x64xf32, #tpu.memory_space<hbm>>
      %dma_wait3A_516 = arith.constant 0 : i32
      %dma_wait3A_517 = arith.constant 0 : i32
      %dma_wait3A_518 = tpu.memref_slice %arg4[%add3A_254, %dma_wait3A_516, %dma_wait3A_517] : memref<64x1024x64xf32, #tpu.memory_space<hbm>> -> memref<1x256x64xf32, #tpu.memory_space<hbm>>
      %dma_wait3A_519 = tpu.memref_squeeze %dma_wait3A_518 : memref<1x256x64xf32, #tpu.memory_space<hbm>> -> memref<256x64xf32, #tpu.memory_space<hbm>>
      tpu.wait_dma2 semaphore(%run_scoped3A_504 : memref<!tpu.dma_semaphore, #tpu.memory_space<semaphore_mem>>) src(%arg6 : memref<256x64xf32, #tpu.memory_space<vmem>>) dst(%dma_wait3A_519 : memref<256x64xf32, #tpu.memory_space<hbm>>)
      tpu.yield
    }) : () -> ()
    %scan3A_318 = arith.constant 0 : i32
    %scan3A_319 = arith.constant 0 : i32
    %scan3A_320 = arith.constant 16 : i32
    %scan3A_321 = arith.addi %scan3A_319, %scan3A_320 : i32
    %scan3A_322 = arith.constant 1 : i32
    scf.for %scan3A_504 = %scan3A_319 to %scan3A_321 step %scan3A_322  : i32 {
      %mul3A_505 = arith.constant 16 : i32
      %mul3A_506 = arith.muli %scan3A_504, %mul3A_505 : i32
      %add3A_507 = arith.constant 256 : i32
      %add3A_508 = arith.addi %add3A_507, %mul3A_506 : i32
      %get3A = arith.index_cast %add3A_508 : i32 to index
      %get3A_509 = tpu.vector_load %arg5[%get3A] {strides = array<i32>} : memref<1024xi32, #tpu.memory_space<vmem>>, vector<16xi32>,
      %get3A_510 = vector.shape_cast %get3A_509 : vector<16xi32> to vector<16xi32>
      %slice3A = vector.extract_strided_slice %get3A_510 {offsets = [0], sizes = [1], strides = [1]} : vector<16xi32> to vector<1xi32>
      %squeeze3A = vector.extract %slice3A[0] : i32 from vector<1xi32>
      %mul3A_511 = arith.constant 16 : i32
      %mul3A_512 = arith.muli %scan3A_504, %mul3A_511 : i32
      %add3A_513 = arith.constant 0 : i32
      %add3A_514 = arith.addi %mul3A_512, %add3A_513 : i32
      %dma_start3A = arith.constant 0 : i32
      %dma_start3A_515 = tpu.memref_slice %arg6[%add3A_514, %dma_start3A] : memref<256x64xf32, #tpu.memory_space<vmem>> -> memref<1x64xf32, #tpu.memory_space<vmem>>
      %dma_start3A_516 = tpu.memref_squeeze %dma_start3A_515 : memref<1x64xf32, #tpu.memory_space<vmem>> -> memref<64xf32, #tpu.memory_space<vmem>>
      %dma_start3A_517 = arith.constant 0 : i32
      %dma_start3A_518 = tpu.memref_slice %arg3[%add3A_254, %squeeze3A, %dma_start3A_517] : memref<64x8192x64xf32, #tpu.memory_space<hbm>> -> memref<1x1x64xf32, #tpu.memory_space<hbm>>
      %dma_start3A_519 = tpu.memref_squeeze %dma_start3A_518 : memref<1x1x64xf32, #tpu.memory_space<hbm>> -> memref<64xf32, #tpu.memory_space<hbm>>
      %dma_start3A_520 = arith.constant 0 : i32
      %dma_start3A_521 = tpu.memref_slice %arg6[%add3A_514, %dma_start3A_520] : memref<256x64xf32, #tpu.memory_space<vmem>> -> memref<1x64xf32, #tpu.memory_space<vmem>>
      %dma_start3A_522 = tpu.memref_squeeze %dma_start3A_521 : memref<1x64xf32, #tpu.memory_space<vmem>> -> memref<64xf32, #tpu.memory_space<vmem>>
      %dma_start3A_523 = arith.constant 0 : i32
      %dma_start3A_524 = tpu.memref_slice %arg3[%add3A_254, %squeeze3A, %dma_start3A_523] : memref<64x8192x64xf32, #tpu.memory_space<hbm>> -> memref<1x1x64xf32, #tpu.memory_space<hbm>>
      %dma_start3A_525 = tpu.memref_squeeze %dma_start3A_524 : memref<1x1x64xf32, #tpu.memory_space<hbm>> -> memref<64xf32, #tpu.memory_space<hbm>>
      tpu.enqueue_dma source(%dma_start3A_525 : memref<64xf32, #tpu.memory_space<hbm>>) target(%dma_start3A_522 : memref<64xf32, #tpu.memory_space<vmem>>) target_semaphore(%arg7 : memref<!tpu.dma_semaphore, #tpu.memory_space<semaphore_mem>>)
      %slice3A_526 = vector.extract_strided_slice %get3A_510 {offsets = [1], sizes = [1], strides = [1]} : vector<16xi32> to vector<1xi32>
      %squeeze3A_527 = vector.extract %slice3A_526[0] : i32 from vector<1xi32>
      %mul3A_528 = arith.constant 16 : i32
      %mul3A_529 = arith.muli %scan3A_504, %mul3A_528 : i32
      %add3A_530 = arith.constant 1 : i32
      %add3A_531 = arith.addi %mul3A_529, %add3A_530 : i32
      %dma_start3A_532 = arith.constant 0 : i32
      %dma_start3A_533 = tpu.memref_slice %arg6[%add3A_531, %dma_start3A_532] : memref<256x64xf32, #tpu.memory_space<vmem>> -> memref<1x64xf32, #tpu.memory_space<vmem>>
      %dma_start3A_534 = tpu.memref_squeeze %dma_start3A_533 : memref<1x64xf32, #tpu.memory_space<vmem>> -> memref<64xf32, #tpu.memory_space<vmem>>
      %dma_start3A_535 = arith.constant 0 : i32
      %dma_start3A_536 = tpu.memref_slice %arg3[%add3A_254, %squeeze3A_527, %dma_start3A_535] : memref<64x8192x64xf32, #tpu.memory_space<hbm>> -> memref<1x1x64xf32, #tpu.memory_space<hbm>>
      %dma_start3A_537 = tpu.memref_squeeze %dma_start3A_536 : memref<1x1x64xf32, #tpu.memory_space<hbm>> -> memref<64xf32, #tpu.memory_space<hbm>>
      %dma_start3A_538 = arith.constant 0 : i32
      %dma_start3A_539 = tpu.memref_slice %arg6[%add3A_531, %dma_start3A_538] : memref<256x64xf32, #tpu.memory_space<vmem>> -> memref<1x64xf32, #tpu.memory_space<vmem>>
      %dma_start3A_540 = tpu.memref_squeeze %dma_start3A_539 : memref<1x64xf32, #tpu.memory_space<vmem>> -> memref<64xf32, #tpu.memory_space<vmem>>
      %dma_start3A_541 = arith.constant 0 : i32
      %dma_start3A_542 = tpu.memref_slice %arg3[%add3A_254, %squeeze3A_527, %dma_start3A_541] : memref<64x8192x64xf32, #tpu.memory_space<hbm>> -> memref<1x1x64xf32, #tpu.memory_space<hbm>>
      %dma_start3A_543 = tpu.memref_squeeze %dma_start3A_542 : memref<1x1x64xf32, #tpu.memory_space<hbm>> -> memref<64xf32, #tpu.memory_space<hbm>>
      tpu.enqueue_dma source(%dma_start3A_543 : memref<64xf32, #tpu.memory_space<hbm>>) target(%dma_start3A_540 : memref<64xf32, #tpu.memory_space<vmem>>) target_semaphore(%arg8 : memref<!tpu.dma_semaphore, #tpu.memory_space<semaphore_mem>>)
      %slice3A_544 = vector.extract_strided_slice %get3A_510 {offsets = [2], sizes = [1], strides = [1]} : vector<16xi32> to vector<1xi32>
      %squeeze3A_545 = vector.extract %slice3A_544[0] : i32 from vector<1xi32>
      %mul3A_546 = arith.constant 16 : i32
      %mul3A_547 = arith.muli %scan3A_504, %mul3A_546 : i32
      %add3A_548 = arith.constant 2 : i32
      %add3A_549 = arith.addi %mul3A_547, %add3A_548 : i32
      %dma_start3A_550 = arith.constant 0 : i32
      %dma_start3A_551 = tpu.memref_slice %arg6[%add3A_549, %dma_start3A_550] : memref<256x64xf32, #tpu.memory_space<vmem>> -> memref<1x64xf32, #tpu.memory_space<vmem>>
      %dma_start3A_552 = tpu.memref_squeeze %dma_start3A_551 : memref<1x64xf32, #tpu.memory_space<vmem>> -> memref<64xf32, #tpu.memory_space<vmem>>
      %dma_start3A_553 = arith.constant 0 : i32
      %dma_start3A_554 = tpu.memref_slice %arg3[%add3A_254, %squeeze3A_545, %dma_start3A_553] : memref<64x8192x64xf32, #tpu.memory_space<hbm>> -> memref<1x1x64xf32, #tpu.memory_space<hbm>>
      %dma_start3A_555 = tpu.memref_squeeze %dma_start3A_554 : memref<1x1x64xf32, #tpu.memory_space<hbm>> -> memref<64xf32, #tpu.memory_space<hbm>>
      %dma_start3A_556 = arith.constant 0 : i32
      %dma_start3A_557 = tpu.memref_slice %arg6[%add3A_549, %dma_start3A_556] : memref<256x64xf32, #tpu.memory_space<vmem>> -> memref<1x64xf32, #tpu.memory_space<vmem>>
      %dma_start3A_558 = tpu.memref_squeeze %dma_start3A_557 : memref<1x64xf32, #tpu.memory_space<vmem>> -> memref<64xf32, #tpu.memory_space<vmem>>
      %dma_start3A_559 = arith.constant 0 : i32
      %dma_start3A_560 = tpu.memref_slice %arg3[%add3A_254, %squeeze3A_545, %dma_start3A_559] : memref<64x8192x64xf32, #tpu.memory_space<hbm>> -> memref<1x1x64xf32, #tpu.memory_space<hbm>>
      %dma_start3A_561 = tpu.memref_squeeze %dma_start3A_560 : memref<1x1x64xf32, #tpu.memory_space<hbm>> -> memref<64xf32, #tpu.memory_space<hbm>>
      tpu.enqueue_dma source(%dma_start3A_561 : memref<64xf32, #tpu.memory_space<hbm>>) target(%dma_start3A_558 : memref<64xf32, #tpu.memory_space<vmem>>) target_semaphore(%arg9 : memref<!tpu.dma_semaphore, #tpu.memory_space<semaphore_mem>>)
      %slice3A_562 = vector.extract_strided_slice %get3A_510 {offsets = [3], sizes = [1], strides = [1]} : vector<16xi32> to vector<1xi32>
      %squeeze3A_563 = vector.extract %slice3A_562[0] : i32 from vector<1xi32>
      %mul3A_564 = arith.constant 16 : i32
      %mul3A_565 = arith.muli %scan3A_504, %mul3A_564 : i32
      %add3A_566 = arith.constant 3 : i32
      %add3A_567 = arith.addi %mul3A_565, %add3A_566 : i32
      %dma_start3A_568 = arith.constant 0 : i32
      %dma_start3A_569 = tpu.memref_slice %arg6[%add3A_567, %dma_start3A_568] : memref<256x64xf32, #tpu.memory_space<vmem>> -> memref<1x64xf32, #tpu.memory_space<vmem>>
      %dma_start3A_570 = tpu.memref_squeeze %dma_start3A_569 : memref<1x64xf32, #tpu.memory_space<vmem>> -> memref<64xf32, #tpu.memory_space<vmem>>
      %dma_start3A_571 = arith.constant 0 : i32
      %dma_start3A_572 = tpu.memref_slice %arg3[%add3A_254, %squeeze3A_563, %dma_start3A_571] : memref<64x8192x64xf32, #tpu.memory_space<hbm>> -> memref<1x1x64xf32, #tpu.memory_space<hbm>>
      %dma_start3A_573 = tpu.memref_squeeze %dma_start3A_572 : memref<1x1x64xf32, #tpu.memory_space<hbm>> -> memref<64xf32, #tpu.memory_space<hbm>>
      %dma_start3A_574 = arith.constant 0 : i32
      %dma_start3A_575 = tpu.memref_slice %arg6[%add3A_567, %dma_start3A_574] : memref<256x64xf32, #tpu.memory_space<vmem>> -> memref<1x64xf32, #tpu.memory_space<vmem>>
      %dma_start3A_576 = tpu.memref_squeeze %dma_start3A_575 : memref<1x64xf32, #tpu.memory_space<vmem>> -> memref<64xf32, #tpu.memory_space<vmem>>
      %dma_start3A_577 = arith.constant 0 : i32
      %dma_start3A_578 = tpu.memref_slice %arg3[%add3A_254, %squeeze3A_563, %dma_start3A_577] : memref<64x8192x64xf32, #tpu.memory_space<hbm>> -> memref<1x1x64xf32, #tpu.memory_space<hbm>>
      %dma_start3A_579 = tpu.memref_squeeze %dma_start3A_578 : memref<1x1x64xf32, #tpu.memory_space<hbm>> -> memref<64xf32, #tpu.memory_space<hbm>>
      tpu.enqueue_dma source(%dma_start3A_579 : memref<64xf32, #tpu.memory_space<hbm>>) target(%dma_start3A_576 : memref<64xf32, #tpu.memory_space<vmem>>) target_semaphore(%arg10 : memref<!tpu.dma_semaphore, #tpu.memory_space<semaphore_mem>>)
      %slice3A_580 = vector.extract_strided_slice %get3A_510 {offsets = [4], sizes = [1], strides = [1]} : vector<16xi32> to vector<1xi32>
      %squeeze3A_581 = vector.extract %slice3A_580[0] : i32 from vector<1xi32>
      %mul3A_582 = arith.constant 16 : i32
      %mul3A_583 = arith.muli %scan3A_504, %mul3A_582 : i32
      %add3A_584 = arith.constant 4 : i32
      %add3A_585 = arith.addi %mul3A_583, %add3A_584 : i32
      %dma_start3A_586 = arith.constant 0 : i32
      %dma_start3A_587 = tpu.memref_slice %arg6[%add3A_585, %dma_start3A_586] : memref<256x64xf32, #tpu.memory_space<vmem>> -> memref<1x64xf32, #tpu.memory_space<vmem>>
      %dma_start3A_588 = tpu.memref_squeeze %dma_start3A_587 : memref<1x64xf32, #tpu.memory_space<vmem>> -> memref<64xf32, #tpu.memory_space<vmem>>
      %dma_start3A_589 = arith.constant 0 : i32
      %dma_start3A_590 = tpu.memref_slice %arg3[%add3A_254, %squeeze3A_581, %dma_start3A_589] : memref<64x8192x64xf32, #tpu.memory_space<hbm>> -> memref<1x1x64xf32, #tpu.memory_space<hbm>>
      %dma_start3A_591 = tpu.memref_squeeze %dma_start3A_590 : memref<1x1x64xf32, #tpu.memory_space<hbm>> -> memref<64xf32, #tpu.memory_space<hbm>>
      %dma_start3A_592 = arith.constant 0 : i32
      %dma_start3A_593 = tpu.memref_slice %arg6[%add3A_585, %dma_start3A_592] : memref<256x64xf32, #tpu.memory_space<vmem>> -> memref<1x64xf32, #tpu.memory_space<vmem>>
      %dma_start3A_594 = tpu.memref_squeeze %dma_start3A_593 : memref<1x64xf32, #tpu.memory_space<vmem>> -> memref<64xf32, #tpu.memory_space<vmem>>
      %dma_start3A_595 = arith.constant 0 : i32
      %dma_start3A_596 = tpu.memref_slice %arg3[%add3A_254, %squeeze3A_581, %dma_start3A_595] : memref<64x8192x64xf32, #tpu.memory_space<hbm>> -> memref<1x1x64xf32, #tpu.memory_space<hbm>>
      %dma_start3A_597 = tpu.memref_squeeze %dma_start3A_596 : memref<1x1x64xf32, #tpu.memory_space<hbm>> -> memref<64xf32, #tpu.memory_space<hbm>>
      tpu.enqueue_dma source(%dma_start3A_597 : memref<64xf32, #tpu.memory_space<hbm>>) target(%dma_start3A_594 : memref<64xf32, #tpu.memory_space<vmem>>) target_semaphore(%arg7 : memref<!tpu.dma_semaphore, #tpu.memory_space<semaphore_mem>>)
      %slice3A_598 = vector.extract_strided_slice %get3A_510 {offsets = [5], sizes = [1], strides = [1]} : vector<16xi32> to vector<1xi32>
      %squeeze3A_599 = vector.extract %slice3A_598[0] : i32 from vector<1xi32>
      %mul3A_600 = arith.constant 16 : i32
      %mul3A_601 = arith.muli %scan3A_504, %mul3A_600 : i32
      %add3A_602 = arith.constant 5 : i32
      %add3A_603 = arith.addi %mul3A_601, %add3A_602 : i32
      %dma_start3A_604 = arith.constant 0 : i32
      %dma_start3A_605 = tpu.memref_slice %arg6[%add3A_603, %dma_start3A_604] : memref<256x64xf32, #tpu.memory_space<vmem>> -> memref<1x64xf32, #tpu.memory_space<vmem>>
      %dma_start3A_606 = tpu.memref_squeeze %dma_start3A_605 : memref<1x64xf32, #tpu.memory_space<vmem>> -> memref<64xf32, #tpu.memory_space<vmem>>
      %dma_start3A_607 = arith.constant 0 : i32
      %dma_start3A_608 = tpu.memref_slice %arg3[%add3A_254, %squeeze3A_599, %dma_start3A_607] : memref<64x8192x64xf32, #tpu.memory_space<hbm>> -> memref<1x1x64xf32, #tpu.memory_space<hbm>>
      %dma_start3A_609 = tpu.memref_squeeze %dma_start3A_608 : memref<1x1x64xf32, #tpu.memory_space<hbm>> -> memref<64xf32, #tpu.memory_space<hbm>>
      %dma_start3A_610 = arith.constant 0 : i32
      %dma_start3A_611 = tpu.memref_slice %arg6[%add3A_603, %dma_start3A_610] : memref<256x64xf32, #tpu.memory_space<vmem>> -> memref<1x64xf32, #tpu.memory_space<vmem>>
      %dma_start3A_612 = tpu.memref_squeeze %dma_start3A_611 : memref<1x64xf32, #tpu.memory_space<vmem>> -> memref<64xf32, #tpu.memory_space<vmem>>
      %dma_start3A_613 = arith.constant 0 : i32
      %dma_start3A_614 = tpu.memref_slice %arg3[%add3A_254, %squeeze3A_599, %dma_start3A_613] : memref<64x8192x64xf32, #tpu.memory_space<hbm>> -> memref<1x1x64xf32, #tpu.memory_space<hbm>>
      %dma_start3A_615 = tpu.memref_squeeze %dma_start3A_614 : memref<1x1x64xf32, #tpu.memory_space<hbm>> -> memref<64xf32, #tpu.memory_space<hbm>>
      tpu.enqueue_dma source(%dma_start3A_615 : memref<64xf32, #tpu.memory_space<hbm>>) target(%dma_start3A_612 : memref<64xf32, #tpu.memory_space<vmem>>) target_semaphore(%arg8 : memref<!tpu.dma_semaphore, #tpu.memory_space<semaphore_mem>>)
      %slice3A_616 = vector.extract_strided_slice %get3A_510 {offsets = [6], sizes = [1], strides = [1]} : vector<16xi32> to vector<1xi32>
      %squeeze3A_617 = vector.extract %slice3A_616[0] : i32 from vector<1xi32>
      %mul3A_618 = arith.constant 16 : i32
      %mul3A_619 = arith.muli %scan3A_504, %mul3A_618 : i32
      %add3A_620 = arith.constant 6 : i32
      %add3A_621 = arith.addi %mul3A_619, %add3A_620 : i32
      %dma_start3A_622 = arith.constant 0 : i32
      %dma_start3A_623 = tpu.memref_slice %arg6[%add3A_621, %dma_start3A_622] : memref<256x64xf32, #tpu.memory_space<vmem>> -> memref<1x64xf32, #tpu.memory_space<vmem>>
      %dma_start3A_624 = tpu.memref_squeeze %dma_start3A_623 : memref<1x64xf32, #tpu.memory_space<vmem>> -> memref<64xf32, #tpu.memory_space<vmem>>
      %dma_start3A_625 = arith.constant 0 : i32
      %dma_start3A_626 = tpu.memref_slice %arg3[%add3A_254, %squeeze3A_617, %dma_start3A_625] : memref<64x8192x64xf32, #tpu.memory_space<hbm>> -> memref<1x1x64xf32, #tpu.memory_space<hbm>>
      %dma_start3A_627 = tpu.memref_squeeze %dma_start3A_626 : memref<1x1x64xf32, #tpu.memory_space<hbm>> -> memref<64xf32, #tpu.memory_space<hbm>>
      %dma_start3A_628 = arith.constant 0 : i32
      %dma_start3A_629 = tpu.memref_slice %arg6[%add3A_621, %dma_start3A_628] : memref<256x64xf32, #tpu.memory_space<vmem>> -> memref<1x64xf32, #tpu.memory_space<vmem>>
      %dma_start3A_630 = tpu.memref_squeeze %dma_start3A_629 : memref<1x64xf32, #tpu.memory_space<vmem>> -> memref<64xf32, #tpu.memory_space<vmem>>
      %dma_start3A_631 = arith.constant 0 : i32
      %dma_start3A_632 = tpu.memref_slice %arg3[%add3A_254, %squeeze3A_617, %dma_start3A_631] : memref<64x8192x64xf32, #tpu.memory_space<hbm>> -> memref<1x1x64xf32, #tpu.memory_space<hbm>>
      %dma_start3A_633 = tpu.memref_squeeze %dma_start3A_632 : memref<1x1x64xf32, #tpu.memory_space<hbm>> -> memref<64xf32, #tpu.memory_space<hbm>>
      tpu.enqueue_dma source(%dma_start3A_633 : memref<64xf32, #tpu.memory_space<hbm>>) target(%dma_start3A_630 : memref<64xf32, #tpu.memory_space<vmem>>) target_semaphore(%arg9 : memref<!tpu.dma_semaphore, #tpu.memory_space<semaphore_mem>>)
      %slice3A_634 = vector.extract_strided_slice %get3A_510 {offsets = [7], sizes = [1], strides = [1]} : vector<16xi32> to vector<1xi32>
      %squeeze3A_635 = vector.extract %slice3A_634[0] : i32 from vector<1xi32>
      %mul3A_636 = arith.constant 16 : i32
      %mul3A_637 = arith.muli %scan3A_504, %mul3A_636 : i32
      %add3A_638 = arith.constant 7 : i32
      %add3A_639 = arith.addi %mul3A_637, %add3A_638 : i32
      %dma_start3A_640 = arith.constant 0 : i32
      %dma_start3A_641 = tpu.memref_slice %arg6[%add3A_639, %dma_start3A_640] : memref<256x64xf32, #tpu.memory_space<vmem>> -> memref<1x64xf32, #tpu.memory_space<vmem>>
      %dma_start3A_642 = tpu.memref_squeeze %dma_start3A_641 : memref<1x64xf32, #tpu.memory_space<vmem>> -> memref<64xf32, #tpu.memory_space<vmem>>
      %dma_start3A_643 = arith.constant 0 : i32
      %dma_start3A_644 = tpu.memref_slice %arg3[%add3A_254, %squeeze3A_635, %dma_start3A_643] : memref<64x8192x64xf32, #tpu.memory_space<hbm>> -> memref<1x1x64xf32, #tpu.memory_space<hbm>>
      %dma_start3A_645 = tpu.memref_squeeze %dma_start3A_644 : memref<1x1x64xf32, #tpu.memory_space<hbm>> -> memref<64xf32, #tpu.memory_space<hbm>>
      %dma_start3A_646 = arith.constant 0 : i32
      %dma_start3A_647 = tpu.memref_slice %arg6[%add3A_639, %dma_start3A_646] : memref<256x64xf32, #tpu.memory_space<vmem>> -> memref<1x64xf32, #tpu.memory_space<vmem>>
      %dma_start3A_648 = tpu.memref_squeeze %dma_start3A_647 : memref<1x64xf32, #tpu.memory_space<vmem>> -> memref<64xf32, #tpu.memory_space<vmem>>
      %dma_start3A_649 = arith.constant 0 : i32
      %dma_start3A_650 = tpu.memref_slice %arg3[%add3A_254, %squeeze3A_635, %dma_start3A_649] : memref<64x8192x64xf32, #tpu.memory_space<hbm>> -> memref<1x1x64xf32, #tpu.memory_space<hbm>>
      %dma_start3A_651 = tpu.memref_squeeze %dma_start3A_650 : memref<1x1x64xf32, #tpu.memory_space<hbm>> -> memref<64xf32, #tpu.memory_space<hbm>>
      tpu.enqueue_dma source(%dma_start3A_651 : memref<64xf32, #tpu.memory_space<hbm>>) target(%dma_start3A_648 : memref<64xf32, #tpu.memory_space<vmem>>) target_semaphore(%arg10 : memref<!tpu.dma_semaphore, #tpu.memory_space<semaphore_mem>>)
      %slice3A_652 = vector.extract_strided_slice %get3A_510 {offsets = [8], sizes = [1], strides = [1]} : vector<16xi32> to vector<1xi32>
      %squeeze3A_653 = vector.extract %slice3A_652[0] : i32 from vector<1xi32>
      %mul3A_654 = arith.constant 16 : i32
      %mul3A_655 = arith.muli %scan3A_504, %mul3A_654 : i32
      %add3A_656 = arith.constant 8 : i32
      %add3A_657 = arith.addi %mul3A_655, %add3A_656 : i32
      %dma_start3A_658 = arith.constant 0 : i32
      %dma_start3A_659 = tpu.memref_slice %arg6[%add3A_657, %dma_start3A_658] : memref<256x64xf32, #tpu.memory_space<vmem>> -> memref<1x64xf32, #tpu.memory_space<vmem>>
      %dma_start3A_660 = tpu.memref_squeeze %dma_start3A_659 : memref<1x64xf32, #tpu.memory_space<vmem>> -> memref<64xf32, #tpu.memory_space<vmem>>
      %dma_start3A_661 = arith.constant 0 : i32
      %dma_start3A_662 = tpu.memref_slice %arg3[%add3A_254, %squeeze3A_653, %dma_start3A_661] : memref<64x8192x64xf32, #tpu.memory_space<hbm>> -> memref<1x1x64xf32, #tpu.memory_space<hbm>>
      %dma_start3A_663 = tpu.memref_squeeze %dma_start3A_662 : memref<1x1x64xf32, #tpu.memory_space<hbm>> -> memref<64xf32, #tpu.memory_space<hbm>>
      %dma_start3A_664 = arith.constant 0 : i32
      %dma_start3A_665 = tpu.memref_slice %arg6[%add3A_657, %dma_start3A_664] : memref<256x64xf32, #tpu.memory_space<vmem>> -> memref<1x64xf32, #tpu.memory_space<vmem>>
      %dma_start3A_666 = tpu.memref_squeeze %dma_start3A_665 : memref<1x64xf32, #tpu.memory_space<vmem>> -> memref<64xf32, #tpu.memory_space<vmem>>
      %dma_start3A_667 = arith.constant 0 : i32
      %dma_start3A_668 = tpu.memref_slice %arg3[%add3A_254, %squeeze3A_653, %dma_start3A_667] : memref<64x8192x64xf32, #tpu.memory_space<hbm>> -> memref<1x1x64xf32, #tpu.memory_space<hbm>>
      %dma_start3A_669 = tpu.memref_squeeze %dma_start3A_668 : memref<1x1x64xf32, #tpu.memory_space<hbm>> -> memref<64xf32, #tpu.memory_space<hbm>>
      tpu.enqueue_dma source(%dma_start3A_669 : memref<64xf32, #tpu.memory_space<hbm>>) target(%dma_start3A_666 : memref<64xf32, #tpu.memory_space<vmem>>) target_semaphore(%arg7 : memref<!tpu.dma_semaphore, #tpu.memory_space<semaphore_mem>>)
      %slice3A_670 = vector.extract_strided_slice %get3A_510 {offsets = [9], sizes = [1], strides = [1]} : vector<16xi32> to vector<1xi32>
      %squeeze3A_671 = vector.extract %slice3A_670[0] : i32 from vector<1xi32>
      %mul3A_672 = arith.constant 16 : i32
      %mul3A_673 = arith.muli %scan3A_504, %mul3A_672 : i32
      %add3A_674 = arith.constant 9 : i32
      %add3A_675 = arith.addi %mul3A_673, %add3A_674 : i32
      %dma_start3A_676 = arith.constant 0 : i32
      %dma_start3A_677 = tpu.memref_slice %arg6[%add3A_675, %dma_start3A_676] : memref<256x64xf32, #tpu.memory_space<vmem>> -> memref<1x64xf32, #tpu.memory_space<vmem>>
      %dma_start3A_678 = tpu.memref_squeeze %dma_start3A_677 : memref<1x64xf32, #tpu.memory_space<vmem>> -> memref<64xf32, #tpu.memory_space<vmem>>
      %dma_start3A_679 = arith.constant 0 : i32
      %dma_start3A_680 = tpu.memref_slice %arg3[%add3A_254, %squeeze3A_671, %dma_start3A_679] : memref<64x8192x64xf32, #tpu.memory_space<hbm>> -> memref<1x1x64xf32, #tpu.memory_space<hbm>>
      %dma_start3A_681 = tpu.memref_squeeze %dma_start3A_680 : memref<1x1x64xf32, #tpu.memory_space<hbm>> -> memref<64xf32, #tpu.memory_space<hbm>>
      %dma_start3A_682 = arith.constant 0 : i32
      %dma_start3A_683 = tpu.memref_slice %arg6[%add3A_675, %dma_start3A_682] : memref<256x64xf32, #tpu.memory_space<vmem>> -> memref<1x64xf32, #tpu.memory_space<vmem>>
      %dma_start3A_684 = tpu.memref_squeeze %dma_start3A_683 : memref<1x64xf32, #tpu.memory_space<vmem>> -> memref<64xf32, #tpu.memory_space<vmem>>
      %dma_start3A_685 = arith.constant 0 : i32
      %dma_start3A_686 = tpu.memref_slice %arg3[%add3A_254, %squeeze3A_671, %dma_start3A_685] : memref<64x8192x64xf32, #tpu.memory_space<hbm>> -> memref<1x1x64xf32, #tpu.memory_space<hbm>>
      %dma_start3A_687 = tpu.memref_squeeze %dma_start3A_686 : memref<1x1x64xf32, #tpu.memory_space<hbm>> -> memref<64xf32, #tpu.memory_space<hbm>>
      tpu.enqueue_dma source(%dma_start3A_687 : memref<64xf32, #tpu.memory_space<hbm>>) target(%dma_start3A_684 : memref<64xf32, #tpu.memory_space<vmem>>) target_semaphore(%arg8 : memref<!tpu.dma_semaphore, #tpu.memory_space<semaphore_mem>>)
      %slice3A_688 = vector.extract_strided_slice %get3A_510 {offsets = [10], sizes = [1], strides = [1]} : vector<16xi32> to vector<1xi32>
      %squeeze3A_689 = vector.extract %slice3A_688[0] : i32 from vector<1xi32>
      %mul3A_690 = arith.constant 16 : i32
      %mul3A_691 = arith.muli %scan3A_504, %mul3A_690 : i32
      %add3A_692 = arith.constant 10 : i32
      %add3A_693 = arith.addi %mul3A_691, %add3A_692 : i32
      %dma_start3A_694 = arith.constant 0 : i32
      %dma_start3A_695 = tpu.memref_slice %arg6[%add3A_693, %dma_start3A_694] : memref<256x64xf32, #tpu.memory_space<vmem>> -> memref<1x64xf32, #tpu.memory_space<vmem>>
      %dma_start3A_696 = tpu.memref_squeeze %dma_start3A_695 : memref<1x64xf32, #tpu.memory_space<vmem>> -> memref<64xf32, #tpu.memory_space<vmem>>
      %dma_start3A_697 = arith.constant 0 : i32
      %dma_start3A_698 = tpu.memref_slice %arg3[%add3A_254, %squeeze3A_689, %dma_start3A_697] : memref<64x8192x64xf32, #tpu.memory_space<hbm>> -> memref<1x1x64xf32, #tpu.memory_space<hbm>>
      %dma_start3A_699 = tpu.memref_squeeze %dma_start3A_698 : memref<1x1x64xf32, #tpu.memory_space<hbm>> -> memref<64xf32, #tpu.memory_space<hbm>>
      %dma_start3A_700 = arith.constant 0 : i32
      %dma_start3A_701 = tpu.memref_slice %arg6[%add3A_693, %dma_start3A_700] : memref<256x64xf32, #tpu.memory_space<vmem>> -> memref<1x64xf32, #tpu.memory_space<vmem>>
      %dma_start3A_702 = tpu.memref_squeeze %dma_start3A_701 : memref<1x64xf32, #tpu.memory_space<vmem>> -> memref<64xf32, #tpu.memory_space<vmem>>
      %dma_start3A_703 = arith.constant 0 : i32
      %dma_start3A_704 = tpu.memref_slice %arg3[%add3A_254, %squeeze3A_689, %dma_start3A_703] : memref<64x8192x64xf32, #tpu.memory_space<hbm>> -> memref<1x1x64xf32, #tpu.memory_space<hbm>>
      %dma_start3A_705 = tpu.memref_squeeze %dma_start3A_704 : memref<1x1x64xf32, #tpu.memory_space<hbm>> -> memref<64xf32, #tpu.memory_space<hbm>>
      tpu.enqueue_dma source(%dma_start3A_705 : memref<64xf32, #tpu.memory_space<hbm>>) target(%dma_start3A_702 : memref<64xf32, #tpu.memory_space<vmem>>) target_semaphore(%arg9 : memref<!tpu.dma_semaphore, #tpu.memory_space<semaphore_mem>>)
      %slice3A_706 = vector.extract_strided_slice %get3A_510 {offsets = [11], sizes = [1], strides = [1]} : vector<16xi32> to vector<1xi32>
      %squeeze3A_707 = vector.extract %slice3A_706[0] : i32 from vector<1xi32>
      %mul3A_708 = arith.constant 16 : i32
      %mul3A_709 = arith.muli %scan3A_504, %mul3A_708 : i32
      %add3A_710 = arith.constant 11 : i32
      %add3A_711 = arith.addi %mul3A_709, %add3A_710 : i32
      %dma_start3A_712 = arith.constant 0 : i32
      %dma_start3A_713 = tpu.memref_slice %arg6[%add3A_711, %dma_start3A_712] : memref<256x64xf32, #tpu.memory_space<vmem>> -> memref<1x64xf32, #tpu.memory_space<vmem>>
      %dma_start3A_714 = tpu.memref_squeeze %dma_start3A_713 : memref<1x64xf32, #tpu.memory_space<vmem>> -> memref<64xf32, #tpu.memory_space<vmem>>
      %dma_start3A_715 = arith.constant 0 : i32
      %dma_start3A_716 = tpu.memref_slice %arg3[%add3A_254, %squeeze3A_707, %dma_start3A_715] : memref<64x8192x64xf32, #tpu.memory_space<hbm>> -> memref<1x1x64xf32, #tpu.memory_space<hbm>>
      %dma_start3A_717 = tpu.memref_squeeze %dma_start3A_716 : memref<1x1x64xf32, #tpu.memory_space<hbm>> -> memref<64xf32, #tpu.memory_space<hbm>>
      %dma_start3A_718 = arith.constant 0 : i32
      %dma_start3A_719 = tpu.memref_slice %arg6[%add3A_711, %dma_start3A_718] : memref<256x64xf32, #tpu.memory_space<vmem>> -> memref<1x64xf32, #tpu.memory_space<vmem>>
      %dma_start3A_720 = tpu.memref_squeeze %dma_start3A_719 : memref<1x64xf32, #tpu.memory_space<vmem>> -> memref<64xf32, #tpu.memory_space<vmem>>
      %dma_start3A_721 = arith.constant 0 : i32
      %dma_start3A_722 = tpu.memref_slice %arg3[%add3A_254, %squeeze3A_707, %dma_start3A_721] : memref<64x8192x64xf32, #tpu.memory_space<hbm>> -> memref<1x1x64xf32, #tpu.memory_space<hbm>>
      %dma_start3A_723 = tpu.memref_squeeze %dma_start3A_722 : memref<1x1x64xf32, #tpu.memory_space<hbm>> -> memref<64xf32, #tpu.memory_space<hbm>>
      tpu.enqueue_dma source(%dma_start3A_723 : memref<64xf32, #tpu.memory_space<hbm>>) target(%dma_start3A_720 : memref<64xf32, #tpu.memory_space<vmem>>) target_semaphore(%arg10 : memref<!tpu.dma_semaphore, #tpu.memory_space<semaphore_mem>>)
      %slice3A_724 = vector.extract_strided_slice %get3A_510 {offsets = [12], sizes = [1], strides = [1]} : vector<16xi32> to vector<1xi32>
      %squeeze3A_725 = vector.extract %slice3A_724[0] : i32 from vector<1xi32>
      %mul3A_726 = arith.constant 16 : i32
      %mul3A_727 = arith.muli %scan3A_504, %mul3A_726 : i32
      %add3A_728 = arith.constant 12 : i32
      %add3A_729 = arith.addi %mul3A_727, %add3A_728 : i32
      %dma_start3A_730 = arith.constant 0 : i32
      %dma_start3A_731 = tpu.memref_slice %arg6[%add3A_729, %dma_start3A_730] : memref<256x64xf32, #tpu.memory_space<vmem>> -> memref<1x64xf32, #tpu.memory_space<vmem>>
      %dma_start3A_732 = tpu.memref_squeeze %dma_start3A_731 : memref<1x64xf32, #tpu.memory_space<vmem>> -> memref<64xf32, #tpu.memory_space<vmem>>
      %dma_start3A_733 = arith.constant 0 : i32
      %dma_start3A_734 = tpu.memref_slice %arg3[%add3A_254, %squeeze3A_725, %dma_start3A_733] : memref<64x8192x64xf32, #tpu.memory_space<hbm>> -> memref<1x1x64xf32, #tpu.memory_space<hbm>>
      %dma_start3A_735 = tpu.memref_squeeze %dma_start3A_734 : memref<1x1x64xf32, #tpu.memory_space<hbm>> -> memref<64xf32, #tpu.memory_space<hbm>>
      %dma_start3A_736 = arith.constant 0 : i32
      %dma_start3A_737 = tpu.memref_slice %arg6[%add3A_729, %dma_start3A_736] : memref<256x64xf32, #tpu.memory_space<vmem>> -> memref<1x64xf32, #tpu.memory_space<vmem>>
      %dma_start3A_738 = tpu.memref_squeeze %dma_start3A_737 : memref<1x64xf32, #tpu.memory_space<vmem>> -> memref<64xf32, #tpu.memory_space<vmem>>
      %dma_start3A_739 = arith.constant 0 : i32
      %dma_start3A_740 = tpu.memref_slice %arg3[%add3A_254, %squeeze3A_725, %dma_start3A_739] : memref<64x8192x64xf32, #tpu.memory_space<hbm>> -> memref<1x1x64xf32, #tpu.memory_space<hbm>>
      %dma_start3A_741 = tpu.memref_squeeze %dma_start3A_740 : memref<1x1x64xf32, #tpu.memory_space<hbm>> -> memref<64xf32, #tpu.memory_space<hbm>>
      tpu.enqueue_dma source(%dma_start3A_741 : memref<64xf32, #tpu.memory_space<hbm>>) target(%dma_start3A_738 : memref<64xf32, #tpu.memory_space<vmem>>) target_semaphore(%arg7 : memref<!tpu.dma_semaphore, #tpu.memory_space<semaphore_mem>>)
      %slice3A_742 = vector.extract_strided_slice %get3A_510 {offsets = [13], sizes = [1], strides = [1]} : vector<16xi32> to vector<1xi32>
      %squeeze3A_743 = vector.extract %slice3A_742[0] : i32 from vector<1xi32>
      %mul3A_744 = arith.constant 16 : i32
      %mul3A_745 = arith.muli %scan3A_504, %mul3A_744 : i32
      %add3A_746 = arith.constant 13 : i32
      %add3A_747 = arith.addi %mul3A_745, %add3A_746 : i32
      %dma_start3A_748 = arith.constant 0 : i32
      %dma_start3A_749 = tpu.memref_slice %arg6[%add3A_747, %dma_start3A_748] : memref<256x64xf32, #tpu.memory_space<vmem>> -> memref<1x64xf32, #tpu.memory_space<vmem>>
      %dma_start3A_750 = tpu.memref_squeeze %dma_start3A_749 : memref<1x64xf32, #tpu.memory_space<vmem>> -> memref<64xf32, #tpu.memory_space<vmem>>
      %dma_start3A_751 = arith.constant 0 : i32
      %dma_start3A_752 = tpu.memref_slice %arg3[%add3A_254, %squeeze3A_743, %dma_start3A_751] : memref<64x8192x64xf32, #tpu.memory_space<hbm>> -> memref<1x1x64xf32, #tpu.memory_space<hbm>>
      %dma_start3A_753 = tpu.memref_squeeze %dma_start3A_752 : memref<1x1x64xf32, #tpu.memory_space<hbm>> -> memref<64xf32, #tpu.memory_space<hbm>>
      %dma_start3A_754 = arith.constant 0 : i32
      %dma_start3A_755 = tpu.memref_slice %arg6[%add3A_747, %dma_start3A_754] : memref<256x64xf32, #tpu.memory_space<vmem>> -> memref<1x64xf32, #tpu.memory_space<vmem>>
      %dma_start3A_756 = tpu.memref_squeeze %dma_start3A_755 : memref<1x64xf32, #tpu.memory_space<vmem>> -> memref<64xf32, #tpu.memory_space<vmem>>
      %dma_start3A_757 = arith.constant 0 : i32
      %dma_start3A_758 = tpu.memref_slice %arg3[%add3A_254, %squeeze3A_743, %dma_start3A_757] : memref<64x8192x64xf32, #tpu.memory_space<hbm>> -> memref<1x1x64xf32, #tpu.memory_space<hbm>>
      %dma_start3A_759 = tpu.memref_squeeze %dma_start3A_758 : memref<1x1x64xf32, #tpu.memory_space<hbm>> -> memref<64xf32, #tpu.memory_space<hbm>>
      tpu.enqueue_dma source(%dma_start3A_759 : memref<64xf32, #tpu.memory_space<hbm>>) target(%dma_start3A_756 : memref<64xf32, #tpu.memory_space<vmem>>) target_semaphore(%arg8 : memref<!tpu.dma_semaphore, #tpu.memory_space<semaphore_mem>>)
      %slice3A_760 = vector.extract_strided_slice %get3A_510 {offsets = [14], sizes = [1], strides = [1]} : vector<16xi32> to vector<1xi32>
      %squeeze3A_761 = vector.extract %slice3A_760[0] : i32 from vector<1xi32>
      %mul3A_762 = arith.constant 16 : i32
      %mul3A_763 = arith.muli %scan3A_504, %mul3A_762 : i32
      %add3A_764 = arith.constant 14 : i32
      %add3A_765 = arith.addi %mul3A_763, %add3A_764 : i32
      %dma_start3A_766 = arith.constant 0 : i32
      %dma_start3A_767 = tpu.memref_slice %arg6[%add3A_765, %dma_start3A_766] : memref<256x64xf32, #tpu.memory_space<vmem>> -> memref<1x64xf32, #tpu.memory_space<vmem>>
      %dma_start3A_768 = tpu.memref_squeeze %dma_start3A_767 : memref<1x64xf32, #tpu.memory_space<vmem>> -> memref<64xf32, #tpu.memory_space<vmem>>
      %dma_start3A_769 = arith.constant 0 : i32
      %dma_start3A_770 = tpu.memref_slice %arg3[%add3A_254, %squeeze3A_761, %dma_start3A_769] : memref<64x8192x64xf32, #tpu.memory_space<hbm>> -> memref<1x1x64xf32, #tpu.memory_space<hbm>>
      %dma_start3A_771 = tpu.memref_squeeze %dma_start3A_770 : memref<1x1x64xf32, #tpu.memory_space<hbm>> -> memref<64xf32, #tpu.memory_space<hbm>>
      %dma_start3A_772 = arith.constant 0 : i32
      %dma_start3A_773 = tpu.memref_slice %arg6[%add3A_765, %dma_start3A_772] : memref<256x64xf32, #tpu.memory_space<vmem>> -> memref<1x64xf32, #tpu.memory_space<vmem>>
      %dma_start3A_774 = tpu.memref_squeeze %dma_start3A_773 : memref<1x64xf32, #tpu.memory_space<vmem>> -> memref<64xf32, #tpu.memory_space<vmem>>
      %dma_start3A_775 = arith.constant 0 : i32
      %dma_start3A_776 = tpu.memref_slice %arg3[%add3A_254, %squeeze3A_761, %dma_start3A_775] : memref<64x8192x64xf32, #tpu.memory_space<hbm>> -> memref<1x1x64xf32, #tpu.memory_space<hbm>>
      %dma_start3A_777 = tpu.memref_squeeze %dma_start3A_776 : memref<1x1x64xf32, #tpu.memory_space<hbm>> -> memref<64xf32, #tpu.memory_space<hbm>>
      tpu.enqueue_dma source(%dma_start3A_777 : memref<64xf32, #tpu.memory_space<hbm>>) target(%dma_start3A_774 : memref<64xf32, #tpu.memory_space<vmem>>) target_semaphore(%arg9 : memref<!tpu.dma_semaphore, #tpu.memory_space<semaphore_mem>>)
      %slice3A_778 = vector.extract_strided_slice %get3A_510 {offsets = [15], sizes = [1], strides = [1]} : vector<16xi32> to vector<1xi32>
      %squeeze3A_779 = vector.extract %slice3A_778[0] : i32 from vector<1xi32>
      %mul3A_780 = arith.constant 16 : i32
      %mul3A_781 = arith.muli %scan3A_504, %mul3A_780 : i32
      %add3A_782 = arith.constant 15 : i32
      %add3A_783 = arith.addi %mul3A_781, %add3A_782 : i32
      %dma_start3A_784 = arith.constant 0 : i32
      %dma_start3A_785 = tpu.memref_slice %arg6[%add3A_783, %dma_start3A_784] : memref<256x64xf32, #tpu.memory_space<vmem>> -> memref<1x64xf32, #tpu.memory_space<vmem>>
      %dma_start3A_786 = tpu.memref_squeeze %dma_start3A_785 : memref<1x64xf32, #tpu.memory_space<vmem>> -> memref<64xf32, #tpu.memory_space<vmem>>
      %dma_start3A_787 = arith.constant 0 : i32
      %dma_start3A_788 = tpu.memref_slice %arg3[%add3A_254, %squeeze3A_779, %dma_start3A_787] : memref<64x8192x64xf32, #tpu.memory_space<hbm>> -> memref<1x1x64xf32, #tpu.memory_space<hbm>>
      %dma_start3A_789 = tpu.memref_squeeze %dma_start3A_788 : memref<1x1x64xf32, #tpu.memory_space<hbm>> -> memref<64xf32, #tpu.memory_space<hbm>>
      %dma_start3A_790 = arith.constant 0 : i32
      %dma_start3A_791 = tpu.memref_slice %arg6[%add3A_783, %dma_start3A_790] : memref<256x64xf32, #tpu.memory_space<vmem>> -> memref<1x64xf32, #tpu.memory_space<vmem>>
      %dma_start3A_792 = tpu.memref_squeeze %dma_start3A_791 : memref<1x64xf32, #tpu.memory_space<vmem>> -> memref<64xf32, #tpu.memory_space<vmem>>
      %dma_start3A_793 = arith.constant 0 : i32
      %dma_start3A_794 = tpu.memref_slice %arg3[%add3A_254, %squeeze3A_779, %dma_start3A_793] : memref<64x8192x64xf32, #tpu.memory_space<hbm>> -> memref<1x1x64xf32, #tpu.memory_space<hbm>>
      %dma_start3A_795 = tpu.memref_squeeze %dma_start3A_794 : memref<1x1x64xf32, #tpu.memory_space<hbm>> -> memref<64xf32, #tpu.memory_space<hbm>>
      tpu.enqueue_dma source(%dma_start3A_795 : memref<64xf32, #tpu.memory_space<hbm>>) target(%dma_start3A_792 : memref<64xf32, #tpu.memory_space<vmem>>) target_semaphore(%arg10 : memref<!tpu.dma_semaphore, #tpu.memory_space<semaphore_mem>>)
    }
    %scan3A_323 = arith.constant 16 : i32
    %dma_wait3A_324 = arith.constant 0 : i32
    %dma_wait3A_325 = arith.constant 0 : i32
    %dma_wait3A_326 = tpu.memref_slice %arg6[%dma_wait3A_324, %dma_wait3A_325] : memref<256x64xf32, #tpu.memory_space<vmem>> -> memref<64x64xf32, #tpu.memory_space<vmem>>
    %dma_wait3A_327 = arith.constant 0 : i32
    %dma_wait3A_328 = arith.constant 0 : i32
    %dma_wait3A_329 = tpu.memref_slice %arg3[%add3A_254, %dma_wait3A_327, %dma_wait3A_328] : memref<64x8192x64xf32, #tpu.memory_space<hbm>> -> memref<1x64x64xf32, #tpu.memory_space<hbm>>
    %dma_wait3A_330 = tpu.memref_squeeze %dma_wait3A_329 : memref<1x64x64xf32, #tpu.memory_space<hbm>> -> memref<64x64xf32, #tpu.memory_space<hbm>>
    %dma_wait3A_331 = arith.constant 0 : i32
    %dma_wait3A_332 = arith.constant 0 : i32
    %dma_wait3A_333 = tpu.memref_slice %arg6[%dma_wait3A_331, %dma_wait3A_332] : memref<256x64xf32, #tpu.memory_space<vmem>> -> memref<64x64xf32, #tpu.memory_space<vmem>>
    %dma_wait3A_334 = arith.constant 0 : i32
    %dma_wait3A_335 = arith.constant 0 : i32
    %dma_wait3A_336 = tpu.memref_slice %arg3[%add3A_254, %dma_wait3A_334, %dma_wait3A_335] : memref<64x8192x64xf32, #tpu.memory_space<hbm>> -> memref<1x64x64xf32, #tpu.memory_space<hbm>>
    %dma_wait3A_337 = tpu.memref_squeeze %dma_wait3A_336 : memref<1x64x64xf32, #tpu.memory_space<hbm>> -> memref<64x64xf32, #tpu.memory_space<hbm>>
    tpu.wait_dma2 semaphore(%arg7 : memref<!tpu.dma_semaphore, #tpu.memory_space<semaphore_mem>>) src(%dma_wait3A_337 : memref<64x64xf32, #tpu.memory_space<hbm>>) dst(%dma_wait3A_333 : memref<64x64xf32, #tpu.memory_space<vmem>>)
    %dma_wait3A_338 = arith.constant 64 : i32
    %dma_wait3A_339 = arith.constant 0 : i32
    %dma_wait3A_340 = tpu.memref_slice %arg6[%dma_wait3A_338, %dma_wait3A_339] : memref<256x64xf32, #tpu.memory_space<vmem>> -> memref<64x64xf32, #tpu.memory_space<vmem>>
    %dma_wait3A_341 = arith.constant 0 : i32
    %dma_wait3A_342 = arith.constant 0 : i32
    %dma_wait3A_343 = tpu.memref_slice %arg3[%add3A_254, %dma_wait3A_341, %dma_wait3A_342] : memref<64x8192x64xf32, #tpu.memory_space<hbm>> -> memref<1x64x64xf32, #tpu.memory_space<hbm>>
    %dma_wait3A_344 = tpu.memref_squeeze %dma_wait3A_343 : memref<1x64x64xf32, #tpu.memory_space<hbm>> -> memref<64x64xf32, #tpu.memory_space<hbm>>
    %dma_wait3A_345 = arith.constant 64 : i32
    %dma_wait3A_346 = arith.constant 0 : i32
    %dma_wait3A_347 = tpu.memref_slice %arg6[%dma_wait3A_345, %dma_wait3A_346] : memref<256x64xf32, #tpu.memory_space<vmem>> -> memref<64x64xf32, #tpu.memory_space<vmem>>
    %dma_wait3A_348 = arith.constant 0 : i32
    %dma_wait3A_349 = arith.constant 0 : i32
    %dma_wait3A_350 = tpu.memref_slice %arg3[%add3A_254, %dma_wait3A_348, %dma_wait3A_349] : memref<64x8192x64xf32, #tpu.memory_space<hbm>> -> memref<1x64x64xf32, #tpu.memory_space<hbm>>
    %dma_wait3A_351 = tpu.memref_squeeze %dma_wait3A_350 : memref<1x64x64xf32, #tpu.memory_space<hbm>> -> memref<64x64xf32, #tpu.memory_space<hbm>>
    tpu.wait_dma2 semaphore(%arg8 : memref<!tpu.dma_semaphore, #tpu.memory_space<semaphore_mem>>) src(%dma_wait3A_351 : memref<64x64xf32, #tpu.memory_space<hbm>>) dst(%dma_wait3A_347 : memref<64x64xf32, #tpu.memory_space<vmem>>)
    %dma_wait3A_352 = arith.constant 128 : i32
    %dma_wait3A_353 = arith.constant 0 : i32
    %dma_wait3A_354 = tpu.memref_slice %arg6[%dma_wait3A_352, %dma_wait3A_353] : memref<256x64xf32, #tpu.memory_space<vmem>> -> memref<64x64xf32, #tpu.memory_space<vmem>>
    %dma_wait3A_355 = arith.constant 0 : i32
    %dma_wait3A_356 = arith.constant 0 : i32
    %dma_wait3A_357 = tpu.memref_slice %arg3[%add3A_254, %dma_wait3A_355, %dma_wait3A_356] : memref<64x8192x64xf32, #tpu.memory_space<hbm>> -> memref<1x64x64xf32, #tpu.memory_space<hbm>>
    %dma_wait3A_358 = tpu.memref_squeeze %dma_wait3A_357 : memref<1x64x64xf32, #tpu.memory_space<hbm>> -> memref<64x64xf32, #tpu.memory_space<hbm>>
    %dma_wait3A_359 = arith.constant 128 : i32
    %dma_wait3A_360 = arith.constant 0 : i32
    %dma_wait3A_361 = tpu.memref_slice %arg6[%dma_wait3A_359, %dma_wait3A_360] : memref<256x64xf32, #tpu.memory_space<vmem>> -> memref<64x64xf32, #tpu.memory_space<vmem>>
    %dma_wait3A_362 = arith.constant 0 : i32
    %dma_wait3A_363 = arith.constant 0 : i32
    %dma_wait3A_364 = tpu.memref_slice %arg3[%add3A_254, %dma_wait3A_362, %dma_wait3A_363] : memref<64x8192x64xf32, #tpu.memory_space<hbm>> -> memref<1x64x64xf32, #tpu.memory_space<hbm>>
    %dma_wait3A_365 = tpu.memref_squeeze %dma_wait3A_364 : memref<1x64x64xf32, #tpu.memory_space<hbm>> -> memref<64x64xf32, #tpu.memory_space<hbm>>
    tpu.wait_dma2 semaphore(%arg9 : memref<!tpu.dma_semaphore, #tpu.memory_space<semaphore_mem>>) src(%dma_wait3A_365 : memref<64x64xf32, #tpu.memory_space<hbm>>) dst(%dma_wait3A_361 : memref<64x64xf32, #tpu.memory_space<vmem>>)
    %dma_wait3A_366 = arith.constant 192 : i32
    %dma_wait3A_367 = arith.constant 0 : i32
    %dma_wait3A_368 = tpu.memref_slice %arg6[%dma_wait3A_366, %dma_wait3A_367] : memref<256x64xf32, #tpu.memory_space<vmem>> -> memref<64x64xf32, #tpu.memory_space<vmem>>
    %dma_wait3A_369 = arith.constant 0 : i32
    %dma_wait3A_370 = arith.constant 0 : i32
    %dma_wait3A_371 = tpu.memref_slice %arg3[%add3A_254, %dma_wait3A_369, %dma_wait3A_370] : memref<64x8192x64xf32, #tpu.memory_space<hbm>> -> memref<1x64x64xf32, #tpu.memory_space<hbm>>
    %dma_wait3A_372 = tpu.memref_squeeze %dma_wait3A_371 : memref<1x64x64xf32, #tpu.memory_space<hbm>> -> memref<64x64xf32, #tpu.memory_space<hbm>>
    %dma_wait3A_373 = arith.constant 192 : i32
    %dma_wait3A_374 = arith.constant 0 : i32
    %dma_wait3A_375 = tpu.memref_slice %arg6[%dma_wait3A_373, %dma_wait3A_374] : memref<256x64xf32, #tpu.memory_space<vmem>> -> memref<64x64xf32, #tpu.memory_space<vmem>>
    %dma_wait3A_376 = arith.constant 0 : i32
    %dma_wait3A_377 = arith.constant 0 : i32
    %dma_wait3A_378 = tpu.memref_slice %arg3[%add3A_254, %dma_wait3A_376, %dma_wait3A_377] : memref<64x8192x64xf32, #tpu.memory_space<hbm>> -> memref<1x64x64xf32, #tpu.memory_space<hbm>>
    %dma_wait3A_379 = tpu.memref_squeeze %dma_wait3A_378 : memref<1x64x64xf32, #tpu.memory_space<hbm>> -> memref<64x64xf32, #tpu.memory_space<hbm>>
    tpu.wait_dma2 semaphore(%arg10 : memref<!tpu.dma_semaphore, #tpu.memory_space<semaphore_mem>>) src(%dma_wait3A_379 : memref<64x64xf32, #tpu.memory_space<hbm>>) dst(%dma_wait3A_375 : memref<64x64xf32, #tpu.memory_space<vmem>>)
    "tpu.region"() ({
      %run_scoped3A_504 = tpu.sem_alloc : memref<!tpu.dma_semaphore, #tpu.memory_space<semaphore_mem>>
      %dma_start3A = arith.constant 256 : i32
      %dma_start3A_505 = arith.constant 0 : i32
      %dma_start3A_506 = tpu.memref_slice %arg4[%add3A_254, %dma_start3A, %dma_start3A_505] : memref<64x1024x64xf32, #tpu.memory_space<hbm>> -> memref<1x256x64xf32, #tpu.memory_space<hbm>>
      %dma_start3A_507 = tpu.memref_squeeze %dma_start3A_506 : memref<1x256x64xf32, #tpu.memory_space<hbm>> -> memref<256x64xf32, #tpu.memory_space<hbm>>
      %dma_start3A_508 = arith.constant 256 : i32
      %dma_start3A_509 = arith.constant 0 : i32
      %dma_start3A_510 = tpu.memref_slice %arg4[%add3A_254, %dma_start3A_508, %dma_start3A_509] : memref<64x1024x64xf32, #tpu.memory_space<hbm>> -> memref<1x256x64xf32, #tpu.memory_space<hbm>>
      %dma_start3A_511 = tpu.memref_squeeze %dma_start3A_510 : memref<1x256x64xf32, #tpu.memory_space<hbm>> -> memref<256x64xf32, #tpu.memory_space<hbm>>
      tpu.enqueue_dma source(%arg6 : memref<256x64xf32, #tpu.memory_space<vmem>>) target(%dma_start3A_511 : memref<256x64xf32, #tpu.memory_space<hbm>>) target_semaphore(%run_scoped3A_504 : memref<!tpu.dma_semaphore, #tpu.memory_space<semaphore_mem>>)
      %dma_wait3A_512 = arith.constant 256 : i32
      %dma_wait3A_513 = arith.constant 0 : i32
      %dma_wait3A_514 = tpu.memref_slice %arg4[%add3A_254, %dma_wait3A_512, %dma_wait3A_513] : memref<64x1024x64xf32, #tpu.memory_space<hbm>> -> memref<1x256x64xf32, #tpu.memory_space<hbm>>
      %dma_wait3A_515 = tpu.memref_squeeze %dma_wait3A_514 : memref<1x256x64xf32, #tpu.memory_space<hbm>> -> memref<256x64xf32, #tpu.memory_space<hbm>>
      %dma_wait3A_516 = arith.constant 256 : i32
      %dma_wait3A_517 = arith.constant 0 : i32
      %dma_wait3A_518 = tpu.memref_slice %arg4[%add3A_254, %dma_wait3A_516, %dma_wait3A_517] : memref<64x1024x64xf32, #tpu.memory_space<hbm>> -> memref<1x256x64xf32, #tpu.memory_space<hbm>>
      %dma_wait3A_519 = tpu.memref_squeeze %dma_wait3A_518 : memref<1x256x64xf32, #tpu.memory_space<hbm>> -> memref<256x64xf32, #tpu.memory_space<hbm>>
      tpu.wait_dma2 semaphore(%run_scoped3A_504 : memref<!tpu.dma_semaphore, #tpu.memory_space<semaphore_mem>>) src(%arg6 : memref<256x64xf32, #tpu.memory_space<vmem>>) dst(%dma_wait3A_519 : memref<256x64xf32, #tpu.memory_space<hbm>>)
      tpu.yield
    }) : () -> ()
    %scan3A_380 = arith.constant 0 : i32
    %scan3A_381 = arith.constant 0 : i32
    %scan3A_382 = arith.constant 16 : i32
    %scan3A_383 = arith.addi %scan3A_381, %scan3A_382 : i32
    %scan3A_384 = arith.constant 1 : i32
    scf.for %scan3A_504 = %scan3A_381 to %scan3A_383 step %scan3A_384  : i32 {
      %mul3A_505 = arith.constant 16 : i32
      %mul3A_506 = arith.muli %scan3A_504, %mul3A_505 : i32
      %add3A_507 = arith.constant 512 : i32
      %add3A_508 = arith.addi %add3A_507, %mul3A_506 : i32
      %get3A = arith.index_cast %add3A_508 : i32 to index
      %get3A_509 = tpu.vector_load %arg5[%get3A] {strides = array<i32>} : memref<1024xi32, #tpu.memory_space<vmem>>, vector<16xi32>,
      %get3A_510 = vector.shape_cast %get3A_509 : vector<16xi32> to vector<16xi32>
      %slice3A = vector.extract_strided_slice %get3A_510 {offsets = [0], sizes = [1], strides = [1]} : vector<16xi32> to vector<1xi32>
      %squeeze3A = vector.extract %slice3A[0] : i32 from vector<1xi32>
      %mul3A_511 = arith.constant 16 : i32
      %mul3A_512 = arith.muli %scan3A_504, %mul3A_511 : i32
      %add3A_513 = arith.constant 0 : i32
      %add3A_514 = arith.addi %mul3A_512, %add3A_513 : i32
      %dma_start3A = arith.constant 0 : i32
      %dma_start3A_515 = tpu.memref_slice %arg6[%add3A_514, %dma_start3A] : memref<256x64xf32, #tpu.memory_space<vmem>> -> memref<1x64xf32, #tpu.memory_space<vmem>>
      %dma_start3A_516 = tpu.memref_squeeze %dma_start3A_515 : memref<1x64xf32, #tpu.memory_space<vmem>> -> memref<64xf32, #tpu.memory_space<vmem>>
      %dma_start3A_517 = arith.constant 0 : i32
      %dma_start3A_518 = tpu.memref_slice %arg3[%add3A_254, %squeeze3A, %dma_start3A_517] : memref<64x8192x64xf32, #tpu.memory_space<hbm>> -> memref<1x1x64xf32, #tpu.memory_space<hbm>>
      %dma_start3A_519 = tpu.memref_squeeze %dma_start3A_518 : memref<1x1x64xf32, #tpu.memory_space<hbm>> -> memref<64xf32, #tpu.memory_space<hbm>>
      %dma_start3A_520 = arith.constant 0 : i32
      %dma_start3A_521 = tpu.memref_slice %arg6[%add3A_514, %dma_start3A_520] : memref<256x64xf32, #tpu.memory_space<vmem>> -> memref<1x64xf32, #tpu.memory_space<vmem>>
      %dma_start3A_522 = tpu.memref_squeeze %dma_start3A_521 : memref<1x64xf32, #tpu.memory_space<vmem>> -> memref<64xf32, #tpu.memory_space<vmem>>
      %dma_start3A_523 = arith.constant 0 : i32
      %dma_start3A_524 = tpu.memref_slice %arg3[%add3A_254, %squeeze3A, %dma_start3A_523] : memref<64x8192x64xf32, #tpu.memory_space<hbm>> -> memref<1x1x64xf32, #tpu.memory_space<hbm>>
      %dma_start3A_525 = tpu.memref_squeeze %dma_start3A_524 : memref<1x1x64xf32, #tpu.memory_space<hbm>> -> memref<64xf32, #tpu.memory_space<hbm>>
      tpu.enqueue_dma source(%dma_start3A_525 : memref<64xf32, #tpu.memory_space<hbm>>) target(%dma_start3A_522 : memref<64xf32, #tpu.memory_space<vmem>>) target_semaphore(%arg7 : memref<!tpu.dma_semaphore, #tpu.memory_space<semaphore_mem>>)
      %slice3A_526 = vector.extract_strided_slice %get3A_510 {offsets = [1], sizes = [1], strides = [1]} : vector<16xi32> to vector<1xi32>
      %squeeze3A_527 = vector.extract %slice3A_526[0] : i32 from vector<1xi32>
      %mul3A_528 = arith.constant 16 : i32
      %mul3A_529 = arith.muli %scan3A_504, %mul3A_528 : i32
      %add3A_530 = arith.constant 1 : i32
      %add3A_531 = arith.addi %mul3A_529, %add3A_530 : i32
      %dma_start3A_532 = arith.constant 0 : i32
      %dma_start3A_533 = tpu.memref_slice %arg6[%add3A_531, %dma_start3A_532] : memref<256x64xf32, #tpu.memory_space<vmem>> -> memref<1x64xf32, #tpu.memory_space<vmem>>
      %dma_start3A_534 = tpu.memref_squeeze %dma_start3A_533 : memref<1x64xf32, #tpu.memory_space<vmem>> -> memref<64xf32, #tpu.memory_space<vmem>>
      %dma_start3A_535 = arith.constant 0 : i32
      %dma_start3A_536 = tpu.memref_slice %arg3[%add3A_254, %squeeze3A_527, %dma_start3A_535] : memref<64x8192x64xf32, #tpu.memory_space<hbm>> -> memref<1x1x64xf32, #tpu.memory_space<hbm>>
      %dma_start3A_537 = tpu.memref_squeeze %dma_start3A_536 : memref<1x1x64xf32, #tpu.memory_space<hbm>> -> memref<64xf32, #tpu.memory_space<hbm>>
      %dma_start3A_538 = arith.constant 0 : i32
      %dma_start3A_539 = tpu.memref_slice %arg6[%add3A_531, %dma_start3A_538] : memref<256x64xf32, #tpu.memory_space<vmem>> -> memref<1x64xf32, #tpu.memory_space<vmem>>
      %dma_start3A_540 = tpu.memref_squeeze %dma_start3A_539 : memref<1x64xf32, #tpu.memory_space<vmem>> -> memref<64xf32, #tpu.memory_space<vmem>>
      %dma_start3A_541 = arith.constant 0 : i32
      %dma_start3A_542 = tpu.memref_slice %arg3[%add3A_254, %squeeze3A_527, %dma_start3A_541] : memref<64x8192x64xf32, #tpu.memory_space<hbm>> -> memref<1x1x64xf32, #tpu.memory_space<hbm>>
      %dma_start3A_543 = tpu.memref_squeeze %dma_start3A_542 : memref<1x1x64xf32, #tpu.memory_space<hbm>> -> memref<64xf32, #tpu.memory_space<hbm>>
      tpu.enqueue_dma source(%dma_start3A_543 : memref<64xf32, #tpu.memory_space<hbm>>) target(%dma_start3A_540 : memref<64xf32, #tpu.memory_space<vmem>>) target_semaphore(%arg8 : memref<!tpu.dma_semaphore, #tpu.memory_space<semaphore_mem>>)
      %slice3A_544 = vector.extract_strided_slice %get3A_510 {offsets = [2], sizes = [1], strides = [1]} : vector<16xi32> to vector<1xi32>
      %squeeze3A_545 = vector.extract %slice3A_544[0] : i32 from vector<1xi32>
      %mul3A_546 = arith.constant 16 : i32
      %mul3A_547 = arith.muli %scan3A_504, %mul3A_546 : i32
      %add3A_548 = arith.constant 2 : i32
      %add3A_549 = arith.addi %mul3A_547, %add3A_548 : i32
      %dma_start3A_550 = arith.constant 0 : i32
      %dma_start3A_551 = tpu.memref_slice %arg6[%add3A_549, %dma_start3A_550] : memref<256x64xf32, #tpu.memory_space<vmem>> -> memref<1x64xf32, #tpu.memory_space<vmem>>
      %dma_start3A_552 = tpu.memref_squeeze %dma_start3A_551 : memref<1x64xf32, #tpu.memory_space<vmem>> -> memref<64xf32, #tpu.memory_space<vmem>>
      %dma_start3A_553 = arith.constant 0 : i32
      %dma_start3A_554 = tpu.memref_slice %arg3[%add3A_254, %squeeze3A_545, %dma_start3A_553] : memref<64x8192x64xf32, #tpu.memory_space<hbm>> -> memref<1x1x64xf32, #tpu.memory_space<hbm>>
      %dma_start3A_555 = tpu.memref_squeeze %dma_start3A_554 : memref<1x1x64xf32, #tpu.memory_space<hbm>> -> memref<64xf32, #tpu.memory_space<hbm>>
      %dma_start3A_556 = arith.constant 0 : i32
      %dma_start3A_557 = tpu.memref_slice %arg6[%add3A_549, %dma_start3A_556] : memref<256x64xf32, #tpu.memory_space<vmem>> -> memref<1x64xf32, #tpu.memory_space<vmem>>
      %dma_start3A_558 = tpu.memref_squeeze %dma_start3A_557 : memref<1x64xf32, #tpu.memory_space<vmem>> -> memref<64xf32, #tpu.memory_space<vmem>>
      %dma_start3A_559 = arith.constant 0 : i32
      %dma_start3A_560 = tpu.memref_slice %arg3[%add3A_254, %squeeze3A_545, %dma_start3A_559] : memref<64x8192x64xf32, #tpu.memory_space<hbm>> -> memref<1x1x64xf32, #tpu.memory_space<hbm>>
      %dma_start3A_561 = tpu.memref_squeeze %dma_start3A_560 : memref<1x1x64xf32, #tpu.memory_space<hbm>> -> memref<64xf32, #tpu.memory_space<hbm>>
      tpu.enqueue_dma source(%dma_start3A_561 : memref<64xf32, #tpu.memory_space<hbm>>) target(%dma_start3A_558 : memref<64xf32, #tpu.memory_space<vmem>>) target_semaphore(%arg9 : memref<!tpu.dma_semaphore, #tpu.memory_space<semaphore_mem>>)
      %slice3A_562 = vector.extract_strided_slice %get3A_510 {offsets = [3], sizes = [1], strides = [1]} : vector<16xi32> to vector<1xi32>
      %squeeze3A_563 = vector.extract %slice3A_562[0] : i32 from vector<1xi32>
      %mul3A_564 = arith.constant 16 : i32
      %mul3A_565 = arith.muli %scan3A_504, %mul3A_564 : i32
      %add3A_566 = arith.constant 3 : i32
      %add3A_567 = arith.addi %mul3A_565, %add3A_566 : i32
      %dma_start3A_568 = arith.constant 0 : i32
      %dma_start3A_569 = tpu.memref_slice %arg6[%add3A_567, %dma_start3A_568] : memref<256x64xf32, #tpu.memory_space<vmem>> -> memref<1x64xf32, #tpu.memory_space<vmem>>
      %dma_start3A_570 = tpu.memref_squeeze %dma_start3A_569 : memref<1x64xf32, #tpu.memory_space<vmem>> -> memref<64xf32, #tpu.memory_space<vmem>>
      %dma_start3A_571 = arith.constant 0 : i32
      %dma_start3A_572 = tpu.memref_slice %arg3[%add3A_254, %squeeze3A_563, %dma_start3A_571] : memref<64x8192x64xf32, #tpu.memory_space<hbm>> -> memref<1x1x64xf32, #tpu.memory_space<hbm>>
      %dma_start3A_573 = tpu.memref_squeeze %dma_start3A_572 : memref<1x1x64xf32, #tpu.memory_space<hbm>> -> memref<64xf32, #tpu.memory_space<hbm>>
      %dma_start3A_574 = arith.constant 0 : i32
      %dma_start3A_575 = tpu.memref_slice %arg6[%add3A_567, %dma_start3A_574] : memref<256x64xf32, #tpu.memory_space<vmem>> -> memref<1x64xf32, #tpu.memory_space<vmem>>
      %dma_start3A_576 = tpu.memref_squeeze %dma_start3A_575 : memref<1x64xf32, #tpu.memory_space<vmem>> -> memref<64xf32, #tpu.memory_space<vmem>>
      %dma_start3A_577 = arith.constant 0 : i32
      %dma_start3A_578 = tpu.memref_slice %arg3[%add3A_254, %squeeze3A_563, %dma_start3A_577] : memref<64x8192x64xf32, #tpu.memory_space<hbm>> -> memref<1x1x64xf32, #tpu.memory_space<hbm>>
      %dma_start3A_579 = tpu.memref_squeeze %dma_start3A_578 : memref<1x1x64xf32, #tpu.memory_space<hbm>> -> memref<64xf32, #tpu.memory_space<hbm>>
      tpu.enqueue_dma source(%dma_start3A_579 : memref<64xf32, #tpu.memory_space<hbm>>) target(%dma_start3A_576 : memref<64xf32, #tpu.memory_space<vmem>>) target_semaphore(%arg10 : memref<!tpu.dma_semaphore, #tpu.memory_space<semaphore_mem>>)
      %slice3A_580 = vector.extract_strided_slice %get3A_510 {offsets = [4], sizes = [1], strides = [1]} : vector<16xi32> to vector<1xi32>
      %squeeze3A_581 = vector.extract %slice3A_580[0] : i32 from vector<1xi32>
      %mul3A_582 = arith.constant 16 : i32
      %mul3A_583 = arith.muli %scan3A_504, %mul3A_582 : i32
      %add3A_584 = arith.constant 4 : i32
      %add3A_585 = arith.addi %mul3A_583, %add3A_584 : i32
      %dma_start3A_586 = arith.constant 0 : i32
      %dma_start3A_587 = tpu.memref_slice %arg6[%add3A_585, %dma_start3A_586] : memref<256x64xf32, #tpu.memory_space<vmem>> -> memref<1x64xf32, #tpu.memory_space<vmem>>
      %dma_start3A_588 = tpu.memref_squeeze %dma_start3A_587 : memref<1x64xf32, #tpu.memory_space<vmem>> -> memref<64xf32, #tpu.memory_space<vmem>>
      %dma_start3A_589 = arith.constant 0 : i32
      %dma_start3A_590 = tpu.memref_slice %arg3[%add3A_254, %squeeze3A_581, %dma_start3A_589] : memref<64x8192x64xf32, #tpu.memory_space<hbm>> -> memref<1x1x64xf32, #tpu.memory_space<hbm>>
      %dma_start3A_591 = tpu.memref_squeeze %dma_start3A_590 : memref<1x1x64xf32, #tpu.memory_space<hbm>> -> memref<64xf32, #tpu.memory_space<hbm>>
      %dma_start3A_592 = arith.constant 0 : i32
      %dma_start3A_593 = tpu.memref_slice %arg6[%add3A_585, %dma_start3A_592] : memref<256x64xf32, #tpu.memory_space<vmem>> -> memref<1x64xf32, #tpu.memory_space<vmem>>
      %dma_start3A_594 = tpu.memref_squeeze %dma_start3A_593 : memref<1x64xf32, #tpu.memory_space<vmem>> -> memref<64xf32, #tpu.memory_space<vmem>>
      %dma_start3A_595 = arith.constant 0 : i32
      %dma_start3A_596 = tpu.memref_slice %arg3[%add3A_254, %squeeze3A_581, %dma_start3A_595] : memref<64x8192x64xf32, #tpu.memory_space<hbm>> -> memref<1x1x64xf32, #tpu.memory_space<hbm>>
      %dma_start3A_597 = tpu.memref_squeeze %dma_start3A_596 : memref<1x1x64xf32, #tpu.memory_space<hbm>> -> memref<64xf32, #tpu.memory_space<hbm>>
      tpu.enqueue_dma source(%dma_start3A_597 : memref<64xf32, #tpu.memory_space<hbm>>) target(%dma_start3A_594 : memref<64xf32, #tpu.memory_space<vmem>>) target_semaphore(%arg7 : memref<!tpu.dma_semaphore, #tpu.memory_space<semaphore_mem>>)
      %slice3A_598 = vector.extract_strided_slice %get3A_510 {offsets = [5], sizes = [1], strides = [1]} : vector<16xi32> to vector<1xi32>
      %squeeze3A_599 = vector.extract %slice3A_598[0] : i32 from vector<1xi32>
      %mul3A_600 = arith.constant 16 : i32
      %mul3A_601 = arith.muli %scan3A_504, %mul3A_600 : i32
      %add3A_602 = arith.constant 5 : i32
      %add3A_603 = arith.addi %mul3A_601, %add3A_602 : i32
      %dma_start3A_604 = arith.constant 0 : i32
      %dma_start3A_605 = tpu.memref_slice %arg6[%add3A_603, %dma_start3A_604] : memref<256x64xf32, #tpu.memory_space<vmem>> -> memref<1x64xf32, #tpu.memory_space<vmem>>
      %dma_start3A_606 = tpu.memref_squeeze %dma_start3A_605 : memref<1x64xf32, #tpu.memory_space<vmem>> -> memref<64xf32, #tpu.memory_space<vmem>>
      %dma_start3A_607 = arith.constant 0 : i32
      %dma_start3A_608 = tpu.memref_slice %arg3[%add3A_254, %squeeze3A_599, %dma_start3A_607] : memref<64x8192x64xf32, #tpu.memory_space<hbm>> -> memref<1x1x64xf32, #tpu.memory_space<hbm>>
      %dma_start3A_609 = tpu.memref_squeeze %dma_start3A_608 : memref<1x1x64xf32, #tpu.memory_space<hbm>> -> memref<64xf32, #tpu.memory_space<hbm>>
      %dma_start3A_610 = arith.constant 0 : i32
      %dma_start3A_611 = tpu.memref_slice %arg6[%add3A_603, %dma_start3A_610] : memref<256x64xf32, #tpu.memory_space<vmem>> -> memref<1x64xf32, #tpu.memory_space<vmem>>
      %dma_start3A_612 = tpu.memref_squeeze %dma_start3A_611 : memref<1x64xf32, #tpu.memory_space<vmem>> -> memref<64xf32, #tpu.memory_space<vmem>>
      %dma_start3A_613 = arith.constant 0 : i32
      %dma_start3A_614 = tpu.memref_slice %arg3[%add3A_254, %squeeze3A_599, %dma_start3A_613] : memref<64x8192x64xf32, #tpu.memory_space<hbm>> -> memref<1x1x64xf32, #tpu.memory_space<hbm>>
      %dma_start3A_615 = tpu.memref_squeeze %dma_start3A_614 : memref<1x1x64xf32, #tpu.memory_space<hbm>> -> memref<64xf32, #tpu.memory_space<hbm>>
      tpu.enqueue_dma source(%dma_start3A_615 : memref<64xf32, #tpu.memory_space<hbm>>) target(%dma_start3A_612 : memref<64xf32, #tpu.memory_space<vmem>>) target_semaphore(%arg8 : memref<!tpu.dma_semaphore, #tpu.memory_space<semaphore_mem>>)
      %slice3A_616 = vector.extract_strided_slice %get3A_510 {offsets = [6], sizes = [1], strides = [1]} : vector<16xi32> to vector<1xi32>
      %squeeze3A_617 = vector.extract %slice3A_616[0] : i32 from vector<1xi32>
      %mul3A_618 = arith.constant 16 : i32
      %mul3A_619 = arith.muli %scan3A_504, %mul3A_618 : i32
      %add3A_620 = arith.constant 6 : i32
      %add3A_621 = arith.addi %mul3A_619, %add3A_620 : i32
      %dma_start3A_622 = arith.constant 0 : i32
      %dma_start3A_623 = tpu.memref_slice %arg6[%add3A_621, %dma_start3A_622] : memref<256x64xf32, #tpu.memory_space<vmem>> -> memref<1x64xf32, #tpu.memory_space<vmem>>
      %dma_start3A_624 = tpu.memref_squeeze %dma_start3A_623 : memref<1x64xf32, #tpu.memory_space<vmem>> -> memref<64xf32, #tpu.memory_space<vmem>>
      %dma_start3A_625 = arith.constant 0 : i32
      %dma_start3A_626 = tpu.memref_slice %arg3[%add3A_254, %squeeze3A_617, %dma_start3A_625] : memref<64x8192x64xf32, #tpu.memory_space<hbm>> -> memref<1x1x64xf32, #tpu.memory_space<hbm>>
      %dma_start3A_627 = tpu.memref_squeeze %dma_start3A_626 : memref<1x1x64xf32, #tpu.memory_space<hbm>> -> memref<64xf32, #tpu.memory_space<hbm>>
      %dma_start3A_628 = arith.constant 0 : i32
      %dma_start3A_629 = tpu.memref_slice %arg6[%add3A_621, %dma_start3A_628] : memref<256x64xf32, #tpu.memory_space<vmem>> -> memref<1x64xf32, #tpu.memory_space<vmem>>
      %dma_start3A_630 = tpu.memref_squeeze %dma_start3A_629 : memref<1x64xf32, #tpu.memory_space<vmem>> -> memref<64xf32, #tpu.memory_space<vmem>>
      %dma_start3A_631 = arith.constant 0 : i32
      %dma_start3A_632 = tpu.memref_slice %arg3[%add3A_254, %squeeze3A_617, %dma_start3A_631] : memref<64x8192x64xf32, #tpu.memory_space<hbm>> -> memref<1x1x64xf32, #tpu.memory_space<hbm>>
      %dma_start3A_633 = tpu.memref_squeeze %dma_start3A_632 : memref<1x1x64xf32, #tpu.memory_space<hbm>> -> memref<64xf32, #tpu.memory_space<hbm>>
      tpu.enqueue_dma source(%dma_start3A_633 : memref<64xf32, #tpu.memory_space<hbm>>) target(%dma_start3A_630 : memref<64xf32, #tpu.memory_space<vmem>>) target_semaphore(%arg9 : memref<!tpu.dma_semaphore, #tpu.memory_space<semaphore_mem>>)
      %slice3A_634 = vector.extract_strided_slice %get3A_510 {offsets = [7], sizes = [1], strides = [1]} : vector<16xi32> to vector<1xi32>
      %squeeze3A_635 = vector.extract %slice3A_634[0] : i32 from vector<1xi32>
      %mul3A_636 = arith.constant 16 : i32
      %mul3A_637 = arith.muli %scan3A_504, %mul3A_636 : i32
      %add3A_638 = arith.constant 7 : i32
      %add3A_639 = arith.addi %mul3A_637, %add3A_638 : i32
      %dma_start3A_640 = arith.constant 0 : i32
      %dma_start3A_641 = tpu.memref_slice %arg6[%add3A_639, %dma_start3A_640] : memref<256x64xf32, #tpu.memory_space<vmem>> -> memref<1x64xf32, #tpu.memory_space<vmem>>
      %dma_start3A_642 = tpu.memref_squeeze %dma_start3A_641 : memref<1x64xf32, #tpu.memory_space<vmem>> -> memref<64xf32, #tpu.memory_space<vmem>>
      %dma_start3A_643 = arith.constant 0 : i32
      %dma_start3A_644 = tpu.memref_slice %arg3[%add3A_254, %squeeze3A_635, %dma_start3A_643] : memref<64x8192x64xf32, #tpu.memory_space<hbm>> -> memref<1x1x64xf32, #tpu.memory_space<hbm>>
      %dma_start3A_645 = tpu.memref_squeeze %dma_start3A_644 : memref<1x1x64xf32, #tpu.memory_space<hbm>> -> memref<64xf32, #tpu.memory_space<hbm>>
      %dma_start3A_646 = arith.constant 0 : i32
      %dma_start3A_647 = tpu.memref_slice %arg6[%add3A_639, %dma_start3A_646] : memref<256x64xf32, #tpu.memory_space<vmem>> -> memref<1x64xf32, #tpu.memory_space<vmem>>
      %dma_start3A_648 = tpu.memref_squeeze %dma_start3A_647 : memref<1x64xf32, #tpu.memory_space<vmem>> -> memref<64xf32, #tpu.memory_space<vmem>>
      %dma_start3A_649 = arith.constant 0 : i32
      %dma_start3A_650 = tpu.memref_slice %arg3[%add3A_254, %squeeze3A_635, %dma_start3A_649] : memref<64x8192x64xf32, #tpu.memory_space<hbm>> -> memref<1x1x64xf32, #tpu.memory_space<hbm>>
      %dma_start3A_651 = tpu.memref_squeeze %dma_start3A_650 : memref<1x1x64xf32, #tpu.memory_space<hbm>> -> memref<64xf32, #tpu.memory_space<hbm>>
      tpu.enqueue_dma source(%dma_start3A_651 : memref<64xf32, #tpu.memory_space<hbm>>) target(%dma_start3A_648 : memref<64xf32, #tpu.memory_space<vmem>>) target_semaphore(%arg10 : memref<!tpu.dma_semaphore, #tpu.memory_space<semaphore_mem>>)
      %slice3A_652 = vector.extract_strided_slice %get3A_510 {offsets = [8], sizes = [1], strides = [1]} : vector<16xi32> to vector<1xi32>
      %squeeze3A_653 = vector.extract %slice3A_652[0] : i32 from vector<1xi32>
      %mul3A_654 = arith.constant 16 : i32
      %mul3A_655 = arith.muli %scan3A_504, %mul3A_654 : i32
      %add3A_656 = arith.constant 8 : i32
      %add3A_657 = arith.addi %mul3A_655, %add3A_656 : i32
      %dma_start3A_658 = arith.constant 0 : i32
      %dma_start3A_659 = tpu.memref_slice %arg6[%add3A_657, %dma_start3A_658] : memref<256x64xf32, #tpu.memory_space<vmem>> -> memref<1x64xf32, #tpu.memory_space<vmem>>
      %dma_start3A_660 = tpu.memref_squeeze %dma_start3A_659 : memref<1x64xf32, #tpu.memory_space<vmem>> -> memref<64xf32, #tpu.memory_space<vmem>>
      %dma_start3A_661 = arith.constant 0 : i32
      %dma_start3A_662 = tpu.memref_slice %arg3[%add3A_254, %squeeze3A_653, %dma_start3A_661] : memref<64x8192x64xf32, #tpu.memory_space<hbm>> -> memref<1x1x64xf32, #tpu.memory_space<hbm>>
      %dma_start3A_663 = tpu.memref_squeeze %dma_start3A_662 : memref<1x1x64xf32, #tpu.memory_space<hbm>> -> memref<64xf32, #tpu.memory_space<hbm>>
      %dma_start3A_664 = arith.constant 0 : i32
      %dma_start3A_665 = tpu.memref_slice %arg6[%add3A_657, %dma_start3A_664] : memref<256x64xf32, #tpu.memory_space<vmem>> -> memref<1x64xf32, #tpu.memory_space<vmem>>
      %dma_start3A_666 = tpu.memref_squeeze %dma_start3A_665 : memref<1x64xf32, #tpu.memory_space<vmem>> -> memref<64xf32, #tpu.memory_space<vmem>>
      %dma_start3A_667 = arith.constant 0 : i32
      %dma_start3A_668 = tpu.memref_slice %arg3[%add3A_254, %squeeze3A_653, %dma_start3A_667] : memref<64x8192x64xf32, #tpu.memory_space<hbm>> -> memref<1x1x64xf32, #tpu.memory_space<hbm>>
      %dma_start3A_669 = tpu.memref_squeeze %dma_start3A_668 : memref<1x1x64xf32, #tpu.memory_space<hbm>> -> memref<64xf32, #tpu.memory_space<hbm>>
      tpu.enqueue_dma source(%dma_start3A_669 : memref<64xf32, #tpu.memory_space<hbm>>) target(%dma_start3A_666 : memref<64xf32, #tpu.memory_space<vmem>>) target_semaphore(%arg7 : memref<!tpu.dma_semaphore, #tpu.memory_space<semaphore_mem>>)
      %slice3A_670 = vector.extract_strided_slice %get3A_510 {offsets = [9], sizes = [1], strides = [1]} : vector<16xi32> to vector<1xi32>
      %squeeze3A_671 = vector.extract %slice3A_670[0] : i32 from vector<1xi32>
      %mul3A_672 = arith.constant 16 : i32
      %mul3A_673 = arith.muli %scan3A_504, %mul3A_672 : i32
      %add3A_674 = arith.constant 9 : i32
      %add3A_675 = arith.addi %mul3A_673, %add3A_674 : i32
      %dma_start3A_676 = arith.constant 0 : i32
      %dma_start3A_677 = tpu.memref_slice %arg6[%add3A_675, %dma_start3A_676] : memref<256x64xf32, #tpu.memory_space<vmem>> -> memref<1x64xf32, #tpu.memory_space<vmem>>
      %dma_start3A_678 = tpu.memref_squeeze %dma_start3A_677 : memref<1x64xf32, #tpu.memory_space<vmem>> -> memref<64xf32, #tpu.memory_space<vmem>>
      %dma_start3A_679 = arith.constant 0 : i32
      %dma_start3A_680 = tpu.memref_slice %arg3[%add3A_254, %squeeze3A_671, %dma_start3A_679] : memref<64x8192x64xf32, #tpu.memory_space<hbm>> -> memref<1x1x64xf32, #tpu.memory_space<hbm>>
      %dma_start3A_681 = tpu.memref_squeeze %dma_start3A_680 : memref<1x1x64xf32, #tpu.memory_space<hbm>> -> memref<64xf32, #tpu.memory_space<hbm>>
      %dma_start3A_682 = arith.constant 0 : i32
      %dma_start3A_683 = tpu.memref_slice %arg6[%add3A_675, %dma_start3A_682] : memref<256x64xf32, #tpu.memory_space<vmem>> -> memref<1x64xf32, #tpu.memory_space<vmem>>
      %dma_start3A_684 = tpu.memref_squeeze %dma_start3A_683 : memref<1x64xf32, #tpu.memory_space<vmem>> -> memref<64xf32, #tpu.memory_space<vmem>>
      %dma_start3A_685 = arith.constant 0 : i32
      %dma_start3A_686 = tpu.memref_slice %arg3[%add3A_254, %squeeze3A_671, %dma_start3A_685] : memref<64x8192x64xf32, #tpu.memory_space<hbm>> -> memref<1x1x64xf32, #tpu.memory_space<hbm>>
      %dma_start3A_687 = tpu.memref_squeeze %dma_start3A_686 : memref<1x1x64xf32, #tpu.memory_space<hbm>> -> memref<64xf32, #tpu.memory_space<hbm>>
      tpu.enqueue_dma source(%dma_start3A_687 : memref<64xf32, #tpu.memory_space<hbm>>) target(%dma_start3A_684 : memref<64xf32, #tpu.memory_space<vmem>>) target_semaphore(%arg8 : memref<!tpu.dma_semaphore, #tpu.memory_space<semaphore_mem>>)
      %slice3A_688 = vector.extract_strided_slice %get3A_510 {offsets = [10], sizes = [1], strides = [1]} : vector<16xi32> to vector<1xi32>
      %squeeze3A_689 = vector.extract %slice3A_688[0] : i32 from vector<1xi32>
      %mul3A_690 = arith.constant 16 : i32
      %mul3A_691 = arith.muli %scan3A_504, %mul3A_690 : i32
      %add3A_692 = arith.constant 10 : i32
      %add3A_693 = arith.addi %mul3A_691, %add3A_692 : i32
      %dma_start3A_694 = arith.constant 0 : i32
      %dma_start3A_695 = tpu.memref_slice %arg6[%add3A_693, %dma_start3A_694] : memref<256x64xf32, #tpu.memory_space<vmem>> -> memref<1x64xf32, #tpu.memory_space<vmem>>
      %dma_start3A_696 = tpu.memref_squeeze %dma_start3A_695 : memref<1x64xf32, #tpu.memory_space<vmem>> -> memref<64xf32, #tpu.memory_space<vmem>>
      %dma_start3A_697 = arith.constant 0 : i32
      %dma_start3A_698 = tpu.memref_slice %arg3[%add3A_254, %squeeze3A_689, %dma_start3A_697] : memref<64x8192x64xf32, #tpu.memory_space<hbm>> -> memref<1x1x64xf32, #tpu.memory_space<hbm>>
      %dma_start3A_699 = tpu.memref_squeeze %dma_start3A_698 : memref<1x1x64xf32, #tpu.memory_space<hbm>> -> memref<64xf32, #tpu.memory_space<hbm>>
      %dma_start3A_700 = arith.constant 0 : i32
      %dma_start3A_701 = tpu.memref_slice %arg6[%add3A_693, %dma_start3A_700] : memref<256x64xf32, #tpu.memory_space<vmem>> -> memref<1x64xf32, #tpu.memory_space<vmem>>
      %dma_start3A_702 = tpu.memref_squeeze %dma_start3A_701 : memref<1x64xf32, #tpu.memory_space<vmem>> -> memref<64xf32, #tpu.memory_space<vmem>>
      %dma_start3A_703 = arith.constant 0 : i32
      %dma_start3A_704 = tpu.memref_slice %arg3[%add3A_254, %squeeze3A_689, %dma_start3A_703] : memref<64x8192x64xf32, #tpu.memory_space<hbm>> -> memref<1x1x64xf32, #tpu.memory_space<hbm>>
      %dma_start3A_705 = tpu.memref_squeeze %dma_start3A_704 : memref<1x1x64xf32, #tpu.memory_space<hbm>> -> memref<64xf32, #tpu.memory_space<hbm>>
      tpu.enqueue_dma source(%dma_start3A_705 : memref<64xf32, #tpu.memory_space<hbm>>) target(%dma_start3A_702 : memref<64xf32, #tpu.memory_space<vmem>>) target_semaphore(%arg9 : memref<!tpu.dma_semaphore, #tpu.memory_space<semaphore_mem>>)
      %slice3A_706 = vector.extract_strided_slice %get3A_510 {offsets = [11], sizes = [1], strides = [1]} : vector<16xi32> to vector<1xi32>
      %squeeze3A_707 = vector.extract %slice3A_706[0] : i32 from vector<1xi32>
      %mul3A_708 = arith.constant 16 : i32
      %mul3A_709 = arith.muli %scan3A_504, %mul3A_708 : i32
      %add3A_710 = arith.constant 11 : i32
      %add3A_711 = arith.addi %mul3A_709, %add3A_710 : i32
      %dma_start3A_712 = arith.constant 0 : i32
      %dma_start3A_713 = tpu.memref_slice %arg6[%add3A_711, %dma_start3A_712] : memref<256x64xf32, #tpu.memory_space<vmem>> -> memref<1x64xf32, #tpu.memory_space<vmem>>
      %dma_start3A_714 = tpu.memref_squeeze %dma_start3A_713 : memref<1x64xf32, #tpu.memory_space<vmem>> -> memref<64xf32, #tpu.memory_space<vmem>>
      %dma_start3A_715 = arith.constant 0 : i32
      %dma_start3A_716 = tpu.memref_slice %arg3[%add3A_254, %squeeze3A_707, %dma_start3A_715] : memref<64x8192x64xf32, #tpu.memory_space<hbm>> -> memref<1x1x64xf32, #tpu.memory_space<hbm>>
      %dma_start3A_717 = tpu.memref_squeeze %dma_start3A_716 : memref<1x1x64xf32, #tpu.memory_space<hbm>> -> memref<64xf32, #tpu.memory_space<hbm>>
      %dma_start3A_718 = arith.constant 0 : i32
      %dma_start3A_719 = tpu.memref_slice %arg6[%add3A_711, %dma_start3A_718] : memref<256x64xf32, #tpu.memory_space<vmem>> -> memref<1x64xf32, #tpu.memory_space<vmem>>
      %dma_start3A_720 = tpu.memref_squeeze %dma_start3A_719 : memref<1x64xf32, #tpu.memory_space<vmem>> -> memref<64xf32, #tpu.memory_space<vmem>>
      %dma_start3A_721 = arith.constant 0 : i32
      %dma_start3A_722 = tpu.memref_slice %arg3[%add3A_254, %squeeze3A_707, %dma_start3A_721] : memref<64x8192x64xf32, #tpu.memory_space<hbm>> -> memref<1x1x64xf32, #tpu.memory_space<hbm>>
      %dma_start3A_723 = tpu.memref_squeeze %dma_start3A_722 : memref<1x1x64xf32, #tpu.memory_space<hbm>> -> memref<64xf32, #tpu.memory_space<hbm>>
      tpu.enqueue_dma source(%dma_start3A_723 : memref<64xf32, #tpu.memory_space<hbm>>) target(%dma_start3A_720 : memref<64xf32, #tpu.memory_space<vmem>>) target_semaphore(%arg10 : memref<!tpu.dma_semaphore, #tpu.memory_space<semaphore_mem>>)
      %slice3A_724 = vector.extract_strided_slice %get3A_510 {offsets = [12], sizes = [1], strides = [1]} : vector<16xi32> to vector<1xi32>
      %squeeze3A_725 = vector.extract %slice3A_724[0] : i32 from vector<1xi32>
      %mul3A_726 = arith.constant 16 : i32
      %mul3A_727 = arith.muli %scan3A_504, %mul3A_726 : i32
      %add3A_728 = arith.constant 12 : i32
      %add3A_729 = arith.addi %mul3A_727, %add3A_728 : i32
      %dma_start3A_730 = arith.constant 0 : i32
      %dma_start3A_731 = tpu.memref_slice %arg6[%add3A_729, %dma_start3A_730] : memref<256x64xf32, #tpu.memory_space<vmem>> -> memref<1x64xf32, #tpu.memory_space<vmem>>
      %dma_start3A_732 = tpu.memref_squeeze %dma_start3A_731 : memref<1x64xf32, #tpu.memory_space<vmem>> -> memref<64xf32, #tpu.memory_space<vmem>>
      %dma_start3A_733 = arith.constant 0 : i32
      %dma_start3A_734 = tpu.memref_slice %arg3[%add3A_254, %squeeze3A_725, %dma_start3A_733] : memref<64x8192x64xf32, #tpu.memory_space<hbm>> -> memref<1x1x64xf32, #tpu.memory_space<hbm>>
      %dma_start3A_735 = tpu.memref_squeeze %dma_start3A_734 : memref<1x1x64xf32, #tpu.memory_space<hbm>> -> memref<64xf32, #tpu.memory_space<hbm>>
      %dma_start3A_736 = arith.constant 0 : i32
      %dma_start3A_737 = tpu.memref_slice %arg6[%add3A_729, %dma_start3A_736] : memref<256x64xf32, #tpu.memory_space<vmem>> -> memref<1x64xf32, #tpu.memory_space<vmem>>
      %dma_start3A_738 = tpu.memref_squeeze %dma_start3A_737 : memref<1x64xf32, #tpu.memory_space<vmem>> -> memref<64xf32, #tpu.memory_space<vmem>>
      %dma_start3A_739 = arith.constant 0 : i32
      %dma_start3A_740 = tpu.memref_slice %arg3[%add3A_254, %squeeze3A_725, %dma_start3A_739] : memref<64x8192x64xf32, #tpu.memory_space<hbm>> -> memref<1x1x64xf32, #tpu.memory_space<hbm>>
      %dma_start3A_741 = tpu.memref_squeeze %dma_start3A_740 : memref<1x1x64xf32, #tpu.memory_space<hbm>> -> memref<64xf32, #tpu.memory_space<hbm>>
      tpu.enqueue_dma source(%dma_start3A_741 : memref<64xf32, #tpu.memory_space<hbm>>) target(%dma_start3A_738 : memref<64xf32, #tpu.memory_space<vmem>>) target_semaphore(%arg7 : memref<!tpu.dma_semaphore, #tpu.memory_space<semaphore_mem>>)
      %slice3A_742 = vector.extract_strided_slice %get3A_510 {offsets = [13], sizes = [1], strides = [1]} : vector<16xi32> to vector<1xi32>
      %squeeze3A_743 = vector.extract %slice3A_742[0] : i32 from vector<1xi32>
      %mul3A_744 = arith.constant 16 : i32
      %mul3A_745 = arith.muli %scan3A_504, %mul3A_744 : i32
      %add3A_746 = arith.constant 13 : i32
      %add3A_747 = arith.addi %mul3A_745, %add3A_746 : i32
      %dma_start3A_748 = arith.constant 0 : i32
      %dma_start3A_749 = tpu.memref_slice %arg6[%add3A_747, %dma_start3A_748] : memref<256x64xf32, #tpu.memory_space<vmem>> -> memref<1x64xf32, #tpu.memory_space<vmem>>
      %dma_start3A_750 = tpu.memref_squeeze %dma_start3A_749 : memref<1x64xf32, #tpu.memory_space<vmem>> -> memref<64xf32, #tpu.memory_space<vmem>>
      %dma_start3A_751 = arith.constant 0 : i32
      %dma_start3A_752 = tpu.memref_slice %arg3[%add3A_254, %squeeze3A_743, %dma_start3A_751] : memref<64x8192x64xf32, #tpu.memory_space<hbm>> -> memref<1x1x64xf32, #tpu.memory_space<hbm>>
      %dma_start3A_753 = tpu.memref_squeeze %dma_start3A_752 : memref<1x1x64xf32, #tpu.memory_space<hbm>> -> memref<64xf32, #tpu.memory_space<hbm>>
      %dma_start3A_754 = arith.constant 0 : i32
      %dma_start3A_755 = tpu.memref_slice %arg6[%add3A_747, %dma_start3A_754] : memref<256x64xf32, #tpu.memory_space<vmem>> -> memref<1x64xf32, #tpu.memory_space<vmem>>
      %dma_start3A_756 = tpu.memref_squeeze %dma_start3A_755 : memref<1x64xf32, #tpu.memory_space<vmem>> -> memref<64xf32, #tpu.memory_space<vmem>>
      %dma_start3A_757 = arith.constant 0 : i32
      %dma_start3A_758 = tpu.memref_slice %arg3[%add3A_254, %squeeze3A_743, %dma_start3A_757] : memref<64x8192x64xf32, #tpu.memory_space<hbm>> -> memref<1x1x64xf32, #tpu.memory_space<hbm>>
      %dma_start3A_759 = tpu.memref_squeeze %dma_start3A_758 : memref<1x1x64xf32, #tpu.memory_space<hbm>> -> memref<64xf32, #tpu.memory_space<hbm>>
      tpu.enqueue_dma source(%dma_start3A_759 : memref<64xf32, #tpu.memory_space<hbm>>) target(%dma_start3A_756 : memref<64xf32, #tpu.memory_space<vmem>>) target_semaphore(%arg8 : memref<!tpu.dma_semaphore, #tpu.memory_space<semaphore_mem>>)
      %slice3A_760 = vector.extract_strided_slice %get3A_510 {offsets = [14], sizes = [1], strides = [1]} : vector<16xi32> to vector<1xi32>
      %squeeze3A_761 = vector.extract %slice3A_760[0] : i32 from vector<1xi32>
      %mul3A_762 = arith.constant 16 : i32
      %mul3A_763 = arith.muli %scan3A_504, %mul3A_762 : i32
      %add3A_764 = arith.constant 14 : i32
      %add3A_765 = arith.addi %mul3A_763, %add3A_764 : i32
      %dma_start3A_766 = arith.constant 0 : i32
      %dma_start3A_767 = tpu.memref_slice %arg6[%add3A_765, %dma_start3A_766] : memref<256x64xf32, #tpu.memory_space<vmem>> -> memref<1x64xf32, #tpu.memory_space<vmem>>
      %dma_start3A_768 = tpu.memref_squeeze %dma_start3A_767 : memref<1x64xf32, #tpu.memory_space<vmem>> -> memref<64xf32, #tpu.memory_space<vmem>>
      %dma_start3A_769 = arith.constant 0 : i32
      %dma_start3A_770 = tpu.memref_slice %arg3[%add3A_254, %squeeze3A_761, %dma_start3A_769] : memref<64x8192x64xf32, #tpu.memory_space<hbm>> -> memref<1x1x64xf32, #tpu.memory_space<hbm>>
      %dma_start3A_771 = tpu.memref_squeeze %dma_start3A_770 : memref<1x1x64xf32, #tpu.memory_space<hbm>> -> memref<64xf32, #tpu.memory_space<hbm>>
      %dma_start3A_772 = arith.constant 0 : i32
      %dma_start3A_773 = tpu.memref_slice %arg6[%add3A_765, %dma_start3A_772] : memref<256x64xf32, #tpu.memory_space<vmem>> -> memref<1x64xf32, #tpu.memory_space<vmem>>
      %dma_start3A_774 = tpu.memref_squeeze %dma_start3A_773 : memref<1x64xf32, #tpu.memory_space<vmem>> -> memref<64xf32, #tpu.memory_space<vmem>>
      %dma_start3A_775 = arith.constant 0 : i32
      %dma_start3A_776 = tpu.memref_slice %arg3[%add3A_254, %squeeze3A_761, %dma_start3A_775] : memref<64x8192x64xf32, #tpu.memory_space<hbm>> -> memref<1x1x64xf32, #tpu.memory_space<hbm>>
      %dma_start3A_777 = tpu.memref_squeeze %dma_start3A_776 : memref<1x1x64xf32, #tpu.memory_space<hbm>> -> memref<64xf32, #tpu.memory_space<hbm>>
      tpu.enqueue_dma source(%dma_start3A_777 : memref<64xf32, #tpu.memory_space<hbm>>) target(%dma_start3A_774 : memref<64xf32, #tpu.memory_space<vmem>>) target_semaphore(%arg9 : memref<!tpu.dma_semaphore, #tpu.memory_space<semaphore_mem>>)
      %slice3A_778 = vector.extract_strided_slice %get3A_510 {offsets = [15], sizes = [1], strides = [1]} : vector<16xi32> to vector<1xi32>
      %squeeze3A_779 = vector.extract %slice3A_778[0] : i32 from vector<1xi32>
      %mul3A_780 = arith.constant 16 : i32
      %mul3A_781 = arith.muli %scan3A_504, %mul3A_780 : i32
      %add3A_782 = arith.constant 15 : i32
      %add3A_783 = arith.addi %mul3A_781, %add3A_782 : i32
      %dma_start3A_784 = arith.constant 0 : i32
      %dma_start3A_785 = tpu.memref_slice %arg6[%add3A_783, %dma_start3A_784] : memref<256x64xf32, #tpu.memory_space<vmem>> -> memref<1x64xf32, #tpu.memory_space<vmem>>
      %dma_start3A_786 = tpu.memref_squeeze %dma_start3A_785 : memref<1x64xf32, #tpu.memory_space<vmem>> -> memref<64xf32, #tpu.memory_space<vmem>>
      %dma_start3A_787 = arith.constant 0 : i32
      %dma_start3A_788 = tpu.memref_slice %arg3[%add3A_254, %squeeze3A_779, %dma_start3A_787] : memref<64x8192x64xf32, #tpu.memory_space<hbm>> -> memref<1x1x64xf32, #tpu.memory_space<hbm>>
      %dma_start3A_789 = tpu.memref_squeeze %dma_start3A_788 : memref<1x1x64xf32, #tpu.memory_space<hbm>> -> memref<64xf32, #tpu.memory_space<hbm>>
      %dma_start3A_790 = arith.constant 0 : i32
      %dma_start3A_791 = tpu.memref_slice %arg6[%add3A_783, %dma_start3A_790] : memref<256x64xf32, #tpu.memory_space<vmem>> -> memref<1x64xf32, #tpu.memory_space<vmem>>
      %dma_start3A_792 = tpu.memref_squeeze %dma_start3A_791 : memref<1x64xf32, #tpu.memory_space<vmem>> -> memref<64xf32, #tpu.memory_space<vmem>>
      %dma_start3A_793 = arith.constant 0 : i32
      %dma_start3A_794 = tpu.memref_slice %arg3[%add3A_254, %squeeze3A_779, %dma_start3A_793] : memref<64x8192x64xf32, #tpu.memory_space<hbm>> -> memref<1x1x64xf32, #tpu.memory_space<hbm>>
      %dma_start3A_795 = tpu.memref_squeeze %dma_start3A_794 : memref<1x1x64xf32, #tpu.memory_space<hbm>> -> memref<64xf32, #tpu.memory_space<hbm>>
      tpu.enqueue_dma source(%dma_start3A_795 : memref<64xf32, #tpu.memory_space<hbm>>) target(%dma_start3A_792 : memref<64xf32, #tpu.memory_space<vmem>>) target_semaphore(%arg10 : memref<!tpu.dma_semaphore, #tpu.memory_space<semaphore_mem>>)
    }
    %scan3A_385 = arith.constant 16 : i32
    %dma_wait3A_386 = arith.constant 0 : i32
    %dma_wait3A_387 = arith.constant 0 : i32
    %dma_wait3A_388 = tpu.memref_slice %arg6[%dma_wait3A_386, %dma_wait3A_387] : memref<256x64xf32, #tpu.memory_space<vmem>> -> memref<64x64xf32, #tpu.memory_space<vmem>>
    %dma_wait3A_389 = arith.constant 0 : i32
    %dma_wait3A_390 = arith.constant 0 : i32
    %dma_wait3A_391 = tpu.memref_slice %arg3[%add3A_254, %dma_wait3A_389, %dma_wait3A_390] : memref<64x8192x64xf32, #tpu.memory_space<hbm>> -> memref<1x64x64xf32, #tpu.memory_space<hbm>>
    %dma_wait3A_392 = tpu.memref_squeeze %dma_wait3A_391 : memref<1x64x64xf32, #tpu.memory_space<hbm>> -> memref<64x64xf32, #tpu.memory_space<hbm>>
    %dma_wait3A_393 = arith.constant 0 : i32
    %dma_wait3A_394 = arith.constant 0 : i32
    %dma_wait3A_395 = tpu.memref_slice %arg6[%dma_wait3A_393, %dma_wait3A_394] : memref<256x64xf32, #tpu.memory_space<vmem>> -> memref<64x64xf32, #tpu.memory_space<vmem>>
    %dma_wait3A_396 = arith.constant 0 : i32
    %dma_wait3A_397 = arith.constant 0 : i32
    %dma_wait3A_398 = tpu.memref_slice %arg3[%add3A_254, %dma_wait3A_396, %dma_wait3A_397] : memref<64x8192x64xf32, #tpu.memory_space<hbm>> -> memref<1x64x64xf32, #tpu.memory_space<hbm>>
    %dma_wait3A_399 = tpu.memref_squeeze %dma_wait3A_398 : memref<1x64x64xf32, #tpu.memory_space<hbm>> -> memref<64x64xf32, #tpu.memory_space<hbm>>
    tpu.wait_dma2 semaphore(%arg7 : memref<!tpu.dma_semaphore, #tpu.memory_space<semaphore_mem>>) src(%dma_wait3A_399 : memref<64x64xf32, #tpu.memory_space<hbm>>) dst(%dma_wait3A_395 : memref<64x64xf32, #tpu.memory_space<vmem>>)
    %dma_wait3A_400 = arith.constant 64 : i32
    %dma_wait3A_401 = arith.constant 0 : i32
    %dma_wait3A_402 = tpu.memref_slice %arg6[%dma_wait3A_400, %dma_wait3A_401] : memref<256x64xf32, #tpu.memory_space<vmem>> -> memref<64x64xf32, #tpu.memory_space<vmem>>
    %dma_wait3A_403 = arith.constant 0 : i32
    %dma_wait3A_404 = arith.constant 0 : i32
    %dma_wait3A_405 = tpu.memref_slice %arg3[%add3A_254, %dma_wait3A_403, %dma_wait3A_404] : memref<64x8192x64xf32, #tpu.memory_space<hbm>> -> memref<1x64x64xf32, #tpu.memory_space<hbm>>
    %dma_wait3A_406 = tpu.memref_squeeze %dma_wait3A_405 : memref<1x64x64xf32, #tpu.memory_space<hbm>> -> memref<64x64xf32, #tpu.memory_space<hbm>>
    %dma_wait3A_407 = arith.constant 64 : i32
    %dma_wait3A_408 = arith.constant 0 : i32
    %dma_wait3A_409 = tpu.memref_slice %arg6[%dma_wait3A_407, %dma_wait3A_408] : memref<256x64xf32, #tpu.memory_space<vmem>> -> memref<64x64xf32, #tpu.memory_space<vmem>>
    %dma_wait3A_410 = arith.constant 0 : i32
    %dma_wait3A_411 = arith.constant 0 : i32
    %dma_wait3A_412 = tpu.memref_slice %arg3[%add3A_254, %dma_wait3A_410, %dma_wait3A_411] : memref<64x8192x64xf32, #tpu.memory_space<hbm>> -> memref<1x64x64xf32, #tpu.memory_space<hbm>>
    %dma_wait3A_413 = tpu.memref_squeeze %dma_wait3A_412 : memref<1x64x64xf32, #tpu.memory_space<hbm>> -> memref<64x64xf32, #tpu.memory_space<hbm>>
    tpu.wait_dma2 semaphore(%arg8 : memref<!tpu.dma_semaphore, #tpu.memory_space<semaphore_mem>>) src(%dma_wait3A_413 : memref<64x64xf32, #tpu.memory_space<hbm>>) dst(%dma_wait3A_409 : memref<64x64xf32, #tpu.memory_space<vmem>>)
    %dma_wait3A_414 = arith.constant 128 : i32
    %dma_wait3A_415 = arith.constant 0 : i32
    %dma_wait3A_416 = tpu.memref_slice %arg6[%dma_wait3A_414, %dma_wait3A_415] : memref<256x64xf32, #tpu.memory_space<vmem>> -> memref<64x64xf32, #tpu.memory_space<vmem>>
    %dma_wait3A_417 = arith.constant 0 : i32
    %dma_wait3A_418 = arith.constant 0 : i32
    %dma_wait3A_419 = tpu.memref_slice %arg3[%add3A_254, %dma_wait3A_417, %dma_wait3A_418] : memref<64x8192x64xf32, #tpu.memory_space<hbm>> -> memref<1x64x64xf32, #tpu.memory_space<hbm>>
    %dma_wait3A_420 = tpu.memref_squeeze %dma_wait3A_419 : memref<1x64x64xf32, #tpu.memory_space<hbm>> -> memref<64x64xf32, #tpu.memory_space<hbm>>
    %dma_wait3A_421 = arith.constant 128 : i32
    %dma_wait3A_422 = arith.constant 0 : i32
    %dma_wait3A_423 = tpu.memref_slice %arg6[%dma_wait3A_421, %dma_wait3A_422] : memref<256x64xf32, #tpu.memory_space<vmem>> -> memref<64x64xf32, #tpu.memory_space<vmem>>
    %dma_wait3A_424 = arith.constant 0 : i32
    %dma_wait3A_425 = arith.constant 0 : i32
    %dma_wait3A_426 = tpu.memref_slice %arg3[%add3A_254, %dma_wait3A_424, %dma_wait3A_425] : memref<64x8192x64xf32, #tpu.memory_space<hbm>> -> memref<1x64x64xf32, #tpu.memory_space<hbm>>
    %dma_wait3A_427 = tpu.memref_squeeze %dma_wait3A_426 : memref<1x64x64xf32, #tpu.memory_space<hbm>> -> memref<64x64xf32, #tpu.memory_space<hbm>>
    tpu.wait_dma2 semaphore(%arg9 : memref<!tpu.dma_semaphore, #tpu.memory_space<semaphore_mem>>) src(%dma_wait3A_427 : memref<64x64xf32, #tpu.memory_space<hbm>>) dst(%dma_wait3A_423 : memref<64x64xf32, #tpu.memory_space<vmem>>)
    %dma_wait3A_428 = arith.constant 192 : i32
    %dma_wait3A_429 = arith.constant 0 : i32
    %dma_wait3A_430 = tpu.memref_slice %arg6[%dma_wait3A_428, %dma_wait3A_429] : memref<256x64xf32, #tpu.memory_space<vmem>> -> memref<64x64xf32, #tpu.memory_space<vmem>>
    %dma_wait3A_431 = arith.constant 0 : i32
    %dma_wait3A_432 = arith.constant 0 : i32
    %dma_wait3A_433 = tpu.memref_slice %arg3[%add3A_254, %dma_wait3A_431, %dma_wait3A_432] : memref<64x8192x64xf32, #tpu.memory_space<hbm>> -> memref<1x64x64xf32, #tpu.memory_space<hbm>>
    %dma_wait3A_434 = tpu.memref_squeeze %dma_wait3A_433 : memref<1x64x64xf32, #tpu.memory_space<hbm>> -> memref<64x64xf32, #tpu.memory_space<hbm>>
    %dma_wait3A_435 = arith.constant 192 : i32
    %dma_wait3A_436 = arith.constant 0 : i32
    %dma_wait3A_437 = tpu.memref_slice %arg6[%dma_wait3A_435, %dma_wait3A_436] : memref<256x64xf32, #tpu.memory_space<vmem>> -> memref<64x64xf32, #tpu.memory_space<vmem>>
    %dma_wait3A_438 = arith.constant 0 : i32
    %dma_wait3A_439 = arith.constant 0 : i32
    %dma_wait3A_440 = tpu.memref_slice %arg3[%add3A_254, %dma_wait3A_438, %dma_wait3A_439] : memref<64x8192x64xf32, #tpu.memory_space<hbm>> -> memref<1x64x64xf32, #tpu.memory_space<hbm>>
    %dma_wait3A_441 = tpu.memref_squeeze %dma_wait3A_440 : memref<1x64x64xf32, #tpu.memory_space<hbm>> -> memref<64x64xf32, #tpu.memory_space<hbm>>
    tpu.wait_dma2 semaphore(%arg10 : memref<!tpu.dma_semaphore, #tpu.memory_space<semaphore_mem>>) src(%dma_wait3A_441 : memref<64x64xf32, #tpu.memory_space<hbm>>) dst(%dma_wait3A_437 : memref<64x64xf32, #tpu.memory_space<vmem>>)
    "tpu.region"() ({
      %run_scoped3A_504 = tpu.sem_alloc : memref<!tpu.dma_semaphore, #tpu.memory_space<semaphore_mem>>
      %dma_start3A = arith.constant 512 : i32
      %dma_start3A_505 = arith.constant 0 : i32
      %dma_start3A_506 = tpu.memref_slice %arg4[%add3A_254, %dma_start3A, %dma_start3A_505] : memref<64x1024x64xf32, #tpu.memory_space<hbm>> -> memref<1x256x64xf32, #tpu.memory_space<hbm>>
      %dma_start3A_507 = tpu.memref_squeeze %dma_start3A_506 : memref<1x256x64xf32, #tpu.memory_space<hbm>> -> memref<256x64xf32, #tpu.memory_space<hbm>>
      %dma_start3A_508 = arith.constant 512 : i32
      %dma_start3A_509 = arith.constant 0 : i32
      %dma_start3A_510 = tpu.memref_slice %arg4[%add3A_254, %dma_start3A_508, %dma_start3A_509] : memref<64x1024x64xf32, #tpu.memory_space<hbm>> -> memref<1x256x64xf32, #tpu.memory_space<hbm>>
      %dma_start3A_511 = tpu.memref_squeeze %dma_start3A_510 : memref<1x256x64xf32, #tpu.memory_space<hbm>> -> memref<256x64xf32, #tpu.memory_space<hbm>>
      tpu.enqueue_dma source(%arg6 : memref<256x64xf32, #tpu.memory_space<vmem>>) target(%dma_start3A_511 : memref<256x64xf32, #tpu.memory_space<hbm>>) target_semaphore(%run_scoped3A_504 : memref<!tpu.dma_semaphore, #tpu.memory_space<semaphore_mem>>)
      %dma_wait3A_512 = arith.constant 512 : i32
      %dma_wait3A_513 = arith.constant 0 : i32
      %dma_wait3A_514 = tpu.memref_slice %arg4[%add3A_254, %dma_wait3A_512, %dma_wait3A_513] : memref<64x1024x64xf32, #tpu.memory_space<hbm>> -> memref<1x256x64xf32, #tpu.memory_space<hbm>>
      %dma_wait3A_515 = tpu.memref_squeeze %dma_wait3A_514 : memref<1x256x64xf32, #tpu.memory_space<hbm>> -> memref<256x64xf32, #tpu.memory_space<hbm>>
      %dma_wait3A_516 = arith.constant 512 : i32
      %dma_wait3A_517 = arith.constant 0 : i32
      %dma_wait3A_518 = tpu.memref_slice %arg4[%add3A_254, %dma_wait3A_516, %dma_wait3A_517] : memref<64x1024x64xf32, #tpu.memory_space<hbm>> -> memref<1x256x64xf32, #tpu.memory_space<hbm>>
      %dma_wait3A_519 = tpu.memref_squeeze %dma_wait3A_518 : memref<1x256x64xf32, #tpu.memory_space<hbm>> -> memref<256x64xf32, #tpu.memory_space<hbm>>
      tpu.wait_dma2 semaphore(%run_scoped3A_504 : memref<!tpu.dma_semaphore, #tpu.memory_space<semaphore_mem>>) src(%arg6 : memref<256x64xf32, #tpu.memory_space<vmem>>) dst(%dma_wait3A_519 : memref<256x64xf32, #tpu.memory_space<hbm>>)
      tpu.yield
    }) : () -> ()
    %scan3A_442 = arith.constant 0 : i32
    %scan3A_443 = arith.constant 0 : i32
    %scan3A_444 = arith.constant 16 : i32
    %scan3A_445 = arith.addi %scan3A_443, %scan3A_444 : i32
    %scan3A_446 = arith.constant 1 : i32
    scf.for %scan3A_504 = %scan3A_443 to %scan3A_445 step %scan3A_446  : i32 {
      %mul3A_505 = arith.constant 16 : i32
      %mul3A_506 = arith.muli %scan3A_504, %mul3A_505 : i32
      %add3A_507 = arith.constant 768 : i32
      %add3A_508 = arith.addi %add3A_507, %mul3A_506 : i32
      %get3A = arith.index_cast %add3A_508 : i32 to index
      %get3A_509 = tpu.vector_load %arg5[%get3A] {strides = array<i32>} : memref<1024xi32, #tpu.memory_space<vmem>>, vector<16xi32>,
      %get3A_510 = vector.shape_cast %get3A_509 : vector<16xi32> to vector<16xi32>
      %slice3A = vector.extract_strided_slice %get3A_510 {offsets = [0], sizes = [1], strides = [1]} : vector<16xi32> to vector<1xi32>
      %squeeze3A = vector.extract %slice3A[0] : i32 from vector<1xi32>
      %mul3A_511 = arith.constant 16 : i32
      %mul3A_512 = arith.muli %scan3A_504, %mul3A_511 : i32
      %add3A_513 = arith.constant 0 : i32
      %add3A_514 = arith.addi %mul3A_512, %add3A_513 : i32
      %dma_start3A = arith.constant 0 : i32
      %dma_start3A_515 = tpu.memref_slice %arg6[%add3A_514, %dma_start3A] : memref<256x64xf32, #tpu.memory_space<vmem>> -> memref<1x64xf32, #tpu.memory_space<vmem>>
      %dma_start3A_516 = tpu.memref_squeeze %dma_start3A_515 : memref<1x64xf32, #tpu.memory_space<vmem>> -> memref<64xf32, #tpu.memory_space<vmem>>
      %dma_start3A_517 = arith.constant 0 : i32
      %dma_start3A_518 = tpu.memref_slice %arg3[%add3A_254, %squeeze3A, %dma_start3A_517] : memref<64x8192x64xf32, #tpu.memory_space<hbm>> -> memref<1x1x64xf32, #tpu.memory_space<hbm>>
      %dma_start3A_519 = tpu.memref_squeeze %dma_start3A_518 : memref<1x1x64xf32, #tpu.memory_space<hbm>> -> memref<64xf32, #tpu.memory_space<hbm>>
      %dma_start3A_520 = arith.constant 0 : i32
      %dma_start3A_521 = tpu.memref_slice %arg6[%add3A_514, %dma_start3A_520] : memref<256x64xf32, #tpu.memory_space<vmem>> -> memref<1x64xf32, #tpu.memory_space<vmem>>
      %dma_start3A_522 = tpu.memref_squeeze %dma_start3A_521 : memref<1x64xf32, #tpu.memory_space<vmem>> -> memref<64xf32, #tpu.memory_space<vmem>>
      %dma_start3A_523 = arith.constant 0 : i32
      %dma_start3A_524 = tpu.memref_slice %arg3[%add3A_254, %squeeze3A, %dma_start3A_523] : memref<64x8192x64xf32, #tpu.memory_space<hbm>> -> memref<1x1x64xf32, #tpu.memory_space<hbm>>
      %dma_start3A_525 = tpu.memref_squeeze %dma_start3A_524 : memref<1x1x64xf32, #tpu.memory_space<hbm>> -> memref<64xf32, #tpu.memory_space<hbm>>
      tpu.enqueue_dma source(%dma_start3A_525 : memref<64xf32, #tpu.memory_space<hbm>>) target(%dma_start3A_522 : memref<64xf32, #tpu.memory_space<vmem>>) target_semaphore(%arg7 : memref<!tpu.dma_semaphore, #tpu.memory_space<semaphore_mem>>)
      %slice3A_526 = vector.extract_strided_slice %get3A_510 {offsets = [1], sizes = [1], strides = [1]} : vector<16xi32> to vector<1xi32>
      %squeeze3A_527 = vector.extract %slice3A_526[0] : i32 from vector<1xi32>
      %mul3A_528 = arith.constant 16 : i32
      %mul3A_529 = arith.muli %scan3A_504, %mul3A_528 : i32
      %add3A_530 = arith.constant 1 : i32
      %add3A_531 = arith.addi %mul3A_529, %add3A_530 : i32
      %dma_start3A_532 = arith.constant 0 : i32
      %dma_start3A_533 = tpu.memref_slice %arg6[%add3A_531, %dma_start3A_532] : memref<256x64xf32, #tpu.memory_space<vmem>> -> memref<1x64xf32, #tpu.memory_space<vmem>>
      %dma_start3A_534 = tpu.memref_squeeze %dma_start3A_533 : memref<1x64xf32, #tpu.memory_space<vmem>> -> memref<64xf32, #tpu.memory_space<vmem>>
      %dma_start3A_535 = arith.constant 0 : i32
      %dma_start3A_536 = tpu.memref_slice %arg3[%add3A_254, %squeeze3A_527, %dma_start3A_535] : memref<64x8192x64xf32, #tpu.memory_space<hbm>> -> memref<1x1x64xf32, #tpu.memory_space<hbm>>
      %dma_start3A_537 = tpu.memref_squeeze %dma_start3A_536 : memref<1x1x64xf32, #tpu.memory_space<hbm>> -> memref<64xf32, #tpu.memory_space<hbm>>
      %dma_start3A_538 = arith.constant 0 : i32
      %dma_start3A_539 = tpu.memref_slice %arg6[%add3A_531, %dma_start3A_538] : memref<256x64xf32, #tpu.memory_space<vmem>> -> memref<1x64xf32, #tpu.memory_space<vmem>>
      %dma_start3A_540 = tpu.memref_squeeze %dma_start3A_539 : memref<1x64xf32, #tpu.memory_space<vmem>> -> memref<64xf32, #tpu.memory_space<vmem>>
      %dma_start3A_541 = arith.constant 0 : i32
      %dma_start3A_542 = tpu.memref_slice %arg3[%add3A_254, %squeeze3A_527, %dma_start3A_541] : memref<64x8192x64xf32, #tpu.memory_space<hbm>> -> memref<1x1x64xf32, #tpu.memory_space<hbm>>
      %dma_start3A_543 = tpu.memref_squeeze %dma_start3A_542 : memref<1x1x64xf32, #tpu.memory_space<hbm>> -> memref<64xf32, #tpu.memory_space<hbm>>
      tpu.enqueue_dma source(%dma_start3A_543 : memref<64xf32, #tpu.memory_space<hbm>>) target(%dma_start3A_540 : memref<64xf32, #tpu.memory_space<vmem>>) target_semaphore(%arg8 : memref<!tpu.dma_semaphore, #tpu.memory_space<semaphore_mem>>)
      %slice3A_544 = vector.extract_strided_slice %get3A_510 {offsets = [2], sizes = [1], strides = [1]} : vector<16xi32> to vector<1xi32>
      %squeeze3A_545 = vector.extract %slice3A_544[0] : i32 from vector<1xi32>
      %mul3A_546 = arith.constant 16 : i32
      %mul3A_547 = arith.muli %scan3A_504, %mul3A_546 : i32
      %add3A_548 = arith.constant 2 : i32
      %add3A_549 = arith.addi %mul3A_547, %add3A_548 : i32
      %dma_start3A_550 = arith.constant 0 : i32
      %dma_start3A_551 = tpu.memref_slice %arg6[%add3A_549, %dma_start3A_550] : memref<256x64xf32, #tpu.memory_space<vmem>> -> memref<1x64xf32, #tpu.memory_space<vmem>>
      %dma_start3A_552 = tpu.memref_squeeze %dma_start3A_551 : memref<1x64xf32, #tpu.memory_space<vmem>> -> memref<64xf32, #tpu.memory_space<vmem>>
      %dma_start3A_553 = arith.constant 0 : i32
      %dma_start3A_554 = tpu.memref_slice %arg3[%add3A_254, %squeeze3A_545, %dma_start3A_553] : memref<64x8192x64xf32, #tpu.memory_space<hbm>> -> memref<1x1x64xf32, #tpu.memory_space<hbm>>
      %dma_start3A_555 = tpu.memref_squeeze %dma_start3A_554 : memref<1x1x64xf32, #tpu.memory_space<hbm>> -> memref<64xf32, #tpu.memory_space<hbm>>
      %dma_start3A_556 = arith.constant 0 : i32
      %dma_start3A_557 = tpu.memref_slice %arg6[%add3A_549, %dma_start3A_556] : memref<256x64xf32, #tpu.memory_space<vmem>> -> memref<1x64xf32, #tpu.memory_space<vmem>>
      %dma_start3A_558 = tpu.memref_squeeze %dma_start3A_557 : memref<1x64xf32, #tpu.memory_space<vmem>> -> memref<64xf32, #tpu.memory_space<vmem>>
      %dma_start3A_559 = arith.constant 0 : i32
      %dma_start3A_560 = tpu.memref_slice %arg3[%add3A_254, %squeeze3A_545, %dma_start3A_559] : memref<64x8192x64xf32, #tpu.memory_space<hbm>> -> memref<1x1x64xf32, #tpu.memory_space<hbm>>
      %dma_start3A_561 = tpu.memref_squeeze %dma_start3A_560 : memref<1x1x64xf32, #tpu.memory_space<hbm>> -> memref<64xf32, #tpu.memory_space<hbm>>
      tpu.enqueue_dma source(%dma_start3A_561 : memref<64xf32, #tpu.memory_space<hbm>>) target(%dma_start3A_558 : memref<64xf32, #tpu.memory_space<vmem>>) target_semaphore(%arg9 : memref<!tpu.dma_semaphore, #tpu.memory_space<semaphore_mem>>)
      %slice3A_562 = vector.extract_strided_slice %get3A_510 {offsets = [3], sizes = [1], strides = [1]} : vector<16xi32> to vector<1xi32>
      %squeeze3A_563 = vector.extract %slice3A_562[0] : i32 from vector<1xi32>
      %mul3A_564 = arith.constant 16 : i32
      %mul3A_565 = arith.muli %scan3A_504, %mul3A_564 : i32
      %add3A_566 = arith.constant 3 : i32
      %add3A_567 = arith.addi %mul3A_565, %add3A_566 : i32
      %dma_start3A_568 = arith.constant 0 : i32
      %dma_start3A_569 = tpu.memref_slice %arg6[%add3A_567, %dma_start3A_568] : memref<256x64xf32, #tpu.memory_space<vmem>> -> memref<1x64xf32, #tpu.memory_space<vmem>>
      %dma_start3A_570 = tpu.memref_squeeze %dma_start3A_569 : memref<1x64xf32, #tpu.memory_space<vmem>> -> memref<64xf32, #tpu.memory_space<vmem>>
      %dma_start3A_571 = arith.constant 0 : i32
      %dma_start3A_572 = tpu.memref_slice %arg3[%add3A_254, %squeeze3A_563, %dma_start3A_571] : memref<64x8192x64xf32, #tpu.memory_space<hbm>> -> memref<1x1x64xf32, #tpu.memory_space<hbm>>
      %dma_start3A_573 = tpu.memref_squeeze %dma_start3A_572 : memref<1x1x64xf32, #tpu.memory_space<hbm>> -> memref<64xf32, #tpu.memory_space<hbm>>
      %dma_start3A_574 = arith.constant 0 : i32
      %dma_start3A_575 = tpu.memref_slice %arg6[%add3A_567, %dma_start3A_574] : memref<256x64xf32, #tpu.memory_space<vmem>> -> memref<1x64xf32, #tpu.memory_space<vmem>>
      %dma_start3A_576 = tpu.memref_squeeze %dma_start3A_575 : memref<1x64xf32, #tpu.memory_space<vmem>> -> memref<64xf32, #tpu.memory_space<vmem>>
      %dma_start3A_577 = arith.constant 0 : i32
      %dma_start3A_578 = tpu.memref_slice %arg3[%add3A_254, %squeeze3A_563, %dma_start3A_577] : memref<64x8192x64xf32, #tpu.memory_space<hbm>> -> memref<1x1x64xf32, #tpu.memory_space<hbm>>
      %dma_start3A_579 = tpu.memref_squeeze %dma_start3A_578 : memref<1x1x64xf32, #tpu.memory_space<hbm>> -> memref<64xf32, #tpu.memory_space<hbm>>
      tpu.enqueue_dma source(%dma_start3A_579 : memref<64xf32, #tpu.memory_space<hbm>>) target(%dma_start3A_576 : memref<64xf32, #tpu.memory_space<vmem>>) target_semaphore(%arg10 : memref<!tpu.dma_semaphore, #tpu.memory_space<semaphore_mem>>)
      %slice3A_580 = vector.extract_strided_slice %get3A_510 {offsets = [4], sizes = [1], strides = [1]} : vector<16xi32> to vector<1xi32>
      %squeeze3A_581 = vector.extract %slice3A_580[0] : i32 from vector<1xi32>
      %mul3A_582 = arith.constant 16 : i32
      %mul3A_583 = arith.muli %scan3A_504, %mul3A_582 : i32
      %add3A_584 = arith.constant 4 : i32
      %add3A_585 = arith.addi %mul3A_583, %add3A_584 : i32
      %dma_start3A_586 = arith.constant 0 : i32
      %dma_start3A_587 = tpu.memref_slice %arg6[%add3A_585, %dma_start3A_586] : memref<256x64xf32, #tpu.memory_space<vmem>> -> memref<1x64xf32, #tpu.memory_space<vmem>>
      %dma_start3A_588 = tpu.memref_squeeze %dma_start3A_587 : memref<1x64xf32, #tpu.memory_space<vmem>> -> memref<64xf32, #tpu.memory_space<vmem>>
      %dma_start3A_589 = arith.constant 0 : i32
      %dma_start3A_590 = tpu.memref_slice %arg3[%add3A_254, %squeeze3A_581, %dma_start3A_589] : memref<64x8192x64xf32, #tpu.memory_space<hbm>> -> memref<1x1x64xf32, #tpu.memory_space<hbm>>
      %dma_start3A_591 = tpu.memref_squeeze %dma_start3A_590 : memref<1x1x64xf32, #tpu.memory_space<hbm>> -> memref<64xf32, #tpu.memory_space<hbm>>
      %dma_start3A_592 = arith.constant 0 : i32
      %dma_start3A_593 = tpu.memref_slice %arg6[%add3A_585, %dma_start3A_592] : memref<256x64xf32, #tpu.memory_space<vmem>> -> memref<1x64xf32, #tpu.memory_space<vmem>>
      %dma_start3A_594 = tpu.memref_squeeze %dma_start3A_593 : memref<1x64xf32, #tpu.memory_space<vmem>> -> memref<64xf32, #tpu.memory_space<vmem>>
      %dma_start3A_595 = arith.constant 0 : i32
      %dma_start3A_596 = tpu.memref_slice %arg3[%add3A_254, %squeeze3A_581, %dma_start3A_595] : memref<64x8192x64xf32, #tpu.memory_space<hbm>> -> memref<1x1x64xf32, #tpu.memory_space<hbm>>
      %dma_start3A_597 = tpu.memref_squeeze %dma_start3A_596 : memref<1x1x64xf32, #tpu.memory_space<hbm>> -> memref<64xf32, #tpu.memory_space<hbm>>
      tpu.enqueue_dma source(%dma_start3A_597 : memref<64xf32, #tpu.memory_space<hbm>>) target(%dma_start3A_594 : memref<64xf32, #tpu.memory_space<vmem>>) target_semaphore(%arg7 : memref<!tpu.dma_semaphore, #tpu.memory_space<semaphore_mem>>)
      %slice3A_598 = vector.extract_strided_slice %get3A_510 {offsets = [5], sizes = [1], strides = [1]} : vector<16xi32> to vector<1xi32>
      %squeeze3A_599 = vector.extract %slice3A_598[0] : i32 from vector<1xi32>
      %mul3A_600 = arith.constant 16 : i32
      %mul3A_601 = arith.muli %scan3A_504, %mul3A_600 : i32
      %add3A_602 = arith.constant 5 : i32
      %add3A_603 = arith.addi %mul3A_601, %add3A_602 : i32
      %dma_start3A_604 = arith.constant 0 : i32
      %dma_start3A_605 = tpu.memref_slice %arg6[%add3A_603, %dma_start3A_604] : memref<256x64xf32, #tpu.memory_space<vmem>> -> memref<1x64xf32, #tpu.memory_space<vmem>>
      %dma_start3A_606 = tpu.memref_squeeze %dma_start3A_605 : memref<1x64xf32, #tpu.memory_space<vmem>> -> memref<64xf32, #tpu.memory_space<vmem>>
      %dma_start3A_607 = arith.constant 0 : i32
      %dma_start3A_608 = tpu.memref_slice %arg3[%add3A_254, %squeeze3A_599, %dma_start3A_607] : memref<64x8192x64xf32, #tpu.memory_space<hbm>> -> memref<1x1x64xf32, #tpu.memory_space<hbm>>
      %dma_start3A_609 = tpu.memref_squeeze %dma_start3A_608 : memref<1x1x64xf32, #tpu.memory_space<hbm>> -> memref<64xf32, #tpu.memory_space<hbm>>
      %dma_start3A_610 = arith.constant 0 : i32
      %dma_start3A_611 = tpu.memref_slice %arg6[%add3A_603, %dma_start3A_610] : memref<256x64xf32, #tpu.memory_space<vmem>> -> memref<1x64xf32, #tpu.memory_space<vmem>>
      %dma_start3A_612 = tpu.memref_squeeze %dma_start3A_611 : memref<1x64xf32, #tpu.memory_space<vmem>> -> memref<64xf32, #tpu.memory_space<vmem>>
      %dma_start3A_613 = arith.constant 0 : i32
      %dma_start3A_614 = tpu.memref_slice %arg3[%add3A_254, %squeeze3A_599, %dma_start3A_613] : memref<64x8192x64xf32, #tpu.memory_space<hbm>> -> memref<1x1x64xf32, #tpu.memory_space<hbm>>
      %dma_start3A_615 = tpu.memref_squeeze %dma_start3A_614 : memref<1x1x64xf32, #tpu.memory_space<hbm>> -> memref<64xf32, #tpu.memory_space<hbm>>
      tpu.enqueue_dma source(%dma_start3A_615 : memref<64xf32, #tpu.memory_space<hbm>>) target(%dma_start3A_612 : memref<64xf32, #tpu.memory_space<vmem>>) target_semaphore(%arg8 : memref<!tpu.dma_semaphore, #tpu.memory_space<semaphore_mem>>)
      %slice3A_616 = vector.extract_strided_slice %get3A_510 {offsets = [6], sizes = [1], strides = [1]} : vector<16xi32> to vector<1xi32>
      %squeeze3A_617 = vector.extract %slice3A_616[0] : i32 from vector<1xi32>
      %mul3A_618 = arith.constant 16 : i32
      %mul3A_619 = arith.muli %scan3A_504, %mul3A_618 : i32
      %add3A_620 = arith.constant 6 : i32
      %add3A_621 = arith.addi %mul3A_619, %add3A_620 : i32
      %dma_start3A_622 = arith.constant 0 : i32
      %dma_start3A_623 = tpu.memref_slice %arg6[%add3A_621, %dma_start3A_622] : memref<256x64xf32, #tpu.memory_space<vmem>> -> memref<1x64xf32, #tpu.memory_space<vmem>>
      %dma_start3A_624 = tpu.memref_squeeze %dma_start3A_623 : memref<1x64xf32, #tpu.memory_space<vmem>> -> memref<64xf32, #tpu.memory_space<vmem>>
      %dma_start3A_625 = arith.constant 0 : i32
      %dma_start3A_626 = tpu.memref_slice %arg3[%add3A_254, %squeeze3A_617, %dma_start3A_625] : memref<64x8192x64xf32, #tpu.memory_space<hbm>> -> memref<1x1x64xf32, #tpu.memory_space<hbm>>
      %dma_start3A_627 = tpu.memref_squeeze %dma_start3A_626 : memref<1x1x64xf32, #tpu.memory_space<hbm>> -> memref<64xf32, #tpu.memory_space<hbm>>
      %dma_start3A_628 = arith.constant 0 : i32
      %dma_start3A_629 = tpu.memref_slice %arg6[%add3A_621, %dma_start3A_628] : memref<256x64xf32, #tpu.memory_space<vmem>> -> memref<1x64xf32, #tpu.memory_space<vmem>>
      %dma_start3A_630 = tpu.memref_squeeze %dma_start3A_629 : memref<1x64xf32, #tpu.memory_space<vmem>> -> memref<64xf32, #tpu.memory_space<vmem>>
      %dma_start3A_631 = arith.constant 0 : i32
      %dma_start3A_632 = tpu.memref_slice %arg3[%add3A_254, %squeeze3A_617, %dma_start3A_631] : memref<64x8192x64xf32, #tpu.memory_space<hbm>> -> memref<1x1x64xf32, #tpu.memory_space<hbm>>
      %dma_start3A_633 = tpu.memref_squeeze %dma_start3A_632 : memref<1x1x64xf32, #tpu.memory_space<hbm>> -> memref<64xf32, #tpu.memory_space<hbm>>
      tpu.enqueue_dma source(%dma_start3A_633 : memref<64xf32, #tpu.memory_space<hbm>>) target(%dma_start3A_630 : memref<64xf32, #tpu.memory_space<vmem>>) target_semaphore(%arg9 : memref<!tpu.dma_semaphore, #tpu.memory_space<semaphore_mem>>)
      %slice3A_634 = vector.extract_strided_slice %get3A_510 {offsets = [7], sizes = [1], strides = [1]} : vector<16xi32> to vector<1xi32>
      %squeeze3A_635 = vector.extract %slice3A_634[0] : i32 from vector<1xi32>
      %mul3A_636 = arith.constant 16 : i32
      %mul3A_637 = arith.muli %scan3A_504, %mul3A_636 : i32
      %add3A_638 = arith.constant 7 : i32
      %add3A_639 = arith.addi %mul3A_637, %add3A_638 : i32
      %dma_start3A_640 = arith.constant 0 : i32
      %dma_start3A_641 = tpu.memref_slice %arg6[%add3A_639, %dma_start3A_640] : memref<256x64xf32, #tpu.memory_space<vmem>> -> memref<1x64xf32, #tpu.memory_space<vmem>>
      %dma_start3A_642 = tpu.memref_squeeze %dma_start3A_641 : memref<1x64xf32, #tpu.memory_space<vmem>> -> memref<64xf32, #tpu.memory_space<vmem>>
      %dma_start3A_643 = arith.constant 0 : i32
      %dma_start3A_644 = tpu.memref_slice %arg3[%add3A_254, %squeeze3A_635, %dma_start3A_643] : memref<64x8192x64xf32, #tpu.memory_space<hbm>> -> memref<1x1x64xf32, #tpu.memory_space<hbm>>
      %dma_start3A_645 = tpu.memref_squeeze %dma_start3A_644 : memref<1x1x64xf32, #tpu.memory_space<hbm>> -> memref<64xf32, #tpu.memory_space<hbm>>
      %dma_start3A_646 = arith.constant 0 : i32
      %dma_start3A_647 = tpu.memref_slice %arg6[%add3A_639, %dma_start3A_646] : memref<256x64xf32, #tpu.memory_space<vmem>> -> memref<1x64xf32, #tpu.memory_space<vmem>>
      %dma_start3A_648 = tpu.memref_squeeze %dma_start3A_647 : memref<1x64xf32, #tpu.memory_space<vmem>> -> memref<64xf32, #tpu.memory_space<vmem>>
      %dma_start3A_649 = arith.constant 0 : i32
      %dma_start3A_650 = tpu.memref_slice %arg3[%add3A_254, %squeeze3A_635, %dma_start3A_649] : memref<64x8192x64xf32, #tpu.memory_space<hbm>> -> memref<1x1x64xf32, #tpu.memory_space<hbm>>
      %dma_start3A_651 = tpu.memref_squeeze %dma_start3A_650 : memref<1x1x64xf32, #tpu.memory_space<hbm>> -> memref<64xf32, #tpu.memory_space<hbm>>
      tpu.enqueue_dma source(%dma_start3A_651 : memref<64xf32, #tpu.memory_space<hbm>>) target(%dma_start3A_648 : memref<64xf32, #tpu.memory_space<vmem>>) target_semaphore(%arg10 : memref<!tpu.dma_semaphore, #tpu.memory_space<semaphore_mem>>)
      %slice3A_652 = vector.extract_strided_slice %get3A_510 {offsets = [8], sizes = [1], strides = [1]} : vector<16xi32> to vector<1xi32>
      %squeeze3A_653 = vector.extract %slice3A_652[0] : i32 from vector<1xi32>
      %mul3A_654 = arith.constant 16 : i32
      %mul3A_655 = arith.muli %scan3A_504, %mul3A_654 : i32
      %add3A_656 = arith.constant 8 : i32
      %add3A_657 = arith.addi %mul3A_655, %add3A_656 : i32
      %dma_start3A_658 = arith.constant 0 : i32
      %dma_start3A_659 = tpu.memref_slice %arg6[%add3A_657, %dma_start3A_658] : memref<256x64xf32, #tpu.memory_space<vmem>> -> memref<1x64xf32, #tpu.memory_space<vmem>>
      %dma_start3A_660 = tpu.memref_squeeze %dma_start3A_659 : memref<1x64xf32, #tpu.memory_space<vmem>> -> memref<64xf32, #tpu.memory_space<vmem>>
      %dma_start3A_661 = arith.constant 0 : i32
      %dma_start3A_662 = tpu.memref_slice %arg3[%add3A_254, %squeeze3A_653, %dma_start3A_661] : memref<64x8192x64xf32, #tpu.memory_space<hbm>> -> memref<1x1x64xf32, #tpu.memory_space<hbm>>
      %dma_start3A_663 = tpu.memref_squeeze %dma_start3A_662 : memref<1x1x64xf32, #tpu.memory_space<hbm>> -> memref<64xf32, #tpu.memory_space<hbm>>
      %dma_start3A_664 = arith.constant 0 : i32
      %dma_start3A_665 = tpu.memref_slice %arg6[%add3A_657, %dma_start3A_664] : memref<256x64xf32, #tpu.memory_space<vmem>> -> memref<1x64xf32, #tpu.memory_space<vmem>>
      %dma_start3A_666 = tpu.memref_squeeze %dma_start3A_665 : memref<1x64xf32, #tpu.memory_space<vmem>> -> memref<64xf32, #tpu.memory_space<vmem>>
      %dma_start3A_667 = arith.constant 0 : i32
      %dma_start3A_668 = tpu.memref_slice %arg3[%add3A_254, %squeeze3A_653, %dma_start3A_667] : memref<64x8192x64xf32, #tpu.memory_space<hbm>> -> memref<1x1x64xf32, #tpu.memory_space<hbm>>
      %dma_start3A_669 = tpu.memref_squeeze %dma_start3A_668 : memref<1x1x64xf32, #tpu.memory_space<hbm>> -> memref<64xf32, #tpu.memory_space<hbm>>
      tpu.enqueue_dma source(%dma_start3A_669 : memref<64xf32, #tpu.memory_space<hbm>>) target(%dma_start3A_666 : memref<64xf32, #tpu.memory_space<vmem>>) target_semaphore(%arg7 : memref<!tpu.dma_semaphore, #tpu.memory_space<semaphore_mem>>)
      %slice3A_670 = vector.extract_strided_slice %get3A_510 {offsets = [9], sizes = [1], strides = [1]} : vector<16xi32> to vector<1xi32>
      %squeeze3A_671 = vector.extract %slice3A_670[0] : i32 from vector<1xi32>
      %mul3A_672 = arith.constant 16 : i32
      %mul3A_673 = arith.muli %scan3A_504, %mul3A_672 : i32
      %add3A_674 = arith.constant 9 : i32
      %add3A_675 = arith.addi %mul3A_673, %add3A_674 : i32
      %dma_start3A_676 = arith.constant 0 : i32
      %dma_start3A_677 = tpu.memref_slice %arg6[%add3A_675, %dma_start3A_676] : memref<256x64xf32, #tpu.memory_space<vmem>> -> memref<1x64xf32, #tpu.memory_space<vmem>>
      %dma_start3A_678 = tpu.memref_squeeze %dma_start3A_677 : memref<1x64xf32, #tpu.memory_space<vmem>> -> memref<64xf32, #tpu.memory_space<vmem>>
      %dma_start3A_679 = arith.constant 0 : i32
      %dma_start3A_680 = tpu.memref_slice %arg3[%add3A_254, %squeeze3A_671, %dma_start3A_679] : memref<64x8192x64xf32, #tpu.memory_space<hbm>> -> memref<1x1x64xf32, #tpu.memory_space<hbm>>
      %dma_start3A_681 = tpu.memref_squeeze %dma_start3A_680 : memref<1x1x64xf32, #tpu.memory_space<hbm>> -> memref<64xf32, #tpu.memory_space<hbm>>
      %dma_start3A_682 = arith.constant 0 : i32
      %dma_start3A_683 = tpu.memref_slice %arg6[%add3A_675, %dma_start3A_682] : memref<256x64xf32, #tpu.memory_space<vmem>> -> memref<1x64xf32, #tpu.memory_space<vmem>>
      %dma_start3A_684 = tpu.memref_squeeze %dma_start3A_683 : memref<1x64xf32, #tpu.memory_space<vmem>> -> memref<64xf32, #tpu.memory_space<vmem>>
      %dma_start3A_685 = arith.constant 0 : i32
      %dma_start3A_686 = tpu.memref_slice %arg3[%add3A_254, %squeeze3A_671, %dma_start3A_685] : memref<64x8192x64xf32, #tpu.memory_space<hbm>> -> memref<1x1x64xf32, #tpu.memory_space<hbm>>
      %dma_start3A_687 = tpu.memref_squeeze %dma_start3A_686 : memref<1x1x64xf32, #tpu.memory_space<hbm>> -> memref<64xf32, #tpu.memory_space<hbm>>
      tpu.enqueue_dma source(%dma_start3A_687 : memref<64xf32, #tpu.memory_space<hbm>>) target(%dma_start3A_684 : memref<64xf32, #tpu.memory_space<vmem>>) target_semaphore(%arg8 : memref<!tpu.dma_semaphore, #tpu.memory_space<semaphore_mem>>)
      %slice3A_688 = vector.extract_strided_slice %get3A_510 {offsets = [10], sizes = [1], strides = [1]} : vector<16xi32> to vector<1xi32>
      %squeeze3A_689 = vector.extract %slice3A_688[0] : i32 from vector<1xi32>
      %mul3A_690 = arith.constant 16 : i32
      %mul3A_691 = arith.muli %scan3A_504, %mul3A_690 : i32
      %add3A_692 = arith.constant 10 : i32
      %add3A_693 = arith.addi %mul3A_691, %add3A_692 : i32
      %dma_start3A_694 = arith.constant 0 : i32
      %dma_start3A_695 = tpu.memref_slice %arg6[%add3A_693, %dma_start3A_694] : memref<256x64xf32, #tpu.memory_space<vmem>> -> memref<1x64xf32, #tpu.memory_space<vmem>>
      %dma_start3A_696 = tpu.memref_squeeze %dma_start3A_695 : memref<1x64xf32, #tpu.memory_space<vmem>> -> memref<64xf32, #tpu.memory_space<vmem>>
      %dma_start3A_697 = arith.constant 0 : i32
      %dma_start3A_698 = tpu.memref_slice %arg3[%add3A_254, %squeeze3A_689, %dma_start3A_697] : memref<64x8192x64xf32, #tpu.memory_space<hbm>> -> memref<1x1x64xf32, #tpu.memory_space<hbm>>
      %dma_start3A_699 = tpu.memref_squeeze %dma_start3A_698 : memref<1x1x64xf32, #tpu.memory_space<hbm>> -> memref<64xf32, #tpu.memory_space<hbm>>
      %dma_start3A_700 = arith.constant 0 : i32
      %dma_start3A_701 = tpu.memref_slice %arg6[%add3A_693, %dma_start3A_700] : memref<256x64xf32, #tpu.memory_space<vmem>> -> memref<1x64xf32, #tpu.memory_space<vmem>>
      %dma_start3A_702 = tpu.memref_squeeze %dma_start3A_701 : memref<1x64xf32, #tpu.memory_space<vmem>> -> memref<64xf32, #tpu.memory_space<vmem>>
      %dma_start3A_703 = arith.constant 0 : i32
      %dma_start3A_704 = tpu.memref_slice %arg3[%add3A_254, %squeeze3A_689, %dma_start3A_703] : memref<64x8192x64xf32, #tpu.memory_space<hbm>> -> memref<1x1x64xf32, #tpu.memory_space<hbm>>
      %dma_start3A_705 = tpu.memref_squeeze %dma_start3A_704 : memref<1x1x64xf32, #tpu.memory_space<hbm>> -> memref<64xf32, #tpu.memory_space<hbm>>
      tpu.enqueue_dma source(%dma_start3A_705 : memref<64xf32, #tpu.memory_space<hbm>>) target(%dma_start3A_702 : memref<64xf32, #tpu.memory_space<vmem>>) target_semaphore(%arg9 : memref<!tpu.dma_semaphore, #tpu.memory_space<semaphore_mem>>)
      %slice3A_706 = vector.extract_strided_slice %get3A_510 {offsets = [11], sizes = [1], strides = [1]} : vector<16xi32> to vector<1xi32>
      %squeeze3A_707 = vector.extract %slice3A_706[0] : i32 from vector<1xi32>
      %mul3A_708 = arith.constant 16 : i32
      %mul3A_709 = arith.muli %scan3A_504, %mul3A_708 : i32
      %add3A_710 = arith.constant 11 : i32
      %add3A_711 = arith.addi %mul3A_709, %add3A_710 : i32
      %dma_start3A_712 = arith.constant 0 : i32
      %dma_start3A_713 = tpu.memref_slice %arg6[%add3A_711, %dma_start3A_712] : memref<256x64xf32, #tpu.memory_space<vmem>> -> memref<1x64xf32, #tpu.memory_space<vmem>>
      %dma_start3A_714 = tpu.memref_squeeze %dma_start3A_713 : memref<1x64xf32, #tpu.memory_space<vmem>> -> memref<64xf32, #tpu.memory_space<vmem>>
      %dma_start3A_715 = arith.constant 0 : i32
      %dma_start3A_716 = tpu.memref_slice %arg3[%add3A_254, %squeeze3A_707, %dma_start3A_715] : memref<64x8192x64xf32, #tpu.memory_space<hbm>> -> memref<1x1x64xf32, #tpu.memory_space<hbm>>
      %dma_start3A_717 = tpu.memref_squeeze %dma_start3A_716 : memref<1x1x64xf32, #tpu.memory_space<hbm>> -> memref<64xf32, #tpu.memory_space<hbm>>
      %dma_start3A_718 = arith.constant 0 : i32
      %dma_start3A_719 = tpu.memref_slice %arg6[%add3A_711, %dma_start3A_718] : memref<256x64xf32, #tpu.memory_space<vmem>> -> memref<1x64xf32, #tpu.memory_space<vmem>>
      %dma_start3A_720 = tpu.memref_squeeze %dma_start3A_719 : memref<1x64xf32, #tpu.memory_space<vmem>> -> memref<64xf32, #tpu.memory_space<vmem>>
      %dma_start3A_721 = arith.constant 0 : i32
      %dma_start3A_722 = tpu.memref_slice %arg3[%add3A_254, %squeeze3A_707, %dma_start3A_721] : memref<64x8192x64xf32, #tpu.memory_space<hbm>> -> memref<1x1x64xf32, #tpu.memory_space<hbm>>
      %dma_start3A_723 = tpu.memref_squeeze %dma_start3A_722 : memref<1x1x64xf32, #tpu.memory_space<hbm>> -> memref<64xf32, #tpu.memory_space<hbm>>
      tpu.enqueue_dma source(%dma_start3A_723 : memref<64xf32, #tpu.memory_space<hbm>>) target(%dma_start3A_720 : memref<64xf32, #tpu.memory_space<vmem>>) target_semaphore(%arg10 : memref<!tpu.dma_semaphore, #tpu.memory_space<semaphore_mem>>)
      %slice3A_724 = vector.extract_strided_slice %get3A_510 {offsets = [12], sizes = [1], strides = [1]} : vector<16xi32> to vector<1xi32>
      %squeeze3A_725 = vector.extract %slice3A_724[0] : i32 from vector<1xi32>
      %mul3A_726 = arith.constant 16 : i32
      %mul3A_727 = arith.muli %scan3A_504, %mul3A_726 : i32
      %add3A_728 = arith.constant 12 : i32
      %add3A_729 = arith.addi %mul3A_727, %add3A_728 : i32
      %dma_start3A_730 = arith.constant 0 : i32
      %dma_start3A_731 = tpu.memref_slice %arg6[%add3A_729, %dma_start3A_730] : memref<256x64xf32, #tpu.memory_space<vmem>> -> memref<1x64xf32, #tpu.memory_space<vmem>>
      %dma_start3A_732 = tpu.memref_squeeze %dma_start3A_731 : memref<1x64xf32, #tpu.memory_space<vmem>> -> memref<64xf32, #tpu.memory_space<vmem>>
      %dma_start3A_733 = arith.constant 0 : i32
      %dma_start3A_734 = tpu.memref_slice %arg3[%add3A_254, %squeeze3A_725, %dma_start3A_733] : memref<64x8192x64xf32, #tpu.memory_space<hbm>> -> memref<1x1x64xf32, #tpu.memory_space<hbm>>
      %dma_start3A_735 = tpu.memref_squeeze %dma_start3A_734 : memref<1x1x64xf32, #tpu.memory_space<hbm>> -> memref<64xf32, #tpu.memory_space<hbm>>
      %dma_start3A_736 = arith.constant 0 : i32
      %dma_start3A_737 = tpu.memref_slice %arg6[%add3A_729, %dma_start3A_736] : memref<256x64xf32, #tpu.memory_space<vmem>> -> memref<1x64xf32, #tpu.memory_space<vmem>>
      %dma_start3A_738 = tpu.memref_squeeze %dma_start3A_737 : memref<1x64xf32, #tpu.memory_space<vmem>> -> memref<64xf32, #tpu.memory_space<vmem>>
      %dma_start3A_739 = arith.constant 0 : i32
      %dma_start3A_740 = tpu.memref_slice %arg3[%add3A_254, %squeeze3A_725, %dma_start3A_739] : memref<64x8192x64xf32, #tpu.memory_space<hbm>> -> memref<1x1x64xf32, #tpu.memory_space<hbm>>
      %dma_start3A_741 = tpu.memref_squeeze %dma_start3A_740 : memref<1x1x64xf32, #tpu.memory_space<hbm>> -> memref<64xf32, #tpu.memory_space<hbm>>
      tpu.enqueue_dma source(%dma_start3A_741 : memref<64xf32, #tpu.memory_space<hbm>>) target(%dma_start3A_738 : memref<64xf32, #tpu.memory_space<vmem>>) target_semaphore(%arg7 : memref<!tpu.dma_semaphore, #tpu.memory_space<semaphore_mem>>)
      %slice3A_742 = vector.extract_strided_slice %get3A_510 {offsets = [13], sizes = [1], strides = [1]} : vector<16xi32> to vector<1xi32>
      %squeeze3A_743 = vector.extract %slice3A_742[0] : i32 from vector<1xi32>
      %mul3A_744 = arith.constant 16 : i32
      %mul3A_745 = arith.muli %scan3A_504, %mul3A_744 : i32
      %add3A_746 = arith.constant 13 : i32
      %add3A_747 = arith.addi %mul3A_745, %add3A_746 : i32
      %dma_start3A_748 = arith.constant 0 : i32
      %dma_start3A_749 = tpu.memref_slice %arg6[%add3A_747, %dma_start3A_748] : memref<256x64xf32, #tpu.memory_space<vmem>> -> memref<1x64xf32, #tpu.memory_space<vmem>>
      %dma_start3A_750 = tpu.memref_squeeze %dma_start3A_749 : memref<1x64xf32, #tpu.memory_space<vmem>> -> memref<64xf32, #tpu.memory_space<vmem>>
      %dma_start3A_751 = arith.constant 0 : i32
      %dma_start3A_752 = tpu.memref_slice %arg3[%add3A_254, %squeeze3A_743, %dma_start3A_751] : memref<64x8192x64xf32, #tpu.memory_space<hbm>> -> memref<1x1x64xf32, #tpu.memory_space<hbm>>
      %dma_start3A_753 = tpu.memref_squeeze %dma_start3A_752 : memref<1x1x64xf32, #tpu.memory_space<hbm>> -> memref<64xf32, #tpu.memory_space<hbm>>
      %dma_start3A_754 = arith.constant 0 : i32
      %dma_start3A_755 = tpu.memref_slice %arg6[%add3A_747, %dma_start3A_754] : memref<256x64xf32, #tpu.memory_space<vmem>> -> memref<1x64xf32, #tpu.memory_space<vmem>>
      %dma_start3A_756 = tpu.memref_squeeze %dma_start3A_755 : memref<1x64xf32, #tpu.memory_space<vmem>> -> memref<64xf32, #tpu.memory_space<vmem>>
      %dma_start3A_757 = arith.constant 0 : i32
      %dma_start3A_758 = tpu.memref_slice %arg3[%add3A_254, %squeeze3A_743, %dma_start3A_757] : memref<64x8192x64xf32, #tpu.memory_space<hbm>> -> memref<1x1x64xf32, #tpu.memory_space<hbm>>
      %dma_start3A_759 = tpu.memref_squeeze %dma_start3A_758 : memref<1x1x64xf32, #tpu.memory_space<hbm>> -> memref<64xf32, #tpu.memory_space<hbm>>
      tpu.enqueue_dma source(%dma_start3A_759 : memref<64xf32, #tpu.memory_space<hbm>>) target(%dma_start3A_756 : memref<64xf32, #tpu.memory_space<vmem>>) target_semaphore(%arg8 : memref<!tpu.dma_semaphore, #tpu.memory_space<semaphore_mem>>)
      %slice3A_760 = vector.extract_strided_slice %get3A_510 {offsets = [14], sizes = [1], strides = [1]} : vector<16xi32> to vector<1xi32>
      %squeeze3A_761 = vector.extract %slice3A_760[0] : i32 from vector<1xi32>
      %mul3A_762 = arith.constant 16 : i32
      %mul3A_763 = arith.muli %scan3A_504, %mul3A_762 : i32
      %add3A_764 = arith.constant 14 : i32
      %add3A_765 = arith.addi %mul3A_763, %add3A_764 : i32
      %dma_start3A_766 = arith.constant 0 : i32
      %dma_start3A_767 = tpu.memref_slice %arg6[%add3A_765, %dma_start3A_766] : memref<256x64xf32, #tpu.memory_space<vmem>> -> memref<1x64xf32, #tpu.memory_space<vmem>>
      %dma_start3A_768 = tpu.memref_squeeze %dma_start3A_767 : memref<1x64xf32, #tpu.memory_space<vmem>> -> memref<64xf32, #tpu.memory_space<vmem>>
      %dma_start3A_769 = arith.constant 0 : i32
      %dma_start3A_770 = tpu.memref_slice %arg3[%add3A_254, %squeeze3A_761, %dma_start3A_769] : memref<64x8192x64xf32, #tpu.memory_space<hbm>> -> memref<1x1x64xf32, #tpu.memory_space<hbm>>
      %dma_start3A_771 = tpu.memref_squeeze %dma_start3A_770 : memref<1x1x64xf32, #tpu.memory_space<hbm>> -> memref<64xf32, #tpu.memory_space<hbm>>
      %dma_start3A_772 = arith.constant 0 : i32
      %dma_start3A_773 = tpu.memref_slice %arg6[%add3A_765, %dma_start3A_772] : memref<256x64xf32, #tpu.memory_space<vmem>> -> memref<1x64xf32, #tpu.memory_space<vmem>>
      %dma_start3A_774 = tpu.memref_squeeze %dma_start3A_773 : memref<1x64xf32, #tpu.memory_space<vmem>> -> memref<64xf32, #tpu.memory_space<vmem>>
      %dma_start3A_775 = arith.constant 0 : i32
      %dma_start3A_776 = tpu.memref_slice %arg3[%add3A_254, %squeeze3A_761, %dma_start3A_775] : memref<64x8192x64xf32, #tpu.memory_space<hbm>> -> memref<1x1x64xf32, #tpu.memory_space<hbm>>
      %dma_start3A_777 = tpu.memref_squeeze %dma_start3A_776 : memref<1x1x64xf32, #tpu.memory_space<hbm>> -> memref<64xf32, #tpu.memory_space<hbm>>
      tpu.enqueue_dma source(%dma_start3A_777 : memref<64xf32, #tpu.memory_space<hbm>>) target(%dma_start3A_774 : memref<64xf32, #tpu.memory_space<vmem>>) target_semaphore(%arg9 : memref<!tpu.dma_semaphore, #tpu.memory_space<semaphore_mem>>)
      %slice3A_778 = vector.extract_strided_slice %get3A_510 {offsets = [15], sizes = [1], strides = [1]} : vector<16xi32> to vector<1xi32>
      %squeeze3A_779 = vector.extract %slice3A_778[0] : i32 from vector<1xi32>
      %mul3A_780 = arith.constant 16 : i32
      %mul3A_781 = arith.muli %scan3A_504, %mul3A_780 : i32
      %add3A_782 = arith.constant 15 : i32
      %add3A_783 = arith.addi %mul3A_781, %add3A_782 : i32
      %dma_start3A_784 = arith.constant 0 : i32
      %dma_start3A_785 = tpu.memref_slice %arg6[%add3A_783, %dma_start3A_784] : memref<256x64xf32, #tpu.memory_space<vmem>> -> memref<1x64xf32, #tpu.memory_space<vmem>>
      %dma_start3A_786 = tpu.memref_squeeze %dma_start3A_785 : memref<1x64xf32, #tpu.memory_space<vmem>> -> memref<64xf32, #tpu.memory_space<vmem>>
      %dma_start3A_787 = arith.constant 0 : i32
      %dma_start3A_788 = tpu.memref_slice %arg3[%add3A_254, %squeeze3A_779, %dma_start3A_787] : memref<64x8192x64xf32, #tpu.memory_space<hbm>> -> memref<1x1x64xf32, #tpu.memory_space<hbm>>
      %dma_start3A_789 = tpu.memref_squeeze %dma_start3A_788 : memref<1x1x64xf32, #tpu.memory_space<hbm>> -> memref<64xf32, #tpu.memory_space<hbm>>
      %dma_start3A_790 = arith.constant 0 : i32
      %dma_start3A_791 = tpu.memref_slice %arg6[%add3A_783, %dma_start3A_790] : memref<256x64xf32, #tpu.memory_space<vmem>> -> memref<1x64xf32, #tpu.memory_space<vmem>>
      %dma_start3A_792 = tpu.memref_squeeze %dma_start3A_791 : memref<1x64xf32, #tpu.memory_space<vmem>> -> memref<64xf32, #tpu.memory_space<vmem>>
      %dma_start3A_793 = arith.constant 0 : i32
      %dma_start3A_794 = tpu.memref_slice %arg3[%add3A_254, %squeeze3A_779, %dma_start3A_793] : memref<64x8192x64xf32, #tpu.memory_space<hbm>> -> memref<1x1x64xf32, #tpu.memory_space<hbm>>
      %dma_start3A_795 = tpu.memref_squeeze %dma_start3A_794 : memref<1x1x64xf32, #tpu.memory_space<hbm>> -> memref<64xf32, #tpu.memory_space<hbm>>
      tpu.enqueue_dma source(%dma_start3A_795 : memref<64xf32, #tpu.memory_space<hbm>>) target(%dma_start3A_792 : memref<64xf32, #tpu.memory_space<vmem>>) target_semaphore(%arg10 : memref<!tpu.dma_semaphore, #tpu.memory_space<semaphore_mem>>)
    }
    %scan3A_447 = arith.constant 16 : i32
    %dma_wait3A_448 = arith.constant 0 : i32
    %dma_wait3A_449 = arith.constant 0 : i32
    %dma_wait3A_450 = tpu.memref_slice %arg6[%dma_wait3A_448, %dma_wait3A_449] : memref<256x64xf32, #tpu.memory_space<vmem>> -> memref<64x64xf32, #tpu.memory_space<vmem>>
    %dma_wait3A_451 = arith.constant 0 : i32
    %dma_wait3A_452 = arith.constant 0 : i32
    %dma_wait3A_453 = tpu.memref_slice %arg3[%add3A_254, %dma_wait3A_451, %dma_wait3A_452] : memref<64x8192x64xf32, #tpu.memory_space<hbm>> -> memref<1x64x64xf32, #tpu.memory_space<hbm>>
    %dma_wait3A_454 = tpu.memref_squeeze %dma_wait3A_453 : memref<1x64x64xf32, #tpu.memory_space<hbm>> -> memref<64x64xf32, #tpu.memory_space<hbm>>
    %dma_wait3A_455 = arith.constant 0 : i32
    %dma_wait3A_456 = arith.constant 0 : i32
    %dma_wait3A_457 = tpu.memref_slice %arg6[%dma_wait3A_455, %dma_wait3A_456] : memref<256x64xf32, #tpu.memory_space<vmem>> -> memref<64x64xf32, #tpu.memory_space<vmem>>
    %dma_wait3A_458 = arith.constant 0 : i32
    %dma_wait3A_459 = arith.constant 0 : i32
    %dma_wait3A_460 = tpu.memref_slice %arg3[%add3A_254, %dma_wait3A_458, %dma_wait3A_459] : memref<64x8192x64xf32, #tpu.memory_space<hbm>> -> memref<1x64x64xf32, #tpu.memory_space<hbm>>
    %dma_wait3A_461 = tpu.memref_squeeze %dma_wait3A_460 : memref<1x64x64xf32, #tpu.memory_space<hbm>> -> memref<64x64xf32, #tpu.memory_space<hbm>>
    tpu.wait_dma2 semaphore(%arg7 : memref<!tpu.dma_semaphore, #tpu.memory_space<semaphore_mem>>) src(%dma_wait3A_461 : memref<64x64xf32, #tpu.memory_space<hbm>>) dst(%dma_wait3A_457 : memref<64x64xf32, #tpu.memory_space<vmem>>)
    %dma_wait3A_462 = arith.constant 64 : i32
    %dma_wait3A_463 = arith.constant 0 : i32
    %dma_wait3A_464 = tpu.memref_slice %arg6[%dma_wait3A_462, %dma_wait3A_463] : memref<256x64xf32, #tpu.memory_space<vmem>> -> memref<64x64xf32, #tpu.memory_space<vmem>>
    %dma_wait3A_465 = arith.constant 0 : i32
    %dma_wait3A_466 = arith.constant 0 : i32
    %dma_wait3A_467 = tpu.memref_slice %arg3[%add3A_254, %dma_wait3A_465, %dma_wait3A_466] : memref<64x8192x64xf32, #tpu.memory_space<hbm>> -> memref<1x64x64xf32, #tpu.memory_space<hbm>>
    %dma_wait3A_468 = tpu.memref_squeeze %dma_wait3A_467 : memref<1x64x64xf32, #tpu.memory_space<hbm>> -> memref<64x64xf32, #tpu.memory_space<hbm>>
    %dma_wait3A_469 = arith.constant 64 : i32
    %dma_wait3A_470 = arith.constant 0 : i32
    %dma_wait3A_471 = tpu.memref_slice %arg6[%dma_wait3A_469, %dma_wait3A_470] : memref<256x64xf32, #tpu.memory_space<vmem>> -> memref<64x64xf32, #tpu.memory_space<vmem>>
    %dma_wait3A_472 = arith.constant 0 : i32
    %dma_wait3A_473 = arith.constant 0 : i32
    %dma_wait3A_474 = tpu.memref_slice %arg3[%add3A_254, %dma_wait3A_472, %dma_wait3A_473] : memref<64x8192x64xf32, #tpu.memory_space<hbm>> -> memref<1x64x64xf32, #tpu.memory_space<hbm>>
    %dma_wait3A_475 = tpu.memref_squeeze %dma_wait3A_474 : memref<1x64x64xf32, #tpu.memory_space<hbm>> -> memref<64x64xf32, #tpu.memory_space<hbm>>
    tpu.wait_dma2 semaphore(%arg8 : memref<!tpu.dma_semaphore, #tpu.memory_space<semaphore_mem>>) src(%dma_wait3A_475 : memref<64x64xf32, #tpu.memory_space<hbm>>) dst(%dma_wait3A_471 : memref<64x64xf32, #tpu.memory_space<vmem>>)
    %dma_wait3A_476 = arith.constant 128 : i32
    %dma_wait3A_477 = arith.constant 0 : i32
    %dma_wait3A_478 = tpu.memref_slice %arg6[%dma_wait3A_476, %dma_wait3A_477] : memref<256x64xf32, #tpu.memory_space<vmem>> -> memref<64x64xf32, #tpu.memory_space<vmem>>
    %dma_wait3A_479 = arith.constant 0 : i32
    %dma_wait3A_480 = arith.constant 0 : i32
    %dma_wait3A_481 = tpu.memref_slice %arg3[%add3A_254, %dma_wait3A_479, %dma_wait3A_480] : memref<64x8192x64xf32, #tpu.memory_space<hbm>> -> memref<1x64x64xf32, #tpu.memory_space<hbm>>
    %dma_wait3A_482 = tpu.memref_squeeze %dma_wait3A_481 : memref<1x64x64xf32, #tpu.memory_space<hbm>> -> memref<64x64xf32, #tpu.memory_space<hbm>>
    %dma_wait3A_483 = arith.constant 128 : i32
    %dma_wait3A_484 = arith.constant 0 : i32
    %dma_wait3A_485 = tpu.memref_slice %arg6[%dma_wait3A_483, %dma_wait3A_484] : memref<256x64xf32, #tpu.memory_space<vmem>> -> memref<64x64xf32, #tpu.memory_space<vmem>>
    %dma_wait3A_486 = arith.constant 0 : i32
    %dma_wait3A_487 = arith.constant 0 : i32
    %dma_wait3A_488 = tpu.memref_slice %arg3[%add3A_254, %dma_wait3A_486, %dma_wait3A_487] : memref<64x8192x64xf32, #tpu.memory_space<hbm>> -> memref<1x64x64xf32, #tpu.memory_space<hbm>>
    %dma_wait3A_489 = tpu.memref_squeeze %dma_wait3A_488 : memref<1x64x64xf32, #tpu.memory_space<hbm>> -> memref<64x64xf32, #tpu.memory_space<hbm>>
    tpu.wait_dma2 semaphore(%arg9 : memref<!tpu.dma_semaphore, #tpu.memory_space<semaphore_mem>>) src(%dma_wait3A_489 : memref<64x64xf32, #tpu.memory_space<hbm>>) dst(%dma_wait3A_485 : memref<64x64xf32, #tpu.memory_space<vmem>>)
    %dma_wait3A_490 = arith.constant 192 : i32
    %dma_wait3A_491 = arith.constant 0 : i32
    %dma_wait3A_492 = tpu.memref_slice %arg6[%dma_wait3A_490, %dma_wait3A_491] : memref<256x64xf32, #tpu.memory_space<vmem>> -> memref<64x64xf32, #tpu.memory_space<vmem>>
    %dma_wait3A_493 = arith.constant 0 : i32
    %dma_wait3A_494 = arith.constant 0 : i32
    %dma_wait3A_495 = tpu.memref_slice %arg3[%add3A_254, %dma_wait3A_493, %dma_wait3A_494] : memref<64x8192x64xf32, #tpu.memory_space<hbm>> -> memref<1x64x64xf32, #tpu.memory_space<hbm>>
    %dma_wait3A_496 = tpu.memref_squeeze %dma_wait3A_495 : memref<1x64x64xf32, #tpu.memory_space<hbm>> -> memref<64x64xf32, #tpu.memory_space<hbm>>
    %dma_wait3A_497 = arith.constant 192 : i32
    %dma_wait3A_498 = arith.constant 0 : i32
    %dma_wait3A_499 = tpu.memref_slice %arg6[%dma_wait3A_497, %dma_wait3A_498] : memref<256x64xf32, #tpu.memory_space<vmem>> -> memref<64x64xf32, #tpu.memory_space<vmem>>
    %dma_wait3A_500 = arith.constant 0 : i32
    %dma_wait3A_501 = arith.constant 0 : i32
    %dma_wait3A_502 = tpu.memref_slice %arg3[%add3A_254, %dma_wait3A_500, %dma_wait3A_501] : memref<64x8192x64xf32, #tpu.memory_space<hbm>> -> memref<1x64x64xf32, #tpu.memory_space<hbm>>
    %dma_wait3A_503 = tpu.memref_squeeze %dma_wait3A_502 : memref<1x64x64xf32, #tpu.memory_space<hbm>> -> memref<64x64xf32, #tpu.memory_space<hbm>>
    tpu.wait_dma2 semaphore(%arg10 : memref<!tpu.dma_semaphore, #tpu.memory_space<semaphore_mem>>) src(%dma_wait3A_503 : memref<64x64xf32, #tpu.memory_space<hbm>>) dst(%dma_wait3A_499 : memref<64x64xf32, #tpu.memory_space<vmem>>)
    "tpu.region"() ({
      %run_scoped3A_504 = tpu.sem_alloc : memref<!tpu.dma_semaphore, #tpu.memory_space<semaphore_mem>>
      %dma_start3A = arith.constant 768 : i32
      %dma_start3A_505 = arith.constant 0 : i32
      %dma_start3A_506 = tpu.memref_slice %arg4[%add3A_254, %dma_start3A, %dma_start3A_505] : memref<64x1024x64xf32, #tpu.memory_space<hbm>> -> memref<1x256x64xf32, #tpu.memory_space<hbm>>
      %dma_start3A_507 = tpu.memref_squeeze %dma_start3A_506 : memref<1x256x64xf32, #tpu.memory_space<hbm>> -> memref<256x64xf32, #tpu.memory_space<hbm>>
      %dma_start3A_508 = arith.constant 768 : i32
      %dma_start3A_509 = arith.constant 0 : i32
      %dma_start3A_510 = tpu.memref_slice %arg4[%add3A_254, %dma_start3A_508, %dma_start3A_509] : memref<64x1024x64xf32, #tpu.memory_space<hbm>> -> memref<1x256x64xf32, #tpu.memory_space<hbm>>
      %dma_start3A_511 = tpu.memref_squeeze %dma_start3A_510 : memref<1x256x64xf32, #tpu.memory_space<hbm>> -> memref<256x64xf32, #tpu.memory_space<hbm>>
      tpu.enqueue_dma source(%arg6 : memref<256x64xf32, #tpu.memory_space<vmem>>) target(%dma_start3A_511 : memref<256x64xf32, #tpu.memory_space<hbm>>) target_semaphore(%run_scoped3A_504 : memref<!tpu.dma_semaphore, #tpu.memory_space<semaphore_mem>>)
      %dma_wait3A_512 = arith.constant 768 : i32
      %dma_wait3A_513 = arith.constant 0 : i32
      %dma_wait3A_514 = tpu.memref_slice %arg4[%add3A_254, %dma_wait3A_512, %dma_wait3A_513] : memref<64x1024x64xf32, #tpu.memory_space<hbm>> -> memref<1x256x64xf32, #tpu.memory_space<hbm>>
      %dma_wait3A_515 = tpu.memref_squeeze %dma_wait3A_514 : memref<1x256x64xf32, #tpu.memory_space<hbm>> -> memref<256x64xf32, #tpu.memory_space<hbm>>
      %dma_wait3A_516 = arith.constant 768 : i32
      %dma_wait3A_517 = arith.constant 0 : i32
      %dma_wait3A_518 = tpu.memref_slice %arg4[%add3A_254, %dma_wait3A_516, %dma_wait3A_517] : memref<64x1024x64xf32, #tpu.memory_space<hbm>> -> memref<1x256x64xf32, #tpu.memory_space<hbm>>
      %dma_wait3A_519 = tpu.memref_squeeze %dma_wait3A_518 : memref<1x256x64xf32, #tpu.memory_space<hbm>> -> memref<256x64xf32, #tpu.memory_space<hbm>>
      tpu.wait_dma2 semaphore(%run_scoped3A_504 : memref<!tpu.dma_semaphore, #tpu.memory_space<semaphore_mem>>) src(%arg6 : memref<256x64xf32, #tpu.memory_space<vmem>>) dst(%dma_wait3A_519 : memref<256x64xf32, #tpu.memory_space<hbm>>)
      tpu.yield
    }) : () -> ()
    return
  }
}

</mosaic_0001>

<sc_bundles>
// kernel: kernel.3.cloned.1.call-start
scs
__scs_entry_jumppad:
0x0: {  	(pc) =	sbr.rel $0x88, $3  }
0x1: {  	(tag) =	ssettag $0x0;
	lr =	simm.s32 $0x1  }
0x2: {  	[smem:$0x3F9F] =	sst lr;
	_ =	strace $0xD0000000  }
0x3: {  	_ = 	snop  }
0x4: {  	_ = 	snop  }
0x5: {  	_ = 	snop  }
0x6: {  	_ = 	snop  }
0x7: {  	_ = 	snop  }
__scs_overlays_trampoline_lowered:
0x8: {  	[smem:$0x3FAE] =	sst s0  }
0x9: {  	[smem:$0x3FAF] =	sst s1  }
0xa: {  	[smem:$0x3FB0] =	sst s2  }
0xb: {  	[smem:$0x3FB1] =	sst s3  }
0xc: {  	[smem:$0x3FB2] =	sst s4  }
0xd: {  	[smem:$0x3FB3] =	sst s5  }
0xe: {  	[smem:$0x3FB4] =	sst s6  }
0xf: {  	[smem:$0x3FB5] =	sst s7  }
0x10: {  	[smem:$0x3FB6] =	sst s8  }
0x11: {  	[smem:$0x3FB7] =	sst s9;
	s0 =	simm.s32 @!p0 $0x0  }
0x12: {  	s1 =	sld [smem:$0x3F9D];
	s0 =	simm.s32 @p0 $0x1  }
0x13: {  	[smem:$0x3FB8] =	sst s0;
	s0 =	simm.s32 @!p1 $0x0  }
0x14: {  	s2 =	sld [smem:$0x3F9C];
	s0 =	simm.s32 @p1 $0x1  }
0x15: {  	[smem:$0x3FB9] =	sst s0;
	s0 =	simm.s32 @!p2 $0x0  }
0x16: {  	s3 =	sld [smem:$0x3FDB];
	s0 =	simm.s32 @p2 $0x1  }
0x17: {  	s4 =	simm.s32 $0x1BF5;
	[smem:$0x3FBB] =	sst s0  }
0x18: {  	s0 =	sld [smem:$0x3F9E];
	_ =	swait.ge [sflag:s4], $0x0  }
0x19: {  	s7 =	sld [smem:$0x3F9F]  }
0x1a: {  	s8 =	sadd.s32 $0xFFFFE003, lr  }
0x1b: {  	s9 =	sadd.s32 $0xFFFFFEF7, lr;
	s5 =	simm.s32 $0xFFFFFFFF;
	p2 =	slt.u32 s8, $0xFFFFF086  }
0x1c: {  	p1 =	slt.u32 s9, $0xF7A;
	s5 =	simm.s32 @!p2 $0x0  }
0x1d: {  	s5 =	simm.s32 @p1 $0x1;
	p0 =	seq.s32 s7, s2  }
0x1e: {  	s7 =	smul.u32 @!p0 $0xF7A, s2;
	p2 =	seq.s32 @!p0 s5, $0x0  }
0x1f: {  	s9 =	smul.u32 $0xF7A, s1;
	s8 =	simm.s32 @!p0 $0x1BF5;
	p2 =	por !p2, p0  }
0x20: {  	[sflag:s8] =	ssyncset.s32 @!p0 $0xFFFFF086;
	s6 =	sadd.s32 @!p0 s3, s7;
	s7 =	simm.s32 @!p0 $0x108  }
0x21: {  	s3 =	sadd.s32 s3, s9;
	s6 =	sadd.s32 @!p0 $0x88, s6;
	s7 =	simm.s32 @p2 $0x1082  }
0x22: {  	[simem:s7], [sflag:s8] =	dma.local @!p0 [hbm:s6], $0xF7A  }
0x23: {  	s9 =	sor.u32 $0xD0000000, s2;
	s6 =	simm.s32 $0x108;
	_ =	swait.ge @!p0 [sflag:s8], $0x0  }
0x24: {  	s3 =	sadd.s32 $0x88, s3;
	s6 =	simm.s32 @!p1 $0x1082;
	[sflag:s4] =	ssyncset.s32 $0xFFFFF086  }
0x25: {  	[simem:s6], [sflag:s4] =	dma.local [hbm:s3], $0xF7A  }
0x26: {  	[smem:$0x3F9F] =	sst s1;
	(tag) =	ssettag s2;
	_ =	strace s9  }
0x27: {  	s1 =	sld [smem:$0x3FAF]  }
0x28: {  	s2 =	sld [smem:$0x3FB0]  }
0x29: {  	s4 =	sld [smem:$0x3FB2]  }
0x2a: {  	p0 =	seq.s32 s5, $0x0;
	s5 =	sld [smem:$0x3FB3]  }
0x2b: {  	s6 =	sld [smem:$0x3FB4]  }
0x2c: {  	s7 =	sld [smem:$0x3FB5]  }
0x2d: {  	s3 =	simm.s32 $0x108;
	s8 =	sld [smem:$0x3FB6]  }
0x2e: {  	s3 =	simm.s32 @!p0 $0x1082;
	s9 =	sld [smem:$0x3FB7]  }
0x2f: {  	lr =	sadd.s32 s0, s3;
	s0 =	sld [smem:$0x3FAE]  }
0x30: {  	s3 =	sld [smem:$0x3FB1]  }
0x31: {  	[smem:$0x3FBA] =	sst s10  }
0x32: {  	s10 =	sld [smem:$0x3FB8];
	_ =	sdelay $0x3  }
0x33: {  	p0 =	seq.s32 s10, $0x1;
	s10 =	sld [smem:$0x3FBA];
	_ =	sdelay $0x3  }
0x34: {  	[smem:$0x3FBA] =	sst s10  }
0x35: {  	s10 =	sld [smem:$0x3FB9];
	_ =	sdelay $0x3  }
0x36: {  	p1 =	seq.s32 s10, $0x1;
	s10 =	sld [smem:$0x3FBA];
	_ =	sdelay $0x3  }
0x37: {  	[smem:$0x3FBA] =	sst s10  }
0x38: {  	s10 =	sld [smem:$0x3FBB]  }
0x39: {  	_ = 	snop;
	(pc) =	sbr.ind lr, $3  }
0x3a: {  	_ = 	snop  }
0x3b: {  	_ = 	snop  }
0x3c: {  	p2 =	seq.s32 s10, $0x1;
	s10 =	sld [smem:$0x3FBA]  }
0x3d: {  	_ =	shalt  }
0x3e: {  	_ =	shalt  }
0x3f: {  	_ =	shalt  }
0x40: {  	_ =	shalt  }
0x41: {  	_ =	shalt  }
0x42: {  	_ =	shalt  }
0x43: {  	_ =	shalt  }
0x44: {  	_ =	shalt  }
0x45: {  	_ =	shalt  }
0x46: {  	_ =	shalt  }
0x47: {  	_ =	shalt  }
0x48: {  	_ =	shalt  }
0x49: {  	_ =	shalt  }
0x4a: {  	_ =	shalt  }
0x4b: {  	_ =	shalt  }
0x4c: {  	_ =	shalt  }
0x4d: {  	_ =	shalt  }
0x4e: {  	_ =	shalt  }
0x4f: {  	_ =	shalt  }
0x50: {  	_ =	shalt  }
0x51: {  	_ =	shalt  }
0x52: {  	_ =	shalt  }
0x53: {  	_ =	shalt  }
0x54: {  	_ =	shalt  }
0x55: {  	_ =	shalt  }
0x56: {  	_ =	shalt  }
0x57: {  	_ =	shalt  }
0x58: {  	_ =	shalt  }
0x59: {  	_ =	shalt  }
0x5a: {  	_ =	shalt  }
0x5b: {  	_ =	shalt  }
0x5c: {  	_ =	shalt  }
0x5d: {  	_ =	shalt  }
0x5e: {  	_ =	shalt  }
0x5f: {  	_ =	shalt  }
0x60: {  	_ =	shalt  }
0x61: {  	_ =	shalt  }
0x62: {  	_ =	shalt  }
0x63: {  	_ =	shalt  }
0x64: {  	_ =	shalt  }
0x65: {  	_ =	shalt  }
0x66: {  	_ =	shalt  }
0x67: {  	_ =	shalt  }
0x68: {  	_ =	shalt  }
0x69: {  	_ =	shalt  }
0x6a: {  	_ =	shalt  }
0x6b: {  	_ =	shalt  }
0x6c: {  	_ =	shalt  }
0x6d: {  	_ =	shalt  }
0x6e: {  	_ =	shalt  }
0x6f: {  	_ =	shalt  }
0x70: {  	_ =	shalt  }
0x71: {  	_ =	shalt  }
0x72: {  	_ =	shalt  }
0x73: {  	_ =	shalt  }
0x74: {  	_ =	shalt  }
0x75: {  	_ =	shalt  }
0x76: {  	_ =	shalt  }
0x77: {  	_ =	shalt  }
0x78: {  	_ =	shalt  }
0x79: {  	_ =	shalt  }
0x7a: {  	_ =	shalt  }
0x7b: {  	_ =	shalt  }
0x7c: {  	_ =	shalt  }
0x7d: {  	_ =	shalt  }
0x7e: {  	_ =	shalt  }
0x7f: {  	_ =	shalt  }
0x80: {  	_ =	shalt  }
0x81: {  	_ =	shalt  }
0x82: {  	_ =	shalt  }
0x83: {  	_ =	shalt  }
0x84: {  	_ =	shalt  }
0x85: {  	_ =	shalt  }
0x86: {  	_ =	shalt  }
0x87: {  	_ =	shalt  }
.Lfunc_end0:
.L_simem_size_0:
called_computation_lowered:
.L_overlay_start_0:
0x88: {  	s2 =	sld [smem:$0x3FD9]  }
0x89: {  	s3 =	sld [smem:$0x3FFE];
	_ =	sdelay $0x1  }
0x8a: {  	s1 =	srdreg.scid  }
0x8b: {  	s0 =	sand.u32 $0x1, s1  }
0x8c: {  	s17 =	sshll.u32 s0, $0xA;
	s2 =	sadd.s32 s3, s2  }
0x8d: {  	s2 =	sadd.s32 s2, s17  }
0x8e: {  	[smem:$0x3FC6] =	sst s2  }
0x8f: {  	_ = 	snop  }
0x90: {  	s2 =	sld [smem:$0x3FD0];
	(tm) =	ssettm $0x1  }
0x91: {  	s18 =	sld [smem:$0x3FFB];
	_ =	sdelay $0x3  }
0x92: {  	_ =	strace s18  }
0x93: {  	s3 =	sld [smem:$0x3FFC];
	_ =	sdelay $0x3  }
0x94: {  	_ =	strace s3  }
0x95: {  	s3 =	sld [smem:$0x3FFD];
	_ =	sdelay $0x3  }
0x96: {  	_ =	strace s3  }
0x97: {  	_ =	strace $0x8FFFFFFF  }
0x98: {  	s19 =	sld [smem:$0x3FDB];
	_ =	sdelay $0x1  }
0x99: {  	s4 =	simm.s32 $_scs_section_size  }
0x9a: {  	s5 =	simm.s32 $_size__tile_overlayer_lowered;
	s6 =	simm.s32 $_tile_overlayer_lowered  }
0x9b: {  	s22 =	simm.s32 $0x1BFF;
	s21 =	sshll.u32 s6, $0x1;
	s3 =	sadd.s32 s4, s19  }
0x9c: {  	s7 =	simm.s32 $0x0;
	s20 =	sshll.u32 s5, $0x1;
	s5 =	sadd.s32 s21, s3  }
0x9d: {  	[timem:s7], [sflag:s22] =	dma.local [hbm:s5], s20  }
0x9e: {  	_ =	swait.ge [sflag:s22], s20  }
0x9f: {  	s4 =	ssub.s32 $0x0, s20;
	[sflag:s22] =	ssyncset.done $0x0  }
0xa0: {  	[sflag:s22] =	ssyncadd.s32 s4;
	_ =	sdelay $0x1  }
0xa1: {  	s23 =	simm.s32 $0x1B8B  }
0xa2: {  	_ =	swait.ge [sflag:s23], $0x1  }
0xa3: {  	[sflag:s23] =	ssyncset.done $0x0  }
0xa4: {  	s25 =	simm.s32 $0x1B8E;
	s24 =	sld [smem:$0x3FFE];
	[sflag:s23] =	ssyncadd.s32 $0xFFFFFFFF  }
0xa5: {  	s26 =	simm.s32 $execute0_lowered;
	[smem:$0x3FD2] =	sst s25  }
0xa6: {  	s5 =	sshll.u32 s26, $0x1;
	_ =	strace $0x80000046;
	[dreg:$0x1] =	wrdreg $0xFFFFFFFF  }
0xa7: {  	s28 =	simm.s32 $_size_execute0_lowered;
	s3 =	sadd.s32 s3, s5;
	[dreg:$0x0] =	wrdreg $0x0  }
0xa8: {  	s5 =	sshll.u32 s28, $0x1;
	[dreg:$0x2] =	wrdreg s3  }
0xa9: {  	[dreg:$0x3] =	wrdreg s5  }
0xaa: {  	[dreg:$0x4] =	wrdreg $0xC0  }
0xab: {  	_ =	task [dreg:s7], $0x5FFFF  }
0xac: {  	[dreg:$0x1] =	wrdreg $0xFFFFFFFF  }
0xad: {  	[dreg:$0x0] =	wrdreg $0x60  }
0xae: {  	[dreg:$0x2] =	wrdreg s2  }
0xaf: {  	[dreg:$0x3] =	wrdreg s24  }
0xb0: {  	[dreg:$0x4] =	wrdreg $0x9  }
0xb1: {  	_ =	task.clear_ibuf [dreg:s7], $0x5FFFF;
	_ =	strace $0x90000046  }
0xb2: {  	s29 =	simm.s32 $0x9;
	_ =	strace $0x80000048  }
0xb3: {  	_ =	swait.ge [sflag:s29], $0x1  }
0xb4: {  	[sflag:s29] =	ssyncadd.s32 $0xFFFFFFFF  }
0xb5: {  	_ =	strace $0x90000048  }
0xb6: {  	_ =	sfence  }
0xb7: {  	s30 =	sld [smem:$0x0];
	_ =	sdelay $0x2  }
0xb8: {  	s31 =	sshll.u32 s1, $0xD;
	s1 =	sshrl.u32 s1, $0x2  }
0xb9: {  	s3 =	sand.u32 $0x4000, s31;
	s1 =	sadd.s32 s1, s30  }
0xba: {  	s0 =	sor.u32 s3, s0;
	s1 =	sshll.u32 s1, $0x11  }
0xbb: {  	s0 =	sor.u32 s1, s0  }
0xbc: {  	s0 =	sadd.s32 $0x8F2B, s0  }
0xbd: {  	[sflag:s0] =	ssyncadd.remote.s32 $0x1  }
0xbe: {  	_ =	sfence.sel $0xFFFF  }
0xbf: {  	[dreg:$0x0] =	wrdreg $0xFFFFFFFF;
	(pc) =	sbr.abs _section_cstart, $3  }
0xc0: {  	[dreg:$0x1] =	wrdreg $0xFFFFFFFF  }
0xc1: {  	_ =	task.clear_ibuf [dreg:s7], $0x2FFFF;
	_ =	strace $0x9FFFFFFF  }
0xc2: {  	(tm) =	ssettm $0x7FFFFFFF  }
0xc3: {  	_ =	shalt  }
tec
execute0_lowered:
.L_overlay_start_1:
0x0: {  	(tag) =	ssettag $0x1  }
0x1: {  	s0 =	rddreg [dreg:$0x0]  }
0x2: {  	s1 =	rddreg [dreg:$0x1];
	s2 =	simm.s32 $0x0;
	s3 =	srdreg.scid  }
0x3: {  	s4 =	stileid.u32;
	[smem:$0x7FF] =	sst s2  }
0x4: {  	s3 =	sand.u32 $0x1, s3;
	s4 =	sshll.u32 s4, $0x1;
	s8 =	sadd.s32 $0x800400, s1  }
0x5: {  	s22 =	sadd.s32 $0x801400, s1;
	s24 =	sadd.s32 $0x802400, s1;
	s4 =	sor.u32 s3, s4  }
0x6: {  	_ =	strace $0x80000047;
	s5 =	ssub.s32 $0x2, s3;
	s21 =	sshll.u32 s4, $0xF  }
0x7: {  	s3 =	sadd.s32 $0x400, s1;
	s1 =	sadd.s32 $0x803400, s1;
	s9 =	sadd.s32 s8, s21  }
0x8: {  	s6 =	sshrl.u32 s5, $0x1;
	s23 =	sadd.s32 s21, s22;
	[smem:$0x7F3] =	sst s9  }
0x9: {  	s7 =	sshll.u32 s4, $0x8;
	s11 =	sadd.s32 s21, s24;
	[smem:$0x7F4] =	sst s23  }
0xa: {  	s10 =	sadd.s32 s0, s7;
	s0 =	sadd.s32 s21, s1;
	[smem:$0x7F5] =	sst s11  }
0xb: {  	s6 =	ssub.s32 s5, s6;
	s5 =	sshll.u32 s4, $0x15;
	[smem:$0x7F6] =	sst s0  }
0xc: {  	s4 =	sshllo.u32 s4, $0x1;
	[smem:$0x7F7] =	sst s10;
	s25 =	sadd.s32 $0x10, s10  }
0xd: {  	s26 =	sshll.u32 s4, $0xE;
	s31 =	smax.u32 s6, $0x1;
	[smem:$0x7F8] =	sst s25  }
0xe: {  	s28 =	sadd.s32 s8, s26;
	[smem:$0x7FD] =	sst s31  }
0xf: {  	s29 =	sadd.s32 s26, s22;
	[smem:$0x7F9] =	sst s28  }
0x10: {  	s30 =	sadd.s32 s26, s24;
	[smem:$0x7FA] =	sst s29  }
0x11: {  	s11 =	sshll.u32 s4, $0x14;
	s0 =	sadd.s32 s26, s1;
	[smem:$0x7FB] =	sst s30  }
0x12: {  	s24 =	simm.s32 $0x5;
	s1 =	simm.s32 $0x0;
	[smem:$0x7FC] =	sst s0  }
.LBB2_1:
0x13: {  	s0 =	sld [smem:$0x7F7];
	_ =	sdelay $0x1  }
0x14: {  	[smem:$0x7F2] =	sst s1;
	s23 =	simm.s32 $0x80;
	s4 =	simm.s32 $0x100  }
0x15: {  	[tilespmem:s2], [sflag:$0x5] =	stream.strided.gather [hbm4b:s0+s23], $0x400, s4, s23, $0x38;
	[tilespmem:$0x8400] =	vst v63  }
0x16: {  	_ =	swait.ge [sflag:s24], $0x400  }
0x17: {  	[sflag:s24] =	ssyncset.done $0x0  }
0x18: {  	[sflag:s24] =	ssyncadd.s32 $0xFFFFFC00  }
0x19: {  	v0 =	vld [tilespmem:s2+$0x0];
	_ =	sdelay $0x4  }
0x1a: {  	v0 =	vshll.u32 v0, $0x7  }
0x1b: {  	(v2sf) =	vpush v0, $0x3  }
0x1c: {  	(v2sf) =	vpush v0, $0x0  }
0x1d: {  	(v2sf) =	vpush v0, $0xA;
	_ =	sdelay $0x1  }
0x1e: {  	(v2sf) =	vpush v0, $0x1  }
0x1f: {  	(v2sf) =	vpush v0, $0x5;
	_ =	sdelay $0x1  }
0x20: {  	(v2sf) =	vpush v0, $0x6;
	_ =	sdelay $0x1  }
0x21: {  	(v2sf) =	vpush v0, $0x2;
	_ =	sdelay $0x1  }
0x22: {  	s28 =	simm.s32 $0x2000  }
0x23: {  	s26 =	simm.s32 $0x0;
	s30 =	simm.s32 $0x880;
	s29 =	simm.s32 $0x10  }
0x24: {  	s9 =	simm.s32 $0x480;
	s31 =	simm.s32 $0x800;
	s18 =	simm.s32 $0x680  }
0x25: {  	s1 =	simm.s32 $0x700;
	s7 =	simm.s32 $0x580;
	s6 =	simm.s32 $0x600  }
0x26: {  	s10 =	simm.s32 $0x500;
	s4 =	simm.s32 $0x400;
	(v2sf) =	vpush v0, $0x8;
	s8 =	spop (v2sf)  }
0x27: {  	s0 =	simm.s32 $0x780;
	(v2sf) =	vpush v0, $0x9;
	s12 =	sand.u32 $0xFFFFFC00, s8;
	s13 =	spop (v2sf)  }
0x28: {  	(v2sf) =	vpush v0, $0xB;
	s8 =	sand.u32 $0x380, s8;
	s12 =	sadd.s32 s5, s12;
	s14 =	spop (v2sf)  }
0x29: {  	s15 =	sand.u32 $0xFFFFFC00, s13;
	s13 =	sand.u32 $0x380, s13;
	s17 =	sand.u32 $0x380, s14  }
0x2a: {  	s16 =	spop (v2sf);
	s15 =	sadd.s32 s5, s15;
	s12 =	sor.u32 s8, s12  }
0x2b: {  	s8 =	sand.u32 $0xFFFFFC00, s14;
	s19 =	spop (v2sf);
	s20 =	sand.u32 $0xFFFFFC00, s16  }
0x2c: {  	s13 =	sor.u32 s13, s15;
	s16 =	sand.u32 $0x380, s16;
	s21 =	sand.u32 $0xFFFFFC00, s19  }
0x2d: {  	(v2sf) =	vpush v0, $0xE;
	s22 =	spop (v2sf);
	s25 =	sadd.s32 s5, s20;
	s19 =	sand.u32 $0x380, s19  }
0x2e: {  	(v2sf) =	vpush v0, $0x4;
	s13 =	sshrl.u32 s13, $0x3;
	s20 =	sand.u32 $0x380, s22;
	s21 =	sadd.s32 s5, s21  }
0x2f: {  	(v2sf) =	vpush v0, $0xC;
	s22 =	sand.u32 $0xFFFFFC00, s22;
	s15 =	sor.u32 s16, s25;
	s23 =	spop (v2sf)  }
0x30: {  	(v2sf) =	vpush v0, $0x7;
	s13 =	sadd.s32 s3, s13;
	s16 =	sor.u32 s19, s21;
	s25 =	sand.u32 $0xFFFFFC00, s23  }
0x31: {  	[tilespmem:s4], [sflag:$0x1] =	stream.linear.gather [hbm4b:s13+s2], $0x80, $0x38;
	[tilespmem:$0x8400] =	vst v63  }
0x32: {  	s19 =	sand.u32 $0x380, s23;
	s15 =	sshrl.u32 s15, $0x3;
	s21 =	sadd.s32 s5, s25  }
0x33: {  	s25 =	sadd.s32 s5, s22;
	s15 =	sadd.s32 s3, s15;
	s19 =	sor.u32 s19, s21  }
0x34: {  	[tilespmem:s9], [sflag:$0x2] =	stream.linear.gather [hbm4b:s15+s2], $0x80, $0x38;
	[tilespmem:$0x8400] =	vst v63  }
0x35: {  	s21 =	spop (v2sf);
	s13 =	sor.u32 s20, s25;
	s23 =	sshrl.u32 s19, $0x3  }
0x36: {  	s19 =	spop (v2sf);
	s20 =	sand.u32 $0xFFFFFC00, s21;
	s21 =	sand.u32 $0x380, s21  }
0x37: {  	s4 =	sadd.s32 s3, s23;
	s23 =	sadd.s32 s5, s20;
	s22 =	spop (v2sf);
	(v2sf) =	vpush v0, $0xD  }
0x38: {  	[tilespmem:s10], [sflag:$0x3] =	stream.linear.gather [hbm4b:s4+s2], $0x80, $0x38;
	[tilespmem:$0x8400] =	vst v63  }
0x39: {  	s12 =	sshrl.u32 s12, $0x3;
	s16 =	sshrl.u32 s16, $0x3;
	s20 =	sor.u32 s21, s23  }
0x3a: {  	s15 =	sadd.s32 s3, s12;
	s9 =	sshrl.u32 s13, $0x3;
	s4 =	sshrl.u32 s20, $0x3  }
0x3b: {  	s21 =	sand.u32 $0xFFFFFC00, s19;
	s19 =	sand.u32 $0x380, s19;
	s10 =	sadd.s32 s3, s4  }
0x3c: {  	s25 =	sand.u32 $0xFFFFFC00, s22;
	s14 =	sand.u32 $0x380, s22;
	s12 =	spop (v2sf)  }
0x3d: {  	s22 =	sadd.s32 s5, s21;
	s13 =	sadd.s32 s5, s25;
	s23 =	spop (v2sf)  }
0x3e: {  	s4 =	sor.u32 s19, s22;
	s25 =	sand.u32 $0xFFFFFC00, s23;
	s19 =	spop (v2sf)  }
0x3f: {  	s20 =	sand.u32 $0x380, s23;
	s21 =	sadd.s32 s5, s25;
	s22 =	spop (v2sf)  }
0x40: {  	s4 =	sshrl.u32 s4, $0x3;
	s21 =	sor.u32 s20, s21;
	s20 =	sand.u32 $0xFFFFFC00, s22  }
.LBB2_2:
0x41: {  	[tilespmem:s7], [sflag:$0x4] =	stream.linear.gather [hbm4b:s15+s2], $0x80, $0x38;
	[tilespmem:$0x8400] =	vst v63  }
0x42: {  	s7 =	smov.u32 s28  }
0x43: {  	s15 =	sand.u32 $0x380, s22;
	s13 =	sor.u32 s14, s13;
	s14 =	sand.u32 $0xFFFFFC00, s19  }
0x44: {  	s19 =	sand.u32 $0x380, s19;
	s13 =	sshrl.u32 s13, $0x3;
	s14 =	sadd.s32 s5, s14;
	(v2sf) =	vpush v0, $0xF  }
0x45: {  	s21 =	sshrl.u32 s21, $0x3;
	s16 =	sadd.s32 s3, s16;
	s20 =	sadd.s32 s5, s20  }
0x46: {  	s15 =	sor.u32 s15, s20;
	s14 =	sor.u32 s19, s14;
	s19 =	spop (v2sf)  }
0x47: {  	s20 =	sadd.s32 s3, s21;
	s15 =	sshrl.u32 s15, $0x3;
	s21 =	sand.u32 $0x380, s19  }
0x48: {  	[tilespmem:s6], [sflag:$0x1] =	stream.linear.gather [hbm4b:s20+s2], $0x80, $0x38;
	[tilespmem:$0x8400] =	vst v63  }
0x49: {  	s6 =	sadd.s32 s3, s9;
	s9 =	sand.u32 $0xFFFFFC00, s19;
	s19 =	sand.u32 $0xFFFFFC00, s12  }
0x4a: {  	[tilespmem:s18], [sflag:$0x2] =	stream.linear.gather [hbm4b:s16+s2], $0x80, $0x38;
	[tilespmem:$0x8400] =	vst v63  }
0x4b: {  	s12 =	sand.u32 $0x380, s12;
	s9 =	sadd.s32 s5, s9;
	s16 =	sadd.s32 s5, s19  }
0x4c: {  	[tilespmem:s1], [sflag:$0x3] =	stream.linear.gather [hbm4b:s6+s2], $0x80, $0x38;
	[tilespmem:$0x8400] =	vst v63  }
0x4d: {  	s1 =	sadd.s32 s3, s15;
	s6 =	sor.u32 s21, s9;
	s9 =	sor.u32 s12, s16  }
0x4e: {  	[tilespmem:s0], [sflag:$0x4] =	stream.linear.gather [hbm4b:s1+s2], $0x80, $0x38;
	[tilespmem:$0x8400] =	vst v63  }
0x4f: {  	s0 =	sadd.s32 s5, s8;
	s1 =	sshrl.u32 s6, $0x3;
	s6 =	sshrl.u32 s9, $0x3  }
0x50: {  	[tilespmem:s31], [sflag:$0x1] =	stream.linear.gather [hbm4b:s10+s2], $0x80, $0x38;
	[tilespmem:$0x8400] =	vst v63  }
0x51: {  	s4 =	sadd.s32 s3, s4;
	s8 =	sshrl.u32 s14, $0x3;
	s0 =	sor.u32 s17, s0  }
0x52: {  	[tilespmem:s30], [sflag:$0x2] =	stream.linear.gather [hbm4b:s4+s2], $0x80, $0x38;
	[tilespmem:$0x8400] =	vst v63  }
0x53: {  	s0 =	sshrl.u32 s0, $0x3;
	s4 =	sadd.s32 $0x980, s26;
	s9 =	spop (v2sf)  }
0x54: {  	s10 =	sadd.s32 $0x900, s26;
	s0 =	sadd.s32 s3, s0;
	s12 =	sand.u32 $0xFFFFFC00, s9  }
0x55: {  	[tilespmem:s10], [sflag:$0x3] =	stream.linear.gather [hbm4b:s0+s2], $0x80, $0x38;
	[tilespmem:$0x8400] =	vst v63  }
0x56: {  	s9 =	sand.u32 $0x380, s9;
	s0 =	sadd.s32 s3, s13;
	s10 =	sadd.s32 s5, s12  }
0x57: {  	[tilespmem:s4], [sflag:$0x4] =	stream.linear.gather [hbm4b:s0+s2], $0x80, $0x38;
	[tilespmem:$0x8400] =	vst v63  }
0x58: {  	s0 =	sadd.s32 $0xA00, s26;
	s4 =	sadd.s32 s3, s8;
	s8 =	sor.u32 s9, s10  }
0x59: {  	[tilespmem:s0], [sflag:$0x1] =	stream.linear.gather [hbm4b:s4+s2], $0x80, $0x38;
	[tilespmem:$0x8400] =	vst v63  }
0x5a: {  	s1 =	sadd.s32 s3, s1;
	s0 =	sadd.s32 $0xA80, s26;
	s4 =	sshrl.u32 s8, $0x3  }
0x5b: {  	[tilespmem:s0], [sflag:$0x2] =	stream.linear.gather [hbm4b:s1+s2], $0x80, $0x38;
	[tilespmem:$0x8400] =	vst v63  }
0x5c: {  	p0 =	sne.s32 s28, $0x1E000;
	s0 =	sadd.s32 $0xB00, s26;
	s1 =	sadd.s32 s3, s6  }
0x5d: {  	[tilespmem:s0], [sflag:$0x3] =	stream.linear.gather [hbm4b:s1+s2], $0x80, $0x38;
	[tilespmem:$0x8400] =	vst v63  }
0x5e: {  	s28 =	sadd.s32 $0x2000, s28;
	s0 =	sadd.s32 $0xB80, s26;
	s1 =	sadd.s32 s3, s4  }
0x5f: {  	[tilespmem:s0], [sflag:$0x4] =	stream.linear.gather [hbm4b:s1+s2], $0x80, $0x38;
	[tilespmem:$0x8400] =	vst v63  }
0x60: {  	v0 =	vld [tilespmem:s29+$0x0];
	_ =	sdelay $0x4  }
0x61: {  	v0 =	vshll.u32 v0, $0x7  }
0x62: {  	(v2sf) =	vpush v0, $0x3  }
0x63: {  	(v2sf) =	vpush v0, $0x0  }
0x64: {  	(v2sf) =	vpush v0, $0xA  }
0x65: {  	(v2sf) =	vpush v0, $0x1  }
0x66: {  	(v2sf) =	vpush v0, $0x5  }
0x67: {  	(v2sf) =	vpush v0, $0x6;
	_ =	sdelay $0x1  }
0x68: {  	s26 =	sshra.s32 s7, $0x2  }
0x69: {  	(v2sf) =	vpush v0, $0x2;
	_ =	sdelay $0x2  }
0x6a: {  	(v2sf) =	vpush v0, $0x8  }
0x6b: {  	s30 =	sadd.s32 $0x880, s26;
	s8 =	sadd.s32 $0x400, s26;
	s29 =	sadd.s32 $0x10, s29  }
0x6c: {  	s4 =	sadd.s32 $0x480, s26;
	s31 =	sadd.s32 $0x800, s26;
	s18 =	sadd.s32 $0x680, s26  }
0x6d: {  	s7 =	sadd.s32 $0x580, s26;
	s1 =	sadd.s32 $0x700, s26;
	s0 =	sadd.s32 $0x780, s26;
	(v2sf) =	vpush v0, $0x9  }
0x6e: {  	s6 =	sadd.s32 $0x600, s26;
	s10 =	sadd.s32 $0x500, s26;
	s9 =	spop (v2sf)  }
0x6f: {  	s12 =	sand.u32 $0xFFFFFC00, s9;
	s13 =	spop (v2sf);
	s9 =	sand.u32 $0x380, s9  }
0x70: {  	s12 =	sadd.s32 s5, s12;
	s14 =	spop (v2sf);
	(v2sf) =	vpush v0, $0xB;
	s15 =	sand.u32 $0xFFFFFC00, s13  }
0x71: {  	s13 =	sand.u32 $0x380, s13;
	s17 =	sand.u32 $0x380, s14;
	s16 =	spop (v2sf)  }
0x72: {  	s15 =	sadd.s32 s5, s15;
	s9 =	sor.u32 s9, s12;
	s19 =	spop (v2sf)  }
0x73: {  	s20 =	sand.u32 $0xFFFFFC00, s16;
	s21 =	sand.u32 $0xFFFFFC00, s19;
	s22 =	spop (v2sf)  }
0x74: {  	s13 =	sor.u32 s13, s15;
	s15 =	sadd.s32 s5, s20;
	s20 =	sand.u32 $0x380, s22;
	(v2sf) =	vpush v0, $0xE  }
0x75: {  	s16 =	sand.u32 $0x380, s16;
	s21 =	sadd.s32 s5, s21;
	s22 =	sand.u32 $0xFFFFFC00, s22  }
0x76: {  	s15 =	sor.u32 s16, s15;
	s16 =	sand.u32 $0x380, s19;
	s19 =	spop (v2sf);
	(v2sf) =	vpush v0, $0x4  }
0x77: {  	s13 =	sshrl.u32 s13, $0x3;
	s23 =	sand.u32 $0xFFFFFC00, s19;
	s19 =	sand.u32 $0x380, s19;
	(v2sf) =	vpush v0, $0xC  }
0x78: {  	s15 =	sshrl.u32 s15, $0x3;
	s16 =	sor.u32 s16, s21;
	s23 =	sadd.s32 s5, s23;
	(v2sf) =	vpush v0, $0x7  }
0x79: {  	s13 =	sadd.s32 s3, s13;
	s19 =	sor.u32 s19, s23;
	s21 =	spop (v2sf)  }
0x7a: {  	[tilespmem:s8], [sflag:$0x1] =	stream.linear.gather [hbm4b:s13+s2], $0x80, $0x38;
	[tilespmem:$0x8400] =	vst v63  }
0x7b: {  	s12 =	sadd.s32 s5, s22;
	s15 =	sadd.s32 s3, s15;
	s13 =	sshrl.u32 s19, $0x3  }
0x7c: {  	s8 =	sand.u32 $0xFFFFFC00, s14;
	s14 =	sshrl.u32 s9, $0x3;
	s19 =	spop (v2sf)  }
0x7d: {  	s9 =	sor.u32 s20, s12;
	s20 =	sand.u32 $0x380, s21;
	s13 =	sadd.s32 s3, s13  }
0x7e: {  	[tilespmem:s4], [sflag:$0x2] =	stream.linear.gather [hbm4b:s15+s2], $0x80, $0x38;
	(v2sf) =	vpush v0, $0xD;
	[tilespmem:$0x8400] =	vst v63  }
0x7f: {  	s9 =	sshrl.u32 s9, $0x3;
	s4 =	sand.u32 $0xFFFFFC00, s21;
	s12 =	spop (v2sf)  }
0x80: {  	s15 =	sadd.s32 s3, s14;
	s4 =	sadd.s32 s5, s4;
	s21 =	sand.u32 $0xFFFFFC00, s12  }
0x81: {  	[tilespmem:s10], [sflag:$0x3] =	stream.linear.gather [hbm4b:s13+s2], $0x80, $0x38;
	[tilespmem:$0x8400] =	vst v63  }
0x82: {  	s14 =	sand.u32 $0x380, s12;
	s4 =	sor.u32 s20, s4;
	s13 =	sadd.s32 s5, s21  }
0x83: {  	s10 =	sand.u32 $0xFFFFFC00, s19;
	s4 =	sshrl.u32 s4, $0x3;
	s12 =	spop (v2sf)  }
.Ltmp0:
0x84: {  	s19 =	sand.u32 $0x380, s19;
	s20 =	sadd.s32 s5, s10;
	(pc) =	sbr.rel @p0 .LBB2_2-.Ltmp0, $4  }
0x85: {  	s10 =	sadd.s32 s3, s4;
	s4 =	sor.u32 s19, s20;
	s20 =	spop (v2sf)  }
0x86: {  	s16 =	sshrl.u32 s16, $0x3;
	s21 =	sand.u32 $0xFFFFFC00, s20;
	s19 =	spop (v2sf)  }
0x87: {  	s20 =	sand.u32 $0x380, s20;
	s21 =	sadd.s32 s5, s21;
	s22 =	spop (v2sf)  }
0x88: {  	s4 =	sshrl.u32 s4, $0x3;
	s21 =	sor.u32 s20, s21;
	s20 =	sand.u32 $0xFFFFFC00, s22  }
0x89: {  	[tilespmem:s7], [sflag:$0x4] =	stream.linear.gather [hbm4b:s15+s2], $0x80, $0x38;
	[tilespmem:$0x8400] =	vst v63  }
0x8a: {  	s13 =	sor.u32 s14, s13;
	s14 =	sand.u32 $0xFFFFFC00, s19  }
0x8b: {  	s15 =	sand.u32 $0x380, s22;
	s19 =	sand.u32 $0x380, s19;
	s21 =	sshrl.u32 s21, $0x3  }
0x8c: {  	(v2sf) =	vpush v0, $0xF;
	s20 =	sadd.s32 s5, s20;
	s16 =	sadd.s32 s3, s16;
	s25 =	sand.u32 $0xFFFFFC00, s12  }
0x8d: {  	s9 =	sadd.s32 s3, s9;
	s7 =	sshrl.u32 s13, $0x3;
	s13 =	sadd.s32 s5, s14  }
0x8e: {  	s4 =	sadd.s32 s3, s4;
	s14 =	sor.u32 s15, s20;
	s13 =	sor.u32 s19, s13  }
0x8f: {  	s19 =	sadd.s32 s3, s21;
	s14 =	sshrl.u32 s14, $0x3;
	s7 =	sadd.s32 s3, s7  }
0x90: {  	[tilespmem:s6], [sflag:$0x1] =	stream.linear.gather [hbm4b:s19+s2], $0x80, $0x38;
	[tilespmem:$0x8400] =	vst v63  }
0x91: {  	s19 =	sand.u32 $0x380, s12;
	s20 =	sadd.s32 s3, s14;
	s22 =	spop (v2sf)  }
0x92: {  	[tilespmem:s18], [sflag:$0x2] =	stream.linear.gather [hbm4b:s16+s2], $0x80, $0x38;
	[tilespmem:$0x8400] =	vst v63  }
0x93: {  	s12 =	sadd.s32 $0x900, s26;
	s14 =	sadd.s32 $0x980, s26;
	s23 =	sand.u32 $0x380, s22  }
0x94: {  	[tilespmem:s1], [sflag:$0x3] =	stream.linear.gather [hbm4b:s9+s2], $0x80, $0x38;
	[tilespmem:$0x8400] =	vst v63  }
0x95: {  	s15 =	sand.u32 $0xFFFFFC00, s22;
	s18 =	sadd.s32 s5, s25;
	s22 =	sadd.s32 s5, s8  }
0x96: {  	[tilespmem:s0], [sflag:$0x4] =	stream.linear.gather [hbm4b:s20+s2], $0x80, $0x38;
	[tilespmem:$0x8400] =	vst v63  }
0x97: {  	s15 =	sadd.s32 s5, s15;
	s21 =	sor.u32 s19, s18;
	s1 =	sor.u32 s17, s22  }
0x98: {  	[tilespmem:s31], [sflag:$0x1] =	stream.linear.gather [hbm4b:s10+s2], $0x80, $0x38;
	[tilespmem:$0x8400] =	vst v63  }
0x99: {  	s18 =	sadd.s32 $0xA80, s26;
	s6 =	sor.u32 s23, s15;
	s1 =	sshrl.u32 s1, $0x3  }
0x9a: {  	[tilespmem:s30], [sflag:$0x2] =	stream.linear.gather [hbm4b:s4+s2], $0x80, $0x38;
	[tilespmem:$0x8400] =	vst v63  }
0x9b: {  	s23 =	sshrl.u32 s13, $0x3;
	s1 =	sadd.s32 s3, s1;
	s25 =	spop (v2sf)  }
0x9c: {  	[tilespmem:s12], [sflag:$0x3] =	stream.linear.gather [hbm4b:s1+s2], $0x80, $0x38;
	[tilespmem:$0x8400] =	vst v63  }
0x9d: {  	s17 =	sadd.s32 $0xA00, s26;
	s6 =	sshrl.u32 s6, $0x3;
	s13 =	sand.u32 $0xFFFFFC00, s25  }
0x9e: {  	[tilespmem:s14], [sflag:$0x4] =	stream.linear.gather [hbm4b:s7+s2], $0x80, $0x38;
	[tilespmem:$0x8400] =	vst v63  }
0x9f: {  	s4 =	sadd.s32 s3, s23;
	s16 =	sand.u32 $0x380, s25;
	s15 =	sadd.s32 s5, s13  }
0xa0: {  	[tilespmem:s17], [sflag:$0x1] =	stream.linear.gather [hbm4b:s4+s2], $0x80, $0x38;
	[tilespmem:$0x8400] =	vst v63  }
0xa1: {  	s0 =	sshrl.u32 s21, $0x3;
	s6 =	sadd.s32 s3, s6;
	s1 =	sor.u32 s16, s15  }
0xa2: {  	[tilespmem:s18], [sflag:$0x2] =	stream.linear.gather [hbm4b:s6+s2], $0x80, $0x38;
	[tilespmem:$0x8400] =	vst v63  }
0xa3: {  	s19 =	sadd.s32 $0xB00, s26;
	s0 =	sadd.s32 s3, s0;
	s1 =	sshrl.u32 s1, $0x3  }
0xa4: {  	[tilespmem:s19], [sflag:$0x3] =	stream.linear.gather [hbm4b:s0+s2], $0x80, $0x38;
	[tilespmem:$0x8400] =	vst v63  }
0xa5: {  	s20 =	sadd.s32 $0xB80, s26;
	s21 =	simm.s32 $0x1;
	s1 =	sadd.s32 s3, s1  }
0xa6: {  	[tilespmem:s20], [sflag:$0x4] =	stream.linear.gather [hbm4b:s1+s2], $0x80, $0x38;
	[tilespmem:$0x8400] =	vst v63  }
0xa7: {  	_ =	swait.ge [sflag:s21], $0x2000  }
0xa8: {  	[sflag:s21] =	ssyncset.done $0x0  }
0xa9: {  	s22 =	simm.s32 $0x2;
	[sflag:s21] =	ssyncadd.s32 $0xFFFFE000  }
0xaa: {  	_ =	swait.ge [sflag:s22], $0x2000  }
0xab: {  	[sflag:s22] =	ssyncset.done $0x0  }
0xac: {  	s23 =	simm.s32 $0x3;
	[sflag:s22] =	ssyncadd.s32 $0xFFFFE000  }
0xad: {  	_ =	swait.ge [sflag:s23], $0x2000  }
0xae: {  	[sflag:s23] =	ssyncset.done $0x0  }
0xaf: {  	s25 =	simm.s32 $0x4;
	[sflag:s23] =	ssyncadd.s32 $0xFFFFE000  }
0xb0: {  	_ =	swait.ge [sflag:s25], $0x2000  }
0xb1: {  	s6 =	sld [smem:$0x7F3]  }
0xb2: {  	[sflag:s25] =	ssyncset.done $0x0  }
0xb3: {  	s26 =	simm.s32 $0x0;
	s7 =	simm.s32 $0x400;
	[sflag:s25] =	ssyncadd.s32 $0xFFFFE000  }
0xb4: {  	[hbm4b:s6+s26] =	stream.linear.scatter [tilespmem:s7], [sflag:$0x5], $0x8000, $0x38;
	[tilespmem:$0x8400] =	vst v63  }
0xb5: {  	_ =	swait.ge [sflag:s24], $0x8000  }
0xb6: {  	[sflag:s24] =	ssyncset.done $0x0  }
0xb7: {  	s0 =	sand.u32 $0xF0, s26;
	[sflag:s24] =	ssyncadd.s32 $0xFFFF8000  }
0xb8: {  	v0 =	vld [tilespmem:s0+$0x100];
	_ =	sdelay $0x4  }
0xb9: {  	v0 =	vshll.u32 v0, $0x7  }
0xba: {  	(v2sf) =	vpush v0, $0xA  }
0xbb: {  	(v2sf) =	vpush v0, $0x0;
	_ =	sdelay $0x1  }
0xbc: {  	(v2sf) =	vpush v0, $0x1  }
0xbd: {  	(v2sf) =	vpush v0, $0x5;
	_ =	sdelay $0x1  }
0xbe: {  	(v2sf) =	vpush v0, $0x6  }
0xbf: {  	(v2sf) =	vpush v0, $0x7;
	_ =	sdelay $0x1  }
0xc0: {  	(v2sf) =	vpush v0, $0x2  }
0xc1: {  	s28 =	simm.s32 $0x2000;
	s29 =	simm.s32 $0x10  }
0xc2: {  	s8 =	simm.s32 $0x780;
	s9 =	simm.s32 $0x480;
	s10 =	simm.s32 $0x800  }
0xc3: {  	s12 =	simm.s32 $0x680;
	s13 =	simm.s32 $0x700;
	[dreg:$0xa] =	wrdreg s8  }
0xc4: {  	s4 =	simm.s32 $0x400;
	s17 =	simm.s32 $0x980;
	[dreg:$0x5] =	wrdreg s10  }
0xc5: {  	s18 =	simm.s32 $0x900;
	s26 =	simm.s32 $0x0;
	[dreg:$0x15] =	wrdreg s12;
	(v2sf) =	vpush v0, $0x4  }
0xc6: {  	s7 =	simm.s32 $0x500;
	[dreg:$0x10] =	wrdreg s13;
	(v2sf) =	vpush v0, $0x3;
	s14 =	spop (v2sf)  }
0xc7: {  	s8 =	simm.s32 $0x600;
	(v2sf) =	vpush v0, $0xF;
	s15 =	sand.u32 $0xFFFFFC00, s14;
	s16 =	spop (v2sf)  }
0xc8: {  	s6 =	sand.u32 $0x380, s14;
	s19 =	sand.u32 $0xFFFFFC00, s16;
	s10 =	sadd.s32 s5, s15  }
0xc9: {  	(v2sf) =	vpush v0, $0x8;
	s20 =	spop (v2sf);
	s12 =	sand.u32 $0x380, s16;
	s13 =	sadd.s32 s5, s19  }
0xca: {  	s21 =	sand.u32 $0xFFFFFC00, s20;
	s6 =	sor.u32 s6, s10;
	s22 =	spop (v2sf)  }
0xcb: {  	s14 =	sand.u32 $0x380, s20;
	s12 =	sor.u32 s12, s13;
	s23 =	sand.u32 $0xFFFFFC00, s22  }
0xcc: {  	(v2sf) =	vpush v0, $0xB;
	s16 =	spop (v2sf);
	s15 =	sadd.s32 s5, s21;
	s10 =	sand.u32 $0x380, s22  }
0xcd: {  	s12 =	sshrl.u32 s12, $0x3;
	s24 =	spop (v2sf);
	s13 =	sadd.s32 s5, s23  }
0xce: {  	(v2sf) =	vpush v0, $0x9;
	s1 =	sand.u32 $0xFFFFFC00, s16;
	s16 =	sand.u32 $0x380, s16;
	s15 =	sor.u32 s14, s15  }
0xcf: {  	s25 =	spop (v2sf);
	s23 =	sand.u32 $0x380, s24;
	s19 =	sand.u32 $0xFFFFFC00, s24  }
0xd0: {  	(v2sf) =	vpush v0, $0xC;
	s22 =	sadd.s32 s5, s1;
	s12 =	sadd.s32 s3, s12;
	s31 =	sshrl.u32 s15, $0x3  }
0xd1: {  	s0 =	sand.u32 $0xFFFFFC00, s25;
	s20 =	sand.u32 $0x380, s25;
	s19 =	sadd.s32 s5, s19  }
0xd2: {  	[tilespmem:s4], [sflag:$0x1] =	stream.linear.gather [hbm4b:s12+s2], $0x80, $0x38;
	[tilespmem:$0x8400] =	vst v63  }
0xd3: {  	s31 =	sadd.s32 s3, s31;
	s21 =	sadd.s32 s5, s0;
	s0 =	sor.u32 s10, s13  }
0xd4: {  	s19 =	sor.u32 s23, s19;
	s20 =	sor.u32 s20, s21;
	s21 =	spop (v2sf)  }
0xd5: {  	s13 =	sor.u32 s16, s22;
	s19 =	sshrl.u32 s19, $0x3;
	s10 =	spop (v2sf)  }
0xd6: {  	s13 =	sshrl.u32 s13, $0x3;
	s20 =	sshrl.u32 s20, $0x3;
	s22 =	spop (v2sf)  }
0xd7: {  	s14 =	sadd.s32 s3, s20;
	s1 =	sand.u32 $0x380, s10;
	s10 =	sand.u32 $0xFFFFFC00, s10  }
0xd8: {  	s24 =	spop (v2sf);
	s12 =	sadd.s32 s5, s10;
	s10 =	sand.u32 $0x380, s21  }
0xd9: {  	s4 =	sand.u32 $0xFFFFFC00, s24;
	s16 =	sand.u32 $0x380, s24;
	s24 =	sand.u32 $0xFFFFFC00, s21  }
0xda: {  	s21 =	sor.u32 s1, s12;
	s12 =	sand.u32 $0x380, s22;
	s23 =	sadd.s32 s5, s24  }
0xdb: {  	s4 =	sadd.s32 s5, s4;
	s25 =	spop (v2sf);
	s20 =	sor.u32 s10, s23  }
0xdc: {  	s24 =	sor.u32 s16, s4;
	s16 =	sadd.s32 s3, s19;
	s1 =	sand.u32 $0xFFFFFC00, s25  }
0xdd: {  	s10 =	spop (v2sf);
	s23 =	sand.u32 $0x380, s25;
	s25 =	sand.u32 $0xFFFFFC00, s22  }
0xde: {  	s22 =	sshrl.u32 s0, $0x3;
	s1 =	sadd.s32 s5, s1;
	s4 =	sand.u32 $0x380, s10  }
0xdf: {  	s15 =	sadd.s32 s5, s25;
	s25 =	sand.u32 $0xFFFFFC00, s10;
	s19 =	spop (v2sf)  }
0xe0: {  	(v2sf) =	vpush v0, $0xD;
	s30 =	sor.u32 s23, s1;
	s23 =	sshrl.u32 s20, $0x3;
	s20 =	simm.s32 $0x580  }
.LBB2_4:
0xe1: {  	_ =	sdelay $0x5  }
0xe2: {  	s10 =	sshrl.u32 s21, $0x3;
	s21 =	sshrl.u32 s30, $0x3;
	s30 =	sand.u32 $0xFFFFFC00, s19;
	(v2sf) =	vpush v0, $0xE  }
0xe3: {  	[tilespmem:s9], [sflag:$0x2] =	stream.linear.gather [hbm4b:s31+s2], $0x80, $0x38;
	[tilespmem:$0x8400] =	vst v63  }
0xe4: {  	s1 =	sand.u32 $0x380, s19;
	s23 =	sadd.s32 s3, s23;
	s19 =	sadd.s32 s5, s25  }
0xe5: {  	[tilespmem:s7], [sflag:$0x3] =	stream.linear.gather [hbm4b:s14+s2], $0x80, $0x38;
	[tilespmem:$0x8400] =	vst v63  }
0xe6: {  	s6 =	sshrl.u32 s6, $0x3;
	s9 =	sadd.s32 s3, s10;
	s0 =	sadd.s32 s5, s30  }
0xe7: {  	[tilespmem:s20], [sflag:$0x4] =	stream.linear.gather [hbm4b:s9+s2], $0x80, $0x38;
	[tilespmem:$0x8400] =	vst v63  }
0xe8: {  	s25 =	rddreg [dreg:$0x5];
	s4 =	sor.u32 s4, s19;
	s10 =	sor.u32 s1, s0  }
0xe9: {  	[tilespmem:s8], [sflag:$0x1] =	stream.linear.gather [hbm4b:s23+s2], $0x80, $0x38;
	[tilespmem:$0x8400] =	vst v63  }
0xea: {  	s1 =	sadd.s32 s3, s22;
	s7 =	sadd.s32 s3, s13;
	s0 =	spop (v2sf)  }
0xeb: {  	s20 =	sand.u32 $0xFFFFFC00, s0;
	s23 =	sand.u32 $0x380, s0;
	s0 =	rddreg [dreg:$0x15]  }
0xec: {  	[tilespmem:s0], [sflag:$0x2] =	stream.linear.gather [hbm4b:s1+s2], $0x80, $0x38;
	[tilespmem:$0x8400] =	vst v63  }
0xed: {  	s4 =	sshrl.u32 s4, $0x3;
	s22 =	sadd.s32 s5, s20;
	s20 =	rddreg [dreg:$0x10]  }
0xee: {  	[tilespmem:s20], [sflag:$0x3] =	stream.linear.gather [hbm4b:s7+s2], $0x80, $0x38;
	[tilespmem:$0x8400] =	vst v63  }
0xef: {  	s10 =	sshrl.u32 s10, $0x3;
	s1 =	sshrl.u32 s24, $0x3;
	s24 =	rddreg [dreg:$0xa]  }
0xf0: {  	[tilespmem:s24], [sflag:$0x4] =	stream.linear.gather [hbm4b:s16+s2], $0x80, $0x38;
	[tilespmem:$0x8400] =	vst v63  }
0xf1: {  	s9 =	sadd.s32 $0x880, s26;
	s13 =	spop (v2sf);
	s1 =	sadd.s32 s3, s1  }
0xf2: {  	[tilespmem:s25], [sflag:$0x1] =	stream.linear.gather [hbm4b:s1+s2], $0x80, $0x38;
	[tilespmem:$0x8400] =	vst v63  }
0xf3: {  	s8 =	sor.u32 s23, s22;
	s23 =	sor.u32 s12, s15;
	s12 =	sadd.s32 s3, s4  }
0xf4: {  	[tilespmem:s9], [sflag:$0x2] =	stream.linear.gather [hbm4b:s12+s2], $0x80, $0x38;
	[tilespmem:$0x8400] =	vst v63  }
0xf5: {  	s14 =	sadd.s32 s3, s6;
	s19 =	sadd.s32 s3, s10;
	s16 =	sand.u32 $0xFFFFFC00, s13  }
0xf6: {  	[tilespmem:s18], [sflag:$0x3] =	stream.linear.gather [hbm4b:s14+s2], $0x80, $0x38;
	[tilespmem:$0x8400] =	vst v63  }
0xf7: {  	s15 =	sadd.s32 s3, s21;
	s4 =	sand.u32 $0x380, s13;
	s6 =	sadd.s32 s5, s16  }
0xf8: {  	[tilespmem:s17], [sflag:$0x4] =	stream.linear.gather [hbm4b:s15+s2], $0x80, $0x38;
	[tilespmem:$0x8400] =	vst v63  }
0xf9: {  	s22 =	sshrl.u32 s8, $0x3;
	s20 =	sadd.s32 $0xA00, s26;
	s4 =	sor.u32 s4, s6  }
0xfa: {  	[tilespmem:s20], [sflag:$0x1] =	stream.linear.gather [hbm4b:s19+s2], $0x80, $0x38;
	[tilespmem:$0x8400] =	vst v63  }
0xfb: {  	s21 =	sadd.s32 $0xA80, s26;
	s7 =	sadd.s32 s3, s22;
	s22 =	sshrl.u32 s4, $0x3  }
0xfc: {  	[tilespmem:s21], [sflag:$0x2] =	stream.linear.gather [hbm4b:s7+s2], $0x80, $0x38;
	[tilespmem:$0x8400] =	vst v63  }
0xfd: {  	s23 =	sshrl.u32 s23, $0x3;
	s24 =	sadd.s32 $0xB00, s26;
	s1 =	sadd.s32 s3, s22  }
0xfe: {  	[tilespmem:s24], [sflag:$0x3] =	stream.linear.gather [hbm4b:s1+s2], $0x80, $0x38;
	[tilespmem:$0x8400] =	vst v63  }
0xff: {  	s25 =	sand.u32 $0xF0, s29;
	s6 =	sadd.s32 $0xB80, s26;
	s4 =	sadd.s32 s3, s23  }
0x100: {  	[tilespmem:s6], [sflag:$0x4] =	stream.linear.gather [hbm4b:s4+s2], $0x80, $0x38;
	[tilespmem:$0x8400] =	vst v63  }
0x101: {  	v0 =	vld [tilespmem:s25+$0x100];
	_ =	sdelay $0x4  }
0x102: {  	v0 =	vshll.u32 v0, $0x7  }
0x103: {  	(v2sf) =	vpush v0, $0xA  }
0x104: {  	(v2sf) =	vpush v0, $0x0  }
0x105: {  	(v2sf) =	vpush v0, $0x1;
	_ =	sdelay $0x1  }
0x106: {  	(v2sf) =	vpush v0, $0x5  }
0x107: {  	(v2sf) =	vpush v0, $0x6;
	_ =	sdelay $0x1  }
0x108: {  	s7 =	smov.u32 s28;
	(v2sf) =	vpush v0, $0x7  }
0x109: {  	s26 =	sshra.s32 s7, $0x2;
	(v2sf) =	vpush v0, $0x2  }
0x10a: {  	p0 =	sne.s32 s28, $0x1E000;
	s0 =	sadd.s32 $0x400, s26  }
0x10b: {  	s29 =	sadd.s32 $0x10, s29;
	s8 =	sadd.s32 $0x980, s26;
	[dreg:$0x1a] =	wrdreg s0  }
0x10c: {  	s28 =	sadd.s32 $0x2000, s28;
	s10 =	sadd.s32 $0x780, s26;
	[smem:$0x7F1] =	sst s8  }
0x10d: {  	s9 =	sadd.s32 $0x480, s26;
	s12 =	sadd.s32 $0x800, s26;
	[dreg:$0xa] =	wrdreg s10  }
0x10e: {  	s7 =	sadd.s32 $0x500, s26;
	s13 =	sadd.s32 $0x680, s26;
	[dreg:$0x5] =	wrdreg s12;
	(v2sf) =	vpush v0, $0x4  }
0x10f: {  	s14 =	sadd.s32 $0x700, s26;
	s10 =	sadd.s32 $0x900, s26;
	[dreg:$0x15] =	wrdreg s13;
	(v2sf) =	vpush v0, $0x3  }
0x110: {  	[dreg:$0x10] =	wrdreg s14;
	s8 =	sadd.s32 $0x600, s26;
	(v2sf) =	vpush v0, $0xF;
	s15 =	spop (v2sf)  }
0x111: {  	s16 =	sand.u32 $0xFFFFFC00, s15;
	s17 =	spop (v2sf);
	s4 =	sand.u32 $0x380, s15  }
0x112: {  	(v2sf) =	vpush v0, $0x8;
	s18 =	sand.u32 $0xFFFFFC00, s17;
	s6 =	sadd.s32 s5, s16;
	s19 =	spop (v2sf)  }
0x113: {  	s12 =	sand.u32 $0x380, s17;
	s13 =	sadd.s32 s5, s18;
	s20 =	sand.u32 $0xFFFFFC00, s19  }
0x114: {  	(v2sf) =	vpush v0, $0xB;
	s6 =	sor.u32 s4, s6;
	s21 =	spop (v2sf);
	s14 =	sand.u32 $0x380, s19  }
0x115: {  	s12 =	sor.u32 s12, s13;
	s22 =	sand.u32 $0xFFFFFC00, s21;
	s23 =	spop (v2sf)  }
0x116: {  	s15 =	sadd.s32 s5, s20;
	s4 =	sand.u32 $0x380, s21;
	s12 =	sshrl.u32 s12, $0x3  }
0x117: {  	(v2sf) =	vpush v0, $0x9;
	s24 =	spop (v2sf);
	s13 =	sadd.s32 s5, s22;
	s1 =	sand.u32 $0xFFFFFC00, s23  }
0x118: {  	s16 =	sand.u32 $0x380, s23;
	s25 =	spop (v2sf);
	s17 =	sand.u32 $0x380, s24  }
0x119: {  	s19 =	sand.u32 $0xFFFFFC00, s24;
	s22 =	sadd.s32 s5, s1;
	s30 =	sor.u32 s4, s13  }
0x11a: {  	s0 =	sand.u32 $0xFFFFFC00, s25;
	s20 =	sand.u32 $0x380, s25;
	s19 =	sadd.s32 s5, s19  }
0x11b: {  	(v2sf) =	vpush v0, $0xC;
	s4 =	sor.u32 s16, s22;
	s21 =	sadd.s32 s5, s0;
	s0 =	sadd.s32 s3, s12  }
0x11c: {  	s12 =	sor.u32 s14, s15;
	s25 =	sor.u32 s17, s19;
	s13 =	sshrl.u32 s4, $0x3  }
0x11d: {  	s20 =	sor.u32 s20, s21;
	s21 =	spop (v2sf);
	s16 =	sshrl.u32 s25, $0x3  }
0x11e: {  	s18 =	spop (v2sf);
	s24 =	sshrl.u32 s20, $0x3;
	s25 =	sand.u32 $0xFFFFFC00, s21  }
0x11f: {  	s16 =	sadd.s32 s3, s16;
	s15 =	spop (v2sf);
	s14 =	sadd.s32 s3, s24  }
0x120: {  	s20 =	sand.u32 $0x380, s18;
	s17 =	sand.u32 $0xFFFFFC00, s18;
	s24 =	sand.u32 $0x380, s21  }
0x121: {  	s4 =	sadd.s32 s5, s25;
	s1 =	spop (v2sf);
	s18 =	sadd.s32 s5, s17  }
0x122: {  	s25 =	sand.u32 $0xFFFFFC00, s15;
	s23 =	sand.u32 $0xFFFFFC00, s1;
	s19 =	sand.u32 $0x380, s1  }
0x123: {  	s1 =	sshrl.u32 s12, $0x3;
	s21 =	sor.u32 s20, s18;
	s22 =	spop (v2sf)  }
0x124: {  	s20 =	sadd.s32 $0x580, s26;
	s12 =	sand.u32 $0x380, s15;
	s31 =	sand.u32 $0xFFFFFC00, s22  }
0x125: {  	s15 =	sadd.s32 s5, s25;
	s23 =	sadd.s32 s5, s23;
	s18 =	sadd.s32 s5, s31  }
0x126: {  	s31 =	sor.u32 s24, s4;
	s24 =	sor.u32 s19, s23;
	s17 =	spop (v2sf)  }
.Ltmp1:
0x127: {  	s23 =	sshrl.u32 s31, $0x3;
	s31 =	sadd.s32 s3, s1;
	(pc) =	sbr.rel @p0 .LBB2_4-.Ltmp1, $4  }
0x128: {  	s4 =	sand.u32 $0x380, s17;
	s25 =	sand.u32 $0xFFFFFC00, s17;
	s17 =	sand.u32 $0x380, s22  }
0x129: {  	s22 =	sshrl.u32 s30, $0x3;
	s30 =	sor.u32 s17, s18;
	s17 =	sld [smem:$0x7F1]  }
0x12a: {  	s18 =	smov.u32 s10;
	s10 =	rddreg [dreg:$0x1a];
	s19 =	spop (v2sf)  }
0x12b: {  	(v2sf) =	vpush v0, $0xD;
	[tilespmem:s10], [sflag:$0x1] =	stream.linear.gather [hbm4b:s0+s2], $0x80, $0x38;
	[tilespmem:$0x8400] =	vst v63  }
0x12c: {  	_ =	sdelay $0x4  }
0x12d: {  	[tilespmem:s9], [sflag:$0x2] =	stream.linear.gather [hbm4b:s31+s2], $0x80, $0x38;
	[tilespmem:$0x8400] =	vst v63  }
0x12e: {  	s0 =	sshrl.u32 s21, $0x3;
	s1 =	sand.u32 $0xFFFFFC00, s19;
	s9 =	sshrl.u32 s30, $0x3  }
0x12f: {  	(v2sf) =	vpush v0, $0xE;
	[tilespmem:s7], [sflag:$0x3] =	stream.linear.gather [hbm4b:s14+s2], $0x80, $0x38;
	[tilespmem:$0x8400] =	vst v63  }
0x130: {  	s21 =	sand.u32 $0x380, s19;
	s10 =	sadd.s32 s3, s23;
	s0 =	sadd.s32 s3, s0  }
0x131: {  	[tilespmem:s20], [sflag:$0x4] =	stream.linear.gather [hbm4b:s0+s2], $0x80, $0x38;
	[tilespmem:$0x8400] =	vst v63  }
0x132: {  	s19 =	sadd.s32 s3, s22;
	s22 =	rddreg [dreg:$0x15];
	s25 =	sadd.s32 s5, s25  }
0x133: {  	[tilespmem:s8], [sflag:$0x1] =	stream.linear.gather [hbm4b:s10+s2], $0x80, $0x38;
	[tilespmem:$0x8400] =	vst v63  }
0x134: {  	s6 =	sshrl.u32 s6, $0x3;
	s1 =	sadd.s32 s5, s1;
	s4 =	sor.u32 s4, s25  }
0x135: {  	[tilespmem:s22], [sflag:$0x2] =	stream.linear.gather [hbm4b:s19+s2], $0x80, $0x38;
	[tilespmem:$0x8400] =	vst v63  }
0x136: {  	s7 =	sor.u32 s21, s1;
	s14 =	sshrl.u32 s24, $0x3;
	s23 =	spop (v2sf)  }
0x137: {  	s4 =	sshrl.u32 s4, $0x3;
	s24 =	sadd.s32 s3, s6;
	s20 =	sand.u32 $0xFFFFFC00, s23  }
0x138: {  	s21 =	sand.u32 $0x380, s23;
	s23 =	sadd.s32 s3, s13;
	s13 =	rddreg [dreg:$0x10]  }
0x139: {  	[tilespmem:s13], [sflag:$0x3] =	stream.linear.gather [hbm4b:s23+s2], $0x80, $0x38;
	[tilespmem:$0x8400] =	vst v63  }
0x13a: {  	s1 =	sadd.s32 s3, s14;
	s4 =	sadd.s32 s3, s4;
	s19 =	rddreg [dreg:$0xa]  }
0x13b: {  	[tilespmem:s19], [sflag:$0x4] =	stream.linear.gather [hbm4b:s16+s2], $0x80, $0x38;
	[tilespmem:$0x8400] =	vst v63  }
0x13c: {  	s0 =	sshrl.u32 s7, $0x3;
	s7 =	sadd.s32 s5, s20;
	s20 =	rddreg [dreg:$0x5]  }
0x13d: {  	[tilespmem:s20], [sflag:$0x1] =	stream.linear.gather [hbm4b:s1+s2], $0x80, $0x38;
	[tilespmem:$0x8400] =	vst v63  }
0x13e: {  	s22 =	spop (v2sf);
	s7 =	sor.u32 s21, s7;
	s21 =	sadd.s32 $0x880, s26  }
0x13f: {  	[tilespmem:s21], [sflag:$0x2] =	stream.linear.gather [hbm4b:s4+s2], $0x80, $0x38;
	[tilespmem:$0x8400] =	vst v63  }
0x140: {  	s0 =	sadd.s32 s3, s0;
	s10 =	sadd.s32 s3, s9;
	s25 =	sand.u32 $0xFFFFFC00, s22  }
0x141: {  	[tilespmem:s18], [sflag:$0x3] =	stream.linear.gather [hbm4b:s24+s2], $0x80, $0x38;
	[tilespmem:$0x8400] =	vst v63  }
0x142: {  	s23 =	sor.u32 s12, s15;
	s8 =	sand.u32 $0x380, s22;
	s6 =	sadd.s32 s5, s25  }
0x143: {  	[tilespmem:s17], [sflag:$0x4] =	stream.linear.gather [hbm4b:s10+s2], $0x80, $0x38;
	[tilespmem:$0x8400] =	vst v63  }
0x144: {  	s12 =	sadd.s32 $0xA00, s26;
	s7 =	sshrl.u32 s7, $0x3;
	s6 =	sor.u32 s8, s6  }
0x145: {  	[tilespmem:s12], [sflag:$0x1] =	stream.linear.gather [hbm4b:s0+s2], $0x80, $0x38;
	[tilespmem:$0x8400] =	vst v63  }
0x146: {  	s14 =	sadd.s32 $0xA80, s26;
	s13 =	sadd.s32 s3, s7;
	s6 =	sshrl.u32 s6, $0x3  }
0x147: {  	[tilespmem:s14], [sflag:$0x2] =	stream.linear.gather [hbm4b:s13+s2], $0x80, $0x38;
	[tilespmem:$0x8400] =	vst v63  }
0x148: {  	s15 =	sshrl.u32 s23, $0x3;
	s16 =	sadd.s32 $0xB00, s26;
	s17 =	sadd.s32 s3, s6  }
0x149: {  	[tilespmem:s16], [sflag:$0x3] =	stream.linear.gather [hbm4b:s17+s2], $0x80, $0x38;
	[tilespmem:$0x8400] =	vst v63  }
0x14a: {  	s19 =	simm.s32 $0x1;
	s18 =	sadd.s32 $0xB80, s26;
	s0 =	sadd.s32 s3, s15  }
0x14b: {  	[tilespmem:s18], [sflag:$0x4] =	stream.linear.gather [hbm4b:s0+s2], $0x80, $0x38;
	[tilespmem:$0x8400] =	vst v63  }
0x14c: {  	_ =	swait.ge [sflag:s19], $0x2000  }
0x14d: {  	[sflag:s19] =	ssyncset.done $0x0  }
0x14e: {  	s20 =	simm.s32 $0x2;
	[sflag:s19] =	ssyncadd.s32 $0xFFFFE000  }
0x14f: {  	_ =	swait.ge [sflag:s20], $0x2000  }
0x150: {  	[sflag:s20] =	ssyncset.done $0x0  }
0x151: {  	s21 =	simm.s32 $0x3;
	[sflag:s20] =	ssyncadd.s32 $0xFFFFE000  }
0x152: {  	_ =	swait.ge [sflag:s21], $0x2000  }
0x153: {  	[sflag:s21] =	ssyncset.done $0x0  }
0x154: {  	s22 =	simm.s32 $0x4;
	[sflag:s21] =	ssyncadd.s32 $0xFFFFE000  }
0x155: {  	_ =	swait.ge [sflag:s22], $0x2000  }
0x156: {  	s24 =	sld [smem:$0x7F4]  }
0x157: {  	s23 =	simm.s32 $0x0;
	[sflag:s22] =	ssyncset.done $0x0  }
0x158: {  	s25 =	simm.s32 $0x400;
	s26 =	simm.s32 $0x5;
	[sflag:s22] =	ssyncadd.s32 $0xFFFFE000  }
0x159: {  	[hbm4b:s24+s23] =	stream.linear.scatter [tilespmem:s25], [sflag:$0x5], $0x8000, $0x38;
	[tilespmem:$0x8400] =	vst v63  }
0x15a: {  	_ =	swait.ge [sflag:s26], $0x8000  }
0x15b: {  	[sflag:s26] =	ssyncset.done $0x0  }
0x15c: {  	s0 =	sand.u32 $0xF0, s23;
	[sflag:s26] =	ssyncadd.s32 $0xFFFF8000  }
0x15d: {  	v0 =	vld [tilespmem:s0+$0x200];
	_ =	sdelay $0x4  }
0x15e: {  	v0 =	vshll.u32 v0, $0x7  }
0x15f: {  	(v2sf) =	vpush v0, $0xA  }
0x160: {  	(v2sf) =	vpush v0, $0x0;
	_ =	sdelay $0x1  }
0x161: {  	(v2sf) =	vpush v0, $0x1  }
0x162: {  	(v2sf) =	vpush v0, $0x5;
	_ =	sdelay $0x1  }
0x163: {  	(v2sf) =	vpush v0, $0x6  }
0x164: {  	(v2sf) =	vpush v0, $0x7;
	_ =	sdelay $0x1  }
0x165: {  	(v2sf) =	vpush v0, $0x2  }
0x166: {  	s28 =	simm.s32 $0x2000;
	s29 =	simm.s32 $0x10  }
0x167: {  	s9 =	simm.s32 $0x480;
	s8 =	simm.s32 $0x680;
	s1 =	simm.s32 $0x780  }
0x168: {  	s7 =	simm.s32 $0x500;
	s6 =	simm.s32 $0x800;
	[dreg:$0xb] =	wrdreg s1  }
0x169: {  	s4 =	simm.s32 $0x400;
	s10 =	simm.s32 $0x700;
	[dreg:$0x6] =	wrdreg s6  }
0x16a: {  	s17 =	simm.s32 $0x980;
	s18 =	simm.s32 $0x900;
	[dreg:$0x16] =	wrdreg s8;
	(v2sf) =	vpush v0, $0x4  }
0x16b: {  	[dreg:$0x11] =	wrdreg s10;
	s8 =	simm.s32 $0x600;
	(v2sf) =	vpush v0, $0x3;
	s12 =	spop (v2sf)  }
0x16c: {  	s26 =	simm.s32 $0x0;
	(v2sf) =	vpush v0, $0xF;
	s14 =	sand.u32 $0xFFFFFC00, s12;
	s15 =	spop (v2sf)  }
0x16d: {  	s6 =	sand.u32 $0x380, s12;
	s16 =	sand.u32 $0xFFFFFC00, s15;
	s10 =	sadd.s32 s5, s14  }
0x16e: {  	(v2sf) =	vpush v0, $0x8;
	s19 =	spop (v2sf);
	s12 =	sand.u32 $0x380, s15;
	s13 =	sadd.s32 s5, s16  }
0x16f: {  	s20 =	sand.u32 $0xFFFFFC00, s19;
	s6 =	sor.u32 s6, s10;
	s21 =	spop (v2sf)  }
0x170: {  	s14 =	sand.u32 $0x380, s19;
	s12 =	sor.u32 s12, s13;
	s22 =	sand.u32 $0xFFFFFC00, s21  }
0x171: {  	(v2sf) =	vpush v0, $0xB;
	s16 =	spop (v2sf);
	s15 =	sadd.s32 s5, s20;
	s10 =	sand.u32 $0x380, s21  }
0x172: {  	s12 =	sshrl.u32 s12, $0x3;
	s23 =	spop (v2sf);
	s13 =	sadd.s32 s5, s22  }
0x173: {  	(v2sf) =	vpush v0, $0x9;
	s0 =	sand.u32 $0xFFFFFC00, s16;
	s16 =	sand.u32 $0x380, s16;
	s15 =	sor.u32 s14, s15  }
0x174: {  	s24 =	spop (v2sf);
	s1 =	sand.u32 $0x380, s23;
	s19 =	sand.u32 $0xFFFFFC00, s23  }
0x175: {  	(v2sf) =	vpush v0, $0xC;
	s22 =	sadd.s32 s5, s0;
	s0 =	sor.u32 s10, s13;
	s12 =	sadd.s32 s3, s12  }
0x176: {  	s31 =	sshrl.u32 s15, $0x3;
	s25 =	sand.u32 $0xFFFFFC00, s24;
	s20 =	sand.u32 $0x380, s24  }
0x177: {  	[tilespmem:s4], [sflag:$0x1] =	stream.linear.gather [hbm4b:s12+s2], $0x80, $0x38;
	[tilespmem:$0x8400] =	vst v63  }
0x178: {  	s19 =	sadd.s32 s5, s19;
	s13 =	sor.u32 s16, s22;
	s21 =	sadd.s32 s5, s25  }
0x179: {  	s31 =	sadd.s32 s3, s31;
	s20 =	sor.u32 s20, s21;
	s21 =	spop (v2sf)  }
0x17a: {  	s19 =	sor.u32 s1, s19;
	s13 =	sshrl.u32 s13, $0x3;
	s10 =	spop (v2sf)  }
0x17b: {  	s19 =	sshrl.u32 s19, $0x3;
	s20 =	sshrl.u32 s20, $0x3;
	s22 =	spop (v2sf)  }
0x17c: {  	s14 =	sadd.s32 s3, s20;
	s1 =	sand.u32 $0x380, s10;
	s10 =	sand.u32 $0xFFFFFC00, s10  }
0x17d: {  	s24 =	spop (v2sf);
	s12 =	sadd.s32 s5, s10;
	s10 =	sand.u32 $0x380, s21  }
0x17e: {  	s4 =	sand.u32 $0xFFFFFC00, s24;
	s16 =	sand.u32 $0x380, s24;
	s24 =	sand.u32 $0xFFFFFC00, s21  }
0x17f: {  	s21 =	sor.u32 s1, s12;
	s12 =	sand.u32 $0x380, s22;
	s23 =	sadd.s32 s5, s24  }
0x180: {  	s4 =	sadd.s32 s5, s4;
	s25 =	spop (v2sf);
	s20 =	sor.u32 s10, s23  }
0x181: {  	s24 =	sor.u32 s16, s4;
	s16 =	sadd.s32 s3, s19;
	s1 =	sand.u32 $0xFFFFFC00, s25  }
0x182: {  	s10 =	spop (v2sf);
	s23 =	sand.u32 $0x380, s25;
	s25 =	sand.u32 $0xFFFFFC00, s22  }
0x183: {  	s22 =	sshrl.u32 s0, $0x3;
	s1 =	sadd.s32 s5, s1;
	s4 =	sand.u32 $0x380, s10  }
0x184: {  	s15 =	sadd.s32 s5, s25;
	s25 =	sand.u32 $0xFFFFFC00, s10;
	s19 =	spop (v2sf)  }
0x185: {  	(v2sf) =	vpush v0, $0xD;
	s30 =	sor.u32 s23, s1;
	s23 =	sshrl.u32 s20, $0x3;
	s20 =	simm.s32 $0x580  }
.LBB2_6:
0x186: {  	_ =	sdelay $0x5  }
0x187: {  	s10 =	sshrl.u32 s21, $0x3;
	s21 =	sshrl.u32 s30, $0x3;
	s30 =	sand.u32 $0xFFFFFC00, s19;
	(v2sf) =	vpush v0, $0xE  }
0x188: {  	[tilespmem:s9], [sflag:$0x2] =	stream.linear.gather [hbm4b:s31+s2], $0x80, $0x38;
	[tilespmem:$0x8400] =	vst v63  }
0x189: {  	s1 =	sand.u32 $0x380, s19;
	s23 =	sadd.s32 s3, s23;
	s19 =	sadd.s32 s5, s25  }
0x18a: {  	[tilespmem:s7], [sflag:$0x3] =	stream.linear.gather [hbm4b:s14+s2], $0x80, $0x38;
	[tilespmem:$0x8400] =	vst v63  }
0x18b: {  	s6 =	sshrl.u32 s6, $0x3;
	s9 =	sadd.s32 s3, s10;
	s0 =	sadd.s32 s5, s30  }
0x18c: {  	[tilespmem:s20], [sflag:$0x4] =	stream.linear.gather [hbm4b:s9+s2], $0x80, $0x38;
	[tilespmem:$0x8400] =	vst v63  }
0x18d: {  	s25 =	rddreg [dreg:$0x6];
	s4 =	sor.u32 s4, s19;
	s10 =	sor.u32 s1, s0  }
0x18e: {  	[tilespmem:s8], [sflag:$0x1] =	stream.linear.gather [hbm4b:s23+s2], $0x80, $0x38;
	[tilespmem:$0x8400] =	vst v63  }
0x18f: {  	s1 =	sadd.s32 s3, s22;
	s7 =	sadd.s32 s3, s13;
	s0 =	spop (v2sf)  }
0x190: {  	s20 =	sand.u32 $0xFFFFFC00, s0;
	s23 =	sand.u32 $0x380, s0;
	s0 =	rddreg [dreg:$0x16]  }
0x191: {  	[tilespmem:s0], [sflag:$0x2] =	stream.linear.gather [hbm4b:s1+s2], $0x80, $0x38;
	[tilespmem:$0x8400] =	vst v63  }
0x192: {  	s4 =	sshrl.u32 s4, $0x3;
	s22 =	sadd.s32 s5, s20;
	s20 =	rddreg [dreg:$0x11]  }
0x193: {  	[tilespmem:s20], [sflag:$0x3] =	stream.linear.gather [hbm4b:s7+s2], $0x80, $0x38;
	[tilespmem:$0x8400] =	vst v63  }
0x194: {  	s10 =	sshrl.u32 s10, $0x3;
	s1 =	sshrl.u32 s24, $0x3;
	s24 =	rddreg [dreg:$0xb]  }
0x195: {  	[tilespmem:s24], [sflag:$0x4] =	stream.linear.gather [hbm4b:s16+s2], $0x80, $0x38;
	[tilespmem:$0x8400] =	vst v63  }
0x196: {  	s9 =	sadd.s32 $0x880, s26;
	s13 =	spop (v2sf);
	s1 =	sadd.s32 s3, s1  }
0x197: {  	[tilespmem:s25], [sflag:$0x1] =	stream.linear.gather [hbm4b:s1+s2], $0x80, $0x38;
	[tilespmem:$0x8400] =	vst v63  }
0x198: {  	s8 =	sor.u32 s23, s22;
	s23 =	sor.u32 s12, s15;
	s12 =	sadd.s32 s3, s4  }
0x199: {  	[tilespmem:s9], [sflag:$0x2] =	stream.linear.gather [hbm4b:s12+s2], $0x80, $0x38;
	[tilespmem:$0x8400] =	vst v63  }
0x19a: {  	s14 =	sadd.s32 s3, s6;
	s19 =	sadd.s32 s3, s10;
	s16 =	sand.u32 $0xFFFFFC00, s13  }
0x19b: {  	[tilespmem:s18], [sflag:$0x3] =	stream.linear.gather [hbm4b:s14+s2], $0x80, $0x38;
	[tilespmem:$0x8400] =	vst v63  }
0x19c: {  	s15 =	sadd.s32 s3, s21;
	s4 =	sand.u32 $0x380, s13;
	s6 =	sadd.s32 s5, s16  }
0x19d: {  	[tilespmem:s17], [sflag:$0x4] =	stream.linear.gather [hbm4b:s15+s2], $0x80, $0x38;
	[tilespmem:$0x8400] =	vst v63  }
0x19e: {  	s22 =	sshrl.u32 s8, $0x3;
	s20 =	sadd.s32 $0xA00, s26;
	s4 =	sor.u32 s4, s6  }
0x19f: {  	[tilespmem:s20], [sflag:$0x1] =	stream.linear.gather [hbm4b:s19+s2], $0x80, $0x38;
	[tilespmem:$0x8400] =	vst v63  }
0x1a0: {  	s21 =	sadd.s32 $0xA80, s26;
	s7 =	sadd.s32 s3, s22;
	s22 =	sshrl.u32 s4, $0x3  }
0x1a1: {  	[tilespmem:s21], [sflag:$0x2] =	stream.linear.gather [hbm4b:s7+s2], $0x80, $0x38;
	[tilespmem:$0x8400] =	vst v63  }
0x1a2: {  	s23 =	sshrl.u32 s23, $0x3;
	s24 =	sadd.s32 $0xB00, s26;
	s1 =	sadd.s32 s3, s22  }
0x1a3: {  	[tilespmem:s24], [sflag:$0x3] =	stream.linear.gather [hbm4b:s1+s2], $0x80, $0x38;
	[tilespmem:$0x8400] =	vst v63  }
0x1a4: {  	s25 =	sand.u32 $0xF0, s29;
	s6 =	sadd.s32 $0xB80, s26;
	s4 =	sadd.s32 s3, s23  }
0x1a5: {  	[tilespmem:s6], [sflag:$0x4] =	stream.linear.gather [hbm4b:s4+s2], $0x80, $0x38;
	[tilespmem:$0x8400] =	vst v63  }
0x1a6: {  	v0 =	vld [tilespmem:s25+$0x200];
	_ =	sdelay $0x4  }
0x1a7: {  	v0 =	vshll.u32 v0, $0x7  }
0x1a8: {  	(v2sf) =	vpush v0, $0xA  }
0x1a9: {  	(v2sf) =	vpush v0, $0x0  }
0x1aa: {  	(v2sf) =	vpush v0, $0x1;
	_ =	sdelay $0x1  }
0x1ab: {  	(v2sf) =	vpush v0, $0x5  }
0x1ac: {  	(v2sf) =	vpush v0, $0x6;
	_ =	sdelay $0x1  }
0x1ad: {  	s7 =	smov.u32 s28;
	(v2sf) =	vpush v0, $0x7  }
0x1ae: {  	s26 =	sshra.s32 s7, $0x2;
	(v2sf) =	vpush v0, $0x2  }
0x1af: {  	p0 =	sne.s32 s28, $0x1E000;
	s0 =	sadd.s32 $0x400, s26  }
0x1b0: {  	s29 =	sadd.s32 $0x10, s29;
	s8 =	sadd.s32 $0x980, s26;
	[dreg:$0x1b] =	wrdreg s0  }
0x1b1: {  	s28 =	sadd.s32 $0x2000, s28;
	s10 =	sadd.s32 $0x780, s26;
	[smem:$0x7F0] =	sst s8  }
0x1b2: {  	s9 =	sadd.s32 $0x480, s26;
	s12 =	sadd.s32 $0x800, s26;
	[dreg:$0xb] =	wrdreg s10  }
0x1b3: {  	s7 =	sadd.s32 $0x500, s26;
	s13 =	sadd.s32 $0x680, s26;
	[dreg:$0x6] =	wrdreg s12;
	(v2sf) =	vpush v0, $0x4  }
0x1b4: {  	s14 =	sadd.s32 $0x700, s26;
	s10 =	sadd.s32 $0x900, s26;
	[dreg:$0x16] =	wrdreg s13;
	(v2sf) =	vpush v0, $0x3  }
0x1b5: {  	[dreg:$0x11] =	wrdreg s14;
	s8 =	sadd.s32 $0x600, s26;
	(v2sf) =	vpush v0, $0xF;
	s15 =	spop (v2sf)  }
0x1b6: {  	s16 =	sand.u32 $0xFFFFFC00, s15;
	s17 =	spop (v2sf);
	s4 =	sand.u32 $0x380, s15  }
0x1b7: {  	(v2sf) =	vpush v0, $0x8;
	s18 =	sand.u32 $0xFFFFFC00, s17;
	s6 =	sadd.s32 s5, s16;
	s19 =	spop (v2sf)  }
0x1b8: {  	s12 =	sand.u32 $0x380, s17;
	s13 =	sadd.s32 s5, s18;
	s20 =	sand.u32 $0xFFFFFC00, s19  }
0x1b9: {  	(v2sf) =	vpush v0, $0xB;
	s6 =	sor.u32 s4, s6;
	s21 =	spop (v2sf);
	s14 =	sand.u32 $0x380, s19  }
0x1ba: {  	s12 =	sor.u32 s12, s13;
	s22 =	sand.u32 $0xFFFFFC00, s21;
	s23 =	spop (v2sf)  }
0x1bb: {  	s15 =	sadd.s32 s5, s20;
	s4 =	sand.u32 $0x380, s21;
	s12 =	sshrl.u32 s12, $0x3  }
0x1bc: {  	(v2sf) =	vpush v0, $0x9;
	s24 =	spop (v2sf);
	s13 =	sadd.s32 s5, s22;
	s1 =	sand.u32 $0xFFFFFC00, s23  }
0x1bd: {  	s16 =	sand.u32 $0x380, s23;
	s25 =	spop (v2sf);
	s17 =	sand.u32 $0x380, s24  }
0x1be: {  	s19 =	sand.u32 $0xFFFFFC00, s24;
	s22 =	sadd.s32 s5, s1;
	s30 =	sor.u32 s4, s13  }
0x1bf: {  	s0 =	sand.u32 $0xFFFFFC00, s25;
	s20 =	sand.u32 $0x380, s25;
	s19 =	sadd.s32 s5, s19  }
0x1c0: {  	(v2sf) =	vpush v0, $0xC;
	s4 =	sor.u32 s16, s22;
	s21 =	sadd.s32 s5, s0;
	s0 =	sadd.s32 s3, s12  }
0x1c1: {  	s12 =	sor.u32 s14, s15;
	s25 =	sor.u32 s17, s19;
	s13 =	sshrl.u32 s4, $0x3  }
0x1c2: {  	s20 =	sor.u32 s20, s21;
	s21 =	spop (v2sf);
	s16 =	sshrl.u32 s25, $0x3  }
0x1c3: {  	s18 =	spop (v2sf);
	s24 =	sshrl.u32 s20, $0x3;
	s25 =	sand.u32 $0xFFFFFC00, s21  }
0x1c4: {  	s16 =	sadd.s32 s3, s16;
	s15 =	spop (v2sf);
	s14 =	sadd.s32 s3, s24  }
0x1c5: {  	s20 =	sand.u32 $0x380, s18;
	s17 =	sand.u32 $0xFFFFFC00, s18;
	s24 =	sand.u32 $0x380, s21  }
0x1c6: {  	s4 =	sadd.s32 s5, s25;
	s1 =	spop (v2sf);
	s18 =	sadd.s32 s5, s17  }
0x1c7: {  	s25 =	sand.u32 $0xFFFFFC00, s15;
	s23 =	sand.u32 $0xFFFFFC00, s1;
	s19 =	sand.u32 $0x380, s1  }
0x1c8: {  	s1 =	sshrl.u32 s12, $0x3;
	s21 =	sor.u32 s20, s18;
	s22 =	spop (v2sf)  }
0x1c9: {  	s20 =	sadd.s32 $0x580, s26;
	s12 =	sand.u32 $0x380, s15;
	s31 =	sand.u32 $0xFFFFFC00, s22  }
0x1ca: {  	s15 =	sadd.s32 s5, s25;
	s23 =	sadd.s32 s5, s23;
	s18 =	sadd.s32 s5, s31  }
0x1cb: {  	s31 =	sor.u32 s24, s4;
	s24 =	sor.u32 s19, s23;
	s17 =	spop (v2sf)  }
.Ltmp2:
0x1cc: {  	s23 =	sshrl.u32 s31, $0x3;
	s31 =	sadd.s32 s3, s1;
	(pc) =	sbr.rel @p0 .LBB2_6-.Ltmp2, $4  }
0x1cd: {  	s4 =	sand.u32 $0x380, s17;
	s25 =	sand.u32 $0xFFFFFC00, s17;
	s17 =	sand.u32 $0x380, s22  }
0x1ce: {  	s22 =	sshrl.u32 s30, $0x3;
	s30 =	sor.u32 s17, s18;
	s17 =	sld [smem:$0x7F0]  }
0x1cf: {  	s18 =	smov.u32 s10;
	s10 =	rddreg [dreg:$0x1b];
	s19 =	spop (v2sf)  }
0x1d0: {  	(v2sf) =	vpush v0, $0xD;
	[tilespmem:s10], [sflag:$0x1] =	stream.linear.gather [hbm4b:s0+s2], $0x80, $0x38;
	[tilespmem:$0x8400] =	vst v63  }
0x1d1: {  	_ =	sdelay $0x5  }
0x1d2: {  	[tilespmem:s9], [sflag:$0x2] =	stream.linear.gather [hbm4b:s31+s2], $0x80, $0x38;
	[tilespmem:$0x8400] =	vst v63  }
0x1d3: {  	s0 =	sshrl.u32 s21, $0x3;
	s1 =	sand.u32 $0xFFFFFC00, s19;
	s9 =	sshrl.u32 s30, $0x3  }
0x1d4: {  	(v2sf) =	vpush v0, $0xE;
	s21 =	sand.u32 $0x380, s19;
	s10 =	sadd.s32 s3, s23;
	s13 =	sadd.s32 s3, s13  }
0x1d5: {  	[tilespmem:s7], [sflag:$0x3] =	stream.linear.gather [hbm4b:s14+s2], $0x80, $0x38;
	[tilespmem:$0x8400] =	vst v63  }
0x1d6: {  	s6 =	sshrl.u32 s6, $0x3;
	s0 =	sadd.s32 s3, s0;
	s1 =	sadd.s32 s5, s1  }
0x1d7: {  	[tilespmem:s20], [sflag:$0x4] =	stream.linear.gather [hbm4b:s0+s2], $0x80, $0x38;
	[tilespmem:$0x8400] =	vst v63  }
0x1d8: {  	s6 =	sadd.s32 s3, s6;
	s19 =	sor.u32 s21, s1;
	s14 =	sadd.s32 s5, s25  }
0x1d9: {  	[tilespmem:s8], [sflag:$0x1] =	stream.linear.gather [hbm4b:s10+s2], $0x80, $0x38;
	[tilespmem:$0x8400] =	vst v63  }
0x1da: {  	s4 =	sor.u32 s4, s14;
	s20 =	sadd.s32 s3, s22;
	s23 =	spop (v2sf)  }
0x1db: {  	s21 =	sand.u32 $0xFFFFFC00, s23;
	s22 =	sand.u32 $0x380, s23;
	s23 =	rddreg [dreg:$0x16]  }
0x1dc: {  	[tilespmem:s23], [sflag:$0x2] =	stream.linear.gather [hbm4b:s20+s2], $0x80, $0x38;
	[tilespmem:$0x8400] =	vst v63  }
0x1dd: {  	s0 =	sshrl.u32 s19, $0x3;
	s19 =	rddreg [dreg:$0x11];
	s4 =	sshrl.u32 s4, $0x3  }
0x1de: {  	[tilespmem:s19], [sflag:$0x3] =	stream.linear.gather [hbm4b:s13+s2], $0x80, $0x38;
	[tilespmem:$0x8400] =	vst v63  }
0x1df: {  	s7 =	sadd.s32 s5, s21;
	s20 =	sshrl.u32 s24, $0x3;
	s21 =	rddreg [dreg:$0xb]  }
0x1e0: {  	[tilespmem:s21], [sflag:$0x4] =	stream.linear.gather [hbm4b:s16+s2], $0x80, $0x38;
	[tilespmem:$0x8400] =	vst v63  }
0x1e1: {  	s7 =	sor.u32 s22, s7;
	s1 =	sadd.s32 s3, s20;
	s22 =	rddreg [dreg:$0x6]  }
0x1e2: {  	[tilespmem:s22], [sflag:$0x1] =	stream.linear.gather [hbm4b:s1+s2], $0x80, $0x38;
	[tilespmem:$0x8400] =	vst v63  }
0x1e3: {  	s4 =	sadd.s32 s3, s4;
	s23 =	sadd.s32 $0x880, s26;
	s24 =	spop (v2sf)  }
0x1e4: {  	[tilespmem:s23], [sflag:$0x2] =	stream.linear.gather [hbm4b:s4+s2], $0x80, $0x38;
	[tilespmem:$0x8400] =	vst v63  }
0x1e5: {  	s25 =	sor.u32 s12, s15;
	s12 =	sadd.s32 s3, s9;
	s10 =	sand.u32 $0xFFFFFC00, s24  }
0x1e6: {  	[tilespmem:s18], [sflag:$0x3] =	stream.linear.gather [hbm4b:s6+s2], $0x80, $0x38;
	[tilespmem:$0x8400] =	vst v63  }
0x1e7: {  	s0 =	sadd.s32 s3, s0;
	s8 =	sand.u32 $0x380, s24;
	s6 =	sadd.s32 s5, s10  }
0x1e8: {  	[tilespmem:s17], [sflag:$0x4] =	stream.linear.gather [hbm4b:s12+s2], $0x80, $0x38;
	[tilespmem:$0x8400] =	vst v63  }
0x1e9: {  	s7 =	sshrl.u32 s7, $0x3;
	s13 =	sadd.s32 $0xA00, s26;
	s6 =	sor.u32 s8, s6  }
0x1ea: {  	[tilespmem:s13], [sflag:$0x1] =	stream.linear.gather [hbm4b:s0+s2], $0x80, $0x38;
	[tilespmem:$0x8400] =	vst v63  }
0x1eb: {  	s15 =	sadd.s32 $0xA80, s26;
	s14 =	sadd.s32 s3, s7;
	s6 =	sshrl.u32 s6, $0x3  }
0x1ec: {  	[tilespmem:s15], [sflag:$0x2] =	stream.linear.gather [hbm4b:s14+s2], $0x80, $0x38;
	[tilespmem:$0x8400] =	vst v63  }
0x1ed: {  	s16 =	sshrl.u32 s25, $0x3;
	s17 =	sadd.s32 $0xB00, s26;
	s18 =	sadd.s32 s3, s6  }
0x1ee: {  	[tilespmem:s17], [sflag:$0x3] =	stream.linear.gather [hbm4b:s18+s2], $0x80, $0x38;
	[tilespmem:$0x8400] =	vst v63  }
0x1ef: {  	s20 =	simm.s32 $0x1;
	s19 =	sadd.s32 $0xB80, s26;
	s0 =	sadd.s32 s3, s16  }
0x1f0: {  	[tilespmem:s19], [sflag:$0x4] =	stream.linear.gather [hbm4b:s0+s2], $0x80, $0x38;
	[tilespmem:$0x8400] =	vst v63  }
0x1f1: {  	_ =	swait.ge [sflag:s20], $0x2000  }
0x1f2: {  	[sflag:s20] =	ssyncset.done $0x0  }
0x1f3: {  	s21 =	simm.s32 $0x2;
	[sflag:s20] =	ssyncadd.s32 $0xFFFFE000  }
0x1f4: {  	_ =	swait.ge [sflag:s21], $0x2000  }
0x1f5: {  	[sflag:s21] =	ssyncset.done $0x0  }
0x1f6: {  	s22 =	simm.s32 $0x3;
	[sflag:s21] =	ssyncadd.s32 $0xFFFFE000  }
0x1f7: {  	_ =	swait.ge [sflag:s22], $0x2000  }
0x1f8: {  	[sflag:s22] =	ssyncset.done $0x0  }
0x1f9: {  	s23 =	simm.s32 $0x4;
	[sflag:s22] =	ssyncadd.s32 $0xFFFFE000  }
0x1fa: {  	_ =	swait.ge [sflag:s23], $0x2000  }
0x1fb: {  	s25 =	sld [smem:$0x7F5]  }
0x1fc: {  	s24 =	simm.s32 $0x0;
	[sflag:s23] =	ssyncset.done $0x0  }
0x1fd: {  	s4 =	simm.s32 $0x5;
	s26 =	simm.s32 $0x400;
	[sflag:s23] =	ssyncadd.s32 $0xFFFFE000  }
0x1fe: {  	[hbm4b:s25+s24] =	stream.linear.scatter [tilespmem:s26], [sflag:$0x5], $0x8000, $0x38;
	[tilespmem:$0x8400] =	vst v63  }
0x1ff: {  	_ =	swait.ge [sflag:s4], $0x8000  }
0x200: {  	[sflag:s4] =	ssyncset.done $0x0  }
0x201: {  	s0 =	sand.u32 $0xF0, s24;
	[sflag:s4] =	ssyncadd.s32 $0xFFFF8000  }
0x202: {  	v0 =	vld [tilespmem:s0+$0x300];
	_ =	sdelay $0x4  }
0x203: {  	v0 =	vshll.u32 v0, $0x7  }
0x204: {  	(v2sf) =	vpush v0, $0xA  }
0x205: {  	(v2sf) =	vpush v0, $0x0;
	_ =	sdelay $0x1  }
0x206: {  	(v2sf) =	vpush v0, $0x1  }
0x207: {  	(v2sf) =	vpush v0, $0x5;
	_ =	sdelay $0x1  }
0x208: {  	(v2sf) =	vpush v0, $0x6  }
0x209: {  	(v2sf) =	vpush v0, $0x7;
	_ =	sdelay $0x1  }
0x20a: {  	(v2sf) =	vpush v0, $0x2  }
0x20b: {  	s28 =	simm.s32 $0x2000;
	s29 =	simm.s32 $0x10  }
0x20c: {  	s9 =	simm.s32 $0x480;
	s7 =	simm.s32 $0x800;
	s6 =	simm.s32 $0x780  }
0x20d: {  	s1 =	simm.s32 $0x500;
	s10 =	simm.s32 $0x700;
	[dreg:$0xc] =	wrdreg s6  }
0x20e: {  	s8 =	simm.s32 $0x680;
	s17 =	simm.s32 $0x980;
	[dreg:$0x7] =	wrdreg s7  }
0x20f: {  	s18 =	simm.s32 $0x900;
	s26 =	simm.s32 $0x0;
	[dreg:$0x17] =	wrdreg s8;
	(v2sf) =	vpush v0, $0x4  }
0x210: {  	[dreg:$0x12] =	wrdreg s10;
	s8 =	simm.s32 $0x600;
	(v2sf) =	vpush v0, $0x3;
	s12 =	spop (v2sf)  }
0x211: {  	s4 =	simm.s32 $0x400;
	(v2sf) =	vpush v0, $0xF;
	s14 =	sand.u32 $0xFFFFFC00, s12;
	s15 =	spop (v2sf)  }
0x212: {  	s6 =	sand.u32 $0x380, s12;
	s16 =	sand.u32 $0xFFFFFC00, s15;
	s10 =	sadd.s32 s5, s14  }
0x213: {  	(v2sf) =	vpush v0, $0x8;
	s19 =	spop (v2sf);
	s12 =	sand.u32 $0x380, s15;
	s13 =	sadd.s32 s5, s16  }
0x214: {  	s20 =	sand.u32 $0xFFFFFC00, s19;
	s6 =	sor.u32 s6, s10;
	s21 =	spop (v2sf)  }
0x215: {  	s14 =	sand.u32 $0x380, s19;
	s12 =	sor.u32 s12, s13;
	s22 =	sand.u32 $0xFFFFFC00, s21  }
0x216: {  	(v2sf) =	vpush v0, $0xB;
	s16 =	spop (v2sf);
	s15 =	sadd.s32 s5, s20;
	s10 =	sand.u32 $0x380, s21  }
0x217: {  	s12 =	sshrl.u32 s12, $0x3;
	s23 =	spop (v2sf);
	s13 =	sadd.s32 s5, s22  }
0x218: {  	(v2sf) =	vpush v0, $0x9;
	s0 =	sand.u32 $0xFFFFFC00, s16;
	s16 =	sand.u32 $0x380, s16;
	s14 =	sor.u32 s14, s15  }
0x219: {  	s24 =	spop (v2sf);
	s7 =	sand.u32 $0x380, s23;
	s19 =	sand.u32 $0xFFFFFC00, s23  }
0x21a: {  	(v2sf) =	vpush v0, $0xC;
	s22 =	sadd.s32 s5, s0;
	s0 =	sor.u32 s10, s13;
	s12 =	sadd.s32 s3, s12  }
0x21b: {  	s31 =	sshrl.u32 s14, $0x3;
	s25 =	sand.u32 $0xFFFFFC00, s24;
	s20 =	sand.u32 $0x380, s24  }
0x21c: {  	[tilespmem:s4], [sflag:$0x1] =	stream.linear.gather [hbm4b:s12+s2], $0x80, $0x38;
	[tilespmem:$0x8400] =	vst v63  }
0x21d: {  	s19 =	sadd.s32 s5, s19;
	s13 =	sor.u32 s16, s22;
	s21 =	sadd.s32 s5, s25  }
0x21e: {  	s31 =	sadd.s32 s3, s31;
	s20 =	sor.u32 s20, s21;
	s21 =	spop (v2sf)  }
0x21f: {  	s19 =	sor.u32 s7, s19;
	s13 =	sshrl.u32 s13, $0x3;
	s10 =	spop (v2sf)  }
0x220: {  	s19 =	sshrl.u32 s19, $0x3;
	s20 =	sshrl.u32 s20, $0x3;
	s22 =	spop (v2sf)  }
0x221: {  	s15 =	sadd.s32 s3, s20;
	s24 =	sand.u32 $0x380, s10;
	s7 =	sand.u32 $0xFFFFFC00, s10  }
0x222: {  	s10 =	sand.u32 $0xFFFFFC00, s21;
	s21 =	sand.u32 $0x380, s21;
	s23 =	spop (v2sf)  }
0x223: {  	s12 =	sadd.s32 s5, s7;
	s4 =	sand.u32 $0xFFFFFC00, s23;
	s16 =	sand.u32 $0x380, s23  }
0x224: {  	s20 =	sor.u32 s24, s12;
	s24 =	sadd.s32 s5, s10;
	s12 =	sand.u32 $0x380, s22  }
0x225: {  	s4 =	sadd.s32 s5, s4;
	s21 =	sor.u32 s21, s24;
	s25 =	spop (v2sf)  }
0x226: {  	s24 =	sor.u32 s16, s4;
	s16 =	sadd.s32 s3, s19;
	s23 =	sand.u32 $0xFFFFFC00, s25  }
0x227: {  	s10 =	spop (v2sf);
	s7 =	sadd.s32 s5, s23;
	s23 =	sand.u32 $0x380, s25  }
0x228: {  	s25 =	sand.u32 $0xFFFFFC00, s22;
	s4 =	sand.u32 $0x380, s10;
	s22 =	sshrl.u32 s0, $0x3  }
0x229: {  	s19 =	spop (v2sf);
	s30 =	sor.u32 s23, s7;
	s14 =	sadd.s32 s5, s25  }
0x22a: {  	(v2sf) =	vpush v0, $0xD;
	s23 =	sshrl.u32 s21, $0x3;
	s25 =	sand.u32 $0xFFFFFC00, s10;
	s21 =	simm.s32 $0x580  }
.LBB2_8:
0x22b: {  	_ =	sdelay $0x5  }
0x22c: {  	s10 =	sshrl.u32 s20, $0x3;
	s20 =	sshrl.u32 s30, $0x3;
	s30 =	sand.u32 $0xFFFFFC00, s19;
	(v2sf) =	vpush v0, $0xE  }
0x22d: {  	[tilespmem:s9], [sflag:$0x2] =	stream.linear.gather [hbm4b:s31+s2], $0x80, $0x38;
	[tilespmem:$0x8400] =	vst v63  }
0x22e: {  	s0 =	sand.u32 $0x380, s19;
	s7 =	sadd.s32 s3, s23;
	s19 =	sadd.s32 s5, s25  }
0x22f: {  	[tilespmem:s1], [sflag:$0x3] =	stream.linear.gather [hbm4b:s15+s2], $0x80, $0x38;
	[tilespmem:$0x8400] =	vst v63  }
0x230: {  	s6 =	sshrl.u32 s6, $0x3;
	s9 =	sadd.s32 s3, s10;
	s10 =	sadd.s32 s5, s30  }
0x231: {  	[tilespmem:s21], [sflag:$0x4] =	stream.linear.gather [hbm4b:s9+s2], $0x80, $0x38;
	[tilespmem:$0x8400] =	vst v63  }
0x232: {  	s25 =	rddreg [dreg:$0x7];
	s4 =	sor.u32 s4, s19;
	s10 =	sor.u32 s0, s10  }
0x233: {  	[tilespmem:s8], [sflag:$0x1] =	stream.linear.gather [hbm4b:s7+s2], $0x80, $0x38;
	[tilespmem:$0x8400] =	vst v63  }
0x234: {  	s1 =	sadd.s32 s3, s22;
	s4 =	sshrl.u32 s4, $0x3;
	s0 =	spop (v2sf)  }
0x235: {  	s21 =	sand.u32 $0xFFFFFC00, s0;
	s23 =	sand.u32 $0x380, s0;
	s0 =	rddreg [dreg:$0x17]  }
0x236: {  	[tilespmem:s0], [sflag:$0x2] =	stream.linear.gather [hbm4b:s1+s2], $0x80, $0x38;
	[tilespmem:$0x8400] =	vst v63  }
0x237: {  	s7 =	sadd.s32 s3, s13;
	s22 =	sadd.s32 s5, s21;
	s21 =	rddreg [dreg:$0x12]  }
0x238: {  	[tilespmem:s21], [sflag:$0x3] =	stream.linear.gather [hbm4b:s7+s2], $0x80, $0x38;
	[tilespmem:$0x8400] =	vst v63  }
0x239: {  	s1 =	sshrl.u32 s24, $0x3;
	s8 =	sor.u32 s23, s22;
	s23 =	rddreg [dreg:$0xc]  }
0x23a: {  	[tilespmem:s23], [sflag:$0x4] =	stream.linear.gather [hbm4b:s16+s2], $0x80, $0x38;
	[tilespmem:$0x8400] =	vst v63  }
0x23b: {  	s9 =	sadd.s32 $0x880, s26;
	s13 =	spop (v2sf);
	s24 =	sadd.s32 s3, s1  }
0x23c: {  	[tilespmem:s25], [sflag:$0x1] =	stream.linear.gather [hbm4b:s24+s2], $0x80, $0x38;
	[tilespmem:$0x8400] =	vst v63  }
0x23d: {  	s22 =	sshrl.u32 s8, $0x3;
	s8 =	sor.u32 s12, s14;
	s12 =	sadd.s32 s3, s4  }
0x23e: {  	[tilespmem:s9], [sflag:$0x2] =	stream.linear.gather [hbm4b:s12+s2], $0x80, $0x38;
	[tilespmem:$0x8400] =	vst v63  }
0x23f: {  	s15 =	sadd.s32 s3, s20;
	s14 =	sadd.s32 s3, s6;
	s16 =	sand.u32 $0xFFFFFC00, s13  }
0x240: {  	[tilespmem:s18], [sflag:$0x3] =	stream.linear.gather [hbm4b:s14+s2], $0x80, $0x38;
	[tilespmem:$0x8400] =	vst v63  }
0x241: {  	s10 =	sshrl.u32 s10, $0x3;
	s4 =	sand.u32 $0x380, s13;
	s6 =	sadd.s32 s5, s16  }
0x242: {  	[tilespmem:s17], [sflag:$0x4] =	stream.linear.gather [hbm4b:s15+s2], $0x80, $0x38;
	[tilespmem:$0x8400] =	vst v63  }
0x243: {  	s20 =	sadd.s32 $0xA00, s26;
	s19 =	sadd.s32 s3, s10;
	s4 =	sor.u32 s4, s6  }
0x244: {  	[tilespmem:s20], [sflag:$0x1] =	stream.linear.gather [hbm4b:s19+s2], $0x80, $0x38;
	[tilespmem:$0x8400] =	vst v63  }
0x245: {  	s21 =	sadd.s32 $0xA80, s26;
	s7 =	sadd.s32 s3, s22;
	s22 =	sshrl.u32 s4, $0x3  }
0x246: {  	[tilespmem:s21], [sflag:$0x2] =	stream.linear.gather [hbm4b:s7+s2], $0x80, $0x38;
	[tilespmem:$0x8400] =	vst v63  }
0x247: {  	s23 =	sshrl.u32 s8, $0x3;
	s24 =	sadd.s32 $0xB00, s26;
	s1 =	sadd.s32 s3, s22  }
0x248: {  	[tilespmem:s24], [sflag:$0x3] =	stream.linear.gather [hbm4b:s1+s2], $0x80, $0x38;
	[tilespmem:$0x8400] =	vst v63  }
0x249: {  	s25 =	sand.u32 $0xF0, s29;
	s26 =	sadd.s32 $0xB80, s26;
	s4 =	sadd.s32 s3, s23  }
0x24a: {  	[tilespmem:s26], [sflag:$0x4] =	stream.linear.gather [hbm4b:s4+s2], $0x80, $0x38;
	[tilespmem:$0x8400] =	vst v63  }
0x24b: {  	v0 =	vld [tilespmem:s25+$0x300];
	_ =	sdelay $0x4  }
0x24c: {  	v0 =	vshll.u32 v0, $0x7  }
0x24d: {  	(v2sf) =	vpush v0, $0xA  }
0x24e: {  	(v2sf) =	vpush v0, $0x0;
	_ =	sdelay $0x1  }
0x24f: {  	(v2sf) =	vpush v0, $0x1;
	_ =	sdelay $0x1  }
0x250: {  	(v2sf) =	vpush v0, $0x5  }
0x251: {  	(v2sf) =	vpush v0, $0x6  }
0x252: {  	(v2sf) =	vpush v0, $0x7  }
0x253: {  	s6 =	smov.u32 s28  }
0x254: {  	s26 =	sshra.s32 s6, $0x2;
	(v2sf) =	vpush v0, $0x2  }
0x255: {  	p0 =	sne.s32 s28, $0x1E000;
	s28 =	sadd.s32 $0x2000, s28;
	s0 =	sadd.s32 $0x400, s26  }
0x256: {  	s29 =	sadd.s32 $0x10, s29;
	s7 =	sadd.s32 $0x500, s26;
	[dreg:$0x1c] =	wrdreg s0  }
0x257: {  	s9 =	sadd.s32 $0x480, s26;
	s8 =	sadd.s32 $0x780, s26;
	[smem:$0x7EF] =	sst s7  }
0x258: {  	s10 =	sadd.s32 $0x980, s26;
	s12 =	sadd.s32 $0x800, s26;
	[dreg:$0xc] =	wrdreg s8  }
0x259: {  	s13 =	sadd.s32 $0x680, s26;
	s14 =	sadd.s32 $0x700, s26;
	[dreg:$0x7] =	wrdreg s12;
	(v2sf) =	vpush v0, $0x4  }
0x25a: {  	s7 =	sadd.s32 $0x900, s26;
	[dreg:$0x17] =	wrdreg s13;
	(v2sf) =	vpush v0, $0x3;
	s15 =	spop (v2sf)  }
0x25b: {  	[dreg:$0x12] =	wrdreg s14;
	s8 =	sadd.s32 $0x600, s26;
	(v2sf) =	vpush v0, $0xF;
	s17 =	spop (v2sf)  }
0x25c: {  	s16 =	sand.u32 $0xFFFFFC00, s15;
	s4 =	sand.u32 $0x380, s15;
	s18 =	sand.u32 $0xFFFFFC00, s17  }
0x25d: {  	(v2sf) =	vpush v0, $0x8;
	s6 =	sadd.s32 s5, s16;
	s19 =	spop (v2sf);
	s12 =	sand.u32 $0x380, s17  }
0x25e: {  	s13 =	sadd.s32 s5, s18;
	s20 =	sand.u32 $0xFFFFFC00, s19;
	s6 =	sor.u32 s4, s6  }
0x25f: {  	s21 =	spop (v2sf);
	s14 =	sand.u32 $0x380, s19;
	s12 =	sor.u32 s12, s13  }
0x260: {  	(v2sf) =	vpush v0, $0xB;
	s22 =	sand.u32 $0xFFFFFC00, s21;
	s23 =	spop (v2sf);
	s15 =	sadd.s32 s5, s20  }
0x261: {  	s4 =	sand.u32 $0x380, s21;
	s12 =	sshrl.u32 s12, $0x3;
	s24 =	spop (v2sf)  }
0x262: {  	s13 =	sadd.s32 s5, s22;
	s1 =	sand.u32 $0xFFFFFC00, s23;
	s16 =	sand.u32 $0x380, s23  }
0x263: {  	s25 =	spop (v2sf);
	s17 =	sand.u32 $0x380, s24;
	s19 =	sand.u32 $0xFFFFFC00, s24  }
0x264: {  	(v2sf) =	vpush v0, $0x9;
	s22 =	sadd.s32 s5, s1;
	s30 =	sor.u32 s4, s13;
	s0 =	sand.u32 $0xFFFFFC00, s25  }
0x265: {  	s20 =	sand.u32 $0x380, s25;
	s19 =	sadd.s32 s5, s19;
	s4 =	sor.u32 s16, s22  }
0x266: {  	s21 =	sadd.s32 s5, s0;
	s0 =	sadd.s32 s3, s12;
	s12 =	sor.u32 s14, s15  }
0x267: {  	(v2sf) =	vpush v0, $0xC;
	s24 =	sor.u32 s17, s19;
	s13 =	sshrl.u32 s4, $0x3;
	s20 =	sor.u32 s20, s21  }
0x268: {  	s21 =	spop (v2sf);
	s16 =	sshrl.u32 s24, $0x3;
	s31 =	sshrl.u32 s12, $0x3  }
0x269: {  	s18 =	spop (v2sf);
	s22 =	sshrl.u32 s20, $0x3;
	s24 =	sand.u32 $0x380, s21  }
0x26a: {  	s16 =	sadd.s32 s3, s16;
	s31 =	sadd.s32 s3, s31;
	s14 =	spop (v2sf)  }
0x26b: {  	s15 =	sadd.s32 s3, s22;
	s20 =	sand.u32 $0x380, s18;
	s17 =	sand.u32 $0xFFFFFC00, s18  }
0x26c: {  	s25 =	spop (v2sf);
	s18 =	sadd.s32 s5, s17;
	s12 =	sand.u32 $0x380, s14  }
0x26d: {  	s1 =	sand.u32 $0xFFFFFC00, s25;
	s19 =	sand.u32 $0x380, s25;
	s25 =	sand.u32 $0xFFFFFC00, s21  }
0x26e: {  	s20 =	sor.u32 s20, s18;
	s21 =	sadd.s32 $0x580, s26;
	s23 =	sadd.s32 s5, s1  }
0x26f: {  	s18 =	sadd.s32 s5, s25;
	s25 =	sand.u32 $0xFFFFFC00, s14;
	s22 =	spop (v2sf)  }
0x270: {  	s18 =	sor.u32 s24, s18;
	s24 =	sor.u32 s19, s23;
	s14 =	sadd.s32 s5, s25  }
0x271: {  	s17 =	sand.u32 $0xFFFFFC00, s22;
	s23 =	sshrl.u32 s18, $0x3;
	s18 =	smov.u32 s7  }
.Ltmp3:
0x272: {  	s7 =	sand.u32 $0x380, s22;
	s17 =	sadd.s32 s5, s17;
	(pc) =	sbr.rel @p0 .LBB2_8-.Ltmp3, $4  }
0x273: {  	s22 =	sshrl.u32 s30, $0x3;
	s1 =	spop (v2sf);
	s30 =	sor.u32 s7, s17  }
0x274: {  	s17 =	smov.u32 s10;
	s10 =	rddreg [dreg:$0x1c];
	s4 =	sand.u32 $0x380, s1  }
0x275: {  	[tilespmem:s10], [sflag:$0x1] =	stream.linear.gather [hbm4b:s0+s2], $0x80, $0x38;
	[tilespmem:$0x8400] =	vst v63  }
0x276: {  	(v2sf) =	vpush v0, $0xD;
	s25 =	sand.u32 $0xFFFFFC00, s1;
	s1 =	sld [smem:$0x7EF];
	s19 =	spop (v2sf)  }
0x277: {  	_ =	sdelay $0x3  }
0x278: {  	[tilespmem:s9], [sflag:$0x2] =	stream.linear.gather [hbm4b:s31+s2], $0x80, $0x38;
	[tilespmem:$0x8400] =	vst v63  }
0x279: {  	s0 =	sshrl.u32 s20, $0x3;
	s7 =	sshrl.u32 s30, $0x3;
	s10 =	sadd.s32 s3, s23  }
0x27a: {  	(v2sf) =	vpush v0, $0xE;
	[tilespmem:s1], [sflag:$0x3] =	stream.linear.gather [hbm4b:s15+s2], $0x80, $0x38;
	[tilespmem:$0x8400] =	vst v63  }
0x27b: {  	s22 =	sadd.s32 s3, s22;
	s6 =	sshrl.u32 s6, $0x3;
	s15 =	sand.u32 $0xFFFFFC00, s19  }
0x27c: {  	s0 =	sadd.s32 s3, s0;
	s19 =	sand.u32 $0x380, s19;
	s1 =	sadd.s32 s5, s15  }
0x27d: {  	[tilespmem:s21], [sflag:$0x4] =	stream.linear.gather [hbm4b:s0+s2], $0x80, $0x38;
	[tilespmem:$0x8400] =	vst v63  }
0x27e: {  	s14 =	sor.u32 s12, s14;
	s21 =	sor.u32 s19, s1;
	s19 =	rddreg [dreg:$0x17]  }
0x27f: {  	[tilespmem:s8], [sflag:$0x1] =	stream.linear.gather [hbm4b:s10+s2], $0x80, $0x38;
	[tilespmem:$0x8400] =	vst v63  }
0x280: {  	s0 =	sshrl.u32 s21, $0x3;
	s21 =	sadd.s32 s5, s25;
	s25 =	rddreg [dreg:$0x7]  }
0x281: {  	[tilespmem:s19], [sflag:$0x2] =	stream.linear.gather [hbm4b:s22+s2], $0x80, $0x38;
	[tilespmem:$0x8400] =	vst v63  }
0x282: {  	s4 =	sor.u32 s4, s21;
	s22 =	rddreg [dreg:$0x12];
	s20 =	spop (v2sf)  }
0x283: {  	s23 =	sand.u32 $0xFFFFFC00, s20;
	s15 =	sand.u32 $0x380, s20;
	s20 =	sadd.s32 s3, s13  }
0x284: {  	[tilespmem:s22], [sflag:$0x3] =	stream.linear.gather [hbm4b:s20+s2], $0x80, $0x38;
	[tilespmem:$0x8400] =	vst v63  }
0x285: {  	s9 =	sadd.s32 s5, s23;
	s23 =	sshrl.u32 s24, $0x3;
	s24 =	rddreg [dreg:$0xc]  }
0x286: {  	[tilespmem:s24], [sflag:$0x4] =	stream.linear.gather [hbm4b:s16+s2], $0x80, $0x38;
	[tilespmem:$0x8400] =	vst v63  }
0x287: {  	s10 =	sadd.s32 $0x880, s26;
	s4 =	sshrl.u32 s4, $0x3;
	s1 =	sadd.s32 s3, s23  }
0x288: {  	[tilespmem:s25], [sflag:$0x1] =	stream.linear.gather [hbm4b:s1+s2], $0x80, $0x38;
	[tilespmem:$0x8400] =	vst v63  }
0x289: {  	s0 =	sadd.s32 s3, s0;
	s4 =	sadd.s32 s3, s4;
	s13 =	spop (v2sf)  }
0x28a: {  	[tilespmem:s10], [sflag:$0x2] =	stream.linear.gather [hbm4b:s4+s2], $0x80, $0x38;
	[tilespmem:$0x8400] =	vst v63  }
0x28b: {  	s8 =	sor.u32 s15, s9;
	s15 =	sadd.s32 s3, s6;
	s16 =	sand.u32 $0xFFFFFC00, s13  }
0x28c: {  	[tilespmem:s18], [sflag:$0x3] =	stream.linear.gather [hbm4b:s15+s2], $0x80, $0x38;
	[tilespmem:$0x8400] =	vst v63  }
0x28d: {  	s19 =	sand.u32 $0x380, s13;
	s6 =	sadd.s32 s5, s16;
	s18 =	sadd.s32 s3, s7  }
0x28e: {  	[tilespmem:s17], [sflag:$0x4] =	stream.linear.gather [hbm4b:s18+s2], $0x80, $0x38;
	[tilespmem:$0x8400] =	vst v63  }
0x28f: {  	s20 =	sadd.s32 $0xA00, s26;
	s8 =	sshrl.u32 s8, $0x3;
	s6 =	sor.u32 s19, s6  }
0x290: {  	[tilespmem:s20], [sflag:$0x1] =	stream.linear.gather [hbm4b:s0+s2], $0x80, $0x38;
	[tilespmem:$0x8400] =	vst v63  }
0x291: {  	s22 =	sadd.s32 $0xA80, s26;
	s21 =	sadd.s32 s3, s8;
	s6 =	sshrl.u32 s6, $0x3  }
0x292: {  	[tilespmem:s22], [sflag:$0x2] =	stream.linear.gather [hbm4b:s21+s2], $0x80, $0x38;
	[tilespmem:$0x8400] =	vst v63  }
0x293: {  	s23 =	sshrl.u32 s14, $0x3;
	s24 =	sadd.s32 $0xB00, s26;
	s25 =	sadd.s32 s3, s6  }
0x294: {  	[tilespmem:s24], [sflag:$0x3] =	stream.linear.gather [hbm4b:s25+s2], $0x80, $0x38;
	[tilespmem:$0x8400] =	vst v63  }
0x295: {  	s26 =	sadd.s32 $0xB80, s26;
	s4 =	simm.s32 $0x1;
	s0 =	sadd.s32 s3, s23  }
0x296: {  	[tilespmem:s26], [sflag:$0x4] =	stream.linear.gather [hbm4b:s0+s2], $0x80, $0x38;
	[tilespmem:$0x8400] =	vst v63  }
0x297: {  	_ =	swait.ge [sflag:s4], $0x2000  }
0x298: {  	[sflag:s4] =	ssyncset.done $0x0  }
0x299: {  	s6 =	simm.s32 $0x2;
	[sflag:s4] =	ssyncadd.s32 $0xFFFFE000  }
0x29a: {  	_ =	swait.ge [sflag:s6], $0x2000  }
0x29b: {  	[sflag:s6] =	ssyncset.done $0x0  }
0x29c: {  	s7 =	simm.s32 $0x3;
	[sflag:s6] =	ssyncadd.s32 $0xFFFFE000  }
0x29d: {  	_ =	swait.ge [sflag:s7], $0x2000  }
0x29e: {  	[sflag:s7] =	ssyncset.done $0x0  }
0x29f: {  	s8 =	simm.s32 $0x4;
	[sflag:s7] =	ssyncadd.s32 $0xFFFFE000  }
0x2a0: {  	_ =	swait.ge [sflag:s8], $0x2000  }
0x2a1: {  	s10 =	sld [smem:$0x7F6]  }
0x2a2: {  	s12 =	simm.s32 $0x400;
	[sflag:s8] =	ssyncset.done $0x0  }
0x2a3: {  	s9 =	simm.s32 $0x0;
	s24 =	simm.s32 $0x5;
	[sflag:s8] =	ssyncadd.s32 $0xFFFFE000  }
0x2a4: {  	[hbm4b:s10+s9] =	stream.linear.scatter [tilespmem:s12], [sflag:$0x5], $0x8000, $0x38;
	[tilespmem:$0x8400] =	vst v63  }
0x2a5: {  	_ =	swait.ge [sflag:s24], $0x8000  }
0x2a6: {  	s13 =	sld [smem:$0x7F8]  }
0x2a7: {  	[sflag:s24] =	ssyncset.done $0x0  }
0x2a8: {  	s14 =	simm.s32 $0x80;
	s15 =	simm.s32 $0x100;
	[sflag:s24] =	ssyncadd.s32 $0xFFFF8000  }
0x2a9: {  	[tilespmem:s9], [sflag:$0x5] =	stream.strided.gather [hbm4b:s13+s14], $0x400, s15, s14, $0x38;
	[tilespmem:$0x8400] =	vst v63  }
0x2aa: {  	_ =	swait.ge [sflag:s24], $0x400  }
0x2ab: {  	[sflag:s24] =	ssyncset.done $0x0  }
0x2ac: {  	[sflag:s24] =	ssyncadd.s32 $0xFFFFFC00  }
0x2ad: {  	v0 =	vld [tilespmem:s9+$0x0];
	_ =	sdelay $0x4  }
0x2ae: {  	v0 =	vshll.u32 v0, $0x7  }
0x2af: {  	(v2sf) =	vpush v0, $0x3  }
0x2b0: {  	(v2sf) =	vpush v0, $0x0  }
0x2b1: {  	(v2sf) =	vpush v0, $0xA;
	_ =	sdelay $0x1  }
0x2b2: {  	(v2sf) =	vpush v0, $0x1  }
0x2b3: {  	(v2sf) =	vpush v0, $0x5;
	_ =	sdelay $0x1  }
0x2b4: {  	(v2sf) =	vpush v0, $0x6;
	_ =	sdelay $0x1  }
0x2b5: {  	(v2sf) =	vpush v0, $0x2;
	_ =	sdelay $0x1  }
0x2b6: {  	s28 =	simm.s32 $0x2000  }
0x2b7: {  	s30 =	simm.s32 $0x880;
	s29 =	simm.s32 $0x10;
	s31 =	simm.s32 $0x800  }
0x2b8: {  	s1 =	simm.s32 $0x700;
	s18 =	simm.s32 $0x680;
	s26 =	simm.s32 $0x0  }
0x2b9: {  	s0 =	simm.s32 $0x780;
	s4 =	simm.s32 $0x400;
	s6 =	simm.s32 $0x600  }
0x2ba: {  	s7 =	simm.s32 $0x580;
	s10 =	simm.s32 $0x500;
	(v2sf) =	vpush v0, $0x8;
	s16 =	spop (v2sf)  }
0x2bb: {  	s9 =	simm.s32 $0x480;
	(v2sf) =	vpush v0, $0x9;
	s17 =	sand.u32 $0xFFFFFC00, s16;
	s19 =	spop (v2sf)  }
0x2bc: {  	(v2sf) =	vpush v0, $0xB;
	s8 =	sand.u32 $0x380, s16;
	s12 =	sadd.s32 s11, s17;
	s14 =	spop (v2sf)  }
0x2bd: {  	s20 =	sand.u32 $0xFFFFFC00, s19;
	s13 =	sand.u32 $0x380, s19;
	s17 =	sand.u32 $0x380, s14  }
0x2be: {  	s16 =	spop (v2sf);
	s15 =	sadd.s32 s11, s20;
	s12 =	sor.u32 s8, s12  }
0x2bf: {  	s8 =	sand.u32 $0xFFFFFC00, s14;
	s19 =	spop (v2sf);
	s21 =	sand.u32 $0xFFFFFC00, s16  }
0x2c0: {  	s13 =	sor.u32 s13, s15;
	s16 =	sand.u32 $0x380, s16;
	s22 =	sand.u32 $0xFFFFFC00, s19  }
0x2c1: {  	(v2sf) =	vpush v0, $0xE;
	s23 =	spop (v2sf);
	s25 =	sadd.s32 s11, s21;
	s19 =	sand.u32 $0x380, s19  }
0x2c2: {  	(v2sf) =	vpush v0, $0x4;
	s13 =	sshrl.u32 s13, $0x3;
	s20 =	sand.u32 $0x380, s23;
	s21 =	sadd.s32 s11, s22  }
0x2c3: {  	(v2sf) =	vpush v0, $0xC;
	s22 =	sand.u32 $0xFFFFFC00, s23;
	s15 =	sor.u32 s16, s25;
	s23 =	spop (v2sf)  }
0x2c4: {  	(v2sf) =	vpush v0, $0x7;
	s13 =	sadd.s32 s3, s13;
	s16 =	sor.u32 s19, s21;
	s25 =	sand.u32 $0xFFFFFC00, s23  }
0x2c5: {  	[tilespmem:s4], [sflag:$0x1] =	stream.linear.gather [hbm4b:s13+s2], $0x80, $0x38;
	[tilespmem:$0x8400] =	vst v63  }
0x2c6: {  	s19 =	sand.u32 $0x380, s23;
	s15 =	sshrl.u32 s15, $0x3;
	s21 =	sadd.s32 s11, s25  }
0x2c7: {  	s25 =	sadd.s32 s11, s22;
	s15 =	sadd.s32 s3, s15;
	s19 =	sor.u32 s19, s21  }
0x2c8: {  	[tilespmem:s9], [sflag:$0x2] =	stream.linear.gather [hbm4b:s15+s2], $0x80, $0x38;
	[tilespmem:$0x8400] =	vst v63  }
0x2c9: {  	s21 =	spop (v2sf);
	s13 =	sor.u32 s20, s25;
	s23 =	sshrl.u32 s19, $0x3  }
0x2ca: {  	s19 =	spop (v2sf);
	s20 =	sand.u32 $0xFFFFFC00, s21;
	s21 =	sand.u32 $0x380, s21  }
0x2cb: {  	s4 =	sadd.s32 s3, s23;
	s23 =	sadd.s32 s11, s20;
	s22 =	spop (v2sf);
	(v2sf) =	vpush v0, $0xD  }
0x2cc: {  	[tilespmem:s10], [sflag:$0x3] =	stream.linear.gather [hbm4b:s4+s2], $0x80, $0x38;
	[tilespmem:$0x8400] =	vst v63  }
0x2cd: {  	s12 =	sshrl.u32 s12, $0x3;
	s16 =	sshrl.u32 s16, $0x3;
	s20 =	sor.u32 s21, s23  }
0x2ce: {  	s15 =	sadd.s32 s3, s12;
	s9 =	sshrl.u32 s13, $0x3;
	s4 =	sshrl.u32 s20, $0x3  }
0x2cf: {  	s21 =	sand.u32 $0xFFFFFC00, s19;
	s19 =	sand.u32 $0x380, s19;
	s10 =	sadd.s32 s3, s4  }
0x2d0: {  	s25 =	sand.u32 $0xFFFFFC00, s22;
	s14 =	sand.u32 $0x380, s22;
	s12 =	spop (v2sf)  }
0x2d1: {  	s22 =	sadd.s32 s11, s21;
	s13 =	sadd.s32 s11, s25;
	s23 =	spop (v2sf)  }
0x2d2: {  	s4 =	sor.u32 s19, s22;
	s25 =	sand.u32 $0xFFFFFC00, s23;
	s19 =	spop (v2sf)  }
0x2d3: {  	s20 =	sand.u32 $0x380, s23;
	s21 =	sadd.s32 s11, s25;
	s22 =	spop (v2sf)  }
0x2d4: {  	s4 =	sshrl.u32 s4, $0x3;
	s21 =	sor.u32 s20, s21;
	s20 =	sand.u32 $0xFFFFFC00, s22  }
.LBB2_10:
0x2d5: {  	[tilespmem:s7], [sflag:$0x4] =	stream.linear.gather [hbm4b:s15+s2], $0x80, $0x38;
	[tilespmem:$0x8400] =	vst v63  }
0x2d6: {  	s7 =	smov.u32 s28  }
0x2d7: {  	s15 =	sand.u32 $0x380, s22;
	s13 =	sor.u32 s14, s13;
	s14 =	sand.u32 $0xFFFFFC00, s19  }
0x2d8: {  	s19 =	sand.u32 $0x380, s19;
	s13 =	sshrl.u32 s13, $0x3;
	s14 =	sadd.s32 s11, s14;
	(v2sf) =	vpush v0, $0xF  }
0x2d9: {  	s21 =	sshrl.u32 s21, $0x3;
	s16 =	sadd.s32 s3, s16;
	s20 =	sadd.s32 s11, s20  }
0x2da: {  	s15 =	sor.u32 s15, s20;
	s14 =	sor.u32 s19, s14;
	s19 =	spop (v2sf)  }
0x2db: {  	s20 =	sadd.s32 s3, s21;
	s15 =	sshrl.u32 s15, $0x3;
	s21 =	sand.u32 $0x380, s19  }
0x2dc: {  	[tilespmem:s6], [sflag:$0x1] =	stream.linear.gather [hbm4b:s20+s2], $0x80, $0x38;
	[tilespmem:$0x8400] =	vst v63  }
0x2dd: {  	s6 =	sadd.s32 s3, s9;
	s9 =	sand.u32 $0xFFFFFC00, s19;
	s19 =	sand.u32 $0xFFFFFC00, s12  }
0x2de: {  	[tilespmem:s18], [sflag:$0x2] =	stream.linear.gather [hbm4b:s16+s2], $0x80, $0x38;
	[tilespmem:$0x8400] =	vst v63  }
0x2df: {  	s12 =	sand.u32 $0x380, s12;
	s9 =	sadd.s32 s11, s9;
	s16 =	sadd.s32 s11, s19  }
0x2e0: {  	[tilespmem:s1], [sflag:$0x3] =	stream.linear.gather [hbm4b:s6+s2], $0x80, $0x38;
	[tilespmem:$0x8400] =	vst v63  }
0x2e1: {  	s1 =	sadd.s32 s3, s15;
	s6 =	sor.u32 s21, s9;
	s9 =	sor.u32 s12, s16  }
0x2e2: {  	[tilespmem:s0], [sflag:$0x4] =	stream.linear.gather [hbm4b:s1+s2], $0x80, $0x38;
	[tilespmem:$0x8400] =	vst v63  }
0x2e3: {  	s0 =	sadd.s32 s11, s8;
	s1 =	sshrl.u32 s6, $0x3;
	s6 =	sshrl.u32 s9, $0x3  }
0x2e4: {  	[tilespmem:s31], [sflag:$0x1] =	stream.linear.gather [hbm4b:s10+s2], $0x80, $0x38;
	[tilespmem:$0x8400] =	vst v63  }
0x2e5: {  	s4 =	sadd.s32 s3, s4;
	s8 =	sshrl.u32 s14, $0x3;
	s0 =	sor.u32 s17, s0  }
0x2e6: {  	[tilespmem:s30], [sflag:$0x2] =	stream.linear.gather [hbm4b:s4+s2], $0x80, $0x38;
	[tilespmem:$0x8400] =	vst v63  }
0x2e7: {  	s0 =	sshrl.u32 s0, $0x3;
	s4 =	sadd.s32 $0x980, s26;
	s9 =	spop (v2sf)  }
0x2e8: {  	s10 =	sadd.s32 $0x900, s26;
	s0 =	sadd.s32 s3, s0;
	s12 =	sand.u32 $0xFFFFFC00, s9  }
0x2e9: {  	[tilespmem:s10], [sflag:$0x3] =	stream.linear.gather [hbm4b:s0+s2], $0x80, $0x38;
	[tilespmem:$0x8400] =	vst v63  }
0x2ea: {  	s9 =	sand.u32 $0x380, s9;
	s0 =	sadd.s32 s3, s13;
	s10 =	sadd.s32 s11, s12  }
0x2eb: {  	[tilespmem:s4], [sflag:$0x4] =	stream.linear.gather [hbm4b:s0+s2], $0x80, $0x38;
	[tilespmem:$0x8400] =	vst v63  }
0x2ec: {  	s0 =	sadd.s32 $0xA00, s26;
	s4 =	sadd.s32 s3, s8;
	s8 =	sor.u32 s9, s10  }
0x2ed: {  	[tilespmem:s0], [sflag:$0x1] =	stream.linear.gather [hbm4b:s4+s2], $0x80, $0x38;
	[tilespmem:$0x8400] =	vst v63  }
0x2ee: {  	s1 =	sadd.s32 s3, s1;
	s0 =	sadd.s32 $0xA80, s26;
	s4 =	sshrl.u32 s8, $0x3  }
0x2ef: {  	[tilespmem:s0], [sflag:$0x2] =	stream.linear.gather [hbm4b:s1+s2], $0x80, $0x38;
	[tilespmem:$0x8400] =	vst v63  }
0x2f0: {  	p0 =	sne.s32 s28, $0x1E000;
	s0 =	sadd.s32 $0xB00, s26;
	s1 =	sadd.s32 s3, s6  }
0x2f1: {  	[tilespmem:s0], [sflag:$0x3] =	stream.linear.gather [hbm4b:s1+s2], $0x80, $0x38;
	[tilespmem:$0x8400] =	vst v63  }
0x2f2: {  	s28 =	sadd.s32 $0x2000, s28;
	s0 =	sadd.s32 $0xB80, s26;
	s1 =	sadd.s32 s3, s4  }
0x2f3: {  	[tilespmem:s0], [sflag:$0x4] =	stream.linear.gather [hbm4b:s1+s2], $0x80, $0x38;
	[tilespmem:$0x8400] =	vst v63  }
0x2f4: {  	v0 =	vld [tilespmem:s29+$0x0];
	_ =	sdelay $0x4  }
0x2f5: {  	v0 =	vshll.u32 v0, $0x7  }
0x2f6: {  	(v2sf) =	vpush v0, $0x3  }
0x2f7: {  	(v2sf) =	vpush v0, $0x0  }
0x2f8: {  	(v2sf) =	vpush v0, $0xA  }
0x2f9: {  	(v2sf) =	vpush v0, $0x1  }
0x2fa: {  	(v2sf) =	vpush v0, $0x5  }
0x2fb: {  	(v2sf) =	vpush v0, $0x6;
	_ =	sdelay $0x1  }
0x2fc: {  	s26 =	sshra.s32 s7, $0x2  }
0x2fd: {  	(v2sf) =	vpush v0, $0x2;
	_ =	sdelay $0x2  }
0x2fe: {  	(v2sf) =	vpush v0, $0x8  }
0x2ff: {  	s30 =	sadd.s32 $0x880, s26;
	s8 =	sadd.s32 $0x400, s26;
	s29 =	sadd.s32 $0x10, s29  }
0x300: {  	s4 =	sadd.s32 $0x480, s26;
	s31 =	sadd.s32 $0x800, s26;
	s18 =	sadd.s32 $0x680, s26  }
0x301: {  	s7 =	sadd.s32 $0x580, s26;
	s1 =	sadd.s32 $0x700, s26;
	s0 =	sadd.s32 $0x780, s26;
	(v2sf) =	vpush v0, $0x9  }
0x302: {  	s6 =	sadd.s32 $0x600, s26;
	s10 =	sadd.s32 $0x500, s26;
	s9 =	spop (v2sf)  }
0x303: {  	s12 =	sand.u32 $0xFFFFFC00, s9;
	s13 =	spop (v2sf);
	s9 =	sand.u32 $0x380, s9  }
0x304: {  	s12 =	sadd.s32 s11, s12;
	s14 =	spop (v2sf);
	(v2sf) =	vpush v0, $0xB;
	s15 =	sand.u32 $0xFFFFFC00, s13  }
0x305: {  	s13 =	sand.u32 $0x380, s13;
	s17 =	sand.u32 $0x380, s14;
	s16 =	spop (v2sf)  }
0x306: {  	s15 =	sadd.s32 s11, s15;
	s9 =	sor.u32 s9, s12;
	s19 =	spop (v2sf)  }
0x307: {  	s20 =	sand.u32 $0xFFFFFC00, s16;
	s21 =	sand.u32 $0xFFFFFC00, s19;
	s22 =	spop (v2sf)  }
0x308: {  	s13 =	sor.u32 s13, s15;
	s15 =	sadd.s32 s11, s20;
	s20 =	sand.u32 $0x380, s22;
	(v2sf) =	vpush v0, $0xE  }
0x309: {  	s16 =	sand.u32 $0x380, s16;
	s21 =	sadd.s32 s11, s21;
	s22 =	sand.u32 $0xFFFFFC00, s22  }
0x30a: {  	s15 =	sor.u32 s16, s15;
	s16 =	sand.u32 $0x380, s19;
	s19 =	spop (v2sf);
	(v2sf) =	vpush v0, $0x4  }
0x30b: {  	s13 =	sshrl.u32 s13, $0x3;
	s23 =	sand.u32 $0xFFFFFC00, s19;
	s19 =	sand.u32 $0x380, s19;
	(v2sf) =	vpush v0, $0xC  }
0x30c: {  	s15 =	sshrl.u32 s15, $0x3;
	s16 =	sor.u32 s16, s21;
	s23 =	sadd.s32 s11, s23;
	(v2sf) =	vpush v0, $0x7  }
0x30d: {  	s13 =	sadd.s32 s3, s13;
	s19 =	sor.u32 s19, s23;
	s21 =	spop (v2sf)  }
0x30e: {  	[tilespmem:s8], [sflag:$0x1] =	stream.linear.gather [hbm4b:s13+s2], $0x80, $0x38;
	[tilespmem:$0x8400] =	vst v63  }
0x30f: {  	s12 =	sadd.s32 s11, s22;
	s15 =	sadd.s32 s3, s15;
	s13 =	sshrl.u32 s19, $0x3  }
0x310: {  	s8 =	sand.u32 $0xFFFFFC00, s14;
	s14 =	sshrl.u32 s9, $0x3;
	s19 =	spop (v2sf)  }
0x311: {  	s9 =	sor.u32 s20, s12;
	s20 =	sand.u32 $0x380, s21;
	s13 =	sadd.s32 s3, s13  }
0x312: {  	[tilespmem:s4], [sflag:$0x2] =	stream.linear.gather [hbm4b:s15+s2], $0x80, $0x38;
	(v2sf) =	vpush v0, $0xD;
	[tilespmem:$0x8400] =	vst v63  }
0x313: {  	s9 =	sshrl.u32 s9, $0x3;
	s4 =	sand.u32 $0xFFFFFC00, s21;
	s12 =	spop (v2sf)  }
0x314: {  	s15 =	sadd.s32 s3, s14;
	s4 =	sadd.s32 s11, s4;
	s21 =	sand.u32 $0xFFFFFC00, s12  }
0x315: {  	[tilespmem:s10], [sflag:$0x3] =	stream.linear.gather [hbm4b:s13+s2], $0x80, $0x38;
	[tilespmem:$0x8400] =	vst v63  }
0x316: {  	s14 =	sand.u32 $0x380, s12;
	s4 =	sor.u32 s20, s4;
	s13 =	sadd.s32 s11, s21  }
0x317: {  	s10 =	sand.u32 $0xFFFFFC00, s19;
	s4 =	sshrl.u32 s4, $0x3;
	s12 =	spop (v2sf)  }
.Ltmp4:
0x318: {  	s19 =	sand.u32 $0x380, s19;
	s20 =	sadd.s32 s11, s10;
	(pc) =	sbr.rel @p0 .LBB2_10-.Ltmp4, $4  }
0x319: {  	s10 =	sadd.s32 s3, s4;
	s4 =	sor.u32 s19, s20;
	s20 =	spop (v2sf)  }
0x31a: {  	s16 =	sshrl.u32 s16, $0x3;
	s21 =	sand.u32 $0xFFFFFC00, s20;
	s19 =	spop (v2sf)  }
0x31b: {  	s20 =	sand.u32 $0x380, s20;
	s21 =	sadd.s32 s11, s21;
	s22 =	spop (v2sf)  }
0x31c: {  	s4 =	sshrl.u32 s4, $0x3;
	s21 =	sor.u32 s20, s21;
	s20 =	sand.u32 $0xFFFFFC00, s22  }
0x31d: {  	[tilespmem:s7], [sflag:$0x4] =	stream.linear.gather [hbm4b:s15+s2], $0x80, $0x38;
	[tilespmem:$0x8400] =	vst v63  }
0x31e: {  	s13 =	sor.u32 s14, s13;
	s14 =	sand.u32 $0xFFFFFC00, s19  }
0x31f: {  	s15 =	sand.u32 $0x380, s22;
	s19 =	sand.u32 $0x380, s19;
	s21 =	sshrl.u32 s21, $0x3  }
0x320: {  	(v2sf) =	vpush v0, $0xF;
	s20 =	sadd.s32 s11, s20;
	s16 =	sadd.s32 s3, s16;
	s25 =	sand.u32 $0xFFFFFC00, s12  }
0x321: {  	s9 =	sadd.s32 s3, s9;
	s7 =	sshrl.u32 s13, $0x3;
	s13 =	sadd.s32 s11, s14  }
0x322: {  	s4 =	sadd.s32 s3, s4;
	s14 =	sor.u32 s15, s20;
	s13 =	sor.u32 s19, s13  }
0x323: {  	s19 =	sadd.s32 s3, s21;
	s14 =	sshrl.u32 s14, $0x3;
	s7 =	sadd.s32 s3, s7  }
0x324: {  	[tilespmem:s6], [sflag:$0x1] =	stream.linear.gather [hbm4b:s19+s2], $0x80, $0x38;
	[tilespmem:$0x8400] =	vst v63  }
0x325: {  	s19 =	sand.u32 $0x380, s12;
	s20 =	sadd.s32 s3, s14;
	s22 =	spop (v2sf)  }
0x326: {  	[tilespmem:s18], [sflag:$0x2] =	stream.linear.gather [hbm4b:s16+s2], $0x80, $0x38;
	[tilespmem:$0x8400] =	vst v63  }
0x327: {  	s12 =	sadd.s32 $0x900, s26;
	s14 =	sadd.s32 $0x980, s26;
	s23 =	sand.u32 $0x380, s22  }
0x328: {  	[tilespmem:s1], [sflag:$0x3] =	stream.linear.gather [hbm4b:s9+s2], $0x80, $0x38;
	[tilespmem:$0x8400] =	vst v63  }
0x329: {  	s15 =	sand.u32 $0xFFFFFC00, s22;
	s18 =	sadd.s32 s11, s25;
	s22 =	sadd.s32 s11, s8  }
0x32a: {  	[tilespmem:s0], [sflag:$0x4] =	stream.linear.gather [hbm4b:s20+s2], $0x80, $0x38;
	[tilespmem:$0x8400] =	vst v63  }
0x32b: {  	s15 =	sadd.s32 s11, s15;
	s21 =	sor.u32 s19, s18;
	s1 =	sor.u32 s17, s22  }
0x32c: {  	[tilespmem:s31], [sflag:$0x1] =	stream.linear.gather [hbm4b:s10+s2], $0x80, $0x38;
	[tilespmem:$0x8400] =	vst v63  }
0x32d: {  	s18 =	sadd.s32 $0xA80, s26;
	s6 =	sor.u32 s23, s15;
	s1 =	sshrl.u32 s1, $0x3  }
0x32e: {  	[tilespmem:s30], [sflag:$0x2] =	stream.linear.gather [hbm4b:s4+s2], $0x80, $0x38;
	[tilespmem:$0x8400] =	vst v63  }
0x32f: {  	s23 =	sshrl.u32 s13, $0x3;
	s1 =	sadd.s32 s3, s1;
	s25 =	spop (v2sf)  }
0x330: {  	[tilespmem:s12], [sflag:$0x3] =	stream.linear.gather [hbm4b:s1+s2], $0x80, $0x38;
	[tilespmem:$0x8400] =	vst v63  }
0x331: {  	s17 =	sadd.s32 $0xA00, s26;
	s6 =	sshrl.u32 s6, $0x3;
	s13 =	sand.u32 $0xFFFFFC00, s25  }
0x332: {  	[tilespmem:s14], [sflag:$0x4] =	stream.linear.gather [hbm4b:s7+s2], $0x80, $0x38;
	[tilespmem:$0x8400] =	vst v63  }
0x333: {  	s4 =	sadd.s32 s3, s23;
	s16 =	sand.u32 $0x380, s25;
	s15 =	sadd.s32 s11, s13  }
0x334: {  	[tilespmem:s17], [sflag:$0x1] =	stream.linear.gather [hbm4b:s4+s2], $0x80, $0x38;
	[tilespmem:$0x8400] =	vst v63  }
0x335: {  	s0 =	sshrl.u32 s21, $0x3;
	s6 =	sadd.s32 s3, s6;
	s1 =	sor.u32 s16, s15  }
0x336: {  	[tilespmem:s18], [sflag:$0x2] =	stream.linear.gather [hbm4b:s6+s2], $0x80, $0x38;
	[tilespmem:$0x8400] =	vst v63  }
0x337: {  	s19 =	sadd.s32 $0xB00, s26;
	s0 =	sadd.s32 s3, s0;
	s1 =	sshrl.u32 s1, $0x3  }
0x338: {  	[tilespmem:s19], [sflag:$0x3] =	stream.linear.gather [hbm4b:s0+s2], $0x80, $0x38;
	[tilespmem:$0x8400] =	vst v63  }
0x339: {  	s20 =	sadd.s32 $0xB80, s26;
	s21 =	simm.s32 $0x1;
	s1 =	sadd.s32 s3, s1  }
0x33a: {  	[tilespmem:s20], [sflag:$0x4] =	stream.linear.gather [hbm4b:s1+s2], $0x80, $0x38;
	[tilespmem:$0x8400] =	vst v63  }
0x33b: {  	_ =	swait.ge [sflag:s21], $0x2000  }
0x33c: {  	[sflag:s21] =	ssyncset.done $0x0  }
0x33d: {  	s22 =	simm.s32 $0x2;
	[sflag:s21] =	ssyncadd.s32 $0xFFFFE000  }
0x33e: {  	_ =	swait.ge [sflag:s22], $0x2000  }
0x33f: {  	[sflag:s22] =	ssyncset.done $0x0  }
0x340: {  	s23 =	simm.s32 $0x3;
	[sflag:s22] =	ssyncadd.s32 $0xFFFFE000  }
0x341: {  	_ =	swait.ge [sflag:s23], $0x2000  }
0x342: {  	[sflag:s23] =	ssyncset.done $0x0  }
0x343: {  	s25 =	simm.s32 $0x4;
	[sflag:s23] =	ssyncadd.s32 $0xFFFFE000  }
0x344: {  	_ =	swait.ge [sflag:s25], $0x2000  }
0x345: {  	s6 =	sld [smem:$0x7F9]  }
0x346: {  	[sflag:s25] =	ssyncset.done $0x0  }
0x347: {  	s26 =	simm.s32 $0x0;
	s7 =	simm.s32 $0x400;
	[sflag:s25] =	ssyncadd.s32 $0xFFFFE000  }
0x348: {  	[hbm4b:s6+s26] =	stream.linear.scatter [tilespmem:s7], [sflag:$0x5], $0x8000, $0x38;
	[tilespmem:$0x8400] =	vst v63  }
0x349: {  	_ =	swait.ge [sflag:s24], $0x8000  }
0x34a: {  	[sflag:s24] =	ssyncset.done $0x0  }
0x34b: {  	s0 =	sand.u32 $0xF0, s26;
	[sflag:s24] =	ssyncadd.s32 $0xFFFF8000  }
0x34c: {  	v0 =	vld [tilespmem:s0+$0x100];
	_ =	sdelay $0x4  }
0x34d: {  	v0 =	vshll.u32 v0, $0x7  }
0x34e: {  	(v2sf) =	vpush v0, $0xA  }
0x34f: {  	(v2sf) =	vpush v0, $0x0;
	_ =	sdelay $0x1  }
0x350: {  	(v2sf) =	vpush v0, $0x1  }
0x351: {  	(v2sf) =	vpush v0, $0x5;
	_ =	sdelay $0x1  }
0x352: {  	(v2sf) =	vpush v0, $0x6  }
0x353: {  	(v2sf) =	vpush v0, $0x7;
	_ =	sdelay $0x1  }
0x354: {  	(v2sf) =	vpush v0, $0x2  }
0x355: {  	s28 =	simm.s32 $0x2000;
	s29 =	simm.s32 $0x10  }
0x356: {  	s8 =	simm.s32 $0x780;
	s9 =	simm.s32 $0x480;
	s10 =	simm.s32 $0x800  }
0x357: {  	s12 =	simm.s32 $0x680;
	s13 =	simm.s32 $0x700;
	[dreg:$0xd] =	wrdreg s8  }
0x358: {  	s4 =	simm.s32 $0x400;
	s17 =	simm.s32 $0x980;
	[dreg:$0x8] =	wrdreg s10  }
0x359: {  	s18 =	simm.s32 $0x900;
	s26 =	simm.s32 $0x0;
	[dreg:$0x18] =	wrdreg s12;
	(v2sf) =	vpush v0, $0x4  }
0x35a: {  	s7 =	simm.s32 $0x500;
	[dreg:$0x13] =	wrdreg s13;
	(v2sf) =	vpush v0, $0x3;
	s14 =	spop (v2sf)  }
0x35b: {  	s8 =	simm.s32 $0x600;
	(v2sf) =	vpush v0, $0xF;
	s15 =	sand.u32 $0xFFFFFC00, s14;
	s16 =	spop (v2sf)  }
0x35c: {  	s6 =	sand.u32 $0x380, s14;
	s19 =	sand.u32 $0xFFFFFC00, s16;
	s10 =	sadd.s32 s11, s15  }
0x35d: {  	(v2sf) =	vpush v0, $0x8;
	s20 =	spop (v2sf);
	s12 =	sand.u32 $0x380, s16;
	s13 =	sadd.s32 s11, s19  }
0x35e: {  	s21 =	sand.u32 $0xFFFFFC00, s20;
	s6 =	sor.u32 s6, s10;
	s22 =	spop (v2sf)  }
0x35f: {  	s14 =	sand.u32 $0x380, s20;
	s12 =	sor.u32 s12, s13;
	s23 =	sand.u32 $0xFFFFFC00, s22  }
0x360: {  	(v2sf) =	vpush v0, $0xB;
	s16 =	spop (v2sf);
	s15 =	sadd.s32 s11, s21;
	s10 =	sand.u32 $0x380, s22  }
0x361: {  	s12 =	sshrl.u32 s12, $0x3;
	s24 =	spop (v2sf);
	s13 =	sadd.s32 s11, s23  }
0x362: {  	(v2sf) =	vpush v0, $0x9;
	s1 =	sand.u32 $0xFFFFFC00, s16;
	s16 =	sand.u32 $0x380, s16;
	s15 =	sor.u32 s14, s15  }
0x363: {  	s25 =	spop (v2sf);
	s23 =	sand.u32 $0x380, s24;
	s19 =	sand.u32 $0xFFFFFC00, s24  }
0x364: {  	(v2sf) =	vpush v0, $0xC;
	s22 =	sadd.s32 s11, s1;
	s12 =	sadd.s32 s3, s12;
	s31 =	sshrl.u32 s15, $0x3  }
0x365: {  	s0 =	sand.u32 $0xFFFFFC00, s25;
	s20 =	sand.u32 $0x380, s25;
	s19 =	sadd.s32 s11, s19  }
0x366: {  	[tilespmem:s4], [sflag:$0x1] =	stream.linear.gather [hbm4b:s12+s2], $0x80, $0x38;
	[tilespmem:$0x8400] =	vst v63  }
0x367: {  	s31 =	sadd.s32 s3, s31;
	s21 =	sadd.s32 s11, s0;
	s0 =	sor.u32 s10, s13  }
0x368: {  	s19 =	sor.u32 s23, s19;
	s20 =	sor.u32 s20, s21;
	s21 =	spop (v2sf)  }
0x369: {  	s13 =	sor.u32 s16, s22;
	s19 =	sshrl.u32 s19, $0x3;
	s10 =	spop (v2sf)  }
0x36a: {  	s13 =	sshrl.u32 s13, $0x3;
	s20 =	sshrl.u32 s20, $0x3;
	s22 =	spop (v2sf)  }
0x36b: {  	s14 =	sadd.s32 s3, s20;
	s1 =	sand.u32 $0x380, s10;
	s10 =	sand.u32 $0xFFFFFC00, s10  }
0x36c: {  	s24 =	spop (v2sf);
	s12 =	sadd.s32 s11, s10;
	s10 =	sand.u32 $0x380, s21  }
0x36d: {  	s4 =	sand.u32 $0xFFFFFC00, s24;
	s16 =	sand.u32 $0x380, s24;
	s24 =	sand.u32 $0xFFFFFC00, s21  }
0x36e: {  	s21 =	sor.u32 s1, s12;
	s12 =	sand.u32 $0x380, s22;
	s23 =	sadd.s32 s11, s24  }
0x36f: {  	s4 =	sadd.s32 s11, s4;
	s25 =	spop (v2sf);
	s20 =	sor.u32 s10, s23  }
0x370: {  	s24 =	sor.u32 s16, s4;
	s16 =	sadd.s32 s3, s19;
	s1 =	sand.u32 $0xFFFFFC00, s25  }
0x371: {  	s10 =	spop (v2sf);
	s23 =	sand.u32 $0x380, s25;
	s25 =	sand.u32 $0xFFFFFC00, s22  }
0x372: {  	s22 =	sshrl.u32 s0, $0x3;
	s1 =	sadd.s32 s11, s1;
	s4 =	sand.u32 $0x380, s10  }
0x373: {  	s15 =	sadd.s32 s11, s25;
	s25 =	sand.u32 $0xFFFFFC00, s10;
	s19 =	spop (v2sf)  }
0x374: {  	(v2sf) =	vpush v0, $0xD;
	s30 =	sor.u32 s23, s1;
	s23 =	sshrl.u32 s20, $0x3;
	s20 =	simm.s32 $0x580  }
.LBB2_12:
0x375: {  	_ =	sdelay $0x5  }
0x376: {  	s10 =	sshrl.u32 s21, $0x3;
	s21 =	sshrl.u32 s30, $0x3;
	s30 =	sand.u32 $0xFFFFFC00, s19;
	(v2sf) =	vpush v0, $0xE  }
0x377: {  	[tilespmem:s9], [sflag:$0x2] =	stream.linear.gather [hbm4b:s31+s2], $0x80, $0x38;
	[tilespmem:$0x8400] =	vst v63  }
0x378: {  	s1 =	sand.u32 $0x380, s19;
	s23 =	sadd.s32 s3, s23;
	s19 =	sadd.s32 s11, s25  }
0x379: {  	[tilespmem:s7], [sflag:$0x3] =	stream.linear.gather [hbm4b:s14+s2], $0x80, $0x38;
	[tilespmem:$0x8400] =	vst v63  }
0x37a: {  	s6 =	sshrl.u32 s6, $0x3;
	s9 =	sadd.s32 s3, s10;
	s0 =	sadd.s32 s11, s30  }
0x37b: {  	[tilespmem:s20], [sflag:$0x4] =	stream.linear.gather [hbm4b:s9+s2], $0x80, $0x38;
	[tilespmem:$0x8400] =	vst v63  }
0x37c: {  	s25 =	rddreg [dreg:$0x8];
	s4 =	sor.u32 s4, s19;
	s10 =	sor.u32 s1, s0  }
0x37d: {  	[tilespmem:s8], [sflag:$0x1] =	stream.linear.gather [hbm4b:s23+s2], $0x80, $0x38;
	[tilespmem:$0x8400] =	vst v63  }
0x37e: {  	s1 =	sadd.s32 s3, s22;
	s7 =	sadd.s32 s3, s13;
	s0 =	spop (v2sf)  }
0x37f: {  	s20 =	sand.u32 $0xFFFFFC00, s0;
	s23 =	sand.u32 $0x380, s0;
	s0 =	rddreg [dreg:$0x18]  }
0x380: {  	[tilespmem:s0], [sflag:$0x2] =	stream.linear.gather [hbm4b:s1+s2], $0x80, $0x38;
	[tilespmem:$0x8400] =	vst v63  }
0x381: {  	s4 =	sshrl.u32 s4, $0x3;
	s22 =	sadd.s32 s11, s20;
	s20 =	rddreg [dreg:$0x13]  }
0x382: {  	[tilespmem:s20], [sflag:$0x3] =	stream.linear.gather [hbm4b:s7+s2], $0x80, $0x38;
	[tilespmem:$0x8400] =	vst v63  }
0x383: {  	s10 =	sshrl.u32 s10, $0x3;
	s1 =	sshrl.u32 s24, $0x3;
	s24 =	rddreg [dreg:$0xd]  }
0x384: {  	[tilespmem:s24], [sflag:$0x4] =	stream.linear.gather [hbm4b:s16+s2], $0x80, $0x38;
	[tilespmem:$0x8400] =	vst v63  }
0x385: {  	s9 =	sadd.s32 $0x880, s26;
	s13 =	spop (v2sf);
	s1 =	sadd.s32 s3, s1  }
0x386: {  	[tilespmem:s25], [sflag:$0x1] =	stream.linear.gather [hbm4b:s1+s2], $0x80, $0x38;
	[tilespmem:$0x8400] =	vst v63  }
0x387: {  	s8 =	sor.u32 s23, s22;
	s23 =	sor.u32 s12, s15;
	s12 =	sadd.s32 s3, s4  }
0x388: {  	[tilespmem:s9], [sflag:$0x2] =	stream.linear.gather [hbm4b:s12+s2], $0x80, $0x38;
	[tilespmem:$0x8400] =	vst v63  }
0x389: {  	s14 =	sadd.s32 s3, s6;
	s19 =	sadd.s32 s3, s10;
	s16 =	sand.u32 $0xFFFFFC00, s13  }
0x38a: {  	[tilespmem:s18], [sflag:$0x3] =	stream.linear.gather [hbm4b:s14+s2], $0x80, $0x38;
	[tilespmem:$0x8400] =	vst v63  }
0x38b: {  	s15 =	sadd.s32 s3, s21;
	s4 =	sand.u32 $0x380, s13;
	s6 =	sadd.s32 s11, s16  }
0x38c: {  	[tilespmem:s17], [sflag:$0x4] =	stream.linear.gather [hbm4b:s15+s2], $0x80, $0x38;
	[tilespmem:$0x8400] =	vst v63  }
0x38d: {  	s22 =	sshrl.u32 s8, $0x3;
	s20 =	sadd.s32 $0xA00, s26;
	s4 =	sor.u32 s4, s6  }
0x38e: {  	[tilespmem:s20], [sflag:$0x1] =	stream.linear.gather [hbm4b:s19+s2], $0x80, $0x38;
	[tilespmem:$0x8400] =	vst v63  }
0x38f: {  	s21 =	sadd.s32 $0xA80, s26;
	s7 =	sadd.s32 s3, s22;
	s22 =	sshrl.u32 s4, $0x3  }
0x390: {  	[tilespmem:s21], [sflag:$0x2] =	stream.linear.gather [hbm4b:s7+s2], $0x80, $0x38;
	[tilespmem:$0x8400] =	vst v63  }
0x391: {  	s23 =	sshrl.u32 s23, $0x3;
	s24 =	sadd.s32 $0xB00, s26;
	s1 =	sadd.s32 s3, s22  }
0x392: {  	[tilespmem:s24], [sflag:$0x3] =	stream.linear.gather [hbm4b:s1+s2], $0x80, $0x38;
	[tilespmem:$0x8400] =	vst v63  }
0x393: {  	s25 =	sand.u32 $0xF0, s29;
	s6 =	sadd.s32 $0xB80, s26;
	s4 =	sadd.s32 s3, s23  }
0x394: {  	[tilespmem:s6], [sflag:$0x4] =	stream.linear.gather [hbm4b:s4+s2], $0x80, $0x38;
	[tilespmem:$0x8400] =	vst v63  }
0x395: {  	v0 =	vld [tilespmem:s25+$0x100];
	_ =	sdelay $0x4  }
0x396: {  	v0 =	vshll.u32 v0, $0x7  }
0x397: {  	(v2sf) =	vpush v0, $0xA  }
0x398: {  	(v2sf) =	vpush v0, $0x0  }
0x399: {  	(v2sf) =	vpush v0, $0x1;
	_ =	sdelay $0x1  }
0x39a: {  	(v2sf) =	vpush v0, $0x5  }
0x39b: {  	(v2sf) =	vpush v0, $0x6;
	_ =	sdelay $0x1  }
0x39c: {  	s7 =	smov.u32 s28;
	(v2sf) =	vpush v0, $0x7  }
0x39d: {  	s26 =	sshra.s32 s7, $0x2;
	(v2sf) =	vpush v0, $0x2  }
0x39e: {  	p0 =	sne.s32 s28, $0x1E000;
	s0 =	sadd.s32 $0x400, s26  }
0x39f: {  	s29 =	sadd.s32 $0x10, s29;
	s8 =	sadd.s32 $0x980, s26;
	[dreg:$0x1d] =	wrdreg s0  }
0x3a0: {  	s28 =	sadd.s32 $0x2000, s28;
	s10 =	sadd.s32 $0x780, s26;
	[smem:$0x7EE] =	sst s8  }
0x3a1: {  	s9 =	sadd.s32 $0x480, s26;
	s12 =	sadd.s32 $0x800, s26;
	[dreg:$0xd] =	wrdreg s10  }
0x3a2: {  	s7 =	sadd.s32 $0x500, s26;
	s13 =	sadd.s32 $0x680, s26;
	[dreg:$0x8] =	wrdreg s12;
	(v2sf) =	vpush v0, $0x4  }
0x3a3: {  	s14 =	sadd.s32 $0x700, s26;
	s10 =	sadd.s32 $0x900, s26;
	[dreg:$0x18] =	wrdreg s13;
	(v2sf) =	vpush v0, $0x3  }
0x3a4: {  	[dreg:$0x13] =	wrdreg s14;
	s8 =	sadd.s32 $0x600, s26;
	(v2sf) =	vpush v0, $0xF;
	s15 =	spop (v2sf)  }
0x3a5: {  	s16 =	sand.u32 $0xFFFFFC00, s15;
	s17 =	spop (v2sf);
	s4 =	sand.u32 $0x380, s15  }
0x3a6: {  	(v2sf) =	vpush v0, $0x8;
	s18 =	sand.u32 $0xFFFFFC00, s17;
	s6 =	sadd.s32 s11, s16;
	s19 =	spop (v2sf)  }
0x3a7: {  	s12 =	sand.u32 $0x380, s17;
	s13 =	sadd.s32 s11, s18;
	s20 =	sand.u32 $0xFFFFFC00, s19  }
0x3a8: {  	(v2sf) =	vpush v0, $0xB;
	s6 =	sor.u32 s4, s6;
	s21 =	spop (v2sf);
	s14 =	sand.u32 $0x380, s19  }
0x3a9: {  	s12 =	sor.u32 s12, s13;
	s22 =	sand.u32 $0xFFFFFC00, s21;
	s23 =	spop (v2sf)  }
0x3aa: {  	s15 =	sadd.s32 s11, s20;
	s4 =	sand.u32 $0x380, s21;
	s12 =	sshrl.u32 s12, $0x3  }
0x3ab: {  	(v2sf) =	vpush v0, $0x9;
	s24 =	spop (v2sf);
	s13 =	sadd.s32 s11, s22;
	s1 =	sand.u32 $0xFFFFFC00, s23  }
0x3ac: {  	s16 =	sand.u32 $0x380, s23;
	s25 =	spop (v2sf);
	s17 =	sand.u32 $0x380, s24  }
0x3ad: {  	s19 =	sand.u32 $0xFFFFFC00, s24;
	s22 =	sadd.s32 s11, s1;
	s30 =	sor.u32 s4, s13  }
0x3ae: {  	s0 =	sand.u32 $0xFFFFFC00, s25;
	s20 =	sand.u32 $0x380, s25;
	s19 =	sadd.s32 s11, s19  }
0x3af: {  	(v2sf) =	vpush v0, $0xC;
	s4 =	sor.u32 s16, s22;
	s21 =	sadd.s32 s11, s0;
	s0 =	sadd.s32 s3, s12  }
0x3b0: {  	s12 =	sor.u32 s14, s15;
	s25 =	sor.u32 s17, s19;
	s13 =	sshrl.u32 s4, $0x3  }
0x3b1: {  	s20 =	sor.u32 s20, s21;
	s21 =	spop (v2sf);
	s16 =	sshrl.u32 s25, $0x3  }
0x3b2: {  	s18 =	spop (v2sf);
	s24 =	sshrl.u32 s20, $0x3;
	s25 =	sand.u32 $0xFFFFFC00, s21  }
0x3b3: {  	s16 =	sadd.s32 s3, s16;
	s15 =	spop (v2sf);
	s14 =	sadd.s32 s3, s24  }
0x3b4: {  	s20 =	sand.u32 $0x380, s18;
	s17 =	sand.u32 $0xFFFFFC00, s18;
	s24 =	sand.u32 $0x380, s21  }
0x3b5: {  	s4 =	sadd.s32 s11, s25;
	s1 =	spop (v2sf);
	s18 =	sadd.s32 s11, s17  }
0x3b6: {  	s25 =	sand.u32 $0xFFFFFC00, s15;
	s23 =	sand.u32 $0xFFFFFC00, s1;
	s19 =	sand.u32 $0x380, s1  }
0x3b7: {  	s1 =	sshrl.u32 s12, $0x3;
	s21 =	sor.u32 s20, s18;
	s22 =	spop (v2sf)  }
0x3b8: {  	s20 =	sadd.s32 $0x580, s26;
	s12 =	sand.u32 $0x380, s15;
	s31 =	sand.u32 $0xFFFFFC00, s22  }
0x3b9: {  	s15 =	sadd.s32 s11, s25;
	s23 =	sadd.s32 s11, s23;
	s18 =	sadd.s32 s11, s31  }
0x3ba: {  	s31 =	sor.u32 s24, s4;
	s24 =	sor.u32 s19, s23;
	s17 =	spop (v2sf)  }
.Ltmp5:
0x3bb: {  	s23 =	sshrl.u32 s31, $0x3;
	s31 =	sadd.s32 s3, s1;
	(pc) =	sbr.rel @p0 .LBB2_12-.Ltmp5, $4  }
0x3bc: {  	s4 =	sand.u32 $0x380, s17;
	s25 =	sand.u32 $0xFFFFFC00, s17;
	s17 =	sand.u32 $0x380, s22  }
0x3bd: {  	s22 =	sshrl.u32 s30, $0x3;
	s30 =	sor.u32 s17, s18;
	s17 =	sld [smem:$0x7EE]  }
0x3be: {  	s18 =	smov.u32 s10;
	s10 =	rddreg [dreg:$0x1d];
	s19 =	spop (v2sf)  }
0x3bf: {  	(v2sf) =	vpush v0, $0xD;
	[tilespmem:s10], [sflag:$0x1] =	stream.linear.gather [hbm4b:s0+s2], $0x80, $0x38;
	[tilespmem:$0x8400] =	vst v63  }
0x3c0: {  	_ =	sdelay $0x4  }
0x3c1: {  	[tilespmem:s9], [sflag:$0x2] =	stream.linear.gather [hbm4b:s31+s2], $0x80, $0x38;
	[tilespmem:$0x8400] =	vst v63  }
0x3c2: {  	s0 =	sshrl.u32 s21, $0x3;
	s1 =	sand.u32 $0xFFFFFC00, s19;
	s9 =	sshrl.u32 s30, $0x3  }
0x3c3: {  	(v2sf) =	vpush v0, $0xE;
	[tilespmem:s7], [sflag:$0x3] =	stream.linear.gather [hbm4b:s14+s2], $0x80, $0x38;
	[tilespmem:$0x8400] =	vst v63  }
0x3c4: {  	s21 =	sand.u32 $0x380, s19;
	s10 =	sadd.s32 s3, s23;
	s0 =	sadd.s32 s3, s0  }
0x3c5: {  	[tilespmem:s20], [sflag:$0x4] =	stream.linear.gather [hbm4b:s0+s2], $0x80, $0x38;
	[tilespmem:$0x8400] =	vst v63  }
0x3c6: {  	s19 =	sadd.s32 s3, s22;
	s22 =	rddreg [dreg:$0x18];
	s25 =	sadd.s32 s11, s25  }
0x3c7: {  	[tilespmem:s8], [sflag:$0x1] =	stream.linear.gather [hbm4b:s10+s2], $0x80, $0x38;
	[tilespmem:$0x8400] =	vst v63  }
0x3c8: {  	s6 =	sshrl.u32 s6, $0x3;
	s1 =	sadd.s32 s11, s1;
	s4 =	sor.u32 s4, s25  }
0x3c9: {  	[tilespmem:s22], [sflag:$0x2] =	stream.linear.gather [hbm4b:s19+s2], $0x80, $0x38;
	[tilespmem:$0x8400] =	vst v63  }
0x3ca: {  	s7 =	sor.u32 s21, s1;
	s14 =	sshrl.u32 s24, $0x3;
	s23 =	spop (v2sf)  }
0x3cb: {  	s4 =	sshrl.u32 s4, $0x3;
	s24 =	sadd.s32 s3, s6;
	s20 =	sand.u32 $0xFFFFFC00, s23  }
0x3cc: {  	s21 =	sand.u32 $0x380, s23;
	s23 =	sadd.s32 s3, s13;
	s13 =	rddreg [dreg:$0x13]  }
0x3cd: {  	[tilespmem:s13], [sflag:$0x3] =	stream.linear.gather [hbm4b:s23+s2], $0x80, $0x38;
	[tilespmem:$0x8400] =	vst v63  }
0x3ce: {  	s1 =	sadd.s32 s3, s14;
	s4 =	sadd.s32 s3, s4;
	s19 =	rddreg [dreg:$0xd]  }
0x3cf: {  	[tilespmem:s19], [sflag:$0x4] =	stream.linear.gather [hbm4b:s16+s2], $0x80, $0x38;
	[tilespmem:$0x8400] =	vst v63  }
0x3d0: {  	s0 =	sshrl.u32 s7, $0x3;
	s7 =	sadd.s32 s11, s20;
	s20 =	rddreg [dreg:$0x8]  }
0x3d1: {  	[tilespmem:s20], [sflag:$0x1] =	stream.linear.gather [hbm4b:s1+s2], $0x80, $0x38;
	[tilespmem:$0x8400] =	vst v63  }
0x3d2: {  	s22 =	spop (v2sf);
	s7 =	sor.u32 s21, s7;
	s21 =	sadd.s32 $0x880, s26  }
0x3d3: {  	[tilespmem:s21], [sflag:$0x2] =	stream.linear.gather [hbm4b:s4+s2], $0x80, $0x38;
	[tilespmem:$0x8400] =	vst v63  }
0x3d4: {  	s0 =	sadd.s32 s3, s0;
	s10 =	sadd.s32 s3, s9;
	s25 =	sand.u32 $0xFFFFFC00, s22  }
0x3d5: {  	[tilespmem:s18], [sflag:$0x3] =	stream.linear.gather [hbm4b:s24+s2], $0x80, $0x38;
	[tilespmem:$0x8400] =	vst v63  }
0x3d6: {  	s23 =	sor.u32 s12, s15;
	s8 =	sand.u32 $0x380, s22;
	s6 =	sadd.s32 s11, s25  }
0x3d7: {  	[tilespmem:s17], [sflag:$0x4] =	stream.linear.gather [hbm4b:s10+s2], $0x80, $0x38;
	[tilespmem:$0x8400] =	vst v63  }
0x3d8: {  	s12 =	sadd.s32 $0xA00, s26;
	s7 =	sshrl.u32 s7, $0x3;
	s6 =	sor.u32 s8, s6  }
0x3d9: {  	[tilespmem:s12], [sflag:$0x1] =	stream.linear.gather [hbm4b:s0+s2], $0x80, $0x38;
	[tilespmem:$0x8400] =	vst v63  }
0x3da: {  	s14 =	sadd.s32 $0xA80, s26;
	s13 =	sadd.s32 s3, s7;
	s6 =	sshrl.u32 s6, $0x3  }
0x3db: {  	[tilespmem:s14], [sflag:$0x2] =	stream.linear.gather [hbm4b:s13+s2], $0x80, $0x38;
	[tilespmem:$0x8400] =	vst v63  }
0x3dc: {  	s15 =	sshrl.u32 s23, $0x3;
	s16 =	sadd.s32 $0xB00, s26;
	s17 =	sadd.s32 s3, s6  }
0x3dd: {  	[tilespmem:s16], [sflag:$0x3] =	stream.linear.gather [hbm4b:s17+s2], $0x80, $0x38;
	[tilespmem:$0x8400] =	vst v63  }
0x3de: {  	s19 =	simm.s32 $0x1;
	s18 =	sadd.s32 $0xB80, s26;
	s0 =	sadd.s32 s3, s15  }
0x3df: {  	[tilespmem:s18], [sflag:$0x4] =	stream.linear.gather [hbm4b:s0+s2], $0x80, $0x38;
	[tilespmem:$0x8400] =	vst v63  }
0x3e0: {  	_ =	swait.ge [sflag:s19], $0x2000  }
0x3e1: {  	[sflag:s19] =	ssyncset.done $0x0  }
0x3e2: {  	s20 =	simm.s32 $0x2;
	[sflag:s19] =	ssyncadd.s32 $0xFFFFE000  }
0x3e3: {  	_ =	swait.ge [sflag:s20], $0x2000  }
0x3e4: {  	[sflag:s20] =	ssyncset.done $0x0  }
0x3e5: {  	s21 =	simm.s32 $0x3;
	[sflag:s20] =	ssyncadd.s32 $0xFFFFE000  }
0x3e6: {  	_ =	swait.ge [sflag:s21], $0x2000  }
0x3e7: {  	[sflag:s21] =	ssyncset.done $0x0  }
0x3e8: {  	s22 =	simm.s32 $0x4;
	[sflag:s21] =	ssyncadd.s32 $0xFFFFE000  }
0x3e9: {  	_ =	swait.ge [sflag:s22], $0x2000  }
0x3ea: {  	s24 =	sld [smem:$0x7FA]  }
0x3eb: {  	s23 =	simm.s32 $0x0;
	[sflag:s22] =	ssyncset.done $0x0  }
0x3ec: {  	s25 =	simm.s32 $0x400;
	s26 =	simm.s32 $0x5;
	[sflag:s22] =	ssyncadd.s32 $0xFFFFE000  }
0x3ed: {  	[hbm4b:s24+s23] =	stream.linear.scatter [tilespmem:s25], [sflag:$0x5], $0x8000, $0x38;
	[tilespmem:$0x8400] =	vst v63  }
0x3ee: {  	_ =	swait.ge [sflag:s26], $0x8000  }
0x3ef: {  	[sflag:s26] =	ssyncset.done $0x0  }
0x3f0: {  	s0 =	sand.u32 $0xF0, s23;
	[sflag:s26] =	ssyncadd.s32 $0xFFFF8000  }
0x3f1: {  	v0 =	vld [tilespmem:s0+$0x200];
	_ =	sdelay $0x4  }
0x3f2: {  	v0 =	vshll.u32 v0, $0x7  }
0x3f3: {  	(v2sf) =	vpush v0, $0xA  }
0x3f4: {  	(v2sf) =	vpush v0, $0x0;
	_ =	sdelay $0x1  }
0x3f5: {  	(v2sf) =	vpush v0, $0x1  }
0x3f6: {  	(v2sf) =	vpush v0, $0x5;
	_ =	sdelay $0x1  }
0x3f7: {  	(v2sf) =	vpush v0, $0x6  }
0x3f8: {  	(v2sf) =	vpush v0, $0x7;
	_ =	sdelay $0x1  }
0x3f9: {  	(v2sf) =	vpush v0, $0x2  }
0x3fa: {  	s28 =	simm.s32 $0x2000;
	s29 =	simm.s32 $0x10  }
0x3fb: {  	s9 =	simm.s32 $0x480;
	s8 =	simm.s32 $0x680;
	s1 =	simm.s32 $0x780  }
0x3fc: {  	s7 =	simm.s32 $0x500;
	s6 =	simm.s32 $0x800;
	[dreg:$0xe] =	wrdreg s1  }
0x3fd: {  	s4 =	simm.s32 $0x400;
	s10 =	simm.s32 $0x700;
	[dreg:$0x9] =	wrdreg s6  }
0x3fe: {  	s17 =	simm.s32 $0x980;
	s18 =	simm.s32 $0x900;
	[dreg:$0x19] =	wrdreg s8;
	(v2sf) =	vpush v0, $0x4  }
0x3ff: {  	[dreg:$0x14] =	wrdreg s10;
	s8 =	simm.s32 $0x600;
	(v2sf) =	vpush v0, $0x3;
	s12 =	spop (v2sf)  }
0x400: {  	s26 =	simm.s32 $0x0;
	(v2sf) =	vpush v0, $0xF;
	s14 =	sand.u32 $0xFFFFFC00, s12;
	s15 =	spop (v2sf)  }
0x401: {  	s6 =	sand.u32 $0x380, s12;
	s16 =	sand.u32 $0xFFFFFC00, s15;
	s10 =	sadd.s32 s11, s14  }
0x402: {  	(v2sf) =	vpush v0, $0x8;
	s19 =	spop (v2sf);
	s12 =	sand.u32 $0x380, s15;
	s13 =	sadd.s32 s11, s16  }
0x403: {  	s20 =	sand.u32 $0xFFFFFC00, s19;
	s6 =	sor.u32 s6, s10;
	s21 =	spop (v2sf)  }
0x404: {  	s14 =	sand.u32 $0x380, s19;
	s12 =	sor.u32 s12, s13;
	s22 =	sand.u32 $0xFFFFFC00, s21  }
0x405: {  	(v2sf) =	vpush v0, $0xB;
	s16 =	spop (v2sf);
	s15 =	sadd.s32 s11, s20;
	s10 =	sand.u32 $0x380, s21  }
0x406: {  	s12 =	sshrl.u32 s12, $0x3;
	s23 =	spop (v2sf);
	s13 =	sadd.s32 s11, s22  }
0x407: {  	(v2sf) =	vpush v0, $0x9;
	s0 =	sand.u32 $0xFFFFFC00, s16;
	s16 =	sand.u32 $0x380, s16;
	s15 =	sor.u32 s14, s15  }
0x408: {  	s24 =	spop (v2sf);
	s1 =	sand.u32 $0x380, s23;
	s19 =	sand.u32 $0xFFFFFC00, s23  }
0x409: {  	(v2sf) =	vpush v0, $0xC;
	s22 =	sadd.s32 s11, s0;
	s0 =	sor.u32 s10, s13;
	s12 =	sadd.s32 s3, s12  }
0x40a: {  	s31 =	sshrl.u32 s15, $0x3;
	s25 =	sand.u32 $0xFFFFFC00, s24;
	s20 =	sand.u32 $0x380, s24  }
0x40b: {  	[tilespmem:s4], [sflag:$0x1] =	stream.linear.gather [hbm4b:s12+s2], $0x80, $0x38;
	[tilespmem:$0x8400] =	vst v63  }
0x40c: {  	s19 =	sadd.s32 s11, s19;
	s13 =	sor.u32 s16, s22;
	s21 =	sadd.s32 s11, s25  }
0x40d: {  	s31 =	sadd.s32 s3, s31;
	s20 =	sor.u32 s20, s21;
	s21 =	spop (v2sf)  }
0x40e: {  	s19 =	sor.u32 s1, s19;
	s13 =	sshrl.u32 s13, $0x3;
	s10 =	spop (v2sf)  }
0x40f: {  	s19 =	sshrl.u32 s19, $0x3;
	s20 =	sshrl.u32 s20, $0x3;
	s22 =	spop (v2sf)  }
0x410: {  	s14 =	sadd.s32 s3, s20;
	s1 =	sand.u32 $0x380, s10;
	s10 =	sand.u32 $0xFFFFFC00, s10  }
0x411: {  	s24 =	spop (v2sf);
	s12 =	sadd.s32 s11, s10;
	s10 =	sand.u32 $0x380, s21  }
0x412: {  	s4 =	sand.u32 $0xFFFFFC00, s24;
	s16 =	sand.u32 $0x380, s24;
	s24 =	sand.u32 $0xFFFFFC00, s21  }
0x413: {  	s21 =	sor.u32 s1, s12;
	s12 =	sand.u32 $0x380, s22;
	s23 =	sadd.s32 s11, s24  }
0x414: {  	s4 =	sadd.s32 s11, s4;
	s25 =	spop (v2sf);
	s20 =	sor.u32 s10, s23  }
0x415: {  	s24 =	sor.u32 s16, s4;
	s16 =	sadd.s32 s3, s19;
	s1 =	sand.u32 $0xFFFFFC00, s25  }
0x416: {  	s10 =	spop (v2sf);
	s23 =	sand.u32 $0x380, s25;
	s25 =	sand.u32 $0xFFFFFC00, s22  }
0x417: {  	s22 =	sshrl.u32 s0, $0x3;
	s1 =	sadd.s32 s11, s1;
	s4 =	sand.u32 $0x380, s10  }
0x418: {  	s15 =	sadd.s32 s11, s25;
	s25 =	sand.u32 $0xFFFFFC00, s10;
	s19 =	spop (v2sf)  }
0x419: {  	(v2sf) =	vpush v0, $0xD;
	s30 =	sor.u32 s23, s1;
	s23 =	sshrl.u32 s20, $0x3;
	s20 =	simm.s32 $0x580  }
.LBB2_14:
0x41a: {  	_ =	sdelay $0x5  }
0x41b: {  	s10 =	sshrl.u32 s21, $0x3;
	s21 =	sshrl.u32 s30, $0x3;
	s30 =	sand.u32 $0xFFFFFC00, s19;
	(v2sf) =	vpush v0, $0xE  }
0x41c: {  	[tilespmem:s9], [sflag:$0x2] =	stream.linear.gather [hbm4b:s31+s2], $0x80, $0x38;
	[tilespmem:$0x8400] =	vst v63  }
0x41d: {  	s1 =	sand.u32 $0x380, s19;
	s23 =	sadd.s32 s3, s23;
	s19 =	sadd.s32 s11, s25  }
0x41e: {  	[tilespmem:s7], [sflag:$0x3] =	stream.linear.gather [hbm4b:s14+s2], $0x80, $0x38;
	[tilespmem:$0x8400] =	vst v63  }
0x41f: {  	s6 =	sshrl.u32 s6, $0x3;
	s9 =	sadd.s32 s3, s10;
	s0 =	sadd.s32 s11, s30  }
0x420: {  	[tilespmem:s20], [sflag:$0x4] =	stream.linear.gather [hbm4b:s9+s2], $0x80, $0x38;
	[tilespmem:$0x8400] =	vst v63  }
0x421: {  	s25 =	rddreg [dreg:$0x9];
	s4 =	sor.u32 s4, s19;
	s10 =	sor.u32 s1, s0  }
0x422: {  	[tilespmem:s8], [sflag:$0x1] =	stream.linear.gather [hbm4b:s23+s2], $0x80, $0x38;
	[tilespmem:$0x8400] =	vst v63  }
0x423: {  	s1 =	sadd.s32 s3, s22;
	s7 =	sadd.s32 s3, s13;
	s0 =	spop (v2sf)  }
0x424: {  	s20 =	sand.u32 $0xFFFFFC00, s0;
	s23 =	sand.u32 $0x380, s0;
	s0 =	rddreg [dreg:$0x19]  }
0x425: {  	[tilespmem:s0], [sflag:$0x2] =	stream.linear.gather [hbm4b:s1+s2], $0x80, $0x38;
	[tilespmem:$0x8400] =	vst v63  }
0x426: {  	s4 =	sshrl.u32 s4, $0x3;
	s22 =	sadd.s32 s11, s20;
	s20 =	rddreg [dreg:$0x14]  }
0x427: {  	[tilespmem:s20], [sflag:$0x3] =	stream.linear.gather [hbm4b:s7+s2], $0x80, $0x38;
	[tilespmem:$0x8400] =	vst v63  }
0x428: {  	s10 =	sshrl.u32 s10, $0x3;
	s1 =	sshrl.u32 s24, $0x3;
	s24 =	rddreg [dreg:$0xe]  }
0x429: {  	[tilespmem:s24], [sflag:$0x4] =	stream.linear.gather [hbm4b:s16+s2], $0x80, $0x38;
	[tilespmem:$0x8400] =	vst v63  }
0x42a: {  	s9 =	sadd.s32 $0x880, s26;
	s13 =	spop (v2sf);
	s1 =	sadd.s32 s3, s1  }
0x42b: {  	[tilespmem:s25], [sflag:$0x1] =	stream.linear.gather [hbm4b:s1+s2], $0x80, $0x38;
	[tilespmem:$0x8400] =	vst v63  }
0x42c: {  	s8 =	sor.u32 s23, s22;
	s23 =	sor.u32 s12, s15;
	s12 =	sadd.s32 s3, s4  }
0x42d: {  	[tilespmem:s9], [sflag:$0x2] =	stream.linear.gather [hbm4b:s12+s2], $0x80, $0x38;
	[tilespmem:$0x8400] =	vst v63  }
0x42e: {  	s14 =	sadd.s32 s3, s6;
	s19 =	sadd.s32 s3, s10;
	s16 =	sand.u32 $0xFFFFFC00, s13  }
0x42f: {  	[tilespmem:s18], [sflag:$0x3] =	stream.linear.gather [hbm4b:s14+s2], $0x80, $0x38;
	[tilespmem:$0x8400] =	vst v63  }
0x430: {  	s15 =	sadd.s32 s3, s21;
	s4 =	sand.u32 $0x380, s13;
	s6 =	sadd.s32 s11, s16  }
0x431: {  	[tilespmem:s17], [sflag:$0x4] =	stream.linear.gather [hbm4b:s15+s2], $0x80, $0x38;
	[tilespmem:$0x8400] =	vst v63  }
0x432: {  	s22 =	sshrl.u32 s8, $0x3;
	s20 =	sadd.s32 $0xA00, s26;
	s4 =	sor.u32 s4, s6  }
0x433: {  	[tilespmem:s20], [sflag:$0x1] =	stream.linear.gather [hbm4b:s19+s2], $0x80, $0x38;
	[tilespmem:$0x8400] =	vst v63  }
0x434: {  	s21 =	sadd.s32 $0xA80, s26;
	s7 =	sadd.s32 s3, s22;
	s22 =	sshrl.u32 s4, $0x3  }
0x435: {  	[tilespmem:s21], [sflag:$0x2] =	stream.linear.gather [hbm4b:s7+s2], $0x80, $0x38;
	[tilespmem:$0x8400] =	vst v63  }
0x436: {  	s23 =	sshrl.u32 s23, $0x3;
	s24 =	sadd.s32 $0xB00, s26;
	s1 =	sadd.s32 s3, s22  }
0x437: {  	[tilespmem:s24], [sflag:$0x3] =	stream.linear.gather [hbm4b:s1+s2], $0x80, $0x38;
	[tilespmem:$0x8400] =	vst v63  }
0x438: {  	s25 =	sand.u32 $0xF0, s29;
	s6 =	sadd.s32 $0xB80, s26;
	s4 =	sadd.s32 s3, s23  }
0x439: {  	[tilespmem:s6], [sflag:$0x4] =	stream.linear.gather [hbm4b:s4+s2], $0x80, $0x38;
	[tilespmem:$0x8400] =	vst v63  }
0x43a: {  	v0 =	vld [tilespmem:s25+$0x200];
	_ =	sdelay $0x4  }
0x43b: {  	v0 =	vshll.u32 v0, $0x7  }
0x43c: {  	(v2sf) =	vpush v0, $0xA  }
0x43d: {  	(v2sf) =	vpush v0, $0x0  }
0x43e: {  	(v2sf) =	vpush v0, $0x1;
	_ =	sdelay $0x1  }
0x43f: {  	(v2sf) =	vpush v0, $0x5  }
0x440: {  	(v2sf) =	vpush v0, $0x6;
	_ =	sdelay $0x1  }
0x441: {  	s7 =	smov.u32 s28;
	(v2sf) =	vpush v0, $0x7  }
0x442: {  	s26 =	sshra.s32 s7, $0x2;
	(v2sf) =	vpush v0, $0x2  }
0x443: {  	p0 =	sne.s32 s28, $0x1E000;
	s0 =	sadd.s32 $0x400, s26  }
0x444: {  	s29 =	sadd.s32 $0x10, s29;
	s8 =	sadd.s32 $0x980, s26;
	[dreg:$0x1e] =	wrdreg s0  }
0x445: {  	s28 =	sadd.s32 $0x2000, s28;
	s10 =	sadd.s32 $0x780, s26;
	[smem:$0x7ED] =	sst s8  }
0x446: {  	s9 =	sadd.s32 $0x480, s26;
	s12 =	sadd.s32 $0x800, s26;
	[dreg:$0xe] =	wrdreg s10  }
0x447: {  	s7 =	sadd.s32 $0x500, s26;
	s13 =	sadd.s32 $0x680, s26;
	[dreg:$0x9] =	wrdreg s12;
	(v2sf) =	vpush v0, $0x4  }
0x448: {  	s14 =	sadd.s32 $0x700, s26;
	s10 =	sadd.s32 $0x900, s26;
	[dreg:$0x19] =	wrdreg s13;
	(v2sf) =	vpush v0, $0x3  }
0x449: {  	[dreg:$0x14] =	wrdreg s14;
	s8 =	sadd.s32 $0x600, s26;
	(v2sf) =	vpush v0, $0xF;
	s15 =	spop (v2sf)  }
0x44a: {  	s16 =	sand.u32 $0xFFFFFC00, s15;
	s17 =	spop (v2sf);
	s4 =	sand.u32 $0x380, s15  }
0x44b: {  	(v2sf) =	vpush v0, $0x8;
	s18 =	sand.u32 $0xFFFFFC00, s17;
	s6 =	sadd.s32 s11, s16;
	s19 =	spop (v2sf)  }
0x44c: {  	s12 =	sand.u32 $0x380, s17;
	s13 =	sadd.s32 s11, s18;
	s20 =	sand.u32 $0xFFFFFC00, s19  }
0x44d: {  	(v2sf) =	vpush v0, $0xB;
	s6 =	sor.u32 s4, s6;
	s21 =	spop (v2sf);
	s14 =	sand.u32 $0x380, s19  }
0x44e: {  	s12 =	sor.u32 s12, s13;
	s22 =	sand.u32 $0xFFFFFC00, s21;
	s23 =	spop (v2sf)  }
0x44f: {  	s15 =	sadd.s32 s11, s20;
	s4 =	sand.u32 $0x380, s21;
	s12 =	sshrl.u32 s12, $0x3  }
0x450: {  	(v2sf) =	vpush v0, $0x9;
	s24 =	spop (v2sf);
	s13 =	sadd.s32 s11, s22;
	s1 =	sand.u32 $0xFFFFFC00, s23  }
0x451: {  	s16 =	sand.u32 $0x380, s23;
	s25 =	spop (v2sf);
	s17 =	sand.u32 $0x380, s24  }
0x452: {  	s19 =	sand.u32 $0xFFFFFC00, s24;
	s22 =	sadd.s32 s11, s1;
	s30 =	sor.u32 s4, s13  }
0x453: {  	s0 =	sand.u32 $0xFFFFFC00, s25;
	s20 =	sand.u32 $0x380, s25;
	s19 =	sadd.s32 s11, s19  }
0x454: {  	(v2sf) =	vpush v0, $0xC;
	s4 =	sor.u32 s16, s22;
	s21 =	sadd.s32 s11, s0;
	s0 =	sadd.s32 s3, s12  }
0x455: {  	s12 =	sor.u32 s14, s15;
	s25 =	sor.u32 s17, s19;
	s13 =	sshrl.u32 s4, $0x3  }
0x456: {  	s20 =	sor.u32 s20, s21;
	s21 =	spop (v2sf);
	s16 =	sshrl.u32 s25, $0x3  }
0x457: {  	s18 =	spop (v2sf);
	s24 =	sshrl.u32 s20, $0x3;
	s25 =	sand.u32 $0xFFFFFC00, s21  }
0x458: {  	s16 =	sadd.s32 s3, s16;
	s15 =	spop (v2sf);
	s14 =	sadd.s32 s3, s24  }
0x459: {  	s20 =	sand.u32 $0x380, s18;
	s17 =	sand.u32 $0xFFFFFC00, s18;
	s24 =	sand.u32 $0x380, s21  }
0x45a: {  	s4 =	sadd.s32 s11, s25;
	s1 =	spop (v2sf);
	s18 =	sadd.s32 s11, s17  }
0x45b: {  	s25 =	sand.u32 $0xFFFFFC00, s15;
	s23 =	sand.u32 $0xFFFFFC00, s1;
	s19 =	sand.u32 $0x380, s1  }
0x45c: {  	s1 =	sshrl.u32 s12, $0x3;
	s21 =	sor.u32 s20, s18;
	s22 =	spop (v2sf)  }
0x45d: {  	s20 =	sadd.s32 $0x580, s26;
	s12 =	sand.u32 $0x380, s15;
	s31 =	sand.u32 $0xFFFFFC00, s22  }
0x45e: {  	s15 =	sadd.s32 s11, s25;
	s23 =	sadd.s32 s11, s23;
	s18 =	sadd.s32 s11, s31  }
0x45f: {  	s31 =	sor.u32 s24, s4;
	s24 =	sor.u32 s19, s23;
	s17 =	spop (v2sf)  }
.Ltmp6:
0x460: {  	s23 =	sshrl.u32 s31, $0x3;
	s31 =	sadd.s32 s3, s1;
	(pc) =	sbr.rel @p0 .LBB2_14-.Ltmp6, $4  }
0x461: {  	s4 =	sand.u32 $0x380, s17;
	s25 =	sand.u32 $0xFFFFFC00, s17;
	s17 =	sand.u32 $0x380, s22  }
0x462: {  	s22 =	sshrl.u32 s30, $0x3;
	s30 =	sor.u32 s17, s18;
	s17 =	sld [smem:$0x7ED]  }
0x463: {  	s18 =	smov.u32 s10;
	s10 =	rddreg [dreg:$0x1e];
	s19 =	spop (v2sf)  }
0x464: {  	(v2sf) =	vpush v0, $0xD;
	[tilespmem:s10], [sflag:$0x1] =	stream.linear.gather [hbm4b:s0+s2], $0x80, $0x38;
	[tilespmem:$0x8400] =	vst v63  }
0x465: {  	_ =	sdelay $0x4  }
0x466: {  	[tilespmem:s9], [sflag:$0x2] =	stream.linear.gather [hbm4b:s31+s2], $0x80, $0x38;
	[tilespmem:$0x8400] =	vst v63  }
0x467: {  	s0 =	sshrl.u32 s21, $0x3;
	s1 =	sand.u32 $0xFFFFFC00, s19;
	s9 =	sshrl.u32 s30, $0x3  }
0x468: {  	(v2sf) =	vpush v0, $0xE;
	[tilespmem:s7], [sflag:$0x3] =	stream.linear.gather [hbm4b:s14+s2], $0x80, $0x38;
	[tilespmem:$0x8400] =	vst v63  }
0x469: {  	s10 =	sadd.s32 s3, s23;
	s22 =	sadd.s32 s3, s22;
	s0 =	sadd.s32 s3, s0  }
0x46a: {  	[tilespmem:s20], [sflag:$0x4] =	stream.linear.gather [hbm4b:s0+s2], $0x80, $0x38;
	[tilespmem:$0x8400] =	vst v63  }
0x46b: {  	s24 =	sshrl.u32 s24, $0x3;
	s1 =	sadd.s32 s11, s1;
	s14 =	sand.u32 $0x380, s19  }
0x46c: {  	[tilespmem:s8], [sflag:$0x1] =	stream.linear.gather [hbm4b:s10+s2], $0x80, $0x38;
	[tilespmem:$0x8400] =	vst v63  }
0x46d: {  	s6 =	sshrl.u32 s6, $0x3;
	s21 =	sor.u32 s14, s1;
	s20 =	rddreg [dreg:$0x19]  }
0x46e: {  	[tilespmem:s20], [sflag:$0x2] =	stream.linear.gather [hbm4b:s22+s2], $0x80, $0x38;
	[tilespmem:$0x8400] =	vst v63  }
0x46f: {  	s1 =	sadd.s32 s3, s24;
	s24 =	sadd.s32 $0xA80, s26;
	s19 =	spop (v2sf)  }
0x470: {  	s0 =	sshrl.u32 s21, $0x3;
	s21 =	sadd.s32 s3, s13;
	s23 =	sand.u32 $0xFFFFFC00, s19  }
0x471: {  	s22 =	sadd.s32 s11, s25;
	s7 =	sadd.s32 s11, s23;
	s23 =	rddreg [dreg:$0x14]  }
0x472: {  	[tilespmem:s23], [sflag:$0x3] =	stream.linear.gather [hbm4b:s21+s2], $0x80, $0x38;
	[tilespmem:$0x8400] =	vst v63  }
0x473: {  	s13 =	sadd.s32 $0x880, s26;
	s25 =	rddreg [dreg:$0xe];
	s4 =	sor.u32 s4, s22  }
0x474: {  	[tilespmem:s25], [sflag:$0x4] =	stream.linear.gather [hbm4b:s16+s2], $0x80, $0x38;
	[tilespmem:$0x8400] =	vst v63  }
0x475: {  	s0 =	sadd.s32 s3, s0;
	s10 =	rddreg [dreg:$0x9];
	s4 =	sshrl.u32 s4, $0x3  }
0x476: {  	[tilespmem:s10], [sflag:$0x1] =	stream.linear.gather [hbm4b:s1+s2], $0x80, $0x38;
	[tilespmem:$0x8400] =	vst v63  }
0x477: {  	s4 =	sadd.s32 s3, s4;
	s19 =	sand.u32 $0x380, s19;
	s14 =	spop (v2sf)  }
0x478: {  	[tilespmem:s13], [sflag:$0x2] =	stream.linear.gather [hbm4b:s4+s2], $0x80, $0x38;
	[tilespmem:$0x8400] =	vst v63  }
0x479: {  	s20 =	sand.u32 $0xFFFFFC00, s14;
	s7 =	sor.u32 s19, s7;
	s19 =	sadd.s32 s3, s6  }
0x47a: {  	[tilespmem:s18], [sflag:$0x3] =	stream.linear.gather [hbm4b:s19+s2], $0x80, $0x38;
	[tilespmem:$0x8400] =	vst v63  }
0x47b: {  	s8 =	sand.u32 $0x380, s14;
	s21 =	sadd.s32 s3, s9;
	s6 =	sadd.s32 s11, s20  }
0x47c: {  	[tilespmem:s17], [sflag:$0x4] =	stream.linear.gather [hbm4b:s21+s2], $0x80, $0x38;
	[tilespmem:$0x8400] =	vst v63  }
0x47d: {  	s22 =	sadd.s32 $0xA00, s26;
	s7 =	sshrl.u32 s7, $0x3;
	s6 =	sor.u32 s8, s6  }
0x47e: {  	[tilespmem:s22], [sflag:$0x1] =	stream.linear.gather [hbm4b:s0+s2], $0x80, $0x38;
	[tilespmem:$0x8400] =	vst v63  }
0x47f: {  	s16 =	sor.u32 s12, s15;
	s23 =	sadd.s32 s3, s7;
	s6 =	sshrl.u32 s6, $0x3  }
0x480: {  	[tilespmem:s24], [sflag:$0x2] =	stream.linear.gather [hbm4b:s23+s2], $0x80, $0x38;
	[tilespmem:$0x8400] =	vst v63  }
0x481: {  	s25 =	sshrl.u32 s16, $0x3;
	s6 =	sadd.s32 s3, s6;
	s4 =	sadd.s32 $0xB00, s26  }
0x482: {  	[tilespmem:s4], [sflag:$0x3] =	stream.linear.gather [hbm4b:s6+s2], $0x80, $0x38;
	[tilespmem:$0x8400] =	vst v63  }
0x483: {  	s8 =	simm.s32 $0x1;
	s7 =	sadd.s32 $0xB80, s26;
	s0 =	sadd.s32 s3, s25  }
0x484: {  	[tilespmem:s7], [sflag:$0x4] =	stream.linear.gather [hbm4b:s0+s2], $0x80, $0x38;
	[tilespmem:$0x8400] =	vst v63  }
0x485: {  	_ =	swait.ge [sflag:s8], $0x2000  }
0x486: {  	[sflag:s8] =	ssyncset.done $0x0  }
0x487: {  	s9 =	simm.s32 $0x2;
	[sflag:s8] =	ssyncadd.s32 $0xFFFFE000  }
0x488: {  	_ =	swait.ge [sflag:s9], $0x2000  }
0x489: {  	[sflag:s9] =	ssyncset.done $0x0  }
0x48a: {  	s10 =	simm.s32 $0x3;
	[sflag:s9] =	ssyncadd.s32 $0xFFFFE000  }
0x48b: {  	_ =	swait.ge [sflag:s10], $0x2000  }
0x48c: {  	[sflag:s10] =	ssyncset.done $0x0  }
0x48d: {  	s12 =	simm.s32 $0x4;
	[sflag:s10] =	ssyncadd.s32 $0xFFFFE000  }
0x48e: {  	_ =	swait.ge [sflag:s12], $0x2000  }
0x48f: {  	s14 =	sld [smem:$0x7FB]  }
0x490: {  	s15 =	simm.s32 $0x400;
	[sflag:s12] =	ssyncset.done $0x0  }
0x491: {  	s16 =	simm.s32 $0x5;
	s13 =	simm.s32 $0x0;
	[sflag:s12] =	ssyncadd.s32 $0xFFFFE000  }
0x492: {  	[hbm4b:s14+s13] =	stream.linear.scatter [tilespmem:s15], [sflag:$0x5], $0x8000, $0x38;
	[tilespmem:$0x8400] =	vst v63  }
0x493: {  	_ =	swait.ge [sflag:s16], $0x8000  }
0x494: {  	[sflag:s16] =	ssyncset.done $0x0  }
0x495: {  	s0 =	sand.u32 $0xF0, s13;
	[sflag:s16] =	ssyncadd.s32 $0xFFFF8000  }
0x496: {  	v0 =	vld [tilespmem:s0+$0x300];
	_ =	sdelay $0x4  }
0x497: {  	v0 =	vshll.u32 v0, $0x7  }
0x498: {  	(v2sf) =	vpush v0, $0xA  }
0x499: {  	(v2sf) =	vpush v0, $0x0;
	_ =	sdelay $0x1  }
0x49a: {  	(v2sf) =	vpush v0, $0x1  }
0x49b: {  	(v2sf) =	vpush v0, $0x5;
	_ =	sdelay $0x1  }
0x49c: {  	(v2sf) =	vpush v0, $0x6  }
0x49d: {  	(v2sf) =	vpush v0, $0x7;
	_ =	sdelay $0x1  }
0x49e: {  	(v2sf) =	vpush v0, $0x2  }
0x49f: {  	s28 =	simm.s32 $0x2000  }
0x4a0: {  	s29 =	simm.s32 $0x10;
	s20 =	simm.s32 $0x900;
	s1 =	simm.s32 $0x780  }
0x4a1: {  	s26 =	simm.s32 $0x0;
	s18 =	simm.s32 $0x500;
	s19 =	simm.s32 $0x800  }
0x4a2: {  	s17 =	simm.s32 $0x980;
	s4 =	simm.s32 $0x400;
	s6 =	simm.s32 $0x700  }
0x4a3: {  	s7 =	simm.s32 $0x680;
	s8 =	simm.s32 $0x480;
	[dreg:$0x3] =	wrdreg s17  }
0x4a4: {  	s9 =	simm.s32 $0x600;
	[dreg:$0xf] =	wrdreg s19;
	(v2sf) =	vpush v0, $0x4;
	s21 =	spop (v2sf)  }
0x4a5: {  	[dreg:$0x4] =	wrdreg s20;
	(v2sf) =	vpush v0, $0x3;
	s22 =	sand.u32 $0xFFFFFC00, s21;
	s23 =	spop (v2sf)  }
0x4a6: {  	(v2sf) =	vpush v0, $0xF;
	s10 =	sand.u32 $0x380, s21;
	s24 =	sand.u32 $0xFFFFFC00, s23;
	s12 =	sadd.s32 s11, s22  }
0x4a7: {  	s25 =	spop (v2sf);
	s13 =	sand.u32 $0x380, s23;
	s14 =	sadd.s32 s11, s24  }
0x4a8: {  	(v2sf) =	vpush v0, $0x8;
	s0 =	sand.u32 $0xFFFFFC00, s25;
	s17 =	sor.u32 s10, s12;
	s19 =	spop (v2sf)  }
0x4a9: {  	s15 =	sand.u32 $0x380, s25;
	s20 =	sor.u32 s13, s14;
	s21 =	sand.u32 $0xFFFFFC00, s19  }
0x4aa: {  	s14 =	spop (v2sf);
	s16 =	sadd.s32 s11, s0;
	s10 =	sand.u32 $0x380, s19  }
0x4ab: {  	(v2sf) =	vpush v0, $0xB;
	s12 =	sshrl.u32 s20, $0x3;
	s22 =	spop (v2sf);
	s13 =	sadd.s32 s11, s21  }
0x4ac: {  	(v2sf) =	vpush v0, $0x9;
	s25 =	sand.u32 $0xFFFFFC00, s14;
	s14 =	sand.u32 $0x380, s14;
	s16 =	sor.u32 s15, s16  }
0x4ad: {  	s23 =	spop (v2sf);
	s0 =	sand.u32 $0x380, s22;
	s19 =	sand.u32 $0xFFFFFC00, s22  }
0x4ae: {  	(v2sf) =	vpush v0, $0xC;
	s22 =	sadd.s32 s11, s25;
	s30 =	sor.u32 s10, s13;
	s12 =	sadd.s32 s3, s12  }
0x4af: {  	s31 =	sshrl.u32 s16, $0x3;
	s24 =	sand.u32 $0xFFFFFC00, s23;
	s20 =	sand.u32 $0x380, s23  }
0x4b0: {  	[tilespmem:s4], [sflag:$0x1] =	stream.linear.gather [hbm4b:s12+s2], $0x80, $0x38;
	[tilespmem:$0x8400] =	vst v63  }
0x4b1: {  	s19 =	sadd.s32 s11, s19;
	s10 =	sor.u32 s14, s22;
	s31 =	sadd.s32 s3, s31  }
0x4b2: {  	s30 =	sshrl.u32 s30, $0x3;
	s21 =	sadd.s32 s11, s24;
	s19 =	sor.u32 s0, s19  }
0x4b3: {  	s14 =	sshrl.u32 s10, $0x3;
	s20 =	sor.u32 s20, s21;
	s21 =	spop (v2sf)  }
0x4b4: {  	s12 =	sshrl.u32 s19, $0x3;
	s13 =	spop (v2sf);
	s24 =	sshrl.u32 s20, $0x3  }
0x4b5: {  	s20 =	sand.u32 $0xFFFFFC00, s21;
	s22 =	spop (v2sf);
	s15 =	sadd.s32 s3, s24  }
0x4b6: {  	s0 =	sand.u32 $0x380, s13;
	s13 =	sand.u32 $0xFFFFFC00, s13;
	s23 =	sadd.s32 s11, s20  }
0x4b7: {  	s25 =	spop (v2sf);
	s13 =	sadd.s32 s11, s13;
	s10 =	sand.u32 $0x380, s22  }
0x4b8: {  	s4 =	sand.u32 $0xFFFFFC00, s25;
	s19 =	sand.u32 $0x380, s25;
	s25 =	sand.u32 $0x380, s21  }
0x4b9: {  	s21 =	sor.u32 s0, s13;
	s4 =	sadd.s32 s11, s4;
	s20 =	sor.u32 s25, s23  }
0x4ba: {  	s24 =	spop (v2sf);
	s16 =	sor.u32 s19, s4;
	s19 =	sshrl.u32 s20, $0x3  }
0x4bb: {  	s0 =	sand.u32 $0xFFFFFC00, s24;
	s25 =	spop (v2sf);
	s24 =	sand.u32 $0x380, s24  }
0x4bc: {  	s13 =	sadd.s32 s11, s0;
	s0 =	sand.u32 $0xFFFFFC00, s22;
	s4 =	sand.u32 $0x380, s25  }
0x4bd: {  	s25 =	sand.u32 $0xFFFFFC00, s25;
	s22 =	simm.s32 $0x580;
	s20 =	spop (v2sf)  }
0x4be: {  	(v2sf) =	vpush v0, $0xD;
	s23 =	sor.u32 s24, s13;
	s24 =	sadd.s32 s3, s12;
	s13 =	sadd.s32 s11, s0  }
.LBB2_16:
0x4bf: {  	_ = 	snop  }
0x4c0: {  	[tilespmem:s8], [sflag:$0x2] =	stream.linear.gather [hbm4b:s31+s2], $0x80, $0x38;
	[tilespmem:$0x8400] =	vst v63  }
0x4c1: {  	s12 =	sshrl.u32 s21, $0x3  }
0x4c2: {  	[tilespmem:s18], [sflag:$0x3] =	stream.linear.gather [hbm4b:s15+s2], $0x80, $0x38;
	[tilespmem:$0x8400] =	vst v63  }
0x4c3: {  	s21 =	sshrl.u32 s23, $0x3;
	s0 =	sand.u32 $0xFFFFFC00, s20;
	s8 =	sadd.s32 s3, s12  }
0x4c4: {  	(v2sf) =	vpush v0, $0xE;
	[tilespmem:s22], [sflag:$0x4] =	stream.linear.gather [hbm4b:s8+s2], $0x80, $0x38;
	[tilespmem:$0x8400] =	vst v63  }
0x4c5: {  	s19 =	sadd.s32 s3, s19;
	s23 =	sadd.s32 s11, s0;
	s0 =	sand.u32 $0x380, s20  }
0x4c6: {  	[tilespmem:s9], [sflag:$0x1] =	stream.linear.gather [hbm4b:s19+s2], $0x80, $0x38;
	[tilespmem:$0x8400] =	vst v63  }
0x4c7: {  	s12 =	sor.u32 s0, s23;
	s23 =	sadd.s32 s3, s30  }
0x4c8: {  	[tilespmem:s7], [sflag:$0x2] =	stream.linear.gather [hbm4b:s23+s2], $0x80, $0x38;
	[tilespmem:$0x8400] =	vst v63  }
0x4c9: {  	s9 =	sadd.s32 s3, s14  }
0x4ca: {  	[tilespmem:s6], [sflag:$0x3] =	stream.linear.gather [hbm4b:s9+s2], $0x80, $0x38;
	[tilespmem:$0x8400] =	vst v63  }
0x4cb: {  	s17 =	sshrl.u32 s17, $0x3  }
0x4cc: {  	[tilespmem:s1], [sflag:$0x4] =	stream.linear.gather [hbm4b:s24+s2], $0x80, $0x38;
	[tilespmem:$0x8400] =	vst v63  }
0x4cd: {  	s12 =	sshrl.u32 s12, $0x3;
	s8 =	sor.u32 s10, s13;
	s18 =	spop (v2sf)  }
0x4ce: {  	s10 =	sadd.s32 s3, s12;
	s12 =	rddreg [dreg:$0x3];
	s0 =	sand.u32 $0xFFFFFC00, s18  }
0x4cf: {  	s23 =	sshrl.u32 s16, $0x3;
	s20 =	sadd.s32 s11, s0;
	s0 =	sadd.s32 s11, s25  }
0x4d0: {  	s16 =	sadd.s32 s3, s23;
	s22 =	sand.u32 $0x380, s18;
	s4 =	sor.u32 s4, s0  }
0x4d1: {  	s18 =	sadd.s32 $0x880, s26;
	s0 =	rddreg [dreg:$0xf];
	s4 =	sshrl.u32 s4, $0x3  }
0x4d2: {  	[tilespmem:s0], [sflag:$0x1] =	stream.linear.gather [hbm4b:s16+s2], $0x80, $0x38;
	[tilespmem:$0x8400] =	vst v63  }
0x4d3: {  	s14 =	sor.u32 s22, s20;
	s20 =	spop (v2sf);
	s19 =	sadd.s32 s3, s4  }
0x4d4: {  	[tilespmem:s18], [sflag:$0x2] =	stream.linear.gather [hbm4b:s19+s2], $0x80, $0x38;
	[tilespmem:$0x8400] =	vst v63  }
0x4d5: {  	s25 =	rddreg [dreg:$0x4];
	s22 =	sadd.s32 s3, s17;
	s24 =	sand.u32 $0xFFFFFC00, s20  }
0x4d6: {  	[tilespmem:s25], [sflag:$0x3] =	stream.linear.gather [hbm4b:s22+s2], $0x80, $0x38;
	[tilespmem:$0x8400] =	vst v63  }
0x4d7: {  	s23 =	sadd.s32 s3, s21;
	s7 =	sadd.s32 s11, s24;
	s4 =	sand.u32 $0x380, s20  }
0x4d8: {  	[tilespmem:s12], [sflag:$0x4] =	stream.linear.gather [hbm4b:s23+s2], $0x80, $0x38;
	[tilespmem:$0x8400] =	vst v63  }
0x4d9: {  	s13 =	sadd.s32 $0xA00, s26;
	s15 =	sshrl.u32 s14, $0x3;
	s4 =	sor.u32 s4, s7  }
0x4da: {  	[tilespmem:s13], [sflag:$0x1] =	stream.linear.gather [hbm4b:s10+s2], $0x80, $0x38;
	[tilespmem:$0x8400] =	vst v63  }
0x4db: {  	s14 =	sadd.s32 $0xA80, s26;
	s6 =	sadd.s32 s3, s15;
	s15 =	sshrl.u32 s4, $0x3  }
0x4dc: {  	[tilespmem:s14], [sflag:$0x2] =	stream.linear.gather [hbm4b:s6+s2], $0x80, $0x38;
	[tilespmem:$0x8400] =	vst v63  }
0x4dd: {  	s17 =	sadd.s32 $0xB00, s26;
	s16 =	sshrl.u32 s8, $0x3;
	s1 =	sadd.s32 s3, s15  }
0x4de: {  	[tilespmem:s17], [sflag:$0x3] =	stream.linear.gather [hbm4b:s1+s2], $0x80, $0x38;
	[tilespmem:$0x8400] =	vst v63  }
0x4df: {  	s18 =	sand.u32 $0xF0, s29;
	s19 =	sadd.s32 $0xB80, s26;
	s4 =	sadd.s32 s3, s16  }
0x4e0: {  	[tilespmem:s19], [sflag:$0x4] =	stream.linear.gather [hbm4b:s4+s2], $0x80, $0x38;
	[tilespmem:$0x8400] =	vst v63  }
0x4e1: {  	v0 =	vld [tilespmem:s18+$0x300];
	_ =	sdelay $0x4  }
0x4e2: {  	v0 =	vshll.u32 v0, $0x7  }
0x4e3: {  	(v2sf) =	vpush v0, $0xA  }
0x4e4: {  	(v2sf) =	vpush v0, $0x0;
	_ =	sdelay $0x1  }
0x4e5: {  	(v2sf) =	vpush v0, $0x1;
	_ =	sdelay $0x1  }
0x4e6: {  	(v2sf) =	vpush v0, $0x5  }
0x4e7: {  	(v2sf) =	vpush v0, $0x6  }
0x4e8: {  	s20 =	smov.u32 s28;
	(v2sf) =	vpush v0, $0x7  }
0x4e9: {  	s26 =	sshra.s32 s20, $0x2  }
0x4ea: {  	s0 =	sadd.s32 $0x400, s26;
	(v2sf) =	vpush v0, $0x2  }
0x4eb: {  	s21 =	sadd.s32 $0x980, s26;
	[dreg:$0x1f] =	wrdreg s0  }
0x4ec: {  	p0 =	sne.s32 s28, $0x1E000;
	s24 =	sadd.s32 $0x900, s26;
	[dreg:$0x3] =	wrdreg s21  }
0x4ed: {  	s28 =	sadd.s32 $0x2000, s28;
	s22 =	sadd.s32 $0x780, s26;
	[dreg:$0x4] =	wrdreg s24  }
0x4ee: {  	s29 =	sadd.s32 $0x10, s29;
	s25 =	sadd.s32 $0x680, s26;
	[smem:$0x7EB] =	sst s22;
	(v2sf) =	vpush v0, $0x4  }
0x4ef: {  	s8 =	sadd.s32 $0x480, s26;
	s9 =	sadd.s32 $0x600, s26;
	[smem:$0x7EC] =	sst s25;
	(v2sf) =	vpush v0, $0x3  }
0x4f0: {  	s23 =	sadd.s32 $0x800, s26;
	s12 =	sadd.s32 $0x700, s26;
	(v2sf) =	vpush v0, $0xF;
	s1 =	spop (v2sf)  }
0x4f1: {  	[dreg:$0xf] =	wrdreg s23;
	s18 =	sadd.s32 $0x500, s26;
	s7 =	spop (v2sf)  }
0x4f2: {  	(v2sf) =	vpush v0, $0x8;
	s6 =	sand.u32 $0xFFFFFC00, s1;
	s4 =	sand.u32 $0x380, s1;
	s15 =	sand.u32 $0xFFFFFC00, s7  }
0x4f3: {  	s10 =	sadd.s32 s11, s6;
	s16 =	spop (v2sf);
	s13 =	sand.u32 $0x380, s7  }
0x4f4: {  	s14 =	sadd.s32 s11, s15;
	s19 =	sand.u32 $0xFFFFFC00, s16;
	s17 =	sor.u32 s4, s10  }
0x4f5: {  	s20 =	spop (v2sf);
	s15 =	sand.u32 $0x380, s16;
	s21 =	sor.u32 s13, s14  }
0x4f6: {  	(v2sf) =	vpush v0, $0xB;
	s22 =	sand.u32 $0xFFFFFC00, s20;
	s23 =	spop (v2sf);
	s16 =	sadd.s32 s11, s19  }
0x4f7: {  	s4 =	sand.u32 $0x380, s20;
	s10 =	sshrl.u32 s21, $0x3;
	s24 =	spop (v2sf)  }
0x4f8: {  	s13 =	sadd.s32 s11, s22;
	s1 =	sand.u32 $0xFFFFFC00, s23;
	s14 =	sand.u32 $0x380, s23  }
0x4f9: {  	(v2sf) =	vpush v0, $0x9;
	s25 =	spop (v2sf);
	s6 =	sand.u32 $0x380, s24;
	s19 =	sand.u32 $0xFFFFFC00, s24  }
0x4fa: {  	s22 =	sadd.s32 s11, s1;
	s30 =	sor.u32 s4, s13;
	s24 =	sor.u32 s15, s16  }
0x4fb: {  	s0 =	sand.u32 $0xFFFFFC00, s25;
	s20 =	sand.u32 $0x380, s25;
	s19 =	sadd.s32 s11, s19  }
0x4fc: {  	s4 =	sor.u32 s14, s22;
	s30 =	sshrl.u32 s30, $0x3;
	s21 =	sadd.s32 s11, s0  }
0x4fd: {  	(v2sf) =	vpush v0, $0xC;
	s0 =	sadd.s32 s3, s10;
	s20 =	sor.u32 s20, s21;
	s21 =	spop (v2sf)  }
0x4fe: {  	s19 =	sor.u32 s6, s19;
	s14 =	sshrl.u32 s4, $0x3;
	s7 =	spop (v2sf)  }
0x4ff: {  	s19 =	sshrl.u32 s19, $0x3;
	s25 =	sshrl.u32 s20, $0x3;
	s16 =	spop (v2sf)  }
0x500: {  	s15 =	sadd.s32 s3, s25;
	s22 =	sand.u32 $0x380, s7;
	s13 =	sand.u32 $0xFFFFFC00, s7  }
0x501: {  	s25 =	sand.u32 $0xFFFFFC00, s21;
	s1 =	spop (v2sf);
	s7 =	sadd.s32 s11, s13  }
0x502: {  	s13 =	sand.u32 $0x380, s21;
	s4 =	sadd.s32 s11, s25;
	s25 =	sand.u32 $0xFFFFFC00, s16  }
0x503: {  	s10 =	sand.u32 $0x380, s16;
	s6 =	sand.u32 $0xFFFFFC00, s1;
	s20 =	sand.u32 $0x380, s1  }
0x504: {  	s1 =	sshrl.u32 s24, $0x3;
	s21 =	sor.u32 s22, s7;
	s24 =	sadd.s32 s11, s6  }
0x505: {  	s22 =	sadd.s32 $0x580, s26;
	s23 =	spop (v2sf);
	s16 =	sor.u32 s20, s24  }
0x506: {  	s24 =	sadd.s32 s3, s19;
	s31 =	sand.u32 $0xFFFFFC00, s23;
	s23 =	sand.u32 $0x380, s23  }
0x507: {  	s7 =	sadd.s32 s11, s31;
	s31 =	sor.u32 s13, s4;
	s13 =	sadd.s32 s11, s25  }
.Ltmp7:
0x508: {  	s6 =	spop (v2sf);
	s19 =	sshrl.u32 s31, $0x3;
	(pc) =	sbr.rel @p0 .LBB2_16-.Ltmp7, $4  }
0x509: {  	s31 =	sadd.s32 s3, s1;
	s1 =	sld [smem:$0x7EB];
	s4 =	sand.u32 $0x380, s6  }
0x50a: {  	s25 =	sand.u32 $0xFFFFFC00, s6;
	s6 =	smov.u32 s12;
	s12 =	rddreg [dreg:$0x1f]  }
0x50b: {  	[tilespmem:s12], [sflag:$0x1] =	stream.linear.gather [hbm4b:s0+s2], $0x80, $0x38;
	[tilespmem:$0x8400] =	vst v63  }
0x50c: {  	(v2sf) =	vpush v0, $0xD;
	s23 =	sor.u32 s23, s7;
	s7 =	sld [smem:$0x7EC];
	s20 =	spop (v2sf)  }
0x50d: {  	[tilespmem:s8], [sflag:$0x2] =	stream.linear.gather [hbm4b:s31+s2], $0x80, $0x38;
	[tilespmem:$0x8400] =	vst v63  }
0x50e: {  	s0 =	sshrl.u32 s21, $0x3  }
0x50f: {  	[tilespmem:s18], [sflag:$0x3] =	stream.linear.gather [hbm4b:s15+s2], $0x80, $0x38;
	[tilespmem:$0x8400] =	vst v63  }
0x510: {  	s0 =	sadd.s32 s3, s0  }
0x511: {  	[tilespmem:s22], [sflag:$0x4] =	stream.linear.gather [hbm4b:s0+s2], $0x80, $0x38;
	[tilespmem:$0x8400] =	vst v63  }
0x512: {  	s19 =	sadd.s32 s3, s19  }
0x513: {  	[tilespmem:s9], [sflag:$0x1] =	stream.linear.gather [hbm4b:s19+s2], $0x80, $0x38;
	[tilespmem:$0x8400] =	vst v63  }
0x514: {  	s21 =	sadd.s32 s3, s30  }
0x515: {  	[tilespmem:s7], [sflag:$0x2] =	stream.linear.gather [hbm4b:s21+s2], $0x80, $0x38;
	[tilespmem:$0x8400] =	vst v63  }
0x516: {  	s22 =	sadd.s32 s3, s14  }
0x517: {  	[tilespmem:s6], [sflag:$0x3] =	stream.linear.gather [hbm4b:s22+s2], $0x80, $0x38;
	[tilespmem:$0x8400] =	vst v63  }
0x518: {  	s28 =	sshrl.u32 s16, $0x3  }
0x519: {  	[tilespmem:s1], [sflag:$0x4] =	stream.linear.gather [hbm4b:s24+s2], $0x80, $0x38;
	[tilespmem:$0x8400] =	vst v63  }
0x51a: {  	s29 =	rddreg [dreg:$0xf];
	s30 =	sadd.s32 s11, s25;
	s0 =	sadd.s32 s3, s28  }
0x51b: {  	[tilespmem:s29], [sflag:$0x1] =	stream.linear.gather [hbm4b:s0+s2], $0x80, $0x38;
	[tilespmem:$0x8400] =	vst v63  }
0x51c: {  	(v2sf) =	vpush v0, $0xE;
	s0 =	sor.u32 s4, s30  }
0x51d: {  	s0 =	sshrl.u32 s0, $0x3  }
0x51e: {  	s31 =	sadd.s32 $0x880, s26;
	s4 =	sshrl.u32 s17, $0x3;
	s0 =	sadd.s32 s3, s0  }
0x51f: {  	[tilespmem:s31], [sflag:$0x2] =	stream.linear.gather [hbm4b:s0+s2], $0x80, $0x38;
	[tilespmem:$0x8400] =	vst v63  }
0x520: {  	s7 =	sshrl.u32 s23, $0x3;
	s6 =	rddreg [dreg:$0x4];
	s0 =	sadd.s32 s3, s4  }
0x521: {  	[tilespmem:s6], [sflag:$0x3] =	stream.linear.gather [hbm4b:s0+s2], $0x80, $0x38;
	[tilespmem:$0x8400] =	vst v63  }
0x522: {  	s8 =	rddreg [dreg:$0x3];
	s9 =	sand.u32 $0xFFFFFC00, s20;
	s0 =	sadd.s32 s3, s7  }
0x523: {  	[tilespmem:s8], [sflag:$0x4] =	stream.linear.gather [hbm4b:s0+s2], $0x80, $0x38;
	[tilespmem:$0x8400] =	vst v63  }
0x524: {  	s12 =	sand.u32 $0x380, s20;
	s0 =	sadd.s32 s11, s9  }
0x525: {  	s0 =	sor.u32 s12, s0  }
0x526: {  	s15 =	spop (v2sf);
	s0 =	sshrl.u32 s0, $0x3  }
0x527: {  	s14 =	sadd.s32 $0xA00, s26;
	s16 =	sand.u32 $0xFFFFFC00, s15;
	s0 =	sadd.s32 s3, s0  }
0x528: {  	[tilespmem:s14], [sflag:$0x1] =	stream.linear.gather [hbm4b:s0+s2], $0x80, $0x38;
	[tilespmem:$0x8400] =	vst v63  }
0x529: {  	s1 =	sadd.s32 s11, s16;
	s0 =	sand.u32 $0x380, s15  }
0x52a: {  	s0 =	sor.u32 s0, s1  }
0x52b: {  	s18 =	spop (v2sf);
	s0 =	sshrl.u32 s0, $0x3  }
0x52c: {  	s17 =	sadd.s32 $0xA80, s26;
	s19 =	sand.u32 $0xFFFFFC00, s18;
	s0 =	sadd.s32 s3, s0  }
0x52d: {  	[tilespmem:s17], [sflag:$0x2] =	stream.linear.gather [hbm4b:s0+s2], $0x80, $0x38;
	[tilespmem:$0x8400] =	vst v63  }
0x52e: {  	s1 =	sadd.s32 s11, s19;
	s0 =	sand.u32 $0x380, s18  }
0x52f: {  	s0 =	sor.u32 s0, s1  }
0x530: {  	s0 =	sshrl.u32 s0, $0x3  }
0x531: {  	s20 =	sadd.s32 $0xB00, s26;
	s21 =	sor.u32 s10, s13;
	s0 =	sadd.s32 s3, s0  }
0x532: {  	[tilespmem:s20], [sflag:$0x3] =	stream.linear.gather [hbm4b:s0+s2], $0x80, $0x38;
	[tilespmem:$0x8400] =	vst v63  }
0x533: {  	s0 =	sshrl.u32 s21, $0x3  }
0x534: {  	s23 =	simm.s32 $0x1;
	s22 =	sadd.s32 $0xB80, s26;
	s0 =	sadd.s32 s3, s0  }
0x535: {  	[tilespmem:s22], [sflag:$0x4] =	stream.linear.gather [hbm4b:s0+s2], $0x80, $0x38;
	[tilespmem:$0x8400] =	vst v63  }
0x536: {  	_ =	swait.ge [sflag:s23], $0x2000  }
0x537: {  	[sflag:s23] =	ssyncset.done $0x0  }
0x538: {  	s24 =	simm.s32 $0x2;
	[sflag:s23] =	ssyncadd.s32 $0xFFFFE000  }
0x539: {  	_ =	swait.ge [sflag:s24], $0x2000  }
0x53a: {  	[sflag:s24] =	ssyncset.done $0x0  }
0x53b: {  	s25 =	simm.s32 $0x3;
	[sflag:s24] =	ssyncadd.s32 $0xFFFFE000  }
0x53c: {  	_ =	swait.ge [sflag:s25], $0x2000  }
0x53d: {  	[sflag:s25] =	ssyncset.done $0x0  }
0x53e: {  	s26 =	simm.s32 $0x4;
	[sflag:s25] =	ssyncadd.s32 $0xFFFFE000  }
0x53f: {  	_ =	swait.ge [sflag:s26], $0x2000  }
0x540: {  	s28 =	sld [smem:$0x7FC]  }
0x541: {  	[sflag:s26] =	ssyncset.done $0x0  }
0x542: {  	s29 =	simm.s32 $0x400;
	s24 =	simm.s32 $0x5;
	[sflag:s26] =	ssyncadd.s32 $0xFFFFE000  }
0x543: {  	[hbm4b:s28+s2] =	stream.linear.scatter [tilespmem:s29], [sflag:$0x5], $0x8000, $0x38;
	[tilespmem:$0x8400] =	vst v63  }
0x544: {  	_ =	swait.ge [sflag:s24], $0x8000  }
0x545: {  	s30 =	sld [smem:$0x7F2]  }
0x546: {  	s31 =	sld [smem:$0x7FD];
	_ =	sdelay $0x1  }
0x547: {  	s1 =	sadd.s32 $0x1, s30  }
0x548: {  	p0 =	sne.s32 s1, s31  }
.Ltmp8:
0x549: {  	_ = 	snop;
	(pc) =	sbr.rel @p0 .LBB2_1-.Ltmp8, $3  }
0x54a: {  	_ =	sdelay $0x1  }
0x54b: {  	[sflag:s24] =	ssyncset.done $0x0  }
0x54c: {  	[sflag:s24] =	ssyncadd.s32 $0xFFFF8000  }
0x54d: {  	_ =	sfence.sel $0x180000  }
0x54e: {  	[bflag:$0x0] =	sbarrier.arrive $0xFFFF  }
0x54f: {  	_ =	strace $0x90000047  }
0x550: {  	s0 =	stileid.u32;
	[bflag:$0x2] =	sbarrier.arrive $0xFFFF  }
0x551: {  	p0 =	sne.s32 s0, $0x0;
	s0 =	rddreg [dreg:$0x2]  }
0x552: {  	s0 =	sadd.s32 @!p0 $0x100000, s0  }
0x553: {  	[sflag:s0] =	ssyncadd.tile.s32 @!p0 $0x1;
	_ =	shalt  }
.Lfunc_end2:
_tile_overlayer_lowered:
.L_overlay_start_2:
0x554: {  	(tag) =	ssettag $0x2  }
0x555: {  	s0 =	rddreg [dreg:$0x0];
	s2 =	stileid.u32  }
0x556: {  	s1 =	rddreg [dreg:$0x1];
	p0 =	sne.s32 s2, $0x0  }
0x557: {  	s3 =	rddreg [dreg:$0x2];
	[bflag:$0x3] =	sbarrier.arrive $0xFFFF;
	s2 =	simm.s32 @!p0 $0x1C05  }
0x558: {  	[timem:s3], [sflag:s2] =	dma.local @!p0 [hbm:s0], s1  }
0x559: {  	s0 =	simm.s32 @!p0 $0x5  }
0x55a: {  	_ =	swait.ge @!p0 [sflag:s0], s1  }
0x55b: {  	s1 =	ssub.s32 @!p0 $0x0, s1;
	[sflag:s0] =	ssyncset.done @!p0 $0x0  }
0x55c: {  	[sflag:s0] =	ssyncadd.s32 @!p0 s1  }
0x55d: {  	[bflag:$0x3] =	sbarrier.arrive $0xFFFF  }
0x55e: {  	_ =	shalt  }

</sc_bundles>
